<compile_context>
chip_gen: v7x
topology: tpu7x:2x2x1
jax: 0.10.2.dev20260603
libtpu: 0.0.44.dev20260713+nightly
codegen_flags: <defaults>
</compile_context>

<pallas_src>
import jax
import jax.numpy as jnp
from jax import lax
from jax.experimental import pallas as pl
from jax.experimental.pallas import tpu as pltpu
from jax.experimental.pallas import tpu_sc as plsc

DIM = 1024
ROWS = 16384
NC, NS, L = 2, 16, 16
NW = NC * NS
B_PER_W = ROWS // NW
CH = 8
N_CHUNKS = B_PER_W // CH
NSLOT = 4
PRE = 2
N_MAIN = (N_CHUNKS // NSLOT) * NSLOT


def _body(pos0_hbm, pos1_hbm, pe0_hbm, pe1_hbm, out_hbm,
          idx0_v, idx1_v, a_bufs, b_bufs, sg, so):
    wid = lax.axis_index("s") * NC + lax.axis_index("c")
    base = wid * B_PER_W
    pltpu.sync_copy(pos0_hbm.at[pl.ds(base, B_PER_W)], idx0_v)
    pltpu.sync_copy(pos1_hbm.at[pl.ds(base, B_PER_W)], idx1_v)

    def start_gather(c, slot):
        off = pl.multiple_of(c * CH, CH)
        pltpu.make_async_copy(
            pe0_hbm.at[idx0_v.at[pl.ds(off, CH)]], a_bufs[slot], sg[slot]).start()
        pltpu.make_async_copy(
            pe1_hbm.at[idx1_v.at[pl.ds(off, CH)]], b_bufs[slot], sg[slot]).start()

    def wait_gather(slot):
        pltpu.make_async_copy(
            pe0_hbm.at[idx0_v.at[pl.ds(0, CH)]], a_bufs[slot], sg[slot]).wait()
        pltpu.make_async_copy(
            pe1_hbm.at[idx1_v.at[pl.ds(0, CH)]], b_bufs[slot], sg[slot]).wait()

    def start_scatter(c, slot):
        off = pl.multiple_of(base + c * CH, CH)
        pltpu.make_async_copy(
            a_bufs[slot], out_hbm.at[pl.ds(off, CH)], so[slot]).start()

    def wait_scatter(slot):
        pltpu.make_async_copy(
            a_bufs[slot], out_hbm.at[pl.ds(0, CH)], so[slot]).wait()

    def add_chunk(slot):
        a, b = a_bufs[slot], b_bufs[slot]

        @plsc.parallel_loop(0, CH)
        def add_row(r):
            for j in range(DIM // L):
                sl = pl.ds(j * L, L)
                plsc.addupdate(a.at[r, sl], b[r, sl])

    def step(c, slot):
        @pl.when(c >= NSLOT - PRE)
        def _():
            wait_scatter((slot + PRE) % NSLOT)

        @pl.when(c + PRE < N_CHUNKS)
        def _():
            start_gather(c + PRE, (slot + PRE) % NSLOT)

        wait_gather(slot)
        add_chunk(slot)
        start_scatter(c, slot)

    for p in range(PRE):
        start_gather(p, p)

    def group(g, _):
        for t in range(NSLOT):
            step(g * NSLOT + t, t)
        return 0

    lax.fori_loop(0, N_MAIN // NSLOT, group, 0, unroll=False)

    for c in range(N_MAIN, N_CHUNKS):
        step(jnp.int32(c), c % NSLOT)

    for c in range(N_CHUNKS - (NSLOT - PRE), N_CHUNKS):
        wait_scatter(c % NSLOT)


@jax.jit
def _run(pos0f, pos1f, pe0, pe1):
    mesh = plsc.VectorSubcoreMesh(core_axis_name="c", subcore_axis_name="s")

    def body(pos0r, pos1r, pe0r, pe1r, outr, idx0_v, idx1_v, *rest):
        a_bufs = rest[0:NSLOT]
        b_bufs = rest[NSLOT:2 * NSLOT]
        sg = rest[2 * NSLOT:3 * NSLOT]
        so = rest[3 * NSLOT:4 * NSLOT]
        _body(pos0r, pos1r, pe0r, pe1r, outr, idx0_v, idx1_v,
              a_bufs, b_bufs, sg, so)

    f = pl.kernel(
        body,
        out_type=jax.ShapeDtypeStruct((ROWS, DIM), jnp.float32),
        mesh=mesh,
        scratch_types=(
            [pltpu.VMEM((B_PER_W,), jnp.int32)] * 2
            + [pltpu.VMEM((CH, DIM), jnp.float32)] * (2 * NSLOT)
            + [pltpu.SemaphoreType.DMA] * (2 * NSLOT)
        ),
    )
    return f(pos0f, pos1f, pe0, pe1)


def kernel(pos0, pos1, pe0, pe1):
    batch, seq = pos0.shape
    pos0f = pos0.reshape(-1).astype(jnp.int32)
    pos1f = pos1.reshape(-1).astype(jnp.int32)
    out = _run(pos0f, pos1f, pe0, pe1)
    return out.reshape(batch, seq, DIM)

# --- scband reference (transcript-rebuilt; emitter-appended) ---
"""Pipeline reference for scband-kdembedding-56985626083966 (READ-ONLY COPY).

The authoritative reference and input builder live on the scoring server;
editing this copy changes nothing except your own understanding.
"""

import jax, jax.numpy as jnp
import numpy as np

DIM_MODEL = 1024
K = 2
MAX_LEN = 4096
BATCH = 4
SEQ = 4096


def setup_inputs(seed: int = 0) -> dict:
    key = jax.random.key(seed)
    k0, k1, k2, k3 = jax.random.split(key, 4)
    pos0 = jax.random.randint(k0, (BATCH, SEQ), 0, MAX_LEN, dtype=jnp.int64 if jax.config.jax_enable_x64 else jnp.int32)
    pos1 = jax.random.randint(k1, (BATCH, SEQ), 0, MAX_LEN, dtype=jnp.int64 if jax.config.jax_enable_x64 else jnp.int32)
    pe0 = jax.random.normal(k2, (MAX_LEN, DIM_MODEL), dtype=jnp.float32)
    pe1 = jax.random.normal(k3, (MAX_LEN, DIM_MODEL), dtype=jnp.float32)
    return {"pos0": pos0, "pos1": pos1, "pe0": pe0, "pe1": pe1}


def reference(pos0, pos1, pe0, pe1):
    # KDEmbedding.forward: rst = sum_i pe_i(pos_i)
    rst = jnp.take(pe0, pos0, axis=0) + jnp.take(pe1, pos1, axis=0)
    return rst

if __name__ == "__main__":
    import jax
    _d = setup_inputs()
    print(jax.jit(kernel)(*tuple(_d.values())))

</pallas_src>

<mosaic_0001>
#map = affine_map<(d0, d1) -> (0)>
#map1 = affine_map<(d0, d1) -> (0, 0)>
module attributes {stable_mosaic.version = 14 : i64} {
  func.func @body(%arg0: i32, %arg1: i32, %arg2: memref<16384xi32, #tpu.memory_space<hbm>>, %arg3: memref<16384xi32, #tpu.memory_space<hbm>>, %arg4: memref<4096x1024xf32, #tpu.memory_space<hbm>>, %arg5: memref<4096x1024xf32, #tpu.memory_space<hbm>>, %arg6: memref<16384x1024xf32, #tpu.memory_space<hbm>>, %arg7: memref<512xi32, #tpu.memory_space<vmem>>, %arg8: memref<512xi32, #tpu.memory_space<vmem>>, %arg9: memref<8x1024xf32, #tpu.memory_space<vmem>>, %arg10: memref<8x1024xf32, #tpu.memory_space<vmem>>, %arg11: memref<8x1024xf32, #tpu.memory_space<vmem>>, %arg12: memref<8x1024xf32, #tpu.memory_space<vmem>>, %arg13: memref<8x1024xf32, #tpu.memory_space<vmem>>, %arg14: memref<8x1024xf32, #tpu.memory_space<vmem>>, %arg15: memref<8x1024xf32, #tpu.memory_space<vmem>>, %arg16: memref<8x1024xf32, #tpu.memory_space<vmem>>, %arg17: memref<!tpu.dma_semaphore, #tpu.memory_space<semaphore_mem>>, %arg18: memref<!tpu.dma_semaphore, #tpu.memory_space<semaphore_mem>>, %arg19: memref<!tpu.dma_semaphore, #tpu.memory_space<semaphore_mem>>, %arg20: memref<!tpu.dma_semaphore, #tpu.memory_space<semaphore_mem>>, %arg21: memref<!tpu.dma_semaphore, #tpu.memory_space<semaphore_mem>>, %arg22: memref<!tpu.dma_semaphore, #tpu.memory_space<semaphore_mem>>, %arg23: memref<!tpu.dma_semaphore, #tpu.memory_space<semaphore_mem>>, %arg24: memref<!tpu.dma_semaphore, #tpu.memory_space<semaphore_mem>>) attributes {dimension_semantics = [#tpu.dimension_semantics<core_parallel>, #tpu.dimension_semantics<subcore_parallel>], iteration_bounds = array<i64: 2, 16>, scalar_prefetch = 0 : i64, scratch_operands = 18 : i64, tpu.core_type = #tpu.core_type<sc_vector_subcore>, window_params = [{transform_indices = #map}, {transform_indices = #map}, {transform_indices = #map1}, {transform_indices = #map1}, {transform_indices = #map1}]} {
    %mul3A = arith.constant 2 : i32
    %mul3A_0 = arith.muli %arg1, %mul3A : i32
    %add3A = arith.addi %mul3A_0, %arg0 : i32
    %mul3A_1 = arith.constant 512 : i32
    %mul3A_2 = arith.muli %add3A, %mul3A_1 : i32
    "tpu.region"() ({
      %run_scoped3A = tpu.sem_alloc : memref<!tpu.dma_semaphore, #tpu.memory_space<semaphore_mem>>
      %dma_start3A_38 = tpu.memref_slice %arg2[%mul3A_2] : memref<16384xi32, #tpu.memory_space<hbm>> -> memref<512xi32, #tpu.memory_space<hbm>>
      %dma_start3A_39 = tpu.memref_slice %arg2[%mul3A_2] : memref<16384xi32, #tpu.memory_space<hbm>> -> memref<512xi32, #tpu.memory_space<hbm>>
      tpu.enqueue_dma source(%dma_start3A_39 : memref<512xi32, #tpu.memory_space<hbm>>) target(%arg7 : memref<512xi32, #tpu.memory_space<vmem>>) target_semaphore(%run_scoped3A : memref<!tpu.dma_semaphore, #tpu.memory_space<semaphore_mem>>)
      %dma_wait3A_40 = tpu.memref_slice %arg2[%mul3A_2] : memref<16384xi32, #tpu.memory_space<hbm>> -> memref<512xi32, #tpu.memory_space<hbm>>
      %dma_wait3A_41 = tpu.memref_slice %arg2[%mul3A_2] : memref<16384xi32, #tpu.memory_space<hbm>> -> memref<512xi32, #tpu.memory_space<hbm>>
      tpu.wait_dma2 semaphore(%run_scoped3A : memref<!tpu.dma_semaphore, #tpu.memory_space<semaphore_mem>>) src(%dma_wait3A_41 : memref<512xi32, #tpu.memory_space<hbm>>) dst(%arg7 : memref<512xi32, #tpu.memory_space<vmem>>)
      tpu.yield
    }) : () -> ()
    "tpu.region"() ({
      %run_scoped3A = tpu.sem_alloc : memref<!tpu.dma_semaphore, #tpu.memory_space<semaphore_mem>>
      %dma_start3A_38 = tpu.memref_slice %arg3[%mul3A_2] : memref<16384xi32, #tpu.memory_space<hbm>> -> memref<512xi32, #tpu.memory_space<hbm>>
      %dma_start3A_39 = tpu.memref_slice %arg3[%mul3A_2] : memref<16384xi32, #tpu.memory_space<hbm>> -> memref<512xi32, #tpu.memory_space<hbm>>
      tpu.enqueue_dma source(%dma_start3A_39 : memref<512xi32, #tpu.memory_space<hbm>>) target(%arg8 : memref<512xi32, #tpu.memory_space<vmem>>) target_semaphore(%run_scoped3A : memref<!tpu.dma_semaphore, #tpu.memory_space<semaphore_mem>>)
      %dma_wait3A_40 = tpu.memref_slice %arg3[%mul3A_2] : memref<16384xi32, #tpu.memory_space<hbm>> -> memref<512xi32, #tpu.memory_space<hbm>>
      %dma_wait3A_41 = tpu.memref_slice %arg3[%mul3A_2] : memref<16384xi32, #tpu.memory_space<hbm>> -> memref<512xi32, #tpu.memory_space<hbm>>
      tpu.wait_dma2 semaphore(%run_scoped3A : memref<!tpu.dma_semaphore, #tpu.memory_space<semaphore_mem>>) src(%dma_wait3A_41 : memref<512xi32, #tpu.memory_space<hbm>>) dst(%arg8 : memref<512xi32, #tpu.memory_space<vmem>>)
      tpu.yield
    }) : () -> ()
    %multiple_of3A = arith.constant 0 : i32
    %multiple_of3A_3 = tpu.assume_multiple %multiple_of3A, 8 : i32
    %dma_start3A = tpu.memref_slice %arg7[%multiple_of3A_3] : memref<512xi32, #tpu.memory_space<vmem>> -> memref<8xi32, #tpu.memory_space<vmem>>
    %dma_start3A_4 = arith.constant 0 : i32
    %dma_start3A_5 = arith.constant 0 : i32
    %dma_start3A_6 = tpu.memref_slice %arg4[%dma_start3A_4, %dma_start3A_5] : memref<4096x1024xf32, #tpu.memory_space<hbm>> -> memref<4096x1024xf32, #tpu.memory_space<hbm>>
    tpu.enqueue_indirect_dma source(%dma_start3A_6 : memref<4096x1024xf32, #tpu.memory_space<hbm>>) target(%arg9 : memref<8x1024xf32, #tpu.memory_space<vmem>>) offsets(%dma_start3A : memref<8xi32, #tpu.memory_space<vmem>>) semaphore(%arg17 : memref<!tpu.dma_semaphore, #tpu.memory_space<semaphore_mem>>)
    %dma_start3A_7 = tpu.memref_slice %arg8[%multiple_of3A_3] : memref<512xi32, #tpu.memory_space<vmem>> -> memref<8xi32, #tpu.memory_space<vmem>>
    %dma_start3A_8 = arith.constant 0 : i32
    %dma_start3A_9 = arith.constant 0 : i32
    %dma_start3A_10 = tpu.memref_slice %arg5[%dma_start3A_8, %dma_start3A_9] : memref<4096x1024xf32, #tpu.memory_space<hbm>> -> memref<4096x1024xf32, #tpu.memory_space<hbm>>
    tpu.enqueue_indirect_dma source(%dma_start3A_10 : memref<4096x1024xf32, #tpu.memory_space<hbm>>) target(%arg13 : memref<8x1024xf32, #tpu.memory_space<vmem>>) offsets(%dma_start3A_7 : memref<8xi32, #tpu.memory_space<vmem>>) semaphore(%arg17 : memref<!tpu.dma_semaphore, #tpu.memory_space<semaphore_mem>>)
    %multiple_of3A_11 = arith.constant 8 : i32
    %multiple_of3A_12 = tpu.assume_multiple %multiple_of3A_11, 8 : i32
    %dma_start3A_13 = tpu.memref_slice %arg7[%multiple_of3A_12] : memref<512xi32, #tpu.memory_space<vmem>> -> memref<8xi32, #tpu.memory_space<vmem>>
    %dma_start3A_14 = arith.constant 0 : i32
    %dma_start3A_15 = arith.constant 0 : i32
    %dma_start3A_16 = tpu.memref_slice %arg4[%dma_start3A_14, %dma_start3A_15] : memref<4096x1024xf32, #tpu.memory_space<hbm>> -> memref<4096x1024xf32, #tpu.memory_space<hbm>>
    tpu.enqueue_indirect_dma source(%dma_start3A_16 : memref<4096x1024xf32, #tpu.memory_space<hbm>>) target(%arg10 : memref<8x1024xf32, #tpu.memory_space<vmem>>) offsets(%dma_start3A_13 : memref<8xi32, #tpu.memory_space<vmem>>) semaphore(%arg18 : memref<!tpu.dma_semaphore, #tpu.memory_space<semaphore_mem>>)
    %dma_start3A_17 = tpu.memref_slice %arg8[%multiple_of3A_12] : memref<512xi32, #tpu.memory_space<vmem>> -> memref<8xi32, #tpu.memory_space<vmem>>
    %dma_start3A_18 = arith.constant 0 : i32
    %dma_start3A_19 = arith.constant 0 : i32
    %dma_start3A_20 = tpu.memref_slice %arg5[%dma_start3A_18, %dma_start3A_19] : memref<4096x1024xf32, #tpu.memory_space<hbm>> -> memref<4096x1024xf32, #tpu.memory_space<hbm>>
    tpu.enqueue_indirect_dma source(%dma_start3A_20 : memref<4096x1024xf32, #tpu.memory_space<hbm>>) target(%arg14 : memref<8x1024xf32, #tpu.memory_space<vmem>>) offsets(%dma_start3A_17 : memref<8xi32, #tpu.memory_space<vmem>>) semaphore(%arg18 : memref<!tpu.dma_semaphore, #tpu.memory_space<semaphore_mem>>)
    %scan3A = arith.constant 0 : i32
    %scan3A_21 = arith.constant 0 : i32
    %scan3A_22 = arith.constant 16 : i32
    %scan3A_23 = arith.addi %scan3A_21, %scan3A_22 : i32
    %scan3A_24 = arith.constant 1 : i32
    %scan3A_25 = scf.for %scan3A_38 = %scan3A_21 to %scan3A_23 step %scan3A_24 iter_args(%scan3A_39 = %scan3A) -> (i32)  : i32 {
      %mul3A_40 = arith.constant 4 : i32
      %mul3A_41 = arith.muli %scan3A_38, %mul3A_40 : i32
      %add3A_42 = arith.constant 0 : i32
      %add3A_43 = arith.addi %mul3A_41, %add3A_42 : i32
      %ge3A = arith.constant 2 : i32
      %ge3A_44 = arith.cmpi sge, %add3A_43, %ge3A : i32
      %convert_element_type3A = arith.extui %ge3A_44 : i1 to i32
      %cond3A = arith.constant 0 : i32
      %cond3A_45 = arith.cmpi ne, %convert_element_type3A, %cond3A : i32
      scf.if %cond3A_45 {
        %dma_wait3A_184 = arith.constant 0 : i32
        %dma_wait3A_185 = arith.constant 0 : i32
        %dma_wait3A_186 = tpu.memref_slice %arg6[%dma_wait3A_184, %dma_wait3A_185] : memref<16384x1024xf32, #tpu.memory_space<hbm>> -> memref<8x1024xf32, #tpu.memory_space<hbm>>
        %dma_wait3A_187 = arith.constant 0 : i32
        %dma_wait3A_188 = arith.constant 0 : i32
        %dma_wait3A_189 = tpu.memref_slice %arg6[%dma_wait3A_187, %dma_wait3A_188] : memref<16384x1024xf32, #tpu.memory_space<hbm>> -> memref<8x1024xf32, #tpu.memory_space<hbm>>
        tpu.wait_dma2 semaphore(%arg23 : memref<!tpu.dma_semaphore, #tpu.memory_space<semaphore_mem>>) src(%arg11 : memref<8x1024xf32, #tpu.memory_space<vmem>>) dst(%dma_wait3A_189 : memref<8x1024xf32, #tpu.memory_space<hbm>>)
      } else {
      }
      %add3A_46 = arith.constant 2 : i32
      %add3A_47 = arith.addi %add3A_43, %add3A_46 : i32
      %lt3A = arith.constant 64 : i32
      %lt3A_48 = arith.cmpi slt, %add3A_47, %lt3A : i32
      %convert_element_type3A_49 = arith.extui %lt3A_48 : i1 to i32
      %cond3A_50 = arith.constant 0 : i32
      %cond3A_51 = arith.cmpi ne, %convert_element_type3A_49, %cond3A_50 : i32
      scf.if %cond3A_51 {
        %add3A_184 = arith.constant 2 : i32
        %add3A_185 = arith.addi %add3A_43, %add3A_184 : i32
        %mul3A_186 = arith.constant 8 : i32
        %mul3A_187 = arith.muli %add3A_185, %mul3A_186 : i32
        %multiple_of3A_188 = tpu.assume_multiple %mul3A_187, 8 : i32
        %dma_start3A_189 = tpu.memref_slice %arg7[%multiple_of3A_188] : memref<512xi32, #tpu.memory_space<vmem>> -> memref<8xi32, #tpu.memory_space<vmem>>
        %dma_start3A_190 = arith.constant 0 : i32
        %dma_start3A_191 = arith.constant 0 : i32
        %dma_start3A_192 = tpu.memref_slice %arg4[%dma_start3A_190, %dma_start3A_191] : memref<4096x1024xf32, #tpu.memory_space<hbm>> -> memref<4096x1024xf32, #tpu.memory_space<hbm>>
        tpu.enqueue_indirect_dma source(%dma_start3A_192 : memref<4096x1024xf32, #tpu.memory_space<hbm>>) target(%arg11 : memref<8x1024xf32, #tpu.memory_space<vmem>>) offsets(%dma_start3A_189 : memref<8xi32, #tpu.memory_space<vmem>>) semaphore(%arg19 : memref<!tpu.dma_semaphore, #tpu.memory_space<semaphore_mem>>)
        %dma_start3A_193 = tpu.memref_slice %arg8[%multiple_of3A_188] : memref<512xi32, #tpu.memory_space<vmem>> -> memref<8xi32, #tpu.memory_space<vmem>>
        %dma_start3A_194 = arith.constant 0 : i32
        %dma_start3A_195 = arith.constant 0 : i32
        %dma_start3A_196 = tpu.memref_slice %arg5[%dma_start3A_194, %dma_start3A_195] : memref<4096x1024xf32, #tpu.memory_space<hbm>> -> memref<4096x1024xf32, #tpu.memory_space<hbm>>
        tpu.enqueue_indirect_dma source(%dma_start3A_196 : memref<4096x1024xf32, #tpu.memory_space<hbm>>) target(%arg15 : memref<8x1024xf32, #tpu.memory_space<vmem>>) offsets(%dma_start3A_193 : memref<8xi32, #tpu.memory_space<vmem>>) semaphore(%arg19 : memref<!tpu.dma_semaphore, #tpu.memory_space<semaphore_mem>>)
      } else {
      }
      %dma_wait3A_52 = arith.constant 0 : i32
      %dma_wait3A_53 = tpu.memref_slice %arg7[%dma_wait3A_52] : memref<512xi32, #tpu.memory_space<vmem>> -> memref<8xi32, #tpu.memory_space<vmem>>
      %dma_wait3A_54 = arith.constant 0 : i32
      %dma_wait3A_55 = arith.constant 0 : i32
      %dma_wait3A_56 = tpu.memref_slice %arg4[%dma_wait3A_54, %dma_wait3A_55] : memref<4096x1024xf32, #tpu.memory_space<hbm>> -> memref<4096x1024xf32, #tpu.memory_space<hbm>>
      tpu.wait_indirect_dma semaphore(%arg17 : memref<!tpu.dma_semaphore, #tpu.memory_space<semaphore_mem>>) src(%dma_wait3A_56 : memref<4096x1024xf32, #tpu.memory_space<hbm>>) dst(%arg9 : memref<8x1024xf32, #tpu.memory_space<vmem>>)
      %dma_wait3A_57 = arith.constant 0 : i32
      %dma_wait3A_58 = tpu.memref_slice %arg8[%dma_wait3A_57] : memref<512xi32, #tpu.memory_space<vmem>> -> memref<8xi32, #tpu.memory_space<vmem>>
      %dma_wait3A_59 = arith.constant 0 : i32
      %dma_wait3A_60 = arith.constant 0 : i32
      %dma_wait3A_61 = tpu.memref_slice %arg5[%dma_wait3A_59, %dma_wait3A_60] : memref<4096x1024xf32, #tpu.memory_space<hbm>> -> memref<4096x1024xf32, #tpu.memory_space<hbm>>
      tpu.wait_indirect_dma semaphore(%arg17 : memref<!tpu.dma_semaphore, #tpu.memory_space<semaphore_mem>>) src(%dma_wait3A_61 : memref<4096x1024xf32, #tpu.memory_space<hbm>>) dst(%arg13 : memref<8x1024xf32, #tpu.memory_space<vmem>>)
      %parallel_loop3A = arith.constant 0 : i32
      %parallel_loop3A_62 = arith.constant 8 : i32
      %parallel_loop3A_63 = arith.constant 1 : i32
      scf.for %parallel_loop3A_184 = %parallel_loop3A to %parallel_loop3A_62 step %parallel_loop3A_63  : i32 {
        %parallel_loop3A_185 = arith.index_cast %parallel_loop3A_184 : i32 to index
        %parallel_loop3A_186 = arith.constant 0 : index
        %parallel_loop3A_187 = tpu.vector_load %arg13[%parallel_loop3A_185, %parallel_loop3A_186] {strides = array<i32>} : memref<8x1024xf32, #tpu.memory_space<vmem>>, vector<1x16xf32>,
        %parallel_loop3A_188 = vector.shape_cast %parallel_loop3A_187 : vector<1x16xf32> to vector<16xf32>
        %parallel_loop3A_189 = arith.index_cast %parallel_loop3A_184 : i32 to index
        %parallel_loop3A_190 = arith.constant 0 : index
        %parallel_loop3A_191 = tpu.vector_load %arg9[%parallel_loop3A_189, %parallel_loop3A_190] {strides = array<i32>} : memref<8x1024xf32, #tpu.memory_space<vmem>>, vector<1x16xf32>,
        %parallel_loop3A_192 = vector.shape_cast %parallel_loop3A_191 : vector<1x16xf32> to vector<16xf32>
        %parallel_loop3A_193 = vector.shape_cast %parallel_loop3A_188 : vector<16xf32> to vector<1x16xf32>
        tpu.vector_store %arg9[%parallel_loop3A_189, %parallel_loop3A_190], %parallel_loop3A_193 {add = true, strides = array<i32>} : memref<8x1024xf32, #tpu.memory_space<vmem>>, vector<1x16xf32>,
        %parallel_loop3A_194 = arith.index_cast %parallel_loop3A_184 : i32 to index
        %parallel_loop3A_195 = arith.constant 16 : index
        %parallel_loop3A_196 = tpu.vector_load %arg13[%parallel_loop3A_194, %parallel_loop3A_195] {strides = array<i32>} : memref<8x1024xf32, #tpu.memory_space<vmem>>, vector<1x16xf32>,
        %parallel_loop3A_197 = vector.shape_cast %parallel_loop3A_196 : vector<1x16xf32> to vector<16xf32>
        %parallel_loop3A_198 = arith.index_cast %parallel_loop3A_184 : i32 to index
        %parallel_loop3A_199 = arith.constant 16 : index
        %parallel_loop3A_200 = tpu.vector_load %arg9[%parallel_loop3A_198, %parallel_loop3A_199] {strides = array<i32>} : memref<8x1024xf32, #tpu.memory_space<vmem>>, vector<1x16xf32>,
        %parallel_loop3A_201 = vector.shape_cast %parallel_loop3A_200 : vector<1x16xf32> to vector<16xf32>
        %parallel_loop3A_202 = vector.shape_cast %parallel_loop3A_197 : vector<16xf32> to vector<1x16xf32>
        tpu.vector_store %arg9[%parallel_loop3A_198, %parallel_loop3A_199], %parallel_loop3A_202 {add = true, strides = array<i32>} : memref<8x1024xf32, #tpu.memory_space<vmem>>, vector<1x16xf32>,
        %parallel_loop3A_203 = arith.index_cast %parallel_loop3A_184 : i32 to index
        %parallel_loop3A_204 = arith.constant 32 : index
        %parallel_loop3A_205 = tpu.vector_load %arg13[%parallel_loop3A_203, %parallel_loop3A_204] {strides = array<i32>} : memref<8x1024xf32, #tpu.memory_space<vmem>>, vector<1x16xf32>,
        %parallel_loop3A_206 = vector.shape_cast %parallel_loop3A_205 : vector<1x16xf32> to vector<16xf32>
        %parallel_loop3A_207 = arith.index_cast %parallel_loop3A_184 : i32 to index
        %parallel_loop3A_208 = arith.constant 32 : index
        %parallel_loop3A_209 = tpu.vector_load %arg9[%parallel_loop3A_207, %parallel_loop3A_208] {strides = array<i32>} : memref<8x1024xf32, #tpu.memory_space<vmem>>, vector<1x16xf32>,
        %parallel_loop3A_210 = vector.shape_cast %parallel_loop3A_209 : vector<1x16xf32> to vector<16xf32>
        %parallel_loop3A_211 = vector.shape_cast %parallel_loop3A_206 : vector<16xf32> to vector<1x16xf32>
        tpu.vector_store %arg9[%parallel_loop3A_207, %parallel_loop3A_208], %parallel_loop3A_211 {add = true, strides = array<i32>} : memref<8x1024xf32, #tpu.memory_space<vmem>>, vector<1x16xf32>,
        %parallel_loop3A_212 = arith.index_cast %parallel_loop3A_184 : i32 to index
        %parallel_loop3A_213 = arith.constant 48 : index
        %parallel_loop3A_214 = tpu.vector_load %arg13[%parallel_loop3A_212, %parallel_loop3A_213] {strides = array<i32>} : memref<8x1024xf32, #tpu.memory_space<vmem>>, vector<1x16xf32>,
        %parallel_loop3A_215 = vector.shape_cast %parallel_loop3A_214 : vector<1x16xf32> to vector<16xf32>
        %parallel_loop3A_216 = arith.index_cast %parallel_loop3A_184 : i32 to index
        %parallel_loop3A_217 = arith.constant 48 : index
        %parallel_loop3A_218 = tpu.vector_load %arg9[%parallel_loop3A_216, %parallel_loop3A_217] {strides = array<i32>} : memref<8x1024xf32, #tpu.memory_space<vmem>>, vector<1x16xf32>,
        %parallel_loop3A_219 = vector.shape_cast %parallel_loop3A_218 : vector<1x16xf32> to vector<16xf32>
        %parallel_loop3A_220 = vector.shape_cast %parallel_loop3A_215 : vector<16xf32> to vector<1x16xf32>
        tpu.vector_store %arg9[%parallel_loop3A_216, %parallel_loop3A_217], %parallel_loop3A_220 {add = true, strides = array<i32>} : memref<8x1024xf32, #tpu.memory_space<vmem>>, vector<1x16xf32>,
        %parallel_loop3A_221 = arith.index_cast %parallel_loop3A_184 : i32 to index
        %parallel_loop3A_222 = arith.constant 64 : index
        %parallel_loop3A_223 = tpu.vector_load %arg13[%parallel_loop3A_221, %parallel_loop3A_222] {strides = array<i32>} : memref<8x1024xf32, #tpu.memory_space<vmem>>, vector<1x16xf32>,
        %parallel_loop3A_224 = vector.shape_cast %parallel_loop3A_223 : vector<1x16xf32> to vector<16xf32>
        %parallel_loop3A_225 = arith.index_cast %parallel_loop3A_184 : i32 to index
        %parallel_loop3A_226 = arith.constant 64 : index
        %parallel_loop3A_227 = tpu.vector_load %arg9[%parallel_loop3A_225, %parallel_loop3A_226] {strides = array<i32>} : memref<8x1024xf32, #tpu.memory_space<vmem>>, vector<1x16xf32>,
        %parallel_loop3A_228 = vector.shape_cast %parallel_loop3A_227 : vector<1x16xf32> to vector<16xf32>
        %parallel_loop3A_229 = vector.shape_cast %parallel_loop3A_224 : vector<16xf32> to vector<1x16xf32>
        tpu.vector_store %arg9[%parallel_loop3A_225, %parallel_loop3A_226], %parallel_loop3A_229 {add = true, strides = array<i32>} : memref<8x1024xf32, #tpu.memory_space<vmem>>, vector<1x16xf32>,
        %parallel_loop3A_230 = arith.index_cast %parallel_loop3A_184 : i32 to index
        %parallel_loop3A_231 = arith.constant 80 : index
        %parallel_loop3A_232 = tpu.vector_load %arg13[%parallel_loop3A_230, %parallel_loop3A_231] {strides = array<i32>} : memref<8x1024xf32, #tpu.memory_space<vmem>>, vector<1x16xf32>,
        %parallel_loop3A_233 = vector.shape_cast %parallel_loop3A_232 : vector<1x16xf32> to vector<16xf32>
        %parallel_loop3A_234 = arith.index_cast %parallel_loop3A_184 : i32 to index
        %parallel_loop3A_235 = arith.constant 80 : index
        %parallel_loop3A_236 = tpu.vector_load %arg9[%parallel_loop3A_234, %parallel_loop3A_235] {strides = array<i32>} : memref<8x1024xf32, #tpu.memory_space<vmem>>, vector<1x16xf32>,
        %parallel_loop3A_237 = vector.shape_cast %parallel_loop3A_236 : vector<1x16xf32> to vector<16xf32>
        %parallel_loop3A_238 = vector.shape_cast %parallel_loop3A_233 : vector<16xf32> to vector<1x16xf32>
        tpu.vector_store %arg9[%parallel_loop3A_234, %parallel_loop3A_235], %parallel_loop3A_238 {add = true, strides = array<i32>} : memref<8x1024xf32, #tpu.memory_space<vmem>>, vector<1x16xf32>,
        %parallel_loop3A_239 = arith.index_cast %parallel_loop3A_184 : i32 to index
        %parallel_loop3A_240 = arith.constant 96 : index
        %parallel_loop3A_241 = tpu.vector_load %arg13[%parallel_loop3A_239, %parallel_loop3A_240] {strides = array<i32>} : memref<8x1024xf32, #tpu.memory_space<vmem>>, vector<1x16xf32>,
        %parallel_loop3A_242 = vector.shape_cast %parallel_loop3A_241 : vector<1x16xf32> to vector<16xf32>
        %parallel_loop3A_243 = arith.index_cast %parallel_loop3A_184 : i32 to index
        %parallel_loop3A_244 = arith.constant 96 : index
        %parallel_loop3A_245 = tpu.vector_load %arg9[%parallel_loop3A_243, %parallel_loop3A_244] {strides = array<i32>} : memref<8x1024xf32, #tpu.memory_space<vmem>>, vector<1x16xf32>,
        %parallel_loop3A_246 = vector.shape_cast %parallel_loop3A_245 : vector<1x16xf32> to vector<16xf32>
        %parallel_loop3A_247 = vector.shape_cast %parallel_loop3A_242 : vector<16xf32> to vector<1x16xf32>
        tpu.vector_store %arg9[%parallel_loop3A_243, %parallel_loop3A_244], %parallel_loop3A_247 {add = true, strides = array<i32>} : memref<8x1024xf32, #tpu.memory_space<vmem>>, vector<1x16xf32>,
        %parallel_loop3A_248 = arith.index_cast %parallel_loop3A_184 : i32 to index
        %parallel_loop3A_249 = arith.constant 112 : index
        %parallel_loop3A_250 = tpu.vector_load %arg13[%parallel_loop3A_248, %parallel_loop3A_249] {strides = array<i32>} : memref<8x1024xf32, #tpu.memory_space<vmem>>, vector<1x16xf32>,
        %parallel_loop3A_251 = vector.shape_cast %parallel_loop3A_250 : vector<1x16xf32> to vector<16xf32>
        %parallel_loop3A_252 = arith.index_cast %parallel_loop3A_184 : i32 to index
        %parallel_loop3A_253 = arith.constant 112 : index
        %parallel_loop3A_254 = tpu.vector_load %arg9[%parallel_loop3A_252, %parallel_loop3A_253] {strides = array<i32>} : memref<8x1024xf32, #tpu.memory_space<vmem>>, vector<1x16xf32>,
        %parallel_loop3A_255 = vector.shape_cast %parallel_loop3A_254 : vector<1x16xf32> to vector<16xf32>
        %parallel_loop3A_256 = vector.shape_cast %parallel_loop3A_251 : vector<16xf32> to vector<1x16xf32>
        tpu.vector_store %arg9[%parallel_loop3A_252, %parallel_loop3A_253], %parallel_loop3A_256 {add = true, strides = array<i32>} : memref<8x1024xf32, #tpu.memory_space<vmem>>, vector<1x16xf32>,
        %parallel_loop3A_257 = arith.index_cast %parallel_loop3A_184 : i32 to index
        %parallel_loop3A_258 = arith.constant 128 : index
        %parallel_loop3A_259 = tpu.vector_load %arg13[%parallel_loop3A_257, %parallel_loop3A_258] {strides = array<i32>} : memref<8x1024xf32, #tpu.memory_space<vmem>>, vector<1x16xf32>,
        %parallel_loop3A_260 = vector.shape_cast %parallel_loop3A_259 : vector<1x16xf32> to vector<16xf32>
        %parallel_loop3A_261 = arith.index_cast %parallel_loop3A_184 : i32 to index
        %parallel_loop3A_262 = arith.constant 128 : index
        %parallel_loop3A_263 = tpu.vector_load %arg9[%parallel_loop3A_261, %parallel_loop3A_262] {strides = array<i32>} : memref<8x1024xf32, #tpu.memory_space<vmem>>, vector<1x16xf32>,
        %parallel_loop3A_264 = vector.shape_cast %parallel_loop3A_263 : vector<1x16xf32> to vector<16xf32>
        %parallel_loop3A_265 = vector.shape_cast %parallel_loop3A_260 : vector<16xf32> to vector<1x16xf32>
        tpu.vector_store %arg9[%parallel_loop3A_261, %parallel_loop3A_262], %parallel_loop3A_265 {add = true, strides = array<i32>} : memref<8x1024xf32, #tpu.memory_space<vmem>>, vector<1x16xf32>,
        %parallel_loop3A_266 = arith.index_cast %parallel_loop3A_184 : i32 to index
        %parallel_loop3A_267 = arith.constant 144 : index
        %parallel_loop3A_268 = tpu.vector_load %arg13[%parallel_loop3A_266, %parallel_loop3A_267] {strides = array<i32>} : memref<8x1024xf32, #tpu.memory_space<vmem>>, vector<1x16xf32>,
        %parallel_loop3A_269 = vector.shape_cast %parallel_loop3A_268 : vector<1x16xf32> to vector<16xf32>
        %parallel_loop3A_270 = arith.index_cast %parallel_loop3A_184 : i32 to index
        %parallel_loop3A_271 = arith.constant 144 : index
        %parallel_loop3A_272 = tpu.vector_load %arg9[%parallel_loop3A_270, %parallel_loop3A_271] {strides = array<i32>} : memref<8x1024xf32, #tpu.memory_space<vmem>>, vector<1x16xf32>,
        %parallel_loop3A_273 = vector.shape_cast %parallel_loop3A_272 : vector<1x16xf32> to vector<16xf32>
        %parallel_loop3A_274 = vector.shape_cast %parallel_loop3A_269 : vector<16xf32> to vector<1x16xf32>
        tpu.vector_store %arg9[%parallel_loop3A_270, %parallel_loop3A_271], %parallel_loop3A_274 {add = true, strides = array<i32>} : memref<8x1024xf32, #tpu.memory_space<vmem>>, vector<1x16xf32>,
        %parallel_loop3A_275 = arith.index_cast %parallel_loop3A_184 : i32 to index
        %parallel_loop3A_276 = arith.constant 160 : index
        %parallel_loop3A_277 = tpu.vector_load %arg13[%parallel_loop3A_275, %parallel_loop3A_276] {strides = array<i32>} : memref<8x1024xf32, #tpu.memory_space<vmem>>, vector<1x16xf32>,
        %parallel_loop3A_278 = vector.shape_cast %parallel_loop3A_277 : vector<1x16xf32> to vector<16xf32>
        %parallel_loop3A_279 = arith.index_cast %parallel_loop3A_184 : i32 to index
        %parallel_loop3A_280 = arith.constant 160 : index
        %parallel_loop3A_281 = tpu.vector_load %arg9[%parallel_loop3A_279, %parallel_loop3A_280] {strides = array<i32>} : memref<8x1024xf32, #tpu.memory_space<vmem>>, vector<1x16xf32>,
        %parallel_loop3A_282 = vector.shape_cast %parallel_loop3A_281 : vector<1x16xf32> to vector<16xf32>
        %parallel_loop3A_283 = vector.shape_cast %parallel_loop3A_278 : vector<16xf32> to vector<1x16xf32>
        tpu.vector_store %arg9[%parallel_loop3A_279, %parallel_loop3A_280], %parallel_loop3A_283 {add = true, strides = array<i32>} : memref<8x1024xf32, #tpu.memory_space<vmem>>, vector<1x16xf32>,
        %parallel_loop3A_284 = arith.index_cast %parallel_loop3A_184 : i32 to index
        %parallel_loop3A_285 = arith.constant 176 : index
        %parallel_loop3A_286 = tpu.vector_load %arg13[%parallel_loop3A_284, %parallel_loop3A_285] {strides = array<i32>} : memref<8x1024xf32, #tpu.memory_space<vmem>>, vector<1x16xf32>,
        %parallel_loop3A_287 = vector.shape_cast %parallel_loop3A_286 : vector<1x16xf32> to vector<16xf32>
        %parallel_loop3A_288 = arith.index_cast %parallel_loop3A_184 : i32 to index
        %parallel_loop3A_289 = arith.constant 176 : index
        %parallel_loop3A_290 = tpu.vector_load %arg9[%parallel_loop3A_288, %parallel_loop3A_289] {strides = array<i32>} : memref<8x1024xf32, #tpu.memory_space<vmem>>, vector<1x16xf32>,
        %parallel_loop3A_291 = vector.shape_cast %parallel_loop3A_290 : vector<1x16xf32> to vector<16xf32>
        %parallel_loop3A_292 = vector.shape_cast %parallel_loop3A_287 : vector<16xf32> to vector<1x16xf32>
        tpu.vector_store %arg9[%parallel_loop3A_288, %parallel_loop3A_289], %parallel_loop3A_292 {add = true, strides = array<i32>} : memref<8x1024xf32, #tpu.memory_space<vmem>>, vector<1x16xf32>,
        %parallel_loop3A_293 = arith.index_cast %parallel_loop3A_184 : i32 to index
        %parallel_loop3A_294 = arith.constant 192 : index
        %parallel_loop3A_295 = tpu.vector_load %arg13[%parallel_loop3A_293, %parallel_loop3A_294] {strides = array<i32>} : memref<8x1024xf32, #tpu.memory_space<vmem>>, vector<1x16xf32>,
        %parallel_loop3A_296 = vector.shape_cast %parallel_loop3A_295 : vector<1x16xf32> to vector<16xf32>
        %parallel_loop3A_297 = arith.index_cast %parallel_loop3A_184 : i32 to index
        %parallel_loop3A_298 = arith.constant 192 : index
        %parallel_loop3A_299 = tpu.vector_load %arg9[%parallel_loop3A_297, %parallel_loop3A_298] {strides = array<i32>} : memref<8x1024xf32, #tpu.memory_space<vmem>>, vector<1x16xf32>,
        %parallel_loop3A_300 = vector.shape_cast %parallel_loop3A_299 : vector<1x16xf32> to vector<16xf32>
        %parallel_loop3A_301 = vector.shape_cast %parallel_loop3A_296 : vector<16xf32> to vector<1x16xf32>
        tpu.vector_store %arg9[%parallel_loop3A_297, %parallel_loop3A_298], %parallel_loop3A_301 {add = true, strides = array<i32>} : memref<8x1024xf32, #tpu.memory_space<vmem>>, vector<1x16xf32>,
        %parallel_loop3A_302 = arith.index_cast %parallel_loop3A_184 : i32 to index
        %parallel_loop3A_303 = arith.constant 208 : index
        %parallel_loop3A_304 = tpu.vector_load %arg13[%parallel_loop3A_302, %parallel_loop3A_303] {strides = array<i32>} : memref<8x1024xf32, #tpu.memory_space<vmem>>, vector<1x16xf32>,
        %parallel_loop3A_305 = vector.shape_cast %parallel_loop3A_304 : vector<1x16xf32> to vector<16xf32>
        %parallel_loop3A_306 = arith.index_cast %parallel_loop3A_184 : i32 to index
        %parallel_loop3A_307 = arith.constant 208 : index
        %parallel_loop3A_308 = tpu.vector_load %arg9[%parallel_loop3A_306, %parallel_loop3A_307] {strides = array<i32>} : memref<8x1024xf32, #tpu.memory_space<vmem>>, vector<1x16xf32>,
        %parallel_loop3A_309 = vector.shape_cast %parallel_loop3A_308 : vector<1x16xf32> to vector<16xf32>
        %parallel_loop3A_310 = vector.shape_cast %parallel_loop3A_305 : vector<16xf32> to vector<1x16xf32>
        tpu.vector_store %arg9[%parallel_loop3A_306, %parallel_loop3A_307], %parallel_loop3A_310 {add = true, strides = array<i32>} : memref<8x1024xf32, #tpu.memory_space<vmem>>, vector<1x16xf32>,
        %parallel_loop3A_311 = arith.index_cast %parallel_loop3A_184 : i32 to index
        %parallel_loop3A_312 = arith.constant 224 : index
        %parallel_loop3A_313 = tpu.vector_load %arg13[%parallel_loop3A_311, %parallel_loop3A_312] {strides = array<i32>} : memref<8x1024xf32, #tpu.memory_space<vmem>>, vector<1x16xf32>,
        %parallel_loop3A_314 = vector.shape_cast %parallel_loop3A_313 : vector<1x16xf32> to vector<16xf32>
        %parallel_loop3A_315 = arith.index_cast %parallel_loop3A_184 : i32 to index
        %parallel_loop3A_316 = arith.constant 224 : index
        %parallel_loop3A_317 = tpu.vector_load %arg9[%parallel_loop3A_315, %parallel_loop3A_316] {strides = array<i32>} : memref<8x1024xf32, #tpu.memory_space<vmem>>, vector<1x16xf32>,
        %parallel_loop3A_318 = vector.shape_cast %parallel_loop3A_317 : vector<1x16xf32> to vector<16xf32>
        %parallel_loop3A_319 = vector.shape_cast %parallel_loop3A_314 : vector<16xf32> to vector<1x16xf32>
        tpu.vector_store %arg9[%parallel_loop3A_315, %parallel_loop3A_316], %parallel_loop3A_319 {add = true, strides = array<i32>} : memref<8x1024xf32, #tpu.memory_space<vmem>>, vector<1x16xf32>,
        %parallel_loop3A_320 = arith.index_cast %parallel_loop3A_184 : i32 to index
        %parallel_loop3A_321 = arith.constant 240 : index
        %parallel_loop3A_322 = tpu.vector_load %arg13[%parallel_loop3A_320, %parallel_loop3A_321] {strides = array<i32>} : memref<8x1024xf32, #tpu.memory_space<vmem>>, vector<1x16xf32>,
        %parallel_loop3A_323 = vector.shape_cast %parallel_loop3A_322 : vector<1x16xf32> to vector<16xf32>
        %parallel_loop3A_324 = arith.index_cast %parallel_loop3A_184 : i32 to index
        %parallel_loop3A_325 = arith.constant 240 : index
        %parallel_loop3A_326 = tpu.vector_load %arg9[%parallel_loop3A_324, %parallel_loop3A_325] {strides = array<i32>} : memref<8x1024xf32, #tpu.memory_space<vmem>>, vector<1x16xf32>,
        %parallel_loop3A_327 = vector.shape_cast %parallel_loop3A_326 : vector<1x16xf32> to vector<16xf32>
        %parallel_loop3A_328 = vector.shape_cast %parallel_loop3A_323 : vector<16xf32> to vector<1x16xf32>
        tpu.vector_store %arg9[%parallel_loop3A_324, %parallel_loop3A_325], %parallel_loop3A_328 {add = true, strides = array<i32>} : memref<8x1024xf32, #tpu.memory_space<vmem>>, vector<1x16xf32>,
        %parallel_loop3A_329 = arith.index_cast %parallel_loop3A_184 : i32 to index
        %parallel_loop3A_330 = arith.constant 256 : index
        %parallel_loop3A_331 = tpu.vector_load %arg13[%parallel_loop3A_329, %parallel_loop3A_330] {strides = array<i32>} : memref<8x1024xf32, #tpu.memory_space<vmem>>, vector<1x16xf32>,
        %parallel_loop3A_332 = vector.shape_cast %parallel_loop3A_331 : vector<1x16xf32> to vector<16xf32>
        %parallel_loop3A_333 = arith.index_cast %parallel_loop3A_184 : i32 to index
        %parallel_loop3A_334 = arith.constant 256 : index
        %parallel_loop3A_335 = tpu.vector_load %arg9[%parallel_loop3A_333, %parallel_loop3A_334] {strides = array<i32>} : memref<8x1024xf32, #tpu.memory_space<vmem>>, vector<1x16xf32>,
        %parallel_loop3A_336 = vector.shape_cast %parallel_loop3A_335 : vector<1x16xf32> to vector<16xf32>
        %parallel_loop3A_337 = vector.shape_cast %parallel_loop3A_332 : vector<16xf32> to vector<1x16xf32>
        tpu.vector_store %arg9[%parallel_loop3A_333, %parallel_loop3A_334], %parallel_loop3A_337 {add = true, strides = array<i32>} : memref<8x1024xf32, #tpu.memory_space<vmem>>, vector<1x16xf32>,
        %parallel_loop3A_338 = arith.index_cast %parallel_loop3A_184 : i32 to index
        %parallel_loop3A_339 = arith.constant 272 : index
        %parallel_loop3A_340 = tpu.vector_load %arg13[%parallel_loop3A_338, %parallel_loop3A_339] {strides = array<i32>} : memref<8x1024xf32, #tpu.memory_space<vmem>>, vector<1x16xf32>,
        %parallel_loop3A_341 = vector.shape_cast %parallel_loop3A_340 : vector<1x16xf32> to vector<16xf32>
        %parallel_loop3A_342 = arith.index_cast %parallel_loop3A_184 : i32 to index
        %parallel_loop3A_343 = arith.constant 272 : index
        %parallel_loop3A_344 = tpu.vector_load %arg9[%parallel_loop3A_342, %parallel_loop3A_343] {strides = array<i32>} : memref<8x1024xf32, #tpu.memory_space<vmem>>, vector<1x16xf32>,
        %parallel_loop3A_345 = vector.shape_cast %parallel_loop3A_344 : vector<1x16xf32> to vector<16xf32>
        %parallel_loop3A_346 = vector.shape_cast %parallel_loop3A_341 : vector<16xf32> to vector<1x16xf32>
        tpu.vector_store %arg9[%parallel_loop3A_342, %parallel_loop3A_343], %parallel_loop3A_346 {add = true, strides = array<i32>} : memref<8x1024xf32, #tpu.memory_space<vmem>>, vector<1x16xf32>,
        %parallel_loop3A_347 = arith.index_cast %parallel_loop3A_184 : i32 to index
        %parallel_loop3A_348 = arith.constant 288 : index
        %parallel_loop3A_349 = tpu.vector_load %arg13[%parallel_loop3A_347, %parallel_loop3A_348] {strides = array<i32>} : memref<8x1024xf32, #tpu.memory_space<vmem>>, vector<1x16xf32>,
        %parallel_loop3A_350 = vector.shape_cast %parallel_loop3A_349 : vector<1x16xf32> to vector<16xf32>
        %parallel_loop3A_351 = arith.index_cast %parallel_loop3A_184 : i32 to index
        %parallel_loop3A_352 = arith.constant 288 : index
        %parallel_loop3A_353 = tpu.vector_load %arg9[%parallel_loop3A_351, %parallel_loop3A_352] {strides = array<i32>} : memref<8x1024xf32, #tpu.memory_space<vmem>>, vector<1x16xf32>,
        %parallel_loop3A_354 = vector.shape_cast %parallel_loop3A_353 : vector<1x16xf32> to vector<16xf32>
        %parallel_loop3A_355 = vector.shape_cast %parallel_loop3A_350 : vector<16xf32> to vector<1x16xf32>
        tpu.vector_store %arg9[%parallel_loop3A_351, %parallel_loop3A_352], %parallel_loop3A_355 {add = true, strides = array<i32>} : memref<8x1024xf32, #tpu.memory_space<vmem>>, vector<1x16xf32>,
        %parallel_loop3A_356 = arith.index_cast %parallel_loop3A_184 : i32 to index
        %parallel_loop3A_357 = arith.constant 304 : index
        %parallel_loop3A_358 = tpu.vector_load %arg13[%parallel_loop3A_356, %parallel_loop3A_357] {strides = array<i32>} : memref<8x1024xf32, #tpu.memory_space<vmem>>, vector<1x16xf32>,
        %parallel_loop3A_359 = vector.shape_cast %parallel_loop3A_358 : vector<1x16xf32> to vector<16xf32>
        %parallel_loop3A_360 = arith.index_cast %parallel_loop3A_184 : i32 to index
        %parallel_loop3A_361 = arith.constant 304 : index
        %parallel_loop3A_362 = tpu.vector_load %arg9[%parallel_loop3A_360, %parallel_loop3A_361] {strides = array<i32>} : memref<8x1024xf32, #tpu.memory_space<vmem>>, vector<1x16xf32>,
        %parallel_loop3A_363 = vector.shape_cast %parallel_loop3A_362 : vector<1x16xf32> to vector<16xf32>
        %parallel_loop3A_364 = vector.shape_cast %parallel_loop3A_359 : vector<16xf32> to vector<1x16xf32>
        tpu.vector_store %arg9[%parallel_loop3A_360, %parallel_loop3A_361], %parallel_loop3A_364 {add = true, strides = array<i32>} : memref<8x1024xf32, #tpu.memory_space<vmem>>, vector<1x16xf32>,
        %parallel_loop3A_365 = arith.index_cast %parallel_loop3A_184 : i32 to index
        %parallel_loop3A_366 = arith.constant 320 : index
        %parallel_loop3A_367 = tpu.vector_load %arg13[%parallel_loop3A_365, %parallel_loop3A_366] {strides = array<i32>} : memref<8x1024xf32, #tpu.memory_space<vmem>>, vector<1x16xf32>,
        %parallel_loop3A_368 = vector.shape_cast %parallel_loop3A_367 : vector<1x16xf32> to vector<16xf32>
        %parallel_loop3A_369 = arith.index_cast %parallel_loop3A_184 : i32 to index
        %parallel_loop3A_370 = arith.constant 320 : index
        %parallel_loop3A_371 = tpu.vector_load %arg9[%parallel_loop3A_369, %parallel_loop3A_370] {strides = array<i32>} : memref<8x1024xf32, #tpu.memory_space<vmem>>, vector<1x16xf32>,
        %parallel_loop3A_372 = vector.shape_cast %parallel_loop3A_371 : vector<1x16xf32> to vector<16xf32>
        %parallel_loop3A_373 = vector.shape_cast %parallel_loop3A_368 : vector<16xf32> to vector<1x16xf32>
        tpu.vector_store %arg9[%parallel_loop3A_369, %parallel_loop3A_370], %parallel_loop3A_373 {add = true, strides = array<i32>} : memref<8x1024xf32, #tpu.memory_space<vmem>>, vector<1x16xf32>,
        %parallel_loop3A_374 = arith.index_cast %parallel_loop3A_184 : i32 to index
        %parallel_loop3A_375 = arith.constant 336 : index
        %parallel_loop3A_376 = tpu.vector_load %arg13[%parallel_loop3A_374, %parallel_loop3A_375] {strides = array<i32>} : memref<8x1024xf32, #tpu.memory_space<vmem>>, vector<1x16xf32>,
        %parallel_loop3A_377 = vector.shape_cast %parallel_loop3A_376 : vector<1x16xf32> to vector<16xf32>
        %parallel_loop3A_378 = arith.index_cast %parallel_loop3A_184 : i32 to index
        %parallel_loop3A_379 = arith.constant 336 : index
        %parallel_loop3A_380 = tpu.vector_load %arg9[%parallel_loop3A_378, %parallel_loop3A_379] {strides = array<i32>} : memref<8x1024xf32, #tpu.memory_space<vmem>>, vector<1x16xf32>,
        %parallel_loop3A_381 = vector.shape_cast %parallel_loop3A_380 : vector<1x16xf32> to vector<16xf32>
        %parallel_loop3A_382 = vector.shape_cast %parallel_loop3A_377 : vector<16xf32> to vector<1x16xf32>
        tpu.vector_store %arg9[%parallel_loop3A_378, %parallel_loop3A_379], %parallel_loop3A_382 {add = true, strides = array<i32>} : memref<8x1024xf32, #tpu.memory_space<vmem>>, vector<1x16xf32>,
        %parallel_loop3A_383 = arith.index_cast %parallel_loop3A_184 : i32 to index
        %parallel_loop3A_384 = arith.constant 352 : index
        %parallel_loop3A_385 = tpu.vector_load %arg13[%parallel_loop3A_383, %parallel_loop3A_384] {strides = array<i32>} : memref<8x1024xf32, #tpu.memory_space<vmem>>, vector<1x16xf32>,
        %parallel_loop3A_386 = vector.shape_cast %parallel_loop3A_385 : vector<1x16xf32> to vector<16xf32>
        %parallel_loop3A_387 = arith.index_cast %parallel_loop3A_184 : i32 to index
        %parallel_loop3A_388 = arith.constant 352 : index
        %parallel_loop3A_389 = tpu.vector_load %arg9[%parallel_loop3A_387, %parallel_loop3A_388] {strides = array<i32>} : memref<8x1024xf32, #tpu.memory_space<vmem>>, vector<1x16xf32>,
        %parallel_loop3A_390 = vector.shape_cast %parallel_loop3A_389 : vector<1x16xf32> to vector<16xf32>
        %parallel_loop3A_391 = vector.shape_cast %parallel_loop3A_386 : vector<16xf32> to vector<1x16xf32>
        tpu.vector_store %arg9[%parallel_loop3A_387, %parallel_loop3A_388], %parallel_loop3A_391 {add = true, strides = array<i32>} : memref<8x1024xf32, #tpu.memory_space<vmem>>, vector<1x16xf32>,
        %parallel_loop3A_392 = arith.index_cast %parallel_loop3A_184 : i32 to index
        %parallel_loop3A_393 = arith.constant 368 : index
        %parallel_loop3A_394 = tpu.vector_load %arg13[%parallel_loop3A_392, %parallel_loop3A_393] {strides = array<i32>} : memref<8x1024xf32, #tpu.memory_space<vmem>>, vector<1x16xf32>,
        %parallel_loop3A_395 = vector.shape_cast %parallel_loop3A_394 : vector<1x16xf32> to vector<16xf32>
        %parallel_loop3A_396 = arith.index_cast %parallel_loop3A_184 : i32 to index
        %parallel_loop3A_397 = arith.constant 368 : index
        %parallel_loop3A_398 = tpu.vector_load %arg9[%parallel_loop3A_396, %parallel_loop3A_397] {strides = array<i32>} : memref<8x1024xf32, #tpu.memory_space<vmem>>, vector<1x16xf32>,
        %parallel_loop3A_399 = vector.shape_cast %parallel_loop3A_398 : vector<1x16xf32> to vector<16xf32>
        %parallel_loop3A_400 = vector.shape_cast %parallel_loop3A_395 : vector<16xf32> to vector<1x16xf32>
        tpu.vector_store %arg9[%parallel_loop3A_396, %parallel_loop3A_397], %parallel_loop3A_400 {add = true, strides = array<i32>} : memref<8x1024xf32, #tpu.memory_space<vmem>>, vector<1x16xf32>,
        %parallel_loop3A_401 = arith.index_cast %parallel_loop3A_184 : i32 to index
        %parallel_loop3A_402 = arith.constant 384 : index
        %parallel_loop3A_403 = tpu.vector_load %arg13[%parallel_loop3A_401, %parallel_loop3A_402] {strides = array<i32>} : memref<8x1024xf32, #tpu.memory_space<vmem>>, vector<1x16xf32>,
        %parallel_loop3A_404 = vector.shape_cast %parallel_loop3A_403 : vector<1x16xf32> to vector<16xf32>
        %parallel_loop3A_405 = arith.index_cast %parallel_loop3A_184 : i32 to index
        %parallel_loop3A_406 = arith.constant 384 : index
        %parallel_loop3A_407 = tpu.vector_load %arg9[%parallel_loop3A_405, %parallel_loop3A_406] {strides = array<i32>} : memref<8x1024xf32, #tpu.memory_space<vmem>>, vector<1x16xf32>,
        %parallel_loop3A_408 = vector.shape_cast %parallel_loop3A_407 : vector<1x16xf32> to vector<16xf32>
        %parallel_loop3A_409 = vector.shape_cast %parallel_loop3A_404 : vector<16xf32> to vector<1x16xf32>
        tpu.vector_store %arg9[%parallel_loop3A_405, %parallel_loop3A_406], %parallel_loop3A_409 {add = true, strides = array<i32>} : memref<8x1024xf32, #tpu.memory_space<vmem>>, vector<1x16xf32>,
        %parallel_loop3A_410 = arith.index_cast %parallel_loop3A_184 : i32 to index
        %parallel_loop3A_411 = arith.constant 400 : index
        %parallel_loop3A_412 = tpu.vector_load %arg13[%parallel_loop3A_410, %parallel_loop3A_411] {strides = array<i32>} : memref<8x1024xf32, #tpu.memory_space<vmem>>, vector<1x16xf32>,
        %parallel_loop3A_413 = vector.shape_cast %parallel_loop3A_412 : vector<1x16xf32> to vector<16xf32>
        %parallel_loop3A_414 = arith.index_cast %parallel_loop3A_184 : i32 to index
        %parallel_loop3A_415 = arith.constant 400 : index
        %parallel_loop3A_416 = tpu.vector_load %arg9[%parallel_loop3A_414, %parallel_loop3A_415] {strides = array<i32>} : memref<8x1024xf32, #tpu.memory_space<vmem>>, vector<1x16xf32>,
        %parallel_loop3A_417 = vector.shape_cast %parallel_loop3A_416 : vector<1x16xf32> to vector<16xf32>
        %parallel_loop3A_418 = vector.shape_cast %parallel_loop3A_413 : vector<16xf32> to vector<1x16xf32>
        tpu.vector_store %arg9[%parallel_loop3A_414, %parallel_loop3A_415], %parallel_loop3A_418 {add = true, strides = array<i32>} : memref<8x1024xf32, #tpu.memory_space<vmem>>, vector<1x16xf32>,
        %parallel_loop3A_419 = arith.index_cast %parallel_loop3A_184 : i32 to index
        %parallel_loop3A_420 = arith.constant 416 : index
        %parallel_loop3A_421 = tpu.vector_load %arg13[%parallel_loop3A_419, %parallel_loop3A_420] {strides = array<i32>} : memref<8x1024xf32, #tpu.memory_space<vmem>>, vector<1x16xf32>,
        %parallel_loop3A_422 = vector.shape_cast %parallel_loop3A_421 : vector<1x16xf32> to vector<16xf32>
        %parallel_loop3A_423 = arith.index_cast %parallel_loop3A_184 : i32 to index
        %parallel_loop3A_424 = arith.constant 416 : index
        %parallel_loop3A_425 = tpu.vector_load %arg9[%parallel_loop3A_423, %parallel_loop3A_424] {strides = array<i32>} : memref<8x1024xf32, #tpu.memory_space<vmem>>, vector<1x16xf32>,
        %parallel_loop3A_426 = vector.shape_cast %parallel_loop3A_425 : vector<1x16xf32> to vector<16xf32>
        %parallel_loop3A_427 = vector.shape_cast %parallel_loop3A_422 : vector<16xf32> to vector<1x16xf32>
        tpu.vector_store %arg9[%parallel_loop3A_423, %parallel_loop3A_424], %parallel_loop3A_427 {add = true, strides = array<i32>} : memref<8x1024xf32, #tpu.memory_space<vmem>>, vector<1x16xf32>,
        %parallel_loop3A_428 = arith.index_cast %parallel_loop3A_184 : i32 to index
        %parallel_loop3A_429 = arith.constant 432 : index
        %parallel_loop3A_430 = tpu.vector_load %arg13[%parallel_loop3A_428, %parallel_loop3A_429] {strides = array<i32>} : memref<8x1024xf32, #tpu.memory_space<vmem>>, vector<1x16xf32>,
        %parallel_loop3A_431 = vector.shape_cast %parallel_loop3A_430 : vector<1x16xf32> to vector<16xf32>
        %parallel_loop3A_432 = arith.index_cast %parallel_loop3A_184 : i32 to index
        %parallel_loop3A_433 = arith.constant 432 : index
        %parallel_loop3A_434 = tpu.vector_load %arg9[%parallel_loop3A_432, %parallel_loop3A_433] {strides = array<i32>} : memref<8x1024xf32, #tpu.memory_space<vmem>>, vector<1x16xf32>,
        %parallel_loop3A_435 = vector.shape_cast %parallel_loop3A_434 : vector<1x16xf32> to vector<16xf32>
        %parallel_loop3A_436 = vector.shape_cast %parallel_loop3A_431 : vector<16xf32> to vector<1x16xf32>
        tpu.vector_store %arg9[%parallel_loop3A_432, %parallel_loop3A_433], %parallel_loop3A_436 {add = true, strides = array<i32>} : memref<8x1024xf32, #tpu.memory_space<vmem>>, vector<1x16xf32>,
        %parallel_loop3A_437 = arith.index_cast %parallel_loop3A_184 : i32 to index
        %parallel_loop3A_438 = arith.constant 448 : index
        %parallel_loop3A_439 = tpu.vector_load %arg13[%parallel_loop3A_437, %parallel_loop3A_438] {strides = array<i32>} : memref<8x1024xf32, #tpu.memory_space<vmem>>, vector<1x16xf32>,
        %parallel_loop3A_440 = vector.shape_cast %parallel_loop3A_439 : vector<1x16xf32> to vector<16xf32>
        %parallel_loop3A_441 = arith.index_cast %parallel_loop3A_184 : i32 to index
        %parallel_loop3A_442 = arith.constant 448 : index
        %parallel_loop3A_443 = tpu.vector_load %arg9[%parallel_loop3A_441, %parallel_loop3A_442] {strides = array<i32>} : memref<8x1024xf32, #tpu.memory_space<vmem>>, vector<1x16xf32>,
        %parallel_loop3A_444 = vector.shape_cast %parallel_loop3A_443 : vector<1x16xf32> to vector<16xf32>
        %parallel_loop3A_445 = vector.shape_cast %parallel_loop3A_440 : vector<16xf32> to vector<1x16xf32>
        tpu.vector_store %arg9[%parallel_loop3A_441, %parallel_loop3A_442], %parallel_loop3A_445 {add = true, strides = array<i32>} : memref<8x1024xf32, #tpu.memory_space<vmem>>, vector<1x16xf32>,
        %parallel_loop3A_446 = arith.index_cast %parallel_loop3A_184 : i32 to index
        %parallel_loop3A_447 = arith.constant 464 : index
        %parallel_loop3A_448 = tpu.vector_load %arg13[%parallel_loop3A_446, %parallel_loop3A_447] {strides = array<i32>} : memref<8x1024xf32, #tpu.memory_space<vmem>>, vector<1x16xf32>,
        %parallel_loop3A_449 = vector.shape_cast %parallel_loop3A_448 : vector<1x16xf32> to vector<16xf32>
        %parallel_loop3A_450 = arith.index_cast %parallel_loop3A_184 : i32 to index
        %parallel_loop3A_451 = arith.constant 464 : index
        %parallel_loop3A_452 = tpu.vector_load %arg9[%parallel_loop3A_450, %parallel_loop3A_451] {strides = array<i32>} : memref<8x1024xf32, #tpu.memory_space<vmem>>, vector<1x16xf32>,
        %parallel_loop3A_453 = vector.shape_cast %parallel_loop3A_452 : vector<1x16xf32> to vector<16xf32>
        %parallel_loop3A_454 = vector.shape_cast %parallel_loop3A_449 : vector<16xf32> to vector<1x16xf32>
        tpu.vector_store %arg9[%parallel_loop3A_450, %parallel_loop3A_451], %parallel_loop3A_454 {add = true, strides = array<i32>} : memref<8x1024xf32, #tpu.memory_space<vmem>>, vector<1x16xf32>,
        %parallel_loop3A_455 = arith.index_cast %parallel_loop3A_184 : i32 to index
        %parallel_loop3A_456 = arith.constant 480 : index
        %parallel_loop3A_457 = tpu.vector_load %arg13[%parallel_loop3A_455, %parallel_loop3A_456] {strides = array<i32>} : memref<8x1024xf32, #tpu.memory_space<vmem>>, vector<1x16xf32>,
        %parallel_loop3A_458 = vector.shape_cast %parallel_loop3A_457 : vector<1x16xf32> to vector<16xf32>
        %parallel_loop3A_459 = arith.index_cast %parallel_loop3A_184 : i32 to index
        %parallel_loop3A_460 = arith.constant 480 : index
        %parallel_loop3A_461 = tpu.vector_load %arg9[%parallel_loop3A_459, %parallel_loop3A_460] {strides = array<i32>} : memref<8x1024xf32, #tpu.memory_space<vmem>>, vector<1x16xf32>,
        %parallel_loop3A_462 = vector.shape_cast %parallel_loop3A_461 : vector<1x16xf32> to vector<16xf32>
        %parallel_loop3A_463 = vector.shape_cast %parallel_loop3A_458 : vector<16xf32> to vector<1x16xf32>
        tpu.vector_store %arg9[%parallel_loop3A_459, %parallel_loop3A_460], %parallel_loop3A_463 {add = true, strides = array<i32>} : memref<8x1024xf32, #tpu.memory_space<vmem>>, vector<1x16xf32>,
        %parallel_loop3A_464 = arith.index_cast %parallel_loop3A_184 : i32 to index
        %parallel_loop3A_465 = arith.constant 496 : index
        %parallel_loop3A_466 = tpu.vector_load %arg13[%parallel_loop3A_464, %parallel_loop3A_465] {strides = array<i32>} : memref<8x1024xf32, #tpu.memory_space<vmem>>, vector<1x16xf32>,
        %parallel_loop3A_467 = vector.shape_cast %parallel_loop3A_466 : vector<1x16xf32> to vector<16xf32>
        %parallel_loop3A_468 = arith.index_cast %parallel_loop3A_184 : i32 to index
        %parallel_loop3A_469 = arith.constant 496 : index
        %parallel_loop3A_470 = tpu.vector_load %arg9[%parallel_loop3A_468, %parallel_loop3A_469] {strides = array<i32>} : memref<8x1024xf32, #tpu.memory_space<vmem>>, vector<1x16xf32>,
        %parallel_loop3A_471 = vector.shape_cast %parallel_loop3A_470 : vector<1x16xf32> to vector<16xf32>
        %parallel_loop3A_472 = vector.shape_cast %parallel_loop3A_467 : vector<16xf32> to vector<1x16xf32>
        tpu.vector_store %arg9[%parallel_loop3A_468, %parallel_loop3A_469], %parallel_loop3A_472 {add = true, strides = array<i32>} : memref<8x1024xf32, #tpu.memory_space<vmem>>, vector<1x16xf32>,
        %parallel_loop3A_473 = arith.index_cast %parallel_loop3A_184 : i32 to index
        %parallel_loop3A_474 = arith.constant 512 : index
        %parallel_loop3A_475 = tpu.vector_load %arg13[%parallel_loop3A_473, %parallel_loop3A_474] {strides = array<i32>} : memref<8x1024xf32, #tpu.memory_space<vmem>>, vector<1x16xf32>,
        %parallel_loop3A_476 = vector.shape_cast %parallel_loop3A_475 : vector<1x16xf32> to vector<16xf32>
        %parallel_loop3A_477 = arith.index_cast %parallel_loop3A_184 : i32 to index
        %parallel_loop3A_478 = arith.constant 512 : index
        %parallel_loop3A_479 = tpu.vector_load %arg9[%parallel_loop3A_477, %parallel_loop3A_478] {strides = array<i32>} : memref<8x1024xf32, #tpu.memory_space<vmem>>, vector<1x16xf32>,
        %parallel_loop3A_480 = vector.shape_cast %parallel_loop3A_479 : vector<1x16xf32> to vector<16xf32>
        %parallel_loop3A_481 = vector.shape_cast %parallel_loop3A_476 : vector<16xf32> to vector<1x16xf32>
        tpu.vector_store %arg9[%parallel_loop3A_477, %parallel_loop3A_478], %parallel_loop3A_481 {add = true, strides = array<i32>} : memref<8x1024xf32, #tpu.memory_space<vmem>>, vector<1x16xf32>,
        %parallel_loop3A_482 = arith.index_cast %parallel_loop3A_184 : i32 to index
        %parallel_loop3A_483 = arith.constant 528 : index
        %parallel_loop3A_484 = tpu.vector_load %arg13[%parallel_loop3A_482, %parallel_loop3A_483] {strides = array<i32>} : memref<8x1024xf32, #tpu.memory_space<vmem>>, vector<1x16xf32>,
        %parallel_loop3A_485 = vector.shape_cast %parallel_loop3A_484 : vector<1x16xf32> to vector<16xf32>
        %parallel_loop3A_486 = arith.index_cast %parallel_loop3A_184 : i32 to index
        %parallel_loop3A_487 = arith.constant 528 : index
        %parallel_loop3A_488 = tpu.vector_load %arg9[%parallel_loop3A_486, %parallel_loop3A_487] {strides = array<i32>} : memref<8x1024xf32, #tpu.memory_space<vmem>>, vector<1x16xf32>,
        %parallel_loop3A_489 = vector.shape_cast %parallel_loop3A_488 : vector<1x16xf32> to vector<16xf32>
        %parallel_loop3A_490 = vector.shape_cast %parallel_loop3A_485 : vector<16xf32> to vector<1x16xf32>
        tpu.vector_store %arg9[%parallel_loop3A_486, %parallel_loop3A_487], %parallel_loop3A_490 {add = true, strides = array<i32>} : memref<8x1024xf32, #tpu.memory_space<vmem>>, vector<1x16xf32>,
        %parallel_loop3A_491 = arith.index_cast %parallel_loop3A_184 : i32 to index
        %parallel_loop3A_492 = arith.constant 544 : index
        %parallel_loop3A_493 = tpu.vector_load %arg13[%parallel_loop3A_491, %parallel_loop3A_492] {strides = array<i32>} : memref<8x1024xf32, #tpu.memory_space<vmem>>, vector<1x16xf32>,
        %parallel_loop3A_494 = vector.shape_cast %parallel_loop3A_493 : vector<1x16xf32> to vector<16xf32>
        %parallel_loop3A_495 = arith.index_cast %parallel_loop3A_184 : i32 to index
        %parallel_loop3A_496 = arith.constant 544 : index
        %parallel_loop3A_497 = tpu.vector_load %arg9[%parallel_loop3A_495, %parallel_loop3A_496] {strides = array<i32>} : memref<8x1024xf32, #tpu.memory_space<vmem>>, vector<1x16xf32>,
        %parallel_loop3A_498 = vector.shape_cast %parallel_loop3A_497 : vector<1x16xf32> to vector<16xf32>
        %parallel_loop3A_499 = vector.shape_cast %parallel_loop3A_494 : vector<16xf32> to vector<1x16xf32>
        tpu.vector_store %arg9[%parallel_loop3A_495, %parallel_loop3A_496], %parallel_loop3A_499 {add = true, strides = array<i32>} : memref<8x1024xf32, #tpu.memory_space<vmem>>, vector<1x16xf32>,
        %parallel_loop3A_500 = arith.index_cast %parallel_loop3A_184 : i32 to index
        %parallel_loop3A_501 = arith.constant 560 : index
        %parallel_loop3A_502 = tpu.vector_load %arg13[%parallel_loop3A_500, %parallel_loop3A_501] {strides = array<i32>} : memref<8x1024xf32, #tpu.memory_space<vmem>>, vector<1x16xf32>,
        %parallel_loop3A_503 = vector.shape_cast %parallel_loop3A_502 : vector<1x16xf32> to vector<16xf32>
        %parallel_loop3A_504 = arith.index_cast %parallel_loop3A_184 : i32 to index
        %parallel_loop3A_505 = arith.constant 560 : index
        %parallel_loop3A_506 = tpu.vector_load %arg9[%parallel_loop3A_504, %parallel_loop3A_505] {strides = array<i32>} : memref<8x1024xf32, #tpu.memory_space<vmem>>, vector<1x16xf32>,
        %parallel_loop3A_507 = vector.shape_cast %parallel_loop3A_506 : vector<1x16xf32> to vector<16xf32>
        %parallel_loop3A_508 = vector.shape_cast %parallel_loop3A_503 : vector<16xf32> to vector<1x16xf32>
        tpu.vector_store %arg9[%parallel_loop3A_504, %parallel_loop3A_505], %parallel_loop3A_508 {add = true, strides = array<i32>} : memref<8x1024xf32, #tpu.memory_space<vmem>>, vector<1x16xf32>,
        %parallel_loop3A_509 = arith.index_cast %parallel_loop3A_184 : i32 to index
        %parallel_loop3A_510 = arith.constant 576 : index
        %parallel_loop3A_511 = tpu.vector_load %arg13[%parallel_loop3A_509, %parallel_loop3A_510] {strides = array<i32>} : memref<8x1024xf32, #tpu.memory_space<vmem>>, vector<1x16xf32>,
        %parallel_loop3A_512 = vector.shape_cast %parallel_loop3A_511 : vector<1x16xf32> to vector<16xf32>
        %parallel_loop3A_513 = arith.index_cast %parallel_loop3A_184 : i32 to index
        %parallel_loop3A_514 = arith.constant 576 : index
        %parallel_loop3A_515 = tpu.vector_load %arg9[%parallel_loop3A_513, %parallel_loop3A_514] {strides = array<i32>} : memref<8x1024xf32, #tpu.memory_space<vmem>>, vector<1x16xf32>,
        %parallel_loop3A_516 = vector.shape_cast %parallel_loop3A_515 : vector<1x16xf32> to vector<16xf32>
        %parallel_loop3A_517 = vector.shape_cast %parallel_loop3A_512 : vector<16xf32> to vector<1x16xf32>
        tpu.vector_store %arg9[%parallel_loop3A_513, %parallel_loop3A_514], %parallel_loop3A_517 {add = true, strides = array<i32>} : memref<8x1024xf32, #tpu.memory_space<vmem>>, vector<1x16xf32>,
        %parallel_loop3A_518 = arith.index_cast %parallel_loop3A_184 : i32 to index
        %parallel_loop3A_519 = arith.constant 592 : index
        %parallel_loop3A_520 = tpu.vector_load %arg13[%parallel_loop3A_518, %parallel_loop3A_519] {strides = array<i32>} : memref<8x1024xf32, #tpu.memory_space<vmem>>, vector<1x16xf32>,
        %parallel_loop3A_521 = vector.shape_cast %parallel_loop3A_520 : vector<1x16xf32> to vector<16xf32>
        %parallel_loop3A_522 = arith.index_cast %parallel_loop3A_184 : i32 to index
        %parallel_loop3A_523 = arith.constant 592 : index
        %parallel_loop3A_524 = tpu.vector_load %arg9[%parallel_loop3A_522, %parallel_loop3A_523] {strides = array<i32>} : memref<8x1024xf32, #tpu.memory_space<vmem>>, vector<1x16xf32>,
        %parallel_loop3A_525 = vector.shape_cast %parallel_loop3A_524 : vector<1x16xf32> to vector<16xf32>
        %parallel_loop3A_526 = vector.shape_cast %parallel_loop3A_521 : vector<16xf32> to vector<1x16xf32>
        tpu.vector_store %arg9[%parallel_loop3A_522, %parallel_loop3A_523], %parallel_loop3A_526 {add = true, strides = array<i32>} : memref<8x1024xf32, #tpu.memory_space<vmem>>, vector<1x16xf32>,
        %parallel_loop3A_527 = arith.index_cast %parallel_loop3A_184 : i32 to index
        %parallel_loop3A_528 = arith.constant 608 : index
        %parallel_loop3A_529 = tpu.vector_load %arg13[%parallel_loop3A_527, %parallel_loop3A_528] {strides = array<i32>} : memref<8x1024xf32, #tpu.memory_space<vmem>>, vector<1x16xf32>,
        %parallel_loop3A_530 = vector.shape_cast %parallel_loop3A_529 : vector<1x16xf32> to vector<16xf32>
        %parallel_loop3A_531 = arith.index_cast %parallel_loop3A_184 : i32 to index
        %parallel_loop3A_532 = arith.constant 608 : index
        %parallel_loop3A_533 = tpu.vector_load %arg9[%parallel_loop3A_531, %parallel_loop3A_532] {strides = array<i32>} : memref<8x1024xf32, #tpu.memory_space<vmem>>, vector<1x16xf32>,
        %parallel_loop3A_534 = vector.shape_cast %parallel_loop3A_533 : vector<1x16xf32> to vector<16xf32>
        %parallel_loop3A_535 = vector.shape_cast %parallel_loop3A_530 : vector<16xf32> to vector<1x16xf32>
        tpu.vector_store %arg9[%parallel_loop3A_531, %parallel_loop3A_532], %parallel_loop3A_535 {add = true, strides = array<i32>} : memref<8x1024xf32, #tpu.memory_space<vmem>>, vector<1x16xf32>,
        %parallel_loop3A_536 = arith.index_cast %parallel_loop3A_184 : i32 to index
        %parallel_loop3A_537 = arith.constant 624 : index
        %parallel_loop3A_538 = tpu.vector_load %arg13[%parallel_loop3A_536, %parallel_loop3A_537] {strides = array<i32>} : memref<8x1024xf32, #tpu.memory_space<vmem>>, vector<1x16xf32>,
        %parallel_loop3A_539 = vector.shape_cast %parallel_loop3A_538 : vector<1x16xf32> to vector<16xf32>
        %parallel_loop3A_540 = arith.index_cast %parallel_loop3A_184 : i32 to index
        %parallel_loop3A_541 = arith.constant 624 : index
        %parallel_loop3A_542 = tpu.vector_load %arg9[%parallel_loop3A_540, %parallel_loop3A_541] {strides = array<i32>} : memref<8x1024xf32, #tpu.memory_space<vmem>>, vector<1x16xf32>,
        %parallel_loop3A_543 = vector.shape_cast %parallel_loop3A_542 : vector<1x16xf32> to vector<16xf32>
        %parallel_loop3A_544 = vector.shape_cast %parallel_loop3A_539 : vector<16xf32> to vector<1x16xf32>
        tpu.vector_store %arg9[%parallel_loop3A_540, %parallel_loop3A_541], %parallel_loop3A_544 {add = true, strides = array<i32>} : memref<8x1024xf32, #tpu.memory_space<vmem>>, vector<1x16xf32>,
        %parallel_loop3A_545 = arith.index_cast %parallel_loop3A_184 : i32 to index
        %parallel_loop3A_546 = arith.constant 640 : index
        %parallel_loop3A_547 = tpu.vector_load %arg13[%parallel_loop3A_545, %parallel_loop3A_546] {strides = array<i32>} : memref<8x1024xf32, #tpu.memory_space<vmem>>, vector<1x16xf32>,
        %parallel_loop3A_548 = vector.shape_cast %parallel_loop3A_547 : vector<1x16xf32> to vector<16xf32>
        %parallel_loop3A_549 = arith.index_cast %parallel_loop3A_184 : i32 to index
        %parallel_loop3A_550 = arith.constant 640 : index
        %parallel_loop3A_551 = tpu.vector_load %arg9[%parallel_loop3A_549, %parallel_loop3A_550] {strides = array<i32>} : memref<8x1024xf32, #tpu.memory_space<vmem>>, vector<1x16xf32>,
        %parallel_loop3A_552 = vector.shape_cast %parallel_loop3A_551 : vector<1x16xf32> to vector<16xf32>
        %parallel_loop3A_553 = vector.shape_cast %parallel_loop3A_548 : vector<16xf32> to vector<1x16xf32>
        tpu.vector_store %arg9[%parallel_loop3A_549, %parallel_loop3A_550], %parallel_loop3A_553 {add = true, strides = array<i32>} : memref<8x1024xf32, #tpu.memory_space<vmem>>, vector<1x16xf32>,
        %parallel_loop3A_554 = arith.index_cast %parallel_loop3A_184 : i32 to index
        %parallel_loop3A_555 = arith.constant 656 : index
        %parallel_loop3A_556 = tpu.vector_load %arg13[%parallel_loop3A_554, %parallel_loop3A_555] {strides = array<i32>} : memref<8x1024xf32, #tpu.memory_space<vmem>>, vector<1x16xf32>,
        %parallel_loop3A_557 = vector.shape_cast %parallel_loop3A_556 : vector<1x16xf32> to vector<16xf32>
        %parallel_loop3A_558 = arith.index_cast %parallel_loop3A_184 : i32 to index
        %parallel_loop3A_559 = arith.constant 656 : index
        %parallel_loop3A_560 = tpu.vector_load %arg9[%parallel_loop3A_558, %parallel_loop3A_559] {strides = array<i32>} : memref<8x1024xf32, #tpu.memory_space<vmem>>, vector<1x16xf32>,
        %parallel_loop3A_561 = vector.shape_cast %parallel_loop3A_560 : vector<1x16xf32> to vector<16xf32>
        %parallel_loop3A_562 = vector.shape_cast %parallel_loop3A_557 : vector<16xf32> to vector<1x16xf32>
        tpu.vector_store %arg9[%parallel_loop3A_558, %parallel_loop3A_559], %parallel_loop3A_562 {add = true, strides = array<i32>} : memref<8x1024xf32, #tpu.memory_space<vmem>>, vector<1x16xf32>,
        %parallel_loop3A_563 = arith.index_cast %parallel_loop3A_184 : i32 to index
        %parallel_loop3A_564 = arith.constant 672 : index
        %parallel_loop3A_565 = tpu.vector_load %arg13[%parallel_loop3A_563, %parallel_loop3A_564] {strides = array<i32>} : memref<8x1024xf32, #tpu.memory_space<vmem>>, vector<1x16xf32>,
        %parallel_loop3A_566 = vector.shape_cast %parallel_loop3A_565 : vector<1x16xf32> to vector<16xf32>
        %parallel_loop3A_567 = arith.index_cast %parallel_loop3A_184 : i32 to index
        %parallel_loop3A_568 = arith.constant 672 : index
        %parallel_loop3A_569 = tpu.vector_load %arg9[%parallel_loop3A_567, %parallel_loop3A_568] {strides = array<i32>} : memref<8x1024xf32, #tpu.memory_space<vmem>>, vector<1x16xf32>,
        %parallel_loop3A_570 = vector.shape_cast %parallel_loop3A_569 : vector<1x16xf32> to vector<16xf32>
        %parallel_loop3A_571 = vector.shape_cast %parallel_loop3A_566 : vector<16xf32> to vector<1x16xf32>
        tpu.vector_store %arg9[%parallel_loop3A_567, %parallel_loop3A_568], %parallel_loop3A_571 {add = true, strides = array<i32>} : memref<8x1024xf32, #tpu.memory_space<vmem>>, vector<1x16xf32>,
        %parallel_loop3A_572 = arith.index_cast %parallel_loop3A_184 : i32 to index
        %parallel_loop3A_573 = arith.constant 688 : index
        %parallel_loop3A_574 = tpu.vector_load %arg13[%parallel_loop3A_572, %parallel_loop3A_573] {strides = array<i32>} : memref<8x1024xf32, #tpu.memory_space<vmem>>, vector<1x16xf32>,
        %parallel_loop3A_575 = vector.shape_cast %parallel_loop3A_574 : vector<1x16xf32> to vector<16xf32>
        %parallel_loop3A_576 = arith.index_cast %parallel_loop3A_184 : i32 to index
        %parallel_loop3A_577 = arith.constant 688 : index
        %parallel_loop3A_578 = tpu.vector_load %arg9[%parallel_loop3A_576, %parallel_loop3A_577] {strides = array<i32>} : memref<8x1024xf32, #tpu.memory_space<vmem>>, vector<1x16xf32>,
        %parallel_loop3A_579 = vector.shape_cast %parallel_loop3A_578 : vector<1x16xf32> to vector<16xf32>
        %parallel_loop3A_580 = vector.shape_cast %parallel_loop3A_575 : vector<16xf32> to vector<1x16xf32>
        tpu.vector_store %arg9[%parallel_loop3A_576, %parallel_loop3A_577], %parallel_loop3A_580 {add = true, strides = array<i32>} : memref<8x1024xf32, #tpu.memory_space<vmem>>, vector<1x16xf32>,
        %parallel_loop3A_581 = arith.index_cast %parallel_loop3A_184 : i32 to index
        %parallel_loop3A_582 = arith.constant 704 : index
        %parallel_loop3A_583 = tpu.vector_load %arg13[%parallel_loop3A_581, %parallel_loop3A_582] {strides = array<i32>} : memref<8x1024xf32, #tpu.memory_space<vmem>>, vector<1x16xf32>,
        %parallel_loop3A_584 = vector.shape_cast %parallel_loop3A_583 : vector<1x16xf32> to vector<16xf32>
        %parallel_loop3A_585 = arith.index_cast %parallel_loop3A_184 : i32 to index
        %parallel_loop3A_586 = arith.constant 704 : index
        %parallel_loop3A_587 = tpu.vector_load %arg9[%parallel_loop3A_585, %parallel_loop3A_586] {strides = array<i32>} : memref<8x1024xf32, #tpu.memory_space<vmem>>, vector<1x16xf32>,
        %parallel_loop3A_588 = vector.shape_cast %parallel_loop3A_587 : vector<1x16xf32> to vector<16xf32>
        %parallel_loop3A_589 = vector.shape_cast %parallel_loop3A_584 : vector<16xf32> to vector<1x16xf32>
        tpu.vector_store %arg9[%parallel_loop3A_585, %parallel_loop3A_586], %parallel_loop3A_589 {add = true, strides = array<i32>} : memref<8x1024xf32, #tpu.memory_space<vmem>>, vector<1x16xf32>,
        %parallel_loop3A_590 = arith.index_cast %parallel_loop3A_184 : i32 to index
        %parallel_loop3A_591 = arith.constant 720 : index
        %parallel_loop3A_592 = tpu.vector_load %arg13[%parallel_loop3A_590, %parallel_loop3A_591] {strides = array<i32>} : memref<8x1024xf32, #tpu.memory_space<vmem>>, vector<1x16xf32>,
        %parallel_loop3A_593 = vector.shape_cast %parallel_loop3A_592 : vector<1x16xf32> to vector<16xf32>
        %parallel_loop3A_594 = arith.index_cast %parallel_loop3A_184 : i32 to index
        %parallel_loop3A_595 = arith.constant 720 : index
        %parallel_loop3A_596 = tpu.vector_load %arg9[%parallel_loop3A_594, %parallel_loop3A_595] {strides = array<i32>} : memref<8x1024xf32, #tpu.memory_space<vmem>>, vector<1x16xf32>,
        %parallel_loop3A_597 = vector.shape_cast %parallel_loop3A_596 : vector<1x16xf32> to vector<16xf32>
        %parallel_loop3A_598 = vector.shape_cast %parallel_loop3A_593 : vector<16xf32> to vector<1x16xf32>
        tpu.vector_store %arg9[%parallel_loop3A_594, %parallel_loop3A_595], %parallel_loop3A_598 {add = true, strides = array<i32>} : memref<8x1024xf32, #tpu.memory_space<vmem>>, vector<1x16xf32>,
        %parallel_loop3A_599 = arith.index_cast %parallel_loop3A_184 : i32 to index
        %parallel_loop3A_600 = arith.constant 736 : index
        %parallel_loop3A_601 = tpu.vector_load %arg13[%parallel_loop3A_599, %parallel_loop3A_600] {strides = array<i32>} : memref<8x1024xf32, #tpu.memory_space<vmem>>, vector<1x16xf32>,
        %parallel_loop3A_602 = vector.shape_cast %parallel_loop3A_601 : vector<1x16xf32> to vector<16xf32>
        %parallel_loop3A_603 = arith.index_cast %parallel_loop3A_184 : i32 to index
        %parallel_loop3A_604 = arith.constant 736 : index
        %parallel_loop3A_605 = tpu.vector_load %arg9[%parallel_loop3A_603, %parallel_loop3A_604] {strides = array<i32>} : memref<8x1024xf32, #tpu.memory_space<vmem>>, vector<1x16xf32>,
        %parallel_loop3A_606 = vector.shape_cast %parallel_loop3A_605 : vector<1x16xf32> to vector<16xf32>
        %parallel_loop3A_607 = vector.shape_cast %parallel_loop3A_602 : vector<16xf32> to vector<1x16xf32>
        tpu.vector_store %arg9[%parallel_loop3A_603, %parallel_loop3A_604], %parallel_loop3A_607 {add = true, strides = array<i32>} : memref<8x1024xf32, #tpu.memory_space<vmem>>, vector<1x16xf32>,
        %parallel_loop3A_608 = arith.index_cast %parallel_loop3A_184 : i32 to index
        %parallel_loop3A_609 = arith.constant 752 : index
        %parallel_loop3A_610 = tpu.vector_load %arg13[%parallel_loop3A_608, %parallel_loop3A_609] {strides = array<i32>} : memref<8x1024xf32, #tpu.memory_space<vmem>>, vector<1x16xf32>,
        %parallel_loop3A_611 = vector.shape_cast %parallel_loop3A_610 : vector<1x16xf32> to vector<16xf32>
        %parallel_loop3A_612 = arith.index_cast %parallel_loop3A_184 : i32 to index
        %parallel_loop3A_613 = arith.constant 752 : index
        %parallel_loop3A_614 = tpu.vector_load %arg9[%parallel_loop3A_612, %parallel_loop3A_613] {strides = array<i32>} : memref<8x1024xf32, #tpu.memory_space<vmem>>, vector<1x16xf32>,
        %parallel_loop3A_615 = vector.shape_cast %parallel_loop3A_614 : vector<1x16xf32> to vector<16xf32>
        %parallel_loop3A_616 = vector.shape_cast %parallel_loop3A_611 : vector<16xf32> to vector<1x16xf32>
        tpu.vector_store %arg9[%parallel_loop3A_612, %parallel_loop3A_613], %parallel_loop3A_616 {add = true, strides = array<i32>} : memref<8x1024xf32, #tpu.memory_space<vmem>>, vector<1x16xf32>,
        %parallel_loop3A_617 = arith.index_cast %parallel_loop3A_184 : i32 to index
        %parallel_loop3A_618 = arith.constant 768 : index
        %parallel_loop3A_619 = tpu.vector_load %arg13[%parallel_loop3A_617, %parallel_loop3A_618] {strides = array<i32>} : memref<8x1024xf32, #tpu.memory_space<vmem>>, vector<1x16xf32>,
        %parallel_loop3A_620 = vector.shape_cast %parallel_loop3A_619 : vector<1x16xf32> to vector<16xf32>
        %parallel_loop3A_621 = arith.index_cast %parallel_loop3A_184 : i32 to index
        %parallel_loop3A_622 = arith.constant 768 : index
        %parallel_loop3A_623 = tpu.vector_load %arg9[%parallel_loop3A_621, %parallel_loop3A_622] {strides = array<i32>} : memref<8x1024xf32, #tpu.memory_space<vmem>>, vector<1x16xf32>,
        %parallel_loop3A_624 = vector.shape_cast %parallel_loop3A_623 : vector<1x16xf32> to vector<16xf32>
        %parallel_loop3A_625 = vector.shape_cast %parallel_loop3A_620 : vector<16xf32> to vector<1x16xf32>
        tpu.vector_store %arg9[%parallel_loop3A_621, %parallel_loop3A_622], %parallel_loop3A_625 {add = true, strides = array<i32>} : memref<8x1024xf32, #tpu.memory_space<vmem>>, vector<1x16xf32>,
        %parallel_loop3A_626 = arith.index_cast %parallel_loop3A_184 : i32 to index
        %parallel_loop3A_627 = arith.constant 784 : index
        %parallel_loop3A_628 = tpu.vector_load %arg13[%parallel_loop3A_626, %parallel_loop3A_627] {strides = array<i32>} : memref<8x1024xf32, #tpu.memory_space<vmem>>, vector<1x16xf32>,
        %parallel_loop3A_629 = vector.shape_cast %parallel_loop3A_628 : vector<1x16xf32> to vector<16xf32>
        %parallel_loop3A_630 = arith.index_cast %parallel_loop3A_184 : i32 to index
        %parallel_loop3A_631 = arith.constant 784 : index
        %parallel_loop3A_632 = tpu.vector_load %arg9[%parallel_loop3A_630, %parallel_loop3A_631] {strides = array<i32>} : memref<8x1024xf32, #tpu.memory_space<vmem>>, vector<1x16xf32>,
        %parallel_loop3A_633 = vector.shape_cast %parallel_loop3A_632 : vector<1x16xf32> to vector<16xf32>
        %parallel_loop3A_634 = vector.shape_cast %parallel_loop3A_629 : vector<16xf32> to vector<1x16xf32>
        tpu.vector_store %arg9[%parallel_loop3A_630, %parallel_loop3A_631], %parallel_loop3A_634 {add = true, strides = array<i32>} : memref<8x1024xf32, #tpu.memory_space<vmem>>, vector<1x16xf32>,
        %parallel_loop3A_635 = arith.index_cast %parallel_loop3A_184 : i32 to index
        %parallel_loop3A_636 = arith.constant 800 : index
        %parallel_loop3A_637 = tpu.vector_load %arg13[%parallel_loop3A_635, %parallel_loop3A_636] {strides = array<i32>} : memref<8x1024xf32, #tpu.memory_space<vmem>>, vector<1x16xf32>,
        %parallel_loop3A_638 = vector.shape_cast %parallel_loop3A_637 : vector<1x16xf32> to vector<16xf32>
        %parallel_loop3A_639 = arith.index_cast %parallel_loop3A_184 : i32 to index
        %parallel_loop3A_640 = arith.constant 800 : index
        %parallel_loop3A_641 = tpu.vector_load %arg9[%parallel_loop3A_639, %parallel_loop3A_640] {strides = array<i32>} : memref<8x1024xf32, #tpu.memory_space<vmem>>, vector<1x16xf32>,
        %parallel_loop3A_642 = vector.shape_cast %parallel_loop3A_641 : vector<1x16xf32> to vector<16xf32>
        %parallel_loop3A_643 = vector.shape_cast %parallel_loop3A_638 : vector<16xf32> to vector<1x16xf32>
        tpu.vector_store %arg9[%parallel_loop3A_639, %parallel_loop3A_640], %parallel_loop3A_643 {add = true, strides = array<i32>} : memref<8x1024xf32, #tpu.memory_space<vmem>>, vector<1x16xf32>,
        %parallel_loop3A_644 = arith.index_cast %parallel_loop3A_184 : i32 to index
        %parallel_loop3A_645 = arith.constant 816 : index
        %parallel_loop3A_646 = tpu.vector_load %arg13[%parallel_loop3A_644, %parallel_loop3A_645] {strides = array<i32>} : memref<8x1024xf32, #tpu.memory_space<vmem>>, vector<1x16xf32>,
        %parallel_loop3A_647 = vector.shape_cast %parallel_loop3A_646 : vector<1x16xf32> to vector<16xf32>
        %parallel_loop3A_648 = arith.index_cast %parallel_loop3A_184 : i32 to index
        %parallel_loop3A_649 = arith.constant 816 : index
        %parallel_loop3A_650 = tpu.vector_load %arg9[%parallel_loop3A_648, %parallel_loop3A_649] {strides = array<i32>} : memref<8x1024xf32, #tpu.memory_space<vmem>>, vector<1x16xf32>,
        %parallel_loop3A_651 = vector.shape_cast %parallel_loop3A_650 : vector<1x16xf32> to vector<16xf32>
        %parallel_loop3A_652 = vector.shape_cast %parallel_loop3A_647 : vector<16xf32> to vector<1x16xf32>
        tpu.vector_store %arg9[%parallel_loop3A_648, %parallel_loop3A_649], %parallel_loop3A_652 {add = true, strides = array<i32>} : memref<8x1024xf32, #tpu.memory_space<vmem>>, vector<1x16xf32>,
        %parallel_loop3A_653 = arith.index_cast %parallel_loop3A_184 : i32 to index
        %parallel_loop3A_654 = arith.constant 832 : index
        %parallel_loop3A_655 = tpu.vector_load %arg13[%parallel_loop3A_653, %parallel_loop3A_654] {strides = array<i32>} : memref<8x1024xf32, #tpu.memory_space<vmem>>, vector<1x16xf32>,
        %parallel_loop3A_656 = vector.shape_cast %parallel_loop3A_655 : vector<1x16xf32> to vector<16xf32>
        %parallel_loop3A_657 = arith.index_cast %parallel_loop3A_184 : i32 to index
        %parallel_loop3A_658 = arith.constant 832 : index
        %parallel_loop3A_659 = tpu.vector_load %arg9[%parallel_loop3A_657, %parallel_loop3A_658] {strides = array<i32>} : memref<8x1024xf32, #tpu.memory_space<vmem>>, vector<1x16xf32>,
        %parallel_loop3A_660 = vector.shape_cast %parallel_loop3A_659 : vector<1x16xf32> to vector<16xf32>
        %parallel_loop3A_661 = vector.shape_cast %parallel_loop3A_656 : vector<16xf32> to vector<1x16xf32>
        tpu.vector_store %arg9[%parallel_loop3A_657, %parallel_loop3A_658], %parallel_loop3A_661 {add = true, strides = array<i32>} : memref<8x1024xf32, #tpu.memory_space<vmem>>, vector<1x16xf32>,
        %parallel_loop3A_662 = arith.index_cast %parallel_loop3A_184 : i32 to index
        %parallel_loop3A_663 = arith.constant 848 : index
        %parallel_loop3A_664 = tpu.vector_load %arg13[%parallel_loop3A_662, %parallel_loop3A_663] {strides = array<i32>} : memref<8x1024xf32, #tpu.memory_space<vmem>>, vector<1x16xf32>,
        %parallel_loop3A_665 = vector.shape_cast %parallel_loop3A_664 : vector<1x16xf32> to vector<16xf32>
        %parallel_loop3A_666 = arith.index_cast %parallel_loop3A_184 : i32 to index
        %parallel_loop3A_667 = arith.constant 848 : index
        %parallel_loop3A_668 = tpu.vector_load %arg9[%parallel_loop3A_666, %parallel_loop3A_667] {strides = array<i32>} : memref<8x1024xf32, #tpu.memory_space<vmem>>, vector<1x16xf32>,
        %parallel_loop3A_669 = vector.shape_cast %parallel_loop3A_668 : vector<1x16xf32> to vector<16xf32>
        %parallel_loop3A_670 = vector.shape_cast %parallel_loop3A_665 : vector<16xf32> to vector<1x16xf32>
        tpu.vector_store %arg9[%parallel_loop3A_666, %parallel_loop3A_667], %parallel_loop3A_670 {add = true, strides = array<i32>} : memref<8x1024xf32, #tpu.memory_space<vmem>>, vector<1x16xf32>,
        %parallel_loop3A_671 = arith.index_cast %parallel_loop3A_184 : i32 to index
        %parallel_loop3A_672 = arith.constant 864 : index
        %parallel_loop3A_673 = tpu.vector_load %arg13[%parallel_loop3A_671, %parallel_loop3A_672] {strides = array<i32>} : memref<8x1024xf32, #tpu.memory_space<vmem>>, vector<1x16xf32>,
        %parallel_loop3A_674 = vector.shape_cast %parallel_loop3A_673 : vector<1x16xf32> to vector<16xf32>
        %parallel_loop3A_675 = arith.index_cast %parallel_loop3A_184 : i32 to index
        %parallel_loop3A_676 = arith.constant 864 : index
        %parallel_loop3A_677 = tpu.vector_load %arg9[%parallel_loop3A_675, %parallel_loop3A_676] {strides = array<i32>} : memref<8x1024xf32, #tpu.memory_space<vmem>>, vector<1x16xf32>,
        %parallel_loop3A_678 = vector.shape_cast %parallel_loop3A_677 : vector<1x16xf32> to vector<16xf32>
        %parallel_loop3A_679 = vector.shape_cast %parallel_loop3A_674 : vector<16xf32> to vector<1x16xf32>
        tpu.vector_store %arg9[%parallel_loop3A_675, %parallel_loop3A_676], %parallel_loop3A_679 {add = true, strides = array<i32>} : memref<8x1024xf32, #tpu.memory_space<vmem>>, vector<1x16xf32>,
        %parallel_loop3A_680 = arith.index_cast %parallel_loop3A_184 : i32 to index
        %parallel_loop3A_681 = arith.constant 880 : index
        %parallel_loop3A_682 = tpu.vector_load %arg13[%parallel_loop3A_680, %parallel_loop3A_681] {strides = array<i32>} : memref<8x1024xf32, #tpu.memory_space<vmem>>, vector<1x16xf32>,
        %parallel_loop3A_683 = vector.shape_cast %parallel_loop3A_682 : vector<1x16xf32> to vector<16xf32>
        %parallel_loop3A_684 = arith.index_cast %parallel_loop3A_184 : i32 to index
        %parallel_loop3A_685 = arith.constant 880 : index
        %parallel_loop3A_686 = tpu.vector_load %arg9[%parallel_loop3A_684, %parallel_loop3A_685] {strides = array<i32>} : memref<8x1024xf32, #tpu.memory_space<vmem>>, vector<1x16xf32>,
        %parallel_loop3A_687 = vector.shape_cast %parallel_loop3A_686 : vector<1x16xf32> to vector<16xf32>
        %parallel_loop3A_688 = vector.shape_cast %parallel_loop3A_683 : vector<16xf32> to vector<1x16xf32>
        tpu.vector_store %arg9[%parallel_loop3A_684, %parallel_loop3A_685], %parallel_loop3A_688 {add = true, strides = array<i32>} : memref<8x1024xf32, #tpu.memory_space<vmem>>, vector<1x16xf32>,
        %parallel_loop3A_689 = arith.index_cast %parallel_loop3A_184 : i32 to index
        %parallel_loop3A_690 = arith.constant 896 : index
        %parallel_loop3A_691 = tpu.vector_load %arg13[%parallel_loop3A_689, %parallel_loop3A_690] {strides = array<i32>} : memref<8x1024xf32, #tpu.memory_space<vmem>>, vector<1x16xf32>,
        %parallel_loop3A_692 = vector.shape_cast %parallel_loop3A_691 : vector<1x16xf32> to vector<16xf32>
        %parallel_loop3A_693 = arith.index_cast %parallel_loop3A_184 : i32 to index
        %parallel_loop3A_694 = arith.constant 896 : index
        %parallel_loop3A_695 = tpu.vector_load %arg9[%parallel_loop3A_693, %parallel_loop3A_694] {strides = array<i32>} : memref<8x1024xf32, #tpu.memory_space<vmem>>, vector<1x16xf32>,
        %parallel_loop3A_696 = vector.shape_cast %parallel_loop3A_695 : vector<1x16xf32> to vector<16xf32>
        %parallel_loop3A_697 = vector.shape_cast %parallel_loop3A_692 : vector<16xf32> to vector<1x16xf32>
        tpu.vector_store %arg9[%parallel_loop3A_693, %parallel_loop3A_694], %parallel_loop3A_697 {add = true, strides = array<i32>} : memref<8x1024xf32, #tpu.memory_space<vmem>>, vector<1x16xf32>,
        %parallel_loop3A_698 = arith.index_cast %parallel_loop3A_184 : i32 to index
        %parallel_loop3A_699 = arith.constant 912 : index
        %parallel_loop3A_700 = tpu.vector_load %arg13[%parallel_loop3A_698, %parallel_loop3A_699] {strides = array<i32>} : memref<8x1024xf32, #tpu.memory_space<vmem>>, vector<1x16xf32>,
        %parallel_loop3A_701 = vector.shape_cast %parallel_loop3A_700 : vector<1x16xf32> to vector<16xf32>
        %parallel_loop3A_702 = arith.index_cast %parallel_loop3A_184 : i32 to index
        %parallel_loop3A_703 = arith.constant 912 : index
        %parallel_loop3A_704 = tpu.vector_load %arg9[%parallel_loop3A_702, %parallel_loop3A_703] {strides = array<i32>} : memref<8x1024xf32, #tpu.memory_space<vmem>>, vector<1x16xf32>,
        %parallel_loop3A_705 = vector.shape_cast %parallel_loop3A_704 : vector<1x16xf32> to vector<16xf32>
        %parallel_loop3A_706 = vector.shape_cast %parallel_loop3A_701 : vector<16xf32> to vector<1x16xf32>
        tpu.vector_store %arg9[%parallel_loop3A_702, %parallel_loop3A_703], %parallel_loop3A_706 {add = true, strides = array<i32>} : memref<8x1024xf32, #tpu.memory_space<vmem>>, vector<1x16xf32>,
        %parallel_loop3A_707 = arith.index_cast %parallel_loop3A_184 : i32 to index
        %parallel_loop3A_708 = arith.constant 928 : index
        %parallel_loop3A_709 = tpu.vector_load %arg13[%parallel_loop3A_707, %parallel_loop3A_708] {strides = array<i32>} : memref<8x1024xf32, #tpu.memory_space<vmem>>, vector<1x16xf32>,
        %parallel_loop3A_710 = vector.shape_cast %parallel_loop3A_709 : vector<1x16xf32> to vector<16xf32>
        %parallel_loop3A_711 = arith.index_cast %parallel_loop3A_184 : i32 to index
        %parallel_loop3A_712 = arith.constant 928 : index
        %parallel_loop3A_713 = tpu.vector_load %arg9[%parallel_loop3A_711, %parallel_loop3A_712] {strides = array<i32>} : memref<8x1024xf32, #tpu.memory_space<vmem>>, vector<1x16xf32>,
        %parallel_loop3A_714 = vector.shape_cast %parallel_loop3A_713 : vector<1x16xf32> to vector<16xf32>
        %parallel_loop3A_715 = vector.shape_cast %parallel_loop3A_710 : vector<16xf32> to vector<1x16xf32>
        tpu.vector_store %arg9[%parallel_loop3A_711, %parallel_loop3A_712], %parallel_loop3A_715 {add = true, strides = array<i32>} : memref<8x1024xf32, #tpu.memory_space<vmem>>, vector<1x16xf32>,
        %parallel_loop3A_716 = arith.index_cast %parallel_loop3A_184 : i32 to index
        %parallel_loop3A_717 = arith.constant 944 : index
        %parallel_loop3A_718 = tpu.vector_load %arg13[%parallel_loop3A_716, %parallel_loop3A_717] {strides = array<i32>} : memref<8x1024xf32, #tpu.memory_space<vmem>>, vector<1x16xf32>,
        %parallel_loop3A_719 = vector.shape_cast %parallel_loop3A_718 : vector<1x16xf32> to vector<16xf32>
        %parallel_loop3A_720 = arith.index_cast %parallel_loop3A_184 : i32 to index
        %parallel_loop3A_721 = arith.constant 944 : index
        %parallel_loop3A_722 = tpu.vector_load %arg9[%parallel_loop3A_720, %parallel_loop3A_721] {strides = array<i32>} : memref<8x1024xf32, #tpu.memory_space<vmem>>, vector<1x16xf32>,
        %parallel_loop3A_723 = vector.shape_cast %parallel_loop3A_722 : vector<1x16xf32> to vector<16xf32>
        %parallel_loop3A_724 = vector.shape_cast %parallel_loop3A_719 : vector<16xf32> to vector<1x16xf32>
        tpu.vector_store %arg9[%parallel_loop3A_720, %parallel_loop3A_721], %parallel_loop3A_724 {add = true, strides = array<i32>} : memref<8x1024xf32, #tpu.memory_space<vmem>>, vector<1x16xf32>,
        %parallel_loop3A_725 = arith.index_cast %parallel_loop3A_184 : i32 to index
        %parallel_loop3A_726 = arith.constant 960 : index
        %parallel_loop3A_727 = tpu.vector_load %arg13[%parallel_loop3A_725, %parallel_loop3A_726] {strides = array<i32>} : memref<8x1024xf32, #tpu.memory_space<vmem>>, vector<1x16xf32>,
        %parallel_loop3A_728 = vector.shape_cast %parallel_loop3A_727 : vector<1x16xf32> to vector<16xf32>
        %parallel_loop3A_729 = arith.index_cast %parallel_loop3A_184 : i32 to index
        %parallel_loop3A_730 = arith.constant 960 : index
        %parallel_loop3A_731 = tpu.vector_load %arg9[%parallel_loop3A_729, %parallel_loop3A_730] {strides = array<i32>} : memref<8x1024xf32, #tpu.memory_space<vmem>>, vector<1x16xf32>,
        %parallel_loop3A_732 = vector.shape_cast %parallel_loop3A_731 : vector<1x16xf32> to vector<16xf32>
        %parallel_loop3A_733 = vector.shape_cast %parallel_loop3A_728 : vector<16xf32> to vector<1x16xf32>
        tpu.vector_store %arg9[%parallel_loop3A_729, %parallel_loop3A_730], %parallel_loop3A_733 {add = true, strides = array<i32>} : memref<8x1024xf32, #tpu.memory_space<vmem>>, vector<1x16xf32>,
        %parallel_loop3A_734 = arith.index_cast %parallel_loop3A_184 : i32 to index
        %parallel_loop3A_735 = arith.constant 976 : index
        %parallel_loop3A_736 = tpu.vector_load %arg13[%parallel_loop3A_734, %parallel_loop3A_735] {strides = array<i32>} : memref<8x1024xf32, #tpu.memory_space<vmem>>, vector<1x16xf32>,
        %parallel_loop3A_737 = vector.shape_cast %parallel_loop3A_736 : vector<1x16xf32> to vector<16xf32>
        %parallel_loop3A_738 = arith.index_cast %parallel_loop3A_184 : i32 to index
        %parallel_loop3A_739 = arith.constant 976 : index
        %parallel_loop3A_740 = tpu.vector_load %arg9[%parallel_loop3A_738, %parallel_loop3A_739] {strides = array<i32>} : memref<8x1024xf32, #tpu.memory_space<vmem>>, vector<1x16xf32>,
        %parallel_loop3A_741 = vector.shape_cast %parallel_loop3A_740 : vector<1x16xf32> to vector<16xf32>
        %parallel_loop3A_742 = vector.shape_cast %parallel_loop3A_737 : vector<16xf32> to vector<1x16xf32>
        tpu.vector_store %arg9[%parallel_loop3A_738, %parallel_loop3A_739], %parallel_loop3A_742 {add = true, strides = array<i32>} : memref<8x1024xf32, #tpu.memory_space<vmem>>, vector<1x16xf32>,
        %parallel_loop3A_743 = arith.index_cast %parallel_loop3A_184 : i32 to index
        %parallel_loop3A_744 = arith.constant 992 : index
        %parallel_loop3A_745 = tpu.vector_load %arg13[%parallel_loop3A_743, %parallel_loop3A_744] {strides = array<i32>} : memref<8x1024xf32, #tpu.memory_space<vmem>>, vector<1x16xf32>,
        %parallel_loop3A_746 = vector.shape_cast %parallel_loop3A_745 : vector<1x16xf32> to vector<16xf32>
        %parallel_loop3A_747 = arith.index_cast %parallel_loop3A_184 : i32 to index
        %parallel_loop3A_748 = arith.constant 992 : index
        %parallel_loop3A_749 = tpu.vector_load %arg9[%parallel_loop3A_747, %parallel_loop3A_748] {strides = array<i32>} : memref<8x1024xf32, #tpu.memory_space<vmem>>, vector<1x16xf32>,
        %parallel_loop3A_750 = vector.shape_cast %parallel_loop3A_749 : vector<1x16xf32> to vector<16xf32>
        %parallel_loop3A_751 = vector.shape_cast %parallel_loop3A_746 : vector<16xf32> to vector<1x16xf32>
        tpu.vector_store %arg9[%parallel_loop3A_747, %parallel_loop3A_748], %parallel_loop3A_751 {add = true, strides = array<i32>} : memref<8x1024xf32, #tpu.memory_space<vmem>>, vector<1x16xf32>,
        %parallel_loop3A_752 = arith.index_cast %parallel_loop3A_184 : i32 to index
        %parallel_loop3A_753 = arith.constant 1008 : index
        %parallel_loop3A_754 = tpu.vector_load %arg13[%parallel_loop3A_752, %parallel_loop3A_753] {strides = array<i32>} : memref<8x1024xf32, #tpu.memory_space<vmem>>, vector<1x16xf32>,
        %parallel_loop3A_755 = vector.shape_cast %parallel_loop3A_754 : vector<1x16xf32> to vector<16xf32>
        %parallel_loop3A_756 = arith.index_cast %parallel_loop3A_184 : i32 to index
        %parallel_loop3A_757 = arith.constant 1008 : index
        %parallel_loop3A_758 = tpu.vector_load %arg9[%parallel_loop3A_756, %parallel_loop3A_757] {strides = array<i32>} : memref<8x1024xf32, #tpu.memory_space<vmem>>, vector<1x16xf32>,
        %parallel_loop3A_759 = vector.shape_cast %parallel_loop3A_758 : vector<1x16xf32> to vector<16xf32>
        %parallel_loop3A_760 = vector.shape_cast %parallel_loop3A_755 : vector<16xf32> to vector<1x16xf32>
        tpu.vector_store %arg9[%parallel_loop3A_756, %parallel_loop3A_757], %parallel_loop3A_760 {add = true, strides = array<i32>} : memref<8x1024xf32, #tpu.memory_space<vmem>>, vector<1x16xf32>,
      } {sc.loop_unroll_factor = 1 : i64, sc.parallel_access}
      %mul3A_64 = arith.constant 8 : i32
      %mul3A_65 = arith.muli %add3A_43, %mul3A_64 : i32
      %add3A_66 = arith.addi %mul3A_2, %mul3A_65 : i32
      %multiple_of3A_67 = tpu.assume_multiple %add3A_66, 8 : i32
      %dma_start3A_68 = arith.constant 0 : i32
      %dma_start3A_69 = tpu.memref_slice %arg6[%multiple_of3A_67, %dma_start3A_68] : memref<16384x1024xf32, #tpu.memory_space<hbm>> -> memref<8x1024xf32, #tpu.memory_space<hbm>>
      %dma_start3A_70 = arith.constant 0 : i32
      %dma_start3A_71 = tpu.memref_slice %arg6[%multiple_of3A_67, %dma_start3A_70] : memref<16384x1024xf32, #tpu.memory_space<hbm>> -> memref<8x1024xf32, #tpu.memory_space<hbm>>
      tpu.enqueue_dma source(%arg9 : memref<8x1024xf32, #tpu.memory_space<vmem>>) target(%dma_start3A_71 : memref<8x1024xf32, #tpu.memory_space<hbm>>) target_semaphore(%arg21 : memref<!tpu.dma_semaphore, #tpu.memory_space<semaphore_mem>>)
      %mul3A_72 = arith.constant 4 : i32
      %mul3A_73 = arith.muli %scan3A_38, %mul3A_72 : i32
      %add3A_74 = arith.constant 1 : i32
      %add3A_75 = arith.addi %mul3A_73, %add3A_74 : i32
      %ge3A_76 = arith.constant 2 : i32
      %ge3A_77 = arith.cmpi sge, %add3A_75, %ge3A_76 : i32
      %convert_element_type3A_78 = arith.extui %ge3A_77 : i1 to i32
      %cond3A_79 = arith.constant 0 : i32
      %cond3A_80 = arith.cmpi ne, %convert_element_type3A_78, %cond3A_79 : i32
      scf.if %cond3A_80 {
        %dma_wait3A_184 = arith.constant 0 : i32
        %dma_wait3A_185 = arith.constant 0 : i32
        %dma_wait3A_186 = tpu.memref_slice %arg6[%dma_wait3A_184, %dma_wait3A_185] : memref<16384x1024xf32, #tpu.memory_space<hbm>> -> memref<8x1024xf32, #tpu.memory_space<hbm>>
        %dma_wait3A_187 = arith.constant 0 : i32
        %dma_wait3A_188 = arith.constant 0 : i32
        %dma_wait3A_189 = tpu.memref_slice %arg6[%dma_wait3A_187, %dma_wait3A_188] : memref<16384x1024xf32, #tpu.memory_space<hbm>> -> memref<8x1024xf32, #tpu.memory_space<hbm>>
        tpu.wait_dma2 semaphore(%arg24 : memref<!tpu.dma_semaphore, #tpu.memory_space<semaphore_mem>>) src(%arg12 : memref<8x1024xf32, #tpu.memory_space<vmem>>) dst(%dma_wait3A_189 : memref<8x1024xf32, #tpu.memory_space<hbm>>)
      } else {
      }
      %add3A_81 = arith.constant 2 : i32
      %add3A_82 = arith.addi %add3A_75, %add3A_81 : i32
      %lt3A_83 = arith.constant 64 : i32
      %lt3A_84 = arith.cmpi slt, %add3A_82, %lt3A_83 : i32
      %convert_element_type3A_85 = arith.extui %lt3A_84 : i1 to i32
      %cond3A_86 = arith.constant 0 : i32
      %cond3A_87 = arith.cmpi ne, %convert_element_type3A_85, %cond3A_86 : i32
      scf.if %cond3A_87 {
        %add3A_184 = arith.constant 2 : i32
        %add3A_185 = arith.addi %add3A_75, %add3A_184 : i32
        %mul3A_186 = arith.constant 8 : i32
        %mul3A_187 = arith.muli %add3A_185, %mul3A_186 : i32
        %multiple_of3A_188 = tpu.assume_multiple %mul3A_187, 8 : i32
        %dma_start3A_189 = tpu.memref_slice %arg7[%multiple_of3A_188] : memref<512xi32, #tpu.memory_space<vmem>> -> memref<8xi32, #tpu.memory_space<vmem>>
        %dma_start3A_190 = arith.constant 0 : i32
        %dma_start3A_191 = arith.constant 0 : i32
        %dma_start3A_192 = tpu.memref_slice %arg4[%dma_start3A_190, %dma_start3A_191] : memref<4096x1024xf32, #tpu.memory_space<hbm>> -> memref<4096x1024xf32, #tpu.memory_space<hbm>>
        tpu.enqueue_indirect_dma source(%dma_start3A_192 : memref<4096x1024xf32, #tpu.memory_space<hbm>>) target(%arg12 : memref<8x1024xf32, #tpu.memory_space<vmem>>) offsets(%dma_start3A_189 : memref<8xi32, #tpu.memory_space<vmem>>) semaphore(%arg20 : memref<!tpu.dma_semaphore, #tpu.memory_space<semaphore_mem>>)
        %dma_start3A_193 = tpu.memref_slice %arg8[%multiple_of3A_188] : memref<512xi32, #tpu.memory_space<vmem>> -> memref<8xi32, #tpu.memory_space<vmem>>
        %dma_start3A_194 = arith.constant 0 : i32
        %dma_start3A_195 = arith.constant 0 : i32
        %dma_start3A_196 = tpu.memref_slice %arg5[%dma_start3A_194, %dma_start3A_195] : memref<4096x1024xf32, #tpu.memory_space<hbm>> -> memref<4096x1024xf32, #tpu.memory_space<hbm>>
        tpu.enqueue_indirect_dma source(%dma_start3A_196 : memref<4096x1024xf32, #tpu.memory_space<hbm>>) target(%arg16 : memref<8x1024xf32, #tpu.memory_space<vmem>>) offsets(%dma_start3A_193 : memref<8xi32, #tpu.memory_space<vmem>>) semaphore(%arg20 : memref<!tpu.dma_semaphore, #tpu.memory_space<semaphore_mem>>)
      } else {
      }
      %dma_wait3A_88 = arith.constant 0 : i32
      %dma_wait3A_89 = tpu.memref_slice %arg7[%dma_wait3A_88] : memref<512xi32, #tpu.memory_space<vmem>> -> memref<8xi32, #tpu.memory_space<vmem>>
      %dma_wait3A_90 = arith.constant 0 : i32
      %dma_wait3A_91 = arith.constant 0 : i32
      %dma_wait3A_92 = tpu.memref_slice %arg4[%dma_wait3A_90, %dma_wait3A_91] : memref<4096x1024xf32, #tpu.memory_space<hbm>> -> memref<4096x1024xf32, #tpu.memory_space<hbm>>
      tpu.wait_indirect_dma semaphore(%arg18 : memref<!tpu.dma_semaphore, #tpu.memory_space<semaphore_mem>>) src(%dma_wait3A_92 : memref<4096x1024xf32, #tpu.memory_space<hbm>>) dst(%arg10 : memref<8x1024xf32, #tpu.memory_space<vmem>>)
      %dma_wait3A_93 = arith.constant 0 : i32
      %dma_wait3A_94 = tpu.memref_slice %arg8[%dma_wait3A_93] : memref<512xi32, #tpu.memory_space<vmem>> -> memref<8xi32, #tpu.memory_space<vmem>>
      %dma_wait3A_95 = arith.constant 0 : i32
      %dma_wait3A_96 = arith.constant 0 : i32
      %dma_wait3A_97 = tpu.memref_slice %arg5[%dma_wait3A_95, %dma_wait3A_96] : memref<4096x1024xf32, #tpu.memory_space<hbm>> -> memref<4096x1024xf32, #tpu.memory_space<hbm>>
      tpu.wait_indirect_dma semaphore(%arg18 : memref<!tpu.dma_semaphore, #tpu.memory_space<semaphore_mem>>) src(%dma_wait3A_97 : memref<4096x1024xf32, #tpu.memory_space<hbm>>) dst(%arg14 : memref<8x1024xf32, #tpu.memory_space<vmem>>)
      %parallel_loop3A_98 = arith.constant 0 : i32
      %parallel_loop3A_99 = arith.constant 8 : i32
      %parallel_loop3A_100 = arith.constant 1 : i32
      scf.for %parallel_loop3A_184 = %parallel_loop3A_98 to %parallel_loop3A_99 step %parallel_loop3A_100  : i32 {
        %parallel_loop3A_185 = arith.index_cast %parallel_loop3A_184 : i32 to index
        %parallel_loop3A_186 = arith.constant 0 : index
        %parallel_loop3A_187 = tpu.vector_load %arg14[%parallel_loop3A_185, %parallel_loop3A_186] {strides = array<i32>} : memref<8x1024xf32, #tpu.memory_space<vmem>>, vector<1x16xf32>,
        %parallel_loop3A_188 = vector.shape_cast %parallel_loop3A_187 : vector<1x16xf32> to vector<16xf32>
        %parallel_loop3A_189 = arith.index_cast %parallel_loop3A_184 : i32 to index
        %parallel_loop3A_190 = arith.constant 0 : index
        %parallel_loop3A_191 = tpu.vector_load %arg10[%parallel_loop3A_189, %parallel_loop3A_190] {strides = array<i32>} : memref<8x1024xf32, #tpu.memory_space<vmem>>, vector<1x16xf32>,
        %parallel_loop3A_192 = vector.shape_cast %parallel_loop3A_191 : vector<1x16xf32> to vector<16xf32>
        %parallel_loop3A_193 = vector.shape_cast %parallel_loop3A_188 : vector<16xf32> to vector<1x16xf32>
        tpu.vector_store %arg10[%parallel_loop3A_189, %parallel_loop3A_190], %parallel_loop3A_193 {add = true, strides = array<i32>} : memref<8x1024xf32, #tpu.memory_space<vmem>>, vector<1x16xf32>,
        %parallel_loop3A_194 = arith.index_cast %parallel_loop3A_184 : i32 to index
        %parallel_loop3A_195 = arith.constant 16 : index
        %parallel_loop3A_196 = tpu.vector_load %arg14[%parallel_loop3A_194, %parallel_loop3A_195] {strides = array<i32>} : memref<8x1024xf32, #tpu.memory_space<vmem>>, vector<1x16xf32>,
        %parallel_loop3A_197 = vector.shape_cast %parallel_loop3A_196 : vector<1x16xf32> to vector<16xf32>
        %parallel_loop3A_198 = arith.index_cast %parallel_loop3A_184 : i32 to index
        %parallel_loop3A_199 = arith.constant 16 : index
        %parallel_loop3A_200 = tpu.vector_load %arg10[%parallel_loop3A_198, %parallel_loop3A_199] {strides = array<i32>} : memref<8x1024xf32, #tpu.memory_space<vmem>>, vector<1x16xf32>,
        %parallel_loop3A_201 = vector.shape_cast %parallel_loop3A_200 : vector<1x16xf32> to vector<16xf32>
        %parallel_loop3A_202 = vector.shape_cast %parallel_loop3A_197 : vector<16xf32> to vector<1x16xf32>
        tpu.vector_store %arg10[%parallel_loop3A_198, %parallel_loop3A_199], %parallel_loop3A_202 {add = true, strides = array<i32>} : memref<8x1024xf32, #tpu.memory_space<vmem>>, vector<1x16xf32>,
        %parallel_loop3A_203 = arith.index_cast %parallel_loop3A_184 : i32 to index
        %parallel_loop3A_204 = arith.constant 32 : index
        %parallel_loop3A_205 = tpu.vector_load %arg14[%parallel_loop3A_203, %parallel_loop3A_204] {strides = array<i32>} : memref<8x1024xf32, #tpu.memory_space<vmem>>, vector<1x16xf32>,
        %parallel_loop3A_206 = vector.shape_cast %parallel_loop3A_205 : vector<1x16xf32> to vector<16xf32>
        %parallel_loop3A_207 = arith.index_cast %parallel_loop3A_184 : i32 to index
        %parallel_loop3A_208 = arith.constant 32 : index
        %parallel_loop3A_209 = tpu.vector_load %arg10[%parallel_loop3A_207, %parallel_loop3A_208] {strides = array<i32>} : memref<8x1024xf32, #tpu.memory_space<vmem>>, vector<1x16xf32>,
        %parallel_loop3A_210 = vector.shape_cast %parallel_loop3A_209 : vector<1x16xf32> to vector<16xf32>
        %parallel_loop3A_211 = vector.shape_cast %parallel_loop3A_206 : vector<16xf32> to vector<1x16xf32>
        tpu.vector_store %arg10[%parallel_loop3A_207, %parallel_loop3A_208], %parallel_loop3A_211 {add = true, strides = array<i32>} : memref<8x1024xf32, #tpu.memory_space<vmem>>, vector<1x16xf32>,
        %parallel_loop3A_212 = arith.index_cast %parallel_loop3A_184 : i32 to index
        %parallel_loop3A_213 = arith.constant 48 : index
        %parallel_loop3A_214 = tpu.vector_load %arg14[%parallel_loop3A_212, %parallel_loop3A_213] {strides = array<i32>} : memref<8x1024xf32, #tpu.memory_space<vmem>>, vector<1x16xf32>,
        %parallel_loop3A_215 = vector.shape_cast %parallel_loop3A_214 : vector<1x16xf32> to vector<16xf32>
        %parallel_loop3A_216 = arith.index_cast %parallel_loop3A_184 : i32 to index
        %parallel_loop3A_217 = arith.constant 48 : index
        %parallel_loop3A_218 = tpu.vector_load %arg10[%parallel_loop3A_216, %parallel_loop3A_217] {strides = array<i32>} : memref<8x1024xf32, #tpu.memory_space<vmem>>, vector<1x16xf32>,
        %parallel_loop3A_219 = vector.shape_cast %parallel_loop3A_218 : vector<1x16xf32> to vector<16xf32>
        %parallel_loop3A_220 = vector.shape_cast %parallel_loop3A_215 : vector<16xf32> to vector<1x16xf32>
        tpu.vector_store %arg10[%parallel_loop3A_216, %parallel_loop3A_217], %parallel_loop3A_220 {add = true, strides = array<i32>} : memref<8x1024xf32, #tpu.memory_space<vmem>>, vector<1x16xf32>,
        %parallel_loop3A_221 = arith.index_cast %parallel_loop3A_184 : i32 to index
        %parallel_loop3A_222 = arith.constant 64 : index
        %parallel_loop3A_223 = tpu.vector_load %arg14[%parallel_loop3A_221, %parallel_loop3A_222] {strides = array<i32>} : memref<8x1024xf32, #tpu.memory_space<vmem>>, vector<1x16xf32>,
        %parallel_loop3A_224 = vector.shape_cast %parallel_loop3A_223 : vector<1x16xf32> to vector<16xf32>
        %parallel_loop3A_225 = arith.index_cast %parallel_loop3A_184 : i32 to index
        %parallel_loop3A_226 = arith.constant 64 : index
        %parallel_loop3A_227 = tpu.vector_load %arg10[%parallel_loop3A_225, %parallel_loop3A_226] {strides = array<i32>} : memref<8x1024xf32, #tpu.memory_space<vmem>>, vector<1x16xf32>,
        %parallel_loop3A_228 = vector.shape_cast %parallel_loop3A_227 : vector<1x16xf32> to vector<16xf32>
        %parallel_loop3A_229 = vector.shape_cast %parallel_loop3A_224 : vector<16xf32> to vector<1x16xf32>
        tpu.vector_store %arg10[%parallel_loop3A_225, %parallel_loop3A_226], %parallel_loop3A_229 {add = true, strides = array<i32>} : memref<8x1024xf32, #tpu.memory_space<vmem>>, vector<1x16xf32>,
        %parallel_loop3A_230 = arith.index_cast %parallel_loop3A_184 : i32 to index
        %parallel_loop3A_231 = arith.constant 80 : index
        %parallel_loop3A_232 = tpu.vector_load %arg14[%parallel_loop3A_230, %parallel_loop3A_231] {strides = array<i32>} : memref<8x1024xf32, #tpu.memory_space<vmem>>, vector<1x16xf32>,
        %parallel_loop3A_233 = vector.shape_cast %parallel_loop3A_232 : vector<1x16xf32> to vector<16xf32>
        %parallel_loop3A_234 = arith.index_cast %parallel_loop3A_184 : i32 to index
        %parallel_loop3A_235 = arith.constant 80 : index
        %parallel_loop3A_236 = tpu.vector_load %arg10[%parallel_loop3A_234, %parallel_loop3A_235] {strides = array<i32>} : memref<8x1024xf32, #tpu.memory_space<vmem>>, vector<1x16xf32>,
        %parallel_loop3A_237 = vector.shape_cast %parallel_loop3A_236 : vector<1x16xf32> to vector<16xf32>
        %parallel_loop3A_238 = vector.shape_cast %parallel_loop3A_233 : vector<16xf32> to vector<1x16xf32>
        tpu.vector_store %arg10[%parallel_loop3A_234, %parallel_loop3A_235], %parallel_loop3A_238 {add = true, strides = array<i32>} : memref<8x1024xf32, #tpu.memory_space<vmem>>, vector<1x16xf32>,
        %parallel_loop3A_239 = arith.index_cast %parallel_loop3A_184 : i32 to index
        %parallel_loop3A_240 = arith.constant 96 : index
        %parallel_loop3A_241 = tpu.vector_load %arg14[%parallel_loop3A_239, %parallel_loop3A_240] {strides = array<i32>} : memref<8x1024xf32, #tpu.memory_space<vmem>>, vector<1x16xf32>,
        %parallel_loop3A_242 = vector.shape_cast %parallel_loop3A_241 : vector<1x16xf32> to vector<16xf32>
        %parallel_loop3A_243 = arith.index_cast %parallel_loop3A_184 : i32 to index
        %parallel_loop3A_244 = arith.constant 96 : index
        %parallel_loop3A_245 = tpu.vector_load %arg10[%parallel_loop3A_243, %parallel_loop3A_244] {strides = array<i32>} : memref<8x1024xf32, #tpu.memory_space<vmem>>, vector<1x16xf32>,
        %parallel_loop3A_246 = vector.shape_cast %parallel_loop3A_245 : vector<1x16xf32> to vector<16xf32>
        %parallel_loop3A_247 = vector.shape_cast %parallel_loop3A_242 : vector<16xf32> to vector<1x16xf32>
        tpu.vector_store %arg10[%parallel_loop3A_243, %parallel_loop3A_244], %parallel_loop3A_247 {add = true, strides = array<i32>} : memref<8x1024xf32, #tpu.memory_space<vmem>>, vector<1x16xf32>,
        %parallel_loop3A_248 = arith.index_cast %parallel_loop3A_184 : i32 to index
        %parallel_loop3A_249 = arith.constant 112 : index
        %parallel_loop3A_250 = tpu.vector_load %arg14[%parallel_loop3A_248, %parallel_loop3A_249] {strides = array<i32>} : memref<8x1024xf32, #tpu.memory_space<vmem>>, vector<1x16xf32>,
        %parallel_loop3A_251 = vector.shape_cast %parallel_loop3A_250 : vector<1x16xf32> to vector<16xf32>
        %parallel_loop3A_252 = arith.index_cast %parallel_loop3A_184 : i32 to index
        %parallel_loop3A_253 = arith.constant 112 : index
        %parallel_loop3A_254 = tpu.vector_load %arg10[%parallel_loop3A_252, %parallel_loop3A_253] {strides = array<i32>} : memref<8x1024xf32, #tpu.memory_space<vmem>>, vector<1x16xf32>,
        %parallel_loop3A_255 = vector.shape_cast %parallel_loop3A_254 : vector<1x16xf32> to vector<16xf32>
        %parallel_loop3A_256 = vector.shape_cast %parallel_loop3A_251 : vector<16xf32> to vector<1x16xf32>
        tpu.vector_store %arg10[%parallel_loop3A_252, %parallel_loop3A_253], %parallel_loop3A_256 {add = true, strides = array<i32>} : memref<8x1024xf32, #tpu.memory_space<vmem>>, vector<1x16xf32>,
        %parallel_loop3A_257 = arith.index_cast %parallel_loop3A_184 : i32 to index
        %parallel_loop3A_258 = arith.constant 128 : index
        %parallel_loop3A_259 = tpu.vector_load %arg14[%parallel_loop3A_257, %parallel_loop3A_258] {strides = array<i32>} : memref<8x1024xf32, #tpu.memory_space<vmem>>, vector<1x16xf32>,
        %parallel_loop3A_260 = vector.shape_cast %parallel_loop3A_259 : vector<1x16xf32> to vector<16xf32>
        %parallel_loop3A_261 = arith.index_cast %parallel_loop3A_184 : i32 to index
        %parallel_loop3A_262 = arith.constant 128 : index
        %parallel_loop3A_263 = tpu.vector_load %arg10[%parallel_loop3A_261, %parallel_loop3A_262] {strides = array<i32>} : memref<8x1024xf32, #tpu.memory_space<vmem>>, vector<1x16xf32>,
        %parallel_loop3A_264 = vector.shape_cast %parallel_loop3A_263 : vector<1x16xf32> to vector<16xf32>
        %parallel_loop3A_265 = vector.shape_cast %parallel_loop3A_260 : vector<16xf32> to vector<1x16xf32>
        tpu.vector_store %arg10[%parallel_loop3A_261, %parallel_loop3A_262], %parallel_loop3A_265 {add = true, strides = array<i32>} : memref<8x1024xf32, #tpu.memory_space<vmem>>, vector<1x16xf32>,
        %parallel_loop3A_266 = arith.index_cast %parallel_loop3A_184 : i32 to index
        %parallel_loop3A_267 = arith.constant 144 : index
        %parallel_loop3A_268 = tpu.vector_load %arg14[%parallel_loop3A_266, %parallel_loop3A_267] {strides = array<i32>} : memref<8x1024xf32, #tpu.memory_space<vmem>>, vector<1x16xf32>,
        %parallel_loop3A_269 = vector.shape_cast %parallel_loop3A_268 : vector<1x16xf32> to vector<16xf32>
        %parallel_loop3A_270 = arith.index_cast %parallel_loop3A_184 : i32 to index
        %parallel_loop3A_271 = arith.constant 144 : index
        %parallel_loop3A_272 = tpu.vector_load %arg10[%parallel_loop3A_270, %parallel_loop3A_271] {strides = array<i32>} : memref<8x1024xf32, #tpu.memory_space<vmem>>, vector<1x16xf32>,
        %parallel_loop3A_273 = vector.shape_cast %parallel_loop3A_272 : vector<1x16xf32> to vector<16xf32>
        %parallel_loop3A_274 = vector.shape_cast %parallel_loop3A_269 : vector<16xf32> to vector<1x16xf32>
        tpu.vector_store %arg10[%parallel_loop3A_270, %parallel_loop3A_271], %parallel_loop3A_274 {add = true, strides = array<i32>} : memref<8x1024xf32, #tpu.memory_space<vmem>>, vector<1x16xf32>,
        %parallel_loop3A_275 = arith.index_cast %parallel_loop3A_184 : i32 to index
        %parallel_loop3A_276 = arith.constant 160 : index
        %parallel_loop3A_277 = tpu.vector_load %arg14[%parallel_loop3A_275, %parallel_loop3A_276] {strides = array<i32>} : memref<8x1024xf32, #tpu.memory_space<vmem>>, vector<1x16xf32>,
        %parallel_loop3A_278 = vector.shape_cast %parallel_loop3A_277 : vector<1x16xf32> to vector<16xf32>
        %parallel_loop3A_279 = arith.index_cast %parallel_loop3A_184 : i32 to index
        %parallel_loop3A_280 = arith.constant 160 : index
        %parallel_loop3A_281 = tpu.vector_load %arg10[%parallel_loop3A_279, %parallel_loop3A_280] {strides = array<i32>} : memref<8x1024xf32, #tpu.memory_space<vmem>>, vector<1x16xf32>,
        %parallel_loop3A_282 = vector.shape_cast %parallel_loop3A_281 : vector<1x16xf32> to vector<16xf32>
        %parallel_loop3A_283 = vector.shape_cast %parallel_loop3A_278 : vector<16xf32> to vector<1x16xf32>
        tpu.vector_store %arg10[%parallel_loop3A_279, %parallel_loop3A_280], %parallel_loop3A_283 {add = true, strides = array<i32>} : memref<8x1024xf32, #tpu.memory_space<vmem>>, vector<1x16xf32>,
        %parallel_loop3A_284 = arith.index_cast %parallel_loop3A_184 : i32 to index
        %parallel_loop3A_285 = arith.constant 176 : index
        %parallel_loop3A_286 = tpu.vector_load %arg14[%parallel_loop3A_284, %parallel_loop3A_285] {strides = array<i32>} : memref<8x1024xf32, #tpu.memory_space<vmem>>, vector<1x16xf32>,
        %parallel_loop3A_287 = vector.shape_cast %parallel_loop3A_286 : vector<1x16xf32> to vector<16xf32>
        %parallel_loop3A_288 = arith.index_cast %parallel_loop3A_184 : i32 to index
        %parallel_loop3A_289 = arith.constant 176 : index
        %parallel_loop3A_290 = tpu.vector_load %arg10[%parallel_loop3A_288, %parallel_loop3A_289] {strides = array<i32>} : memref<8x1024xf32, #tpu.memory_space<vmem>>, vector<1x16xf32>,
        %parallel_loop3A_291 = vector.shape_cast %parallel_loop3A_290 : vector<1x16xf32> to vector<16xf32>
        %parallel_loop3A_292 = vector.shape_cast %parallel_loop3A_287 : vector<16xf32> to vector<1x16xf32>
        tpu.vector_store %arg10[%parallel_loop3A_288, %parallel_loop3A_289], %parallel_loop3A_292 {add = true, strides = array<i32>} : memref<8x1024xf32, #tpu.memory_space<vmem>>, vector<1x16xf32>,
        %parallel_loop3A_293 = arith.index_cast %parallel_loop3A_184 : i32 to index
        %parallel_loop3A_294 = arith.constant 192 : index
        %parallel_loop3A_295 = tpu.vector_load %arg14[%parallel_loop3A_293, %parallel_loop3A_294] {strides = array<i32>} : memref<8x1024xf32, #tpu.memory_space<vmem>>, vector<1x16xf32>,
        %parallel_loop3A_296 = vector.shape_cast %parallel_loop3A_295 : vector<1x16xf32> to vector<16xf32>
        %parallel_loop3A_297 = arith.index_cast %parallel_loop3A_184 : i32 to index
        %parallel_loop3A_298 = arith.constant 192 : index
        %parallel_loop3A_299 = tpu.vector_load %arg10[%parallel_loop3A_297, %parallel_loop3A_298] {strides = array<i32>} : memref<8x1024xf32, #tpu.memory_space<vmem>>, vector<1x16xf32>,
        %parallel_loop3A_300 = vector.shape_cast %parallel_loop3A_299 : vector<1x16xf32> to vector<16xf32>
        %parallel_loop3A_301 = vector.shape_cast %parallel_loop3A_296 : vector<16xf32> to vector<1x16xf32>
        tpu.vector_store %arg10[%parallel_loop3A_297, %parallel_loop3A_298], %parallel_loop3A_301 {add = true, strides = array<i32>} : memref<8x1024xf32, #tpu.memory_space<vmem>>, vector<1x16xf32>,
        %parallel_loop3A_302 = arith.index_cast %parallel_loop3A_184 : i32 to index
        %parallel_loop3A_303 = arith.constant 208 : index
        %parallel_loop3A_304 = tpu.vector_load %arg14[%parallel_loop3A_302, %parallel_loop3A_303] {strides = array<i32>} : memref<8x1024xf32, #tpu.memory_space<vmem>>, vector<1x16xf32>,
        %parallel_loop3A_305 = vector.shape_cast %parallel_loop3A_304 : vector<1x16xf32> to vector<16xf32>
        %parallel_loop3A_306 = arith.index_cast %parallel_loop3A_184 : i32 to index
        %parallel_loop3A_307 = arith.constant 208 : index
        %parallel_loop3A_308 = tpu.vector_load %arg10[%parallel_loop3A_306, %parallel_loop3A_307] {strides = array<i32>} : memref<8x1024xf32, #tpu.memory_space<vmem>>, vector<1x16xf32>,
        %parallel_loop3A_309 = vector.shape_cast %parallel_loop3A_308 : vector<1x16xf32> to vector<16xf32>
        %parallel_loop3A_310 = vector.shape_cast %parallel_loop3A_305 : vector<16xf32> to vector<1x16xf32>
        tpu.vector_store %arg10[%parallel_loop3A_306, %parallel_loop3A_307], %parallel_loop3A_310 {add = true, strides = array<i32>} : memref<8x1024xf32, #tpu.memory_space<vmem>>, vector<1x16xf32>,
        %parallel_loop3A_311 = arith.index_cast %parallel_loop3A_184 : i32 to index
        %parallel_loop3A_312 = arith.constant 224 : index
        %parallel_loop3A_313 = tpu.vector_load %arg14[%parallel_loop3A_311, %parallel_loop3A_312] {strides = array<i32>} : memref<8x1024xf32, #tpu.memory_space<vmem>>, vector<1x16xf32>,
        %parallel_loop3A_314 = vector.shape_cast %parallel_loop3A_313 : vector<1x16xf32> to vector<16xf32>
        %parallel_loop3A_315 = arith.index_cast %parallel_loop3A_184 : i32 to index
        %parallel_loop3A_316 = arith.constant 224 : index
        %parallel_loop3A_317 = tpu.vector_load %arg10[%parallel_loop3A_315, %parallel_loop3A_316] {strides = array<i32>} : memref<8x1024xf32, #tpu.memory_space<vmem>>, vector<1x16xf32>,
        %parallel_loop3A_318 = vector.shape_cast %parallel_loop3A_317 : vector<1x16xf32> to vector<16xf32>
        %parallel_loop3A_319 = vector.shape_cast %parallel_loop3A_314 : vector<16xf32> to vector<1x16xf32>
        tpu.vector_store %arg10[%parallel_loop3A_315, %parallel_loop3A_316], %parallel_loop3A_319 {add = true, strides = array<i32>} : memref<8x1024xf32, #tpu.memory_space<vmem>>, vector<1x16xf32>,
        %parallel_loop3A_320 = arith.index_cast %parallel_loop3A_184 : i32 to index
        %parallel_loop3A_321 = arith.constant 240 : index
        %parallel_loop3A_322 = tpu.vector_load %arg14[%parallel_loop3A_320, %parallel_loop3A_321] {strides = array<i32>} : memref<8x1024xf32, #tpu.memory_space<vmem>>, vector<1x16xf32>,
        %parallel_loop3A_323 = vector.shape_cast %parallel_loop3A_322 : vector<1x16xf32> to vector<16xf32>
        %parallel_loop3A_324 = arith.index_cast %parallel_loop3A_184 : i32 to index
        %parallel_loop3A_325 = arith.constant 240 : index
        %parallel_loop3A_326 = tpu.vector_load %arg10[%parallel_loop3A_324, %parallel_loop3A_325] {strides = array<i32>} : memref<8x1024xf32, #tpu.memory_space<vmem>>, vector<1x16xf32>,
        %parallel_loop3A_327 = vector.shape_cast %parallel_loop3A_326 : vector<1x16xf32> to vector<16xf32>
        %parallel_loop3A_328 = vector.shape_cast %parallel_loop3A_323 : vector<16xf32> to vector<1x16xf32>
        tpu.vector_store %arg10[%parallel_loop3A_324, %parallel_loop3A_325], %parallel_loop3A_328 {add = true, strides = array<i32>} : memref<8x1024xf32, #tpu.memory_space<vmem>>, vector<1x16xf32>,
        %parallel_loop3A_329 = arith.index_cast %parallel_loop3A_184 : i32 to index
        %parallel_loop3A_330 = arith.constant 256 : index
        %parallel_loop3A_331 = tpu.vector_load %arg14[%parallel_loop3A_329, %parallel_loop3A_330] {strides = array<i32>} : memref<8x1024xf32, #tpu.memory_space<vmem>>, vector<1x16xf32>,
        %parallel_loop3A_332 = vector.shape_cast %parallel_loop3A_331 : vector<1x16xf32> to vector<16xf32>
        %parallel_loop3A_333 = arith.index_cast %parallel_loop3A_184 : i32 to index
        %parallel_loop3A_334 = arith.constant 256 : index
        %parallel_loop3A_335 = tpu.vector_load %arg10[%parallel_loop3A_333, %parallel_loop3A_334] {strides = array<i32>} : memref<8x1024xf32, #tpu.memory_space<vmem>>, vector<1x16xf32>,
        %parallel_loop3A_336 = vector.shape_cast %parallel_loop3A_335 : vector<1x16xf32> to vector<16xf32>
        %parallel_loop3A_337 = vector.shape_cast %parallel_loop3A_332 : vector<16xf32> to vector<1x16xf32>
        tpu.vector_store %arg10[%parallel_loop3A_333, %parallel_loop3A_334], %parallel_loop3A_337 {add = true, strides = array<i32>} : memref<8x1024xf32, #tpu.memory_space<vmem>>, vector<1x16xf32>,
        %parallel_loop3A_338 = arith.index_cast %parallel_loop3A_184 : i32 to index
        %parallel_loop3A_339 = arith.constant 272 : index
        %parallel_loop3A_340 = tpu.vector_load %arg14[%parallel_loop3A_338, %parallel_loop3A_339] {strides = array<i32>} : memref<8x1024xf32, #tpu.memory_space<vmem>>, vector<1x16xf32>,
        %parallel_loop3A_341 = vector.shape_cast %parallel_loop3A_340 : vector<1x16xf32> to vector<16xf32>
        %parallel_loop3A_342 = arith.index_cast %parallel_loop3A_184 : i32 to index
        %parallel_loop3A_343 = arith.constant 272 : index
        %parallel_loop3A_344 = tpu.vector_load %arg10[%parallel_loop3A_342, %parallel_loop3A_343] {strides = array<i32>} : memref<8x1024xf32, #tpu.memory_space<vmem>>, vector<1x16xf32>,
        %parallel_loop3A_345 = vector.shape_cast %parallel_loop3A_344 : vector<1x16xf32> to vector<16xf32>
        %parallel_loop3A_346 = vector.shape_cast %parallel_loop3A_341 : vector<16xf32> to vector<1x16xf32>
        tpu.vector_store %arg10[%parallel_loop3A_342, %parallel_loop3A_343], %parallel_loop3A_346 {add = true, strides = array<i32>} : memref<8x1024xf32, #tpu.memory_space<vmem>>, vector<1x16xf32>,
        %parallel_loop3A_347 = arith.index_cast %parallel_loop3A_184 : i32 to index
        %parallel_loop3A_348 = arith.constant 288 : index
        %parallel_loop3A_349 = tpu.vector_load %arg14[%parallel_loop3A_347, %parallel_loop3A_348] {strides = array<i32>} : memref<8x1024xf32, #tpu.memory_space<vmem>>, vector<1x16xf32>,
        %parallel_loop3A_350 = vector.shape_cast %parallel_loop3A_349 : vector<1x16xf32> to vector<16xf32>
        %parallel_loop3A_351 = arith.index_cast %parallel_loop3A_184 : i32 to index
        %parallel_loop3A_352 = arith.constant 288 : index
        %parallel_loop3A_353 = tpu.vector_load %arg10[%parallel_loop3A_351, %parallel_loop3A_352] {strides = array<i32>} : memref<8x1024xf32, #tpu.memory_space<vmem>>, vector<1x16xf32>,
        %parallel_loop3A_354 = vector.shape_cast %parallel_loop3A_353 : vector<1x16xf32> to vector<16xf32>
        %parallel_loop3A_355 = vector.shape_cast %parallel_loop3A_350 : vector<16xf32> to vector<1x16xf32>
        tpu.vector_store %arg10[%parallel_loop3A_351, %parallel_loop3A_352], %parallel_loop3A_355 {add = true, strides = array<i32>} : memref<8x1024xf32, #tpu.memory_space<vmem>>, vector<1x16xf32>,
        %parallel_loop3A_356 = arith.index_cast %parallel_loop3A_184 : i32 to index
        %parallel_loop3A_357 = arith.constant 304 : index
        %parallel_loop3A_358 = tpu.vector_load %arg14[%parallel_loop3A_356, %parallel_loop3A_357] {strides = array<i32>} : memref<8x1024xf32, #tpu.memory_space<vmem>>, vector<1x16xf32>,
        %parallel_loop3A_359 = vector.shape_cast %parallel_loop3A_358 : vector<1x16xf32> to vector<16xf32>
        %parallel_loop3A_360 = arith.index_cast %parallel_loop3A_184 : i32 to index
        %parallel_loop3A_361 = arith.constant 304 : index
        %parallel_loop3A_362 = tpu.vector_load %arg10[%parallel_loop3A_360, %parallel_loop3A_361] {strides = array<i32>} : memref<8x1024xf32, #tpu.memory_space<vmem>>, vector<1x16xf32>,
        %parallel_loop3A_363 = vector.shape_cast %parallel_loop3A_362 : vector<1x16xf32> to vector<16xf32>
        %parallel_loop3A_364 = vector.shape_cast %parallel_loop3A_359 : vector<16xf32> to vector<1x16xf32>
        tpu.vector_store %arg10[%parallel_loop3A_360, %parallel_loop3A_361], %parallel_loop3A_364 {add = true, strides = array<i32>} : memref<8x1024xf32, #tpu.memory_space<vmem>>, vector<1x16xf32>,
        %parallel_loop3A_365 = arith.index_cast %parallel_loop3A_184 : i32 to index
        %parallel_loop3A_366 = arith.constant 320 : index
        %parallel_loop3A_367 = tpu.vector_load %arg14[%parallel_loop3A_365, %parallel_loop3A_366] {strides = array<i32>} : memref<8x1024xf32, #tpu.memory_space<vmem>>, vector<1x16xf32>,
        %parallel_loop3A_368 = vector.shape_cast %parallel_loop3A_367 : vector<1x16xf32> to vector<16xf32>
        %parallel_loop3A_369 = arith.index_cast %parallel_loop3A_184 : i32 to index
        %parallel_loop3A_370 = arith.constant 320 : index
        %parallel_loop3A_371 = tpu.vector_load %arg10[%parallel_loop3A_369, %parallel_loop3A_370] {strides = array<i32>} : memref<8x1024xf32, #tpu.memory_space<vmem>>, vector<1x16xf32>,
        %parallel_loop3A_372 = vector.shape_cast %parallel_loop3A_371 : vector<1x16xf32> to vector<16xf32>
        %parallel_loop3A_373 = vector.shape_cast %parallel_loop3A_368 : vector<16xf32> to vector<1x16xf32>
        tpu.vector_store %arg10[%parallel_loop3A_369, %parallel_loop3A_370], %parallel_loop3A_373 {add = true, strides = array<i32>} : memref<8x1024xf32, #tpu.memory_space<vmem>>, vector<1x16xf32>,
        %parallel_loop3A_374 = arith.index_cast %parallel_loop3A_184 : i32 to index
        %parallel_loop3A_375 = arith.constant 336 : index
        %parallel_loop3A_376 = tpu.vector_load %arg14[%parallel_loop3A_374, %parallel_loop3A_375] {strides = array<i32>} : memref<8x1024xf32, #tpu.memory_space<vmem>>, vector<1x16xf32>,
        %parallel_loop3A_377 = vector.shape_cast %parallel_loop3A_376 : vector<1x16xf32> to vector<16xf32>
        %parallel_loop3A_378 = arith.index_cast %parallel_loop3A_184 : i32 to index
        %parallel_loop3A_379 = arith.constant 336 : index
        %parallel_loop3A_380 = tpu.vector_load %arg10[%parallel_loop3A_378, %parallel_loop3A_379] {strides = array<i32>} : memref<8x1024xf32, #tpu.memory_space<vmem>>, vector<1x16xf32>,
        %parallel_loop3A_381 = vector.shape_cast %parallel_loop3A_380 : vector<1x16xf32> to vector<16xf32>
        %parallel_loop3A_382 = vector.shape_cast %parallel_loop3A_377 : vector<16xf32> to vector<1x16xf32>
        tpu.vector_store %arg10[%parallel_loop3A_378, %parallel_loop3A_379], %parallel_loop3A_382 {add = true, strides = array<i32>} : memref<8x1024xf32, #tpu.memory_space<vmem>>, vector<1x16xf32>,
        %parallel_loop3A_383 = arith.index_cast %parallel_loop3A_184 : i32 to index
        %parallel_loop3A_384 = arith.constant 352 : index
        %parallel_loop3A_385 = tpu.vector_load %arg14[%parallel_loop3A_383, %parallel_loop3A_384] {strides = array<i32>} : memref<8x1024xf32, #tpu.memory_space<vmem>>, vector<1x16xf32>,
        %parallel_loop3A_386 = vector.shape_cast %parallel_loop3A_385 : vector<1x16xf32> to vector<16xf32>
        %parallel_loop3A_387 = arith.index_cast %parallel_loop3A_184 : i32 to index
        %parallel_loop3A_388 = arith.constant 352 : index
        %parallel_loop3A_389 = tpu.vector_load %arg10[%parallel_loop3A_387, %parallel_loop3A_388] {strides = array<i32>} : memref<8x1024xf32, #tpu.memory_space<vmem>>, vector<1x16xf32>,
        %parallel_loop3A_390 = vector.shape_cast %parallel_loop3A_389 : vector<1x16xf32> to vector<16xf32>
        %parallel_loop3A_391 = vector.shape_cast %parallel_loop3A_386 : vector<16xf32> to vector<1x16xf32>
        tpu.vector_store %arg10[%parallel_loop3A_387, %parallel_loop3A_388], %parallel_loop3A_391 {add = true, strides = array<i32>} : memref<8x1024xf32, #tpu.memory_space<vmem>>, vector<1x16xf32>,
        %parallel_loop3A_392 = arith.index_cast %parallel_loop3A_184 : i32 to index
        %parallel_loop3A_393 = arith.constant 368 : index
        %parallel_loop3A_394 = tpu.vector_load %arg14[%parallel_loop3A_392, %parallel_loop3A_393] {strides = array<i32>} : memref<8x1024xf32, #tpu.memory_space<vmem>>, vector<1x16xf32>,
        %parallel_loop3A_395 = vector.shape_cast %parallel_loop3A_394 : vector<1x16xf32> to vector<16xf32>
        %parallel_loop3A_396 = arith.index_cast %parallel_loop3A_184 : i32 to index
        %parallel_loop3A_397 = arith.constant 368 : index
        %parallel_loop3A_398 = tpu.vector_load %arg10[%parallel_loop3A_396, %parallel_loop3A_397] {strides = array<i32>} : memref<8x1024xf32, #tpu.memory_space<vmem>>, vector<1x16xf32>,
        %parallel_loop3A_399 = vector.shape_cast %parallel_loop3A_398 : vector<1x16xf32> to vector<16xf32>
        %parallel_loop3A_400 = vector.shape_cast %parallel_loop3A_395 : vector<16xf32> to vector<1x16xf32>
        tpu.vector_store %arg10[%parallel_loop3A_396, %parallel_loop3A_397], %parallel_loop3A_400 {add = true, strides = array<i32>} : memref<8x1024xf32, #tpu.memory_space<vmem>>, vector<1x16xf32>,
        %parallel_loop3A_401 = arith.index_cast %parallel_loop3A_184 : i32 to index
        %parallel_loop3A_402 = arith.constant 384 : index
        %parallel_loop3A_403 = tpu.vector_load %arg14[%parallel_loop3A_401, %parallel_loop3A_402] {strides = array<i32>} : memref<8x1024xf32, #tpu.memory_space<vmem>>, vector<1x16xf32>,
        %parallel_loop3A_404 = vector.shape_cast %parallel_loop3A_403 : vector<1x16xf32> to vector<16xf32>
        %parallel_loop3A_405 = arith.index_cast %parallel_loop3A_184 : i32 to index
        %parallel_loop3A_406 = arith.constant 384 : index
        %parallel_loop3A_407 = tpu.vector_load %arg10[%parallel_loop3A_405, %parallel_loop3A_406] {strides = array<i32>} : memref<8x1024xf32, #tpu.memory_space<vmem>>, vector<1x16xf32>,
        %parallel_loop3A_408 = vector.shape_cast %parallel_loop3A_407 : vector<1x16xf32> to vector<16xf32>
        %parallel_loop3A_409 = vector.shape_cast %parallel_loop3A_404 : vector<16xf32> to vector<1x16xf32>
        tpu.vector_store %arg10[%parallel_loop3A_405, %parallel_loop3A_406], %parallel_loop3A_409 {add = true, strides = array<i32>} : memref<8x1024xf32, #tpu.memory_space<vmem>>, vector<1x16xf32>,
        %parallel_loop3A_410 = arith.index_cast %parallel_loop3A_184 : i32 to index
        %parallel_loop3A_411 = arith.constant 400 : index
        %parallel_loop3A_412 = tpu.vector_load %arg14[%parallel_loop3A_410, %parallel_loop3A_411] {strides = array<i32>} : memref<8x1024xf32, #tpu.memory_space<vmem>>, vector<1x16xf32>,
        %parallel_loop3A_413 = vector.shape_cast %parallel_loop3A_412 : vector<1x16xf32> to vector<16xf32>
        %parallel_loop3A_414 = arith.index_cast %parallel_loop3A_184 : i32 to index
        %parallel_loop3A_415 = arith.constant 400 : index
        %parallel_loop3A_416 = tpu.vector_load %arg10[%parallel_loop3A_414, %parallel_loop3A_415] {strides = array<i32>} : memref<8x1024xf32, #tpu.memory_space<vmem>>, vector<1x16xf32>,
        %parallel_loop3A_417 = vector.shape_cast %parallel_loop3A_416 : vector<1x16xf32> to vector<16xf32>
        %parallel_loop3A_418 = vector.shape_cast %parallel_loop3A_413 : vector<16xf32> to vector<1x16xf32>
        tpu.vector_store %arg10[%parallel_loop3A_414, %parallel_loop3A_415], %parallel_loop3A_418 {add = true, strides = array<i32>} : memref<8x1024xf32, #tpu.memory_space<vmem>>, vector<1x16xf32>,
        %parallel_loop3A_419 = arith.index_cast %parallel_loop3A_184 : i32 to index
        %parallel_loop3A_420 = arith.constant 416 : index
        %parallel_loop3A_421 = tpu.vector_load %arg14[%parallel_loop3A_419, %parallel_loop3A_420] {strides = array<i32>} : memref<8x1024xf32, #tpu.memory_space<vmem>>, vector<1x16xf32>,
        %parallel_loop3A_422 = vector.shape_cast %parallel_loop3A_421 : vector<1x16xf32> to vector<16xf32>
        %parallel_loop3A_423 = arith.index_cast %parallel_loop3A_184 : i32 to index
        %parallel_loop3A_424 = arith.constant 416 : index
        %parallel_loop3A_425 = tpu.vector_load %arg10[%parallel_loop3A_423, %parallel_loop3A_424] {strides = array<i32>} : memref<8x1024xf32, #tpu.memory_space<vmem>>, vector<1x16xf32>,
        %parallel_loop3A_426 = vector.shape_cast %parallel_loop3A_425 : vector<1x16xf32> to vector<16xf32>
        %parallel_loop3A_427 = vector.shape_cast %parallel_loop3A_422 : vector<16xf32> to vector<1x16xf32>
        tpu.vector_store %arg10[%parallel_loop3A_423, %parallel_loop3A_424], %parallel_loop3A_427 {add = true, strides = array<i32>} : memref<8x1024xf32, #tpu.memory_space<vmem>>, vector<1x16xf32>,
        %parallel_loop3A_428 = arith.index_cast %parallel_loop3A_184 : i32 to index
        %parallel_loop3A_429 = arith.constant 432 : index
        %parallel_loop3A_430 = tpu.vector_load %arg14[%parallel_loop3A_428, %parallel_loop3A_429] {strides = array<i32>} : memref<8x1024xf32, #tpu.memory_space<vmem>>, vector<1x16xf32>,
        %parallel_loop3A_431 = vector.shape_cast %parallel_loop3A_430 : vector<1x16xf32> to vector<16xf32>
        %parallel_loop3A_432 = arith.index_cast %parallel_loop3A_184 : i32 to index
        %parallel_loop3A_433 = arith.constant 432 : index
        %parallel_loop3A_434 = tpu.vector_load %arg10[%parallel_loop3A_432, %parallel_loop3A_433] {strides = array<i32>} : memref<8x1024xf32, #tpu.memory_space<vmem>>, vector<1x16xf32>,
        %parallel_loop3A_435 = vector.shape_cast %parallel_loop3A_434 : vector<1x16xf32> to vector<16xf32>
        %parallel_loop3A_436 = vector.shape_cast %parallel_loop3A_431 : vector<16xf32> to vector<1x16xf32>
        tpu.vector_store %arg10[%parallel_loop3A_432, %parallel_loop3A_433], %parallel_loop3A_436 {add = true, strides = array<i32>} : memref<8x1024xf32, #tpu.memory_space<vmem>>, vector<1x16xf32>,
        %parallel_loop3A_437 = arith.index_cast %parallel_loop3A_184 : i32 to index
        %parallel_loop3A_438 = arith.constant 448 : index
        %parallel_loop3A_439 = tpu.vector_load %arg14[%parallel_loop3A_437, %parallel_loop3A_438] {strides = array<i32>} : memref<8x1024xf32, #tpu.memory_space<vmem>>, vector<1x16xf32>,
        %parallel_loop3A_440 = vector.shape_cast %parallel_loop3A_439 : vector<1x16xf32> to vector<16xf32>
        %parallel_loop3A_441 = arith.index_cast %parallel_loop3A_184 : i32 to index
        %parallel_loop3A_442 = arith.constant 448 : index
        %parallel_loop3A_443 = tpu.vector_load %arg10[%parallel_loop3A_441, %parallel_loop3A_442] {strides = array<i32>} : memref<8x1024xf32, #tpu.memory_space<vmem>>, vector<1x16xf32>,
        %parallel_loop3A_444 = vector.shape_cast %parallel_loop3A_443 : vector<1x16xf32> to vector<16xf32>
        %parallel_loop3A_445 = vector.shape_cast %parallel_loop3A_440 : vector<16xf32> to vector<1x16xf32>
        tpu.vector_store %arg10[%parallel_loop3A_441, %parallel_loop3A_442], %parallel_loop3A_445 {add = true, strides = array<i32>} : memref<8x1024xf32, #tpu.memory_space<vmem>>, vector<1x16xf32>,
        %parallel_loop3A_446 = arith.index_cast %parallel_loop3A_184 : i32 to index
        %parallel_loop3A_447 = arith.constant 464 : index
        %parallel_loop3A_448 = tpu.vector_load %arg14[%parallel_loop3A_446, %parallel_loop3A_447] {strides = array<i32>} : memref<8x1024xf32, #tpu.memory_space<vmem>>, vector<1x16xf32>,
        %parallel_loop3A_449 = vector.shape_cast %parallel_loop3A_448 : vector<1x16xf32> to vector<16xf32>
        %parallel_loop3A_450 = arith.index_cast %parallel_loop3A_184 : i32 to index
        %parallel_loop3A_451 = arith.constant 464 : index
        %parallel_loop3A_452 = tpu.vector_load %arg10[%parallel_loop3A_450, %parallel_loop3A_451] {strides = array<i32>} : memref<8x1024xf32, #tpu.memory_space<vmem>>, vector<1x16xf32>,
        %parallel_loop3A_453 = vector.shape_cast %parallel_loop3A_452 : vector<1x16xf32> to vector<16xf32>
        %parallel_loop3A_454 = vector.shape_cast %parallel_loop3A_449 : vector<16xf32> to vector<1x16xf32>
        tpu.vector_store %arg10[%parallel_loop3A_450, %parallel_loop3A_451], %parallel_loop3A_454 {add = true, strides = array<i32>} : memref<8x1024xf32, #tpu.memory_space<vmem>>, vector<1x16xf32>,
        %parallel_loop3A_455 = arith.index_cast %parallel_loop3A_184 : i32 to index
        %parallel_loop3A_456 = arith.constant 480 : index
        %parallel_loop3A_457 = tpu.vector_load %arg14[%parallel_loop3A_455, %parallel_loop3A_456] {strides = array<i32>} : memref<8x1024xf32, #tpu.memory_space<vmem>>, vector<1x16xf32>,
        %parallel_loop3A_458 = vector.shape_cast %parallel_loop3A_457 : vector<1x16xf32> to vector<16xf32>
        %parallel_loop3A_459 = arith.index_cast %parallel_loop3A_184 : i32 to index
        %parallel_loop3A_460 = arith.constant 480 : index
        %parallel_loop3A_461 = tpu.vector_load %arg10[%parallel_loop3A_459, %parallel_loop3A_460] {strides = array<i32>} : memref<8x1024xf32, #tpu.memory_space<vmem>>, vector<1x16xf32>,
        %parallel_loop3A_462 = vector.shape_cast %parallel_loop3A_461 : vector<1x16xf32> to vector<16xf32>
        %parallel_loop3A_463 = vector.shape_cast %parallel_loop3A_458 : vector<16xf32> to vector<1x16xf32>
        tpu.vector_store %arg10[%parallel_loop3A_459, %parallel_loop3A_460], %parallel_loop3A_463 {add = true, strides = array<i32>} : memref<8x1024xf32, #tpu.memory_space<vmem>>, vector<1x16xf32>,
        %parallel_loop3A_464 = arith.index_cast %parallel_loop3A_184 : i32 to index
        %parallel_loop3A_465 = arith.constant 496 : index
        %parallel_loop3A_466 = tpu.vector_load %arg14[%parallel_loop3A_464, %parallel_loop3A_465] {strides = array<i32>} : memref<8x1024xf32, #tpu.memory_space<vmem>>, vector<1x16xf32>,
        %parallel_loop3A_467 = vector.shape_cast %parallel_loop3A_466 : vector<1x16xf32> to vector<16xf32>
        %parallel_loop3A_468 = arith.index_cast %parallel_loop3A_184 : i32 to index
        %parallel_loop3A_469 = arith.constant 496 : index
        %parallel_loop3A_470 = tpu.vector_load %arg10[%parallel_loop3A_468, %parallel_loop3A_469] {strides = array<i32>} : memref<8x1024xf32, #tpu.memory_space<vmem>>, vector<1x16xf32>,
        %parallel_loop3A_471 = vector.shape_cast %parallel_loop3A_470 : vector<1x16xf32> to vector<16xf32>
        %parallel_loop3A_472 = vector.shape_cast %parallel_loop3A_467 : vector<16xf32> to vector<1x16xf32>
        tpu.vector_store %arg10[%parallel_loop3A_468, %parallel_loop3A_469], %parallel_loop3A_472 {add = true, strides = array<i32>} : memref<8x1024xf32, #tpu.memory_space<vmem>>, vector<1x16xf32>,
        %parallel_loop3A_473 = arith.index_cast %parallel_loop3A_184 : i32 to index
        %parallel_loop3A_474 = arith.constant 512 : index
        %parallel_loop3A_475 = tpu.vector_load %arg14[%parallel_loop3A_473, %parallel_loop3A_474] {strides = array<i32>} : memref<8x1024xf32, #tpu.memory_space<vmem>>, vector<1x16xf32>,
        %parallel_loop3A_476 = vector.shape_cast %parallel_loop3A_475 : vector<1x16xf32> to vector<16xf32>
        %parallel_loop3A_477 = arith.index_cast %parallel_loop3A_184 : i32 to index
        %parallel_loop3A_478 = arith.constant 512 : index
        %parallel_loop3A_479 = tpu.vector_load %arg10[%parallel_loop3A_477, %parallel_loop3A_478] {strides = array<i32>} : memref<8x1024xf32, #tpu.memory_space<vmem>>, vector<1x16xf32>,
        %parallel_loop3A_480 = vector.shape_cast %parallel_loop3A_479 : vector<1x16xf32> to vector<16xf32>
        %parallel_loop3A_481 = vector.shape_cast %parallel_loop3A_476 : vector<16xf32> to vector<1x16xf32>
        tpu.vector_store %arg10[%parallel_loop3A_477, %parallel_loop3A_478], %parallel_loop3A_481 {add = true, strides = array<i32>} : memref<8x1024xf32, #tpu.memory_space<vmem>>, vector<1x16xf32>,
        %parallel_loop3A_482 = arith.index_cast %parallel_loop3A_184 : i32 to index
        %parallel_loop3A_483 = arith.constant 528 : index
        %parallel_loop3A_484 = tpu.vector_load %arg14[%parallel_loop3A_482, %parallel_loop3A_483] {strides = array<i32>} : memref<8x1024xf32, #tpu.memory_space<vmem>>, vector<1x16xf32>,
        %parallel_loop3A_485 = vector.shape_cast %parallel_loop3A_484 : vector<1x16xf32> to vector<16xf32>
        %parallel_loop3A_486 = arith.index_cast %parallel_loop3A_184 : i32 to index
        %parallel_loop3A_487 = arith.constant 528 : index
        %parallel_loop3A_488 = tpu.vector_load %arg10[%parallel_loop3A_486, %parallel_loop3A_487] {strides = array<i32>} : memref<8x1024xf32, #tpu.memory_space<vmem>>, vector<1x16xf32>,
        %parallel_loop3A_489 = vector.shape_cast %parallel_loop3A_488 : vector<1x16xf32> to vector<16xf32>
        %parallel_loop3A_490 = vector.shape_cast %parallel_loop3A_485 : vector<16xf32> to vector<1x16xf32>
        tpu.vector_store %arg10[%parallel_loop3A_486, %parallel_loop3A_487], %parallel_loop3A_490 {add = true, strides = array<i32>} : memref<8x1024xf32, #tpu.memory_space<vmem>>, vector<1x16xf32>,
        %parallel_loop3A_491 = arith.index_cast %parallel_loop3A_184 : i32 to index
        %parallel_loop3A_492 = arith.constant 544 : index
        %parallel_loop3A_493 = tpu.vector_load %arg14[%parallel_loop3A_491, %parallel_loop3A_492] {strides = array<i32>} : memref<8x1024xf32, #tpu.memory_space<vmem>>, vector<1x16xf32>,
        %parallel_loop3A_494 = vector.shape_cast %parallel_loop3A_493 : vector<1x16xf32> to vector<16xf32>
        %parallel_loop3A_495 = arith.index_cast %parallel_loop3A_184 : i32 to index
        %parallel_loop3A_496 = arith.constant 544 : index
        %parallel_loop3A_497 = tpu.vector_load %arg10[%parallel_loop3A_495, %parallel_loop3A_496] {strides = array<i32>} : memref<8x1024xf32, #tpu.memory_space<vmem>>, vector<1x16xf32>,
        %parallel_loop3A_498 = vector.shape_cast %parallel_loop3A_497 : vector<1x16xf32> to vector<16xf32>
        %parallel_loop3A_499 = vector.shape_cast %parallel_loop3A_494 : vector<16xf32> to vector<1x16xf32>
        tpu.vector_store %arg10[%parallel_loop3A_495, %parallel_loop3A_496], %parallel_loop3A_499 {add = true, strides = array<i32>} : memref<8x1024xf32, #tpu.memory_space<vmem>>, vector<1x16xf32>,
        %parallel_loop3A_500 = arith.index_cast %parallel_loop3A_184 : i32 to index
        %parallel_loop3A_501 = arith.constant 560 : index
        %parallel_loop3A_502 = tpu.vector_load %arg14[%parallel_loop3A_500, %parallel_loop3A_501] {strides = array<i32>} : memref<8x1024xf32, #tpu.memory_space<vmem>>, vector<1x16xf32>,
        %parallel_loop3A_503 = vector.shape_cast %parallel_loop3A_502 : vector<1x16xf32> to vector<16xf32>
        %parallel_loop3A_504 = arith.index_cast %parallel_loop3A_184 : i32 to index
        %parallel_loop3A_505 = arith.constant 560 : index
        %parallel_loop3A_506 = tpu.vector_load %arg10[%parallel_loop3A_504, %parallel_loop3A_505] {strides = array<i32>} : memref<8x1024xf32, #tpu.memory_space<vmem>>, vector<1x16xf32>,
        %parallel_loop3A_507 = vector.shape_cast %parallel_loop3A_506 : vector<1x16xf32> to vector<16xf32>
        %parallel_loop3A_508 = vector.shape_cast %parallel_loop3A_503 : vector<16xf32> to vector<1x16xf32>
        tpu.vector_store %arg10[%parallel_loop3A_504, %parallel_loop3A_505], %parallel_loop3A_508 {add = true, strides = array<i32>} : memref<8x1024xf32, #tpu.memory_space<vmem>>, vector<1x16xf32>,
        %parallel_loop3A_509 = arith.index_cast %parallel_loop3A_184 : i32 to index
        %parallel_loop3A_510 = arith.constant 576 : index
        %parallel_loop3A_511 = tpu.vector_load %arg14[%parallel_loop3A_509, %parallel_loop3A_510] {strides = array<i32>} : memref<8x1024xf32, #tpu.memory_space<vmem>>, vector<1x16xf32>,
        %parallel_loop3A_512 = vector.shape_cast %parallel_loop3A_511 : vector<1x16xf32> to vector<16xf32>
        %parallel_loop3A_513 = arith.index_cast %parallel_loop3A_184 : i32 to index
        %parallel_loop3A_514 = arith.constant 576 : index
        %parallel_loop3A_515 = tpu.vector_load %arg10[%parallel_loop3A_513, %parallel_loop3A_514] {strides = array<i32>} : memref<8x1024xf32, #tpu.memory_space<vmem>>, vector<1x16xf32>,
        %parallel_loop3A_516 = vector.shape_cast %parallel_loop3A_515 : vector<1x16xf32> to vector<16xf32>
        %parallel_loop3A_517 = vector.shape_cast %parallel_loop3A_512 : vector<16xf32> to vector<1x16xf32>
        tpu.vector_store %arg10[%parallel_loop3A_513, %parallel_loop3A_514], %parallel_loop3A_517 {add = true, strides = array<i32>} : memref<8x1024xf32, #tpu.memory_space<vmem>>, vector<1x16xf32>,
        %parallel_loop3A_518 = arith.index_cast %parallel_loop3A_184 : i32 to index
        %parallel_loop3A_519 = arith.constant 592 : index
        %parallel_loop3A_520 = tpu.vector_load %arg14[%parallel_loop3A_518, %parallel_loop3A_519] {strides = array<i32>} : memref<8x1024xf32, #tpu.memory_space<vmem>>, vector<1x16xf32>,
        %parallel_loop3A_521 = vector.shape_cast %parallel_loop3A_520 : vector<1x16xf32> to vector<16xf32>
        %parallel_loop3A_522 = arith.index_cast %parallel_loop3A_184 : i32 to index
        %parallel_loop3A_523 = arith.constant 592 : index
        %parallel_loop3A_524 = tpu.vector_load %arg10[%parallel_loop3A_522, %parallel_loop3A_523] {strides = array<i32>} : memref<8x1024xf32, #tpu.memory_space<vmem>>, vector<1x16xf32>,
        %parallel_loop3A_525 = vector.shape_cast %parallel_loop3A_524 : vector<1x16xf32> to vector<16xf32>
        %parallel_loop3A_526 = vector.shape_cast %parallel_loop3A_521 : vector<16xf32> to vector<1x16xf32>
        tpu.vector_store %arg10[%parallel_loop3A_522, %parallel_loop3A_523], %parallel_loop3A_526 {add = true, strides = array<i32>} : memref<8x1024xf32, #tpu.memory_space<vmem>>, vector<1x16xf32>,
        %parallel_loop3A_527 = arith.index_cast %parallel_loop3A_184 : i32 to index
        %parallel_loop3A_528 = arith.constant 608 : index
        %parallel_loop3A_529 = tpu.vector_load %arg14[%parallel_loop3A_527, %parallel_loop3A_528] {strides = array<i32>} : memref<8x1024xf32, #tpu.memory_space<vmem>>, vector<1x16xf32>,
        %parallel_loop3A_530 = vector.shape_cast %parallel_loop3A_529 : vector<1x16xf32> to vector<16xf32>
        %parallel_loop3A_531 = arith.index_cast %parallel_loop3A_184 : i32 to index
        %parallel_loop3A_532 = arith.constant 608 : index
        %parallel_loop3A_533 = tpu.vector_load %arg10[%parallel_loop3A_531, %parallel_loop3A_532] {strides = array<i32>} : memref<8x1024xf32, #tpu.memory_space<vmem>>, vector<1x16xf32>,
        %parallel_loop3A_534 = vector.shape_cast %parallel_loop3A_533 : vector<1x16xf32> to vector<16xf32>
        %parallel_loop3A_535 = vector.shape_cast %parallel_loop3A_530 : vector<16xf32> to vector<1x16xf32>
        tpu.vector_store %arg10[%parallel_loop3A_531, %parallel_loop3A_532], %parallel_loop3A_535 {add = true, strides = array<i32>} : memref<8x1024xf32, #tpu.memory_space<vmem>>, vector<1x16xf32>,
        %parallel_loop3A_536 = arith.index_cast %parallel_loop3A_184 : i32 to index
        %parallel_loop3A_537 = arith.constant 624 : index
        %parallel_loop3A_538 = tpu.vector_load %arg14[%parallel_loop3A_536, %parallel_loop3A_537] {strides = array<i32>} : memref<8x1024xf32, #tpu.memory_space<vmem>>, vector<1x16xf32>,
        %parallel_loop3A_539 = vector.shape_cast %parallel_loop3A_538 : vector<1x16xf32> to vector<16xf32>
        %parallel_loop3A_540 = arith.index_cast %parallel_loop3A_184 : i32 to index
        %parallel_loop3A_541 = arith.constant 624 : index
        %parallel_loop3A_542 = tpu.vector_load %arg10[%parallel_loop3A_540, %parallel_loop3A_541] {strides = array<i32>} : memref<8x1024xf32, #tpu.memory_space<vmem>>, vector<1x16xf32>,
        %parallel_loop3A_543 = vector.shape_cast %parallel_loop3A_542 : vector<1x16xf32> to vector<16xf32>
        %parallel_loop3A_544 = vector.shape_cast %parallel_loop3A_539 : vector<16xf32> to vector<1x16xf32>
        tpu.vector_store %arg10[%parallel_loop3A_540, %parallel_loop3A_541], %parallel_loop3A_544 {add = true, strides = array<i32>} : memref<8x1024xf32, #tpu.memory_space<vmem>>, vector<1x16xf32>,
        %parallel_loop3A_545 = arith.index_cast %parallel_loop3A_184 : i32 to index
        %parallel_loop3A_546 = arith.constant 640 : index
        %parallel_loop3A_547 = tpu.vector_load %arg14[%parallel_loop3A_545, %parallel_loop3A_546] {strides = array<i32>} : memref<8x1024xf32, #tpu.memory_space<vmem>>, vector<1x16xf32>,
        %parallel_loop3A_548 = vector.shape_cast %parallel_loop3A_547 : vector<1x16xf32> to vector<16xf32>
        %parallel_loop3A_549 = arith.index_cast %parallel_loop3A_184 : i32 to index
        %parallel_loop3A_550 = arith.constant 640 : index
        %parallel_loop3A_551 = tpu.vector_load %arg10[%parallel_loop3A_549, %parallel_loop3A_550] {strides = array<i32>} : memref<8x1024xf32, #tpu.memory_space<vmem>>, vector<1x16xf32>,
        %parallel_loop3A_552 = vector.shape_cast %parallel_loop3A_551 : vector<1x16xf32> to vector<16xf32>
        %parallel_loop3A_553 = vector.shape_cast %parallel_loop3A_548 : vector<16xf32> to vector<1x16xf32>
        tpu.vector_store %arg10[%parallel_loop3A_549, %parallel_loop3A_550], %parallel_loop3A_553 {add = true, strides = array<i32>} : memref<8x1024xf32, #tpu.memory_space<vmem>>, vector<1x16xf32>,
        %parallel_loop3A_554 = arith.index_cast %parallel_loop3A_184 : i32 to index
        %parallel_loop3A_555 = arith.constant 656 : index
        %parallel_loop3A_556 = tpu.vector_load %arg14[%parallel_loop3A_554, %parallel_loop3A_555] {strides = array<i32>} : memref<8x1024xf32, #tpu.memory_space<vmem>>, vector<1x16xf32>,
        %parallel_loop3A_557 = vector.shape_cast %parallel_loop3A_556 : vector<1x16xf32> to vector<16xf32>
        %parallel_loop3A_558 = arith.index_cast %parallel_loop3A_184 : i32 to index
        %parallel_loop3A_559 = arith.constant 656 : index
        %parallel_loop3A_560 = tpu.vector_load %arg10[%parallel_loop3A_558, %parallel_loop3A_559] {strides = array<i32>} : memref<8x1024xf32, #tpu.memory_space<vmem>>, vector<1x16xf32>,
        %parallel_loop3A_561 = vector.shape_cast %parallel_loop3A_560 : vector<1x16xf32> to vector<16xf32>
        %parallel_loop3A_562 = vector.shape_cast %parallel_loop3A_557 : vector<16xf32> to vector<1x16xf32>
        tpu.vector_store %arg10[%parallel_loop3A_558, %parallel_loop3A_559], %parallel_loop3A_562 {add = true, strides = array<i32>} : memref<8x1024xf32, #tpu.memory_space<vmem>>, vector<1x16xf32>,
        %parallel_loop3A_563 = arith.index_cast %parallel_loop3A_184 : i32 to index
        %parallel_loop3A_564 = arith.constant 672 : index
        %parallel_loop3A_565 = tpu.vector_load %arg14[%parallel_loop3A_563, %parallel_loop3A_564] {strides = array<i32>} : memref<8x1024xf32, #tpu.memory_space<vmem>>, vector<1x16xf32>,
        %parallel_loop3A_566 = vector.shape_cast %parallel_loop3A_565 : vector<1x16xf32> to vector<16xf32>
        %parallel_loop3A_567 = arith.index_cast %parallel_loop3A_184 : i32 to index
        %parallel_loop3A_568 = arith.constant 672 : index
        %parallel_loop3A_569 = tpu.vector_load %arg10[%parallel_loop3A_567, %parallel_loop3A_568] {strides = array<i32>} : memref<8x1024xf32, #tpu.memory_space<vmem>>, vector<1x16xf32>,
        %parallel_loop3A_570 = vector.shape_cast %parallel_loop3A_569 : vector<1x16xf32> to vector<16xf32>
        %parallel_loop3A_571 = vector.shape_cast %parallel_loop3A_566 : vector<16xf32> to vector<1x16xf32>
        tpu.vector_store %arg10[%parallel_loop3A_567, %parallel_loop3A_568], %parallel_loop3A_571 {add = true, strides = array<i32>} : memref<8x1024xf32, #tpu.memory_space<vmem>>, vector<1x16xf32>,
        %parallel_loop3A_572 = arith.index_cast %parallel_loop3A_184 : i32 to index
        %parallel_loop3A_573 = arith.constant 688 : index
        %parallel_loop3A_574 = tpu.vector_load %arg14[%parallel_loop3A_572, %parallel_loop3A_573] {strides = array<i32>} : memref<8x1024xf32, #tpu.memory_space<vmem>>, vector<1x16xf32>,
        %parallel_loop3A_575 = vector.shape_cast %parallel_loop3A_574 : vector<1x16xf32> to vector<16xf32>
        %parallel_loop3A_576 = arith.index_cast %parallel_loop3A_184 : i32 to index
        %parallel_loop3A_577 = arith.constant 688 : index
        %parallel_loop3A_578 = tpu.vector_load %arg10[%parallel_loop3A_576, %parallel_loop3A_577] {strides = array<i32>} : memref<8x1024xf32, #tpu.memory_space<vmem>>, vector<1x16xf32>,
        %parallel_loop3A_579 = vector.shape_cast %parallel_loop3A_578 : vector<1x16xf32> to vector<16xf32>
        %parallel_loop3A_580 = vector.shape_cast %parallel_loop3A_575 : vector<16xf32> to vector<1x16xf32>
        tpu.vector_store %arg10[%parallel_loop3A_576, %parallel_loop3A_577], %parallel_loop3A_580 {add = true, strides = array<i32>} : memref<8x1024xf32, #tpu.memory_space<vmem>>, vector<1x16xf32>,
        %parallel_loop3A_581 = arith.index_cast %parallel_loop3A_184 : i32 to index
        %parallel_loop3A_582 = arith.constant 704 : index
        %parallel_loop3A_583 = tpu.vector_load %arg14[%parallel_loop3A_581, %parallel_loop3A_582] {strides = array<i32>} : memref<8x1024xf32, #tpu.memory_space<vmem>>, vector<1x16xf32>,
        %parallel_loop3A_584 = vector.shape_cast %parallel_loop3A_583 : vector<1x16xf32> to vector<16xf32>
        %parallel_loop3A_585 = arith.index_cast %parallel_loop3A_184 : i32 to index
        %parallel_loop3A_586 = arith.constant 704 : index
        %parallel_loop3A_587 = tpu.vector_load %arg10[%parallel_loop3A_585, %parallel_loop3A_586] {strides = array<i32>} : memref<8x1024xf32, #tpu.memory_space<vmem>>, vector<1x16xf32>,
        %parallel_loop3A_588 = vector.shape_cast %parallel_loop3A_587 : vector<1x16xf32> to vector<16xf32>
        %parallel_loop3A_589 = vector.shape_cast %parallel_loop3A_584 : vector<16xf32> to vector<1x16xf32>
        tpu.vector_store %arg10[%parallel_loop3A_585, %parallel_loop3A_586], %parallel_loop3A_589 {add = true, strides = array<i32>} : memref<8x1024xf32, #tpu.memory_space<vmem>>, vector<1x16xf32>,
        %parallel_loop3A_590 = arith.index_cast %parallel_loop3A_184 : i32 to index
        %parallel_loop3A_591 = arith.constant 720 : index
        %parallel_loop3A_592 = tpu.vector_load %arg14[%parallel_loop3A_590, %parallel_loop3A_591] {strides = array<i32>} : memref<8x1024xf32, #tpu.memory_space<vmem>>, vector<1x16xf32>,
        %parallel_loop3A_593 = vector.shape_cast %parallel_loop3A_592 : vector<1x16xf32> to vector<16xf32>
        %parallel_loop3A_594 = arith.index_cast %parallel_loop3A_184 : i32 to index
        %parallel_loop3A_595 = arith.constant 720 : index
        %parallel_loop3A_596 = tpu.vector_load %arg10[%parallel_loop3A_594, %parallel_loop3A_595] {strides = array<i32>} : memref<8x1024xf32, #tpu.memory_space<vmem>>, vector<1x16xf32>,
        %parallel_loop3A_597 = vector.shape_cast %parallel_loop3A_596 : vector<1x16xf32> to vector<16xf32>
        %parallel_loop3A_598 = vector.shape_cast %parallel_loop3A_593 : vector<16xf32> to vector<1x16xf32>
        tpu.vector_store %arg10[%parallel_loop3A_594, %parallel_loop3A_595], %parallel_loop3A_598 {add = true, strides = array<i32>} : memref<8x1024xf32, #tpu.memory_space<vmem>>, vector<1x16xf32>,
        %parallel_loop3A_599 = arith.index_cast %parallel_loop3A_184 : i32 to index
        %parallel_loop3A_600 = arith.constant 736 : index
        %parallel_loop3A_601 = tpu.vector_load %arg14[%parallel_loop3A_599, %parallel_loop3A_600] {strides = array<i32>} : memref<8x1024xf32, #tpu.memory_space<vmem>>, vector<1x16xf32>,
        %parallel_loop3A_602 = vector.shape_cast %parallel_loop3A_601 : vector<1x16xf32> to vector<16xf32>
        %parallel_loop3A_603 = arith.index_cast %parallel_loop3A_184 : i32 to index
        %parallel_loop3A_604 = arith.constant 736 : index
        %parallel_loop3A_605 = tpu.vector_load %arg10[%parallel_loop3A_603, %parallel_loop3A_604] {strides = array<i32>} : memref<8x1024xf32, #tpu.memory_space<vmem>>, vector<1x16xf32>,
        %parallel_loop3A_606 = vector.shape_cast %parallel_loop3A_605 : vector<1x16xf32> to vector<16xf32>
        %parallel_loop3A_607 = vector.shape_cast %parallel_loop3A_602 : vector<16xf32> to vector<1x16xf32>
        tpu.vector_store %arg10[%parallel_loop3A_603, %parallel_loop3A_604], %parallel_loop3A_607 {add = true, strides = array<i32>} : memref<8x1024xf32, #tpu.memory_space<vmem>>, vector<1x16xf32>,
        %parallel_loop3A_608 = arith.index_cast %parallel_loop3A_184 : i32 to index
        %parallel_loop3A_609 = arith.constant 752 : index
        %parallel_loop3A_610 = tpu.vector_load %arg14[%parallel_loop3A_608, %parallel_loop3A_609] {strides = array<i32>} : memref<8x1024xf32, #tpu.memory_space<vmem>>, vector<1x16xf32>,
        %parallel_loop3A_611 = vector.shape_cast %parallel_loop3A_610 : vector<1x16xf32> to vector<16xf32>
        %parallel_loop3A_612 = arith.index_cast %parallel_loop3A_184 : i32 to index
        %parallel_loop3A_613 = arith.constant 752 : index
        %parallel_loop3A_614 = tpu.vector_load %arg10[%parallel_loop3A_612, %parallel_loop3A_613] {strides = array<i32>} : memref<8x1024xf32, #tpu.memory_space<vmem>>, vector<1x16xf32>,
        %parallel_loop3A_615 = vector.shape_cast %parallel_loop3A_614 : vector<1x16xf32> to vector<16xf32>
        %parallel_loop3A_616 = vector.shape_cast %parallel_loop3A_611 : vector<16xf32> to vector<1x16xf32>
        tpu.vector_store %arg10[%parallel_loop3A_612, %parallel_loop3A_613], %parallel_loop3A_616 {add = true, strides = array<i32>} : memref<8x1024xf32, #tpu.memory_space<vmem>>, vector<1x16xf32>,
        %parallel_loop3A_617 = arith.index_cast %parallel_loop3A_184 : i32 to index
        %parallel_loop3A_618 = arith.constant 768 : index
        %parallel_loop3A_619 = tpu.vector_load %arg14[%parallel_loop3A_617, %parallel_loop3A_618] {strides = array<i32>} : memref<8x1024xf32, #tpu.memory_space<vmem>>, vector<1x16xf32>,
        %parallel_loop3A_620 = vector.shape_cast %parallel_loop3A_619 : vector<1x16xf32> to vector<16xf32>
        %parallel_loop3A_621 = arith.index_cast %parallel_loop3A_184 : i32 to index
        %parallel_loop3A_622 = arith.constant 768 : index
        %parallel_loop3A_623 = tpu.vector_load %arg10[%parallel_loop3A_621, %parallel_loop3A_622] {strides = array<i32>} : memref<8x1024xf32, #tpu.memory_space<vmem>>, vector<1x16xf32>,
        %parallel_loop3A_624 = vector.shape_cast %parallel_loop3A_623 : vector<1x16xf32> to vector<16xf32>
        %parallel_loop3A_625 = vector.shape_cast %parallel_loop3A_620 : vector<16xf32> to vector<1x16xf32>
        tpu.vector_store %arg10[%parallel_loop3A_621, %parallel_loop3A_622], %parallel_loop3A_625 {add = true, strides = array<i32>} : memref<8x1024xf32, #tpu.memory_space<vmem>>, vector<1x16xf32>,
        %parallel_loop3A_626 = arith.index_cast %parallel_loop3A_184 : i32 to index
        %parallel_loop3A_627 = arith.constant 784 : index
        %parallel_loop3A_628 = tpu.vector_load %arg14[%parallel_loop3A_626, %parallel_loop3A_627] {strides = array<i32>} : memref<8x1024xf32, #tpu.memory_space<vmem>>, vector<1x16xf32>,
        %parallel_loop3A_629 = vector.shape_cast %parallel_loop3A_628 : vector<1x16xf32> to vector<16xf32>
        %parallel_loop3A_630 = arith.index_cast %parallel_loop3A_184 : i32 to index
        %parallel_loop3A_631 = arith.constant 784 : index
        %parallel_loop3A_632 = tpu.vector_load %arg10[%parallel_loop3A_630, %parallel_loop3A_631] {strides = array<i32>} : memref<8x1024xf32, #tpu.memory_space<vmem>>, vector<1x16xf32>,
        %parallel_loop3A_633 = vector.shape_cast %parallel_loop3A_632 : vector<1x16xf32> to vector<16xf32>
        %parallel_loop3A_634 = vector.shape_cast %parallel_loop3A_629 : vector<16xf32> to vector<1x16xf32>
        tpu.vector_store %arg10[%parallel_loop3A_630, %parallel_loop3A_631], %parallel_loop3A_634 {add = true, strides = array<i32>} : memref<8x1024xf32, #tpu.memory_space<vmem>>, vector<1x16xf32>,
        %parallel_loop3A_635 = arith.index_cast %parallel_loop3A_184 : i32 to index
        %parallel_loop3A_636 = arith.constant 800 : index
        %parallel_loop3A_637 = tpu.vector_load %arg14[%parallel_loop3A_635, %parallel_loop3A_636] {strides = array<i32>} : memref<8x1024xf32, #tpu.memory_space<vmem>>, vector<1x16xf32>,
        %parallel_loop3A_638 = vector.shape_cast %parallel_loop3A_637 : vector<1x16xf32> to vector<16xf32>
        %parallel_loop3A_639 = arith.index_cast %parallel_loop3A_184 : i32 to index
        %parallel_loop3A_640 = arith.constant 800 : index
        %parallel_loop3A_641 = tpu.vector_load %arg10[%parallel_loop3A_639, %parallel_loop3A_640] {strides = array<i32>} : memref<8x1024xf32, #tpu.memory_space<vmem>>, vector<1x16xf32>,
        %parallel_loop3A_642 = vector.shape_cast %parallel_loop3A_641 : vector<1x16xf32> to vector<16xf32>
        %parallel_loop3A_643 = vector.shape_cast %parallel_loop3A_638 : vector<16xf32> to vector<1x16xf32>
        tpu.vector_store %arg10[%parallel_loop3A_639, %parallel_loop3A_640], %parallel_loop3A_643 {add = true, strides = array<i32>} : memref<8x1024xf32, #tpu.memory_space<vmem>>, vector<1x16xf32>,
        %parallel_loop3A_644 = arith.index_cast %parallel_loop3A_184 : i32 to index
        %parallel_loop3A_645 = arith.constant 816 : index
        %parallel_loop3A_646 = tpu.vector_load %arg14[%parallel_loop3A_644, %parallel_loop3A_645] {strides = array<i32>} : memref<8x1024xf32, #tpu.memory_space<vmem>>, vector<1x16xf32>,
        %parallel_loop3A_647 = vector.shape_cast %parallel_loop3A_646 : vector<1x16xf32> to vector<16xf32>
        %parallel_loop3A_648 = arith.index_cast %parallel_loop3A_184 : i32 to index
        %parallel_loop3A_649 = arith.constant 816 : index
        %parallel_loop3A_650 = tpu.vector_load %arg10[%parallel_loop3A_648, %parallel_loop3A_649] {strides = array<i32>} : memref<8x1024xf32, #tpu.memory_space<vmem>>, vector<1x16xf32>,
        %parallel_loop3A_651 = vector.shape_cast %parallel_loop3A_650 : vector<1x16xf32> to vector<16xf32>
        %parallel_loop3A_652 = vector.shape_cast %parallel_loop3A_647 : vector<16xf32> to vector<1x16xf32>
        tpu.vector_store %arg10[%parallel_loop3A_648, %parallel_loop3A_649], %parallel_loop3A_652 {add = true, strides = array<i32>} : memref<8x1024xf32, #tpu.memory_space<vmem>>, vector<1x16xf32>,
        %parallel_loop3A_653 = arith.index_cast %parallel_loop3A_184 : i32 to index
        %parallel_loop3A_654 = arith.constant 832 : index
        %parallel_loop3A_655 = tpu.vector_load %arg14[%parallel_loop3A_653, %parallel_loop3A_654] {strides = array<i32>} : memref<8x1024xf32, #tpu.memory_space<vmem>>, vector<1x16xf32>,
        %parallel_loop3A_656 = vector.shape_cast %parallel_loop3A_655 : vector<1x16xf32> to vector<16xf32>
        %parallel_loop3A_657 = arith.index_cast %parallel_loop3A_184 : i32 to index
        %parallel_loop3A_658 = arith.constant 832 : index
        %parallel_loop3A_659 = tpu.vector_load %arg10[%parallel_loop3A_657, %parallel_loop3A_658] {strides = array<i32>} : memref<8x1024xf32, #tpu.memory_space<vmem>>, vector<1x16xf32>,
        %parallel_loop3A_660 = vector.shape_cast %parallel_loop3A_659 : vector<1x16xf32> to vector<16xf32>
        %parallel_loop3A_661 = vector.shape_cast %parallel_loop3A_656 : vector<16xf32> to vector<1x16xf32>
        tpu.vector_store %arg10[%parallel_loop3A_657, %parallel_loop3A_658], %parallel_loop3A_661 {add = true, strides = array<i32>} : memref<8x1024xf32, #tpu.memory_space<vmem>>, vector<1x16xf32>,
        %parallel_loop3A_662 = arith.index_cast %parallel_loop3A_184 : i32 to index
        %parallel_loop3A_663 = arith.constant 848 : index
        %parallel_loop3A_664 = tpu.vector_load %arg14[%parallel_loop3A_662, %parallel_loop3A_663] {strides = array<i32>} : memref<8x1024xf32, #tpu.memory_space<vmem>>, vector<1x16xf32>,
        %parallel_loop3A_665 = vector.shape_cast %parallel_loop3A_664 : vector<1x16xf32> to vector<16xf32>
        %parallel_loop3A_666 = arith.index_cast %parallel_loop3A_184 : i32 to index
        %parallel_loop3A_667 = arith.constant 848 : index
        %parallel_loop3A_668 = tpu.vector_load %arg10[%parallel_loop3A_666, %parallel_loop3A_667] {strides = array<i32>} : memref<8x1024xf32, #tpu.memory_space<vmem>>, vector<1x16xf32>,
        %parallel_loop3A_669 = vector.shape_cast %parallel_loop3A_668 : vector<1x16xf32> to vector<16xf32>
        %parallel_loop3A_670 = vector.shape_cast %parallel_loop3A_665 : vector<16xf32> to vector<1x16xf32>
        tpu.vector_store %arg10[%parallel_loop3A_666, %parallel_loop3A_667], %parallel_loop3A_670 {add = true, strides = array<i32>} : memref<8x1024xf32, #tpu.memory_space<vmem>>, vector<1x16xf32>,
        %parallel_loop3A_671 = arith.index_cast %parallel_loop3A_184 : i32 to index
        %parallel_loop3A_672 = arith.constant 864 : index
        %parallel_loop3A_673 = tpu.vector_load %arg14[%parallel_loop3A_671, %parallel_loop3A_672] {strides = array<i32>} : memref<8x1024xf32, #tpu.memory_space<vmem>>, vector<1x16xf32>,
        %parallel_loop3A_674 = vector.shape_cast %parallel_loop3A_673 : vector<1x16xf32> to vector<16xf32>
        %parallel_loop3A_675 = arith.index_cast %parallel_loop3A_184 : i32 to index
        %parallel_loop3A_676 = arith.constant 864 : index
        %parallel_loop3A_677 = tpu.vector_load %arg10[%parallel_loop3A_675, %parallel_loop3A_676] {strides = array<i32>} : memref<8x1024xf32, #tpu.memory_space<vmem>>, vector<1x16xf32>,
        %parallel_loop3A_678 = vector.shape_cast %parallel_loop3A_677 : vector<1x16xf32> to vector<16xf32>
        %parallel_loop3A_679 = vector.shape_cast %parallel_loop3A_674 : vector<16xf32> to vector<1x16xf32>
        tpu.vector_store %arg10[%parallel_loop3A_675, %parallel_loop3A_676], %parallel_loop3A_679 {add = true, strides = array<i32>} : memref<8x1024xf32, #tpu.memory_space<vmem>>, vector<1x16xf32>,
        %parallel_loop3A_680 = arith.index_cast %parallel_loop3A_184 : i32 to index
        %parallel_loop3A_681 = arith.constant 880 : index
        %parallel_loop3A_682 = tpu.vector_load %arg14[%parallel_loop3A_680, %parallel_loop3A_681] {strides = array<i32>} : memref<8x1024xf32, #tpu.memory_space<vmem>>, vector<1x16xf32>,
        %parallel_loop3A_683 = vector.shape_cast %parallel_loop3A_682 : vector<1x16xf32> to vector<16xf32>
        %parallel_loop3A_684 = arith.index_cast %parallel_loop3A_184 : i32 to index
        %parallel_loop3A_685 = arith.constant 880 : index
        %parallel_loop3A_686 = tpu.vector_load %arg10[%parallel_loop3A_684, %parallel_loop3A_685] {strides = array<i32>} : memref<8x1024xf32, #tpu.memory_space<vmem>>, vector<1x16xf32>,
        %parallel_loop3A_687 = vector.shape_cast %parallel_loop3A_686 : vector<1x16xf32> to vector<16xf32>
        %parallel_loop3A_688 = vector.shape_cast %parallel_loop3A_683 : vector<16xf32> to vector<1x16xf32>
        tpu.vector_store %arg10[%parallel_loop3A_684, %parallel_loop3A_685], %parallel_loop3A_688 {add = true, strides = array<i32>} : memref<8x1024xf32, #tpu.memory_space<vmem>>, vector<1x16xf32>,
        %parallel_loop3A_689 = arith.index_cast %parallel_loop3A_184 : i32 to index
        %parallel_loop3A_690 = arith.constant 896 : index
        %parallel_loop3A_691 = tpu.vector_load %arg14[%parallel_loop3A_689, %parallel_loop3A_690] {strides = array<i32>} : memref<8x1024xf32, #tpu.memory_space<vmem>>, vector<1x16xf32>,
        %parallel_loop3A_692 = vector.shape_cast %parallel_loop3A_691 : vector<1x16xf32> to vector<16xf32>
        %parallel_loop3A_693 = arith.index_cast %parallel_loop3A_184 : i32 to index
        %parallel_loop3A_694 = arith.constant 896 : index
        %parallel_loop3A_695 = tpu.vector_load %arg10[%parallel_loop3A_693, %parallel_loop3A_694] {strides = array<i32>} : memref<8x1024xf32, #tpu.memory_space<vmem>>, vector<1x16xf32>,
        %parallel_loop3A_696 = vector.shape_cast %parallel_loop3A_695 : vector<1x16xf32> to vector<16xf32>
        %parallel_loop3A_697 = vector.shape_cast %parallel_loop3A_692 : vector<16xf32> to vector<1x16xf32>
        tpu.vector_store %arg10[%parallel_loop3A_693, %parallel_loop3A_694], %parallel_loop3A_697 {add = true, strides = array<i32>} : memref<8x1024xf32, #tpu.memory_space<vmem>>, vector<1x16xf32>,
        %parallel_loop3A_698 = arith.index_cast %parallel_loop3A_184 : i32 to index
        %parallel_loop3A_699 = arith.constant 912 : index
        %parallel_loop3A_700 = tpu.vector_load %arg14[%parallel_loop3A_698, %parallel_loop3A_699] {strides = array<i32>} : memref<8x1024xf32, #tpu.memory_space<vmem>>, vector<1x16xf32>,
        %parallel_loop3A_701 = vector.shape_cast %parallel_loop3A_700 : vector<1x16xf32> to vector<16xf32>
        %parallel_loop3A_702 = arith.index_cast %parallel_loop3A_184 : i32 to index
        %parallel_loop3A_703 = arith.constant 912 : index
        %parallel_loop3A_704 = tpu.vector_load %arg10[%parallel_loop3A_702, %parallel_loop3A_703] {strides = array<i32>} : memref<8x1024xf32, #tpu.memory_space<vmem>>, vector<1x16xf32>,
        %parallel_loop3A_705 = vector.shape_cast %parallel_loop3A_704 : vector<1x16xf32> to vector<16xf32>
        %parallel_loop3A_706 = vector.shape_cast %parallel_loop3A_701 : vector<16xf32> to vector<1x16xf32>
        tpu.vector_store %arg10[%parallel_loop3A_702, %parallel_loop3A_703], %parallel_loop3A_706 {add = true, strides = array<i32>} : memref<8x1024xf32, #tpu.memory_space<vmem>>, vector<1x16xf32>,
        %parallel_loop3A_707 = arith.index_cast %parallel_loop3A_184 : i32 to index
        %parallel_loop3A_708 = arith.constant 928 : index
        %parallel_loop3A_709 = tpu.vector_load %arg14[%parallel_loop3A_707, %parallel_loop3A_708] {strides = array<i32>} : memref<8x1024xf32, #tpu.memory_space<vmem>>, vector<1x16xf32>,
        %parallel_loop3A_710 = vector.shape_cast %parallel_loop3A_709 : vector<1x16xf32> to vector<16xf32>
        %parallel_loop3A_711 = arith.index_cast %parallel_loop3A_184 : i32 to index
        %parallel_loop3A_712 = arith.constant 928 : index
        %parallel_loop3A_713 = tpu.vector_load %arg10[%parallel_loop3A_711, %parallel_loop3A_712] {strides = array<i32>} : memref<8x1024xf32, #tpu.memory_space<vmem>>, vector<1x16xf32>,
        %parallel_loop3A_714 = vector.shape_cast %parallel_loop3A_713 : vector<1x16xf32> to vector<16xf32>
        %parallel_loop3A_715 = vector.shape_cast %parallel_loop3A_710 : vector<16xf32> to vector<1x16xf32>
        tpu.vector_store %arg10[%parallel_loop3A_711, %parallel_loop3A_712], %parallel_loop3A_715 {add = true, strides = array<i32>} : memref<8x1024xf32, #tpu.memory_space<vmem>>, vector<1x16xf32>,
        %parallel_loop3A_716 = arith.index_cast %parallel_loop3A_184 : i32 to index
        %parallel_loop3A_717 = arith.constant 944 : index
        %parallel_loop3A_718 = tpu.vector_load %arg14[%parallel_loop3A_716, %parallel_loop3A_717] {strides = array<i32>} : memref<8x1024xf32, #tpu.memory_space<vmem>>, vector<1x16xf32>,
        %parallel_loop3A_719 = vector.shape_cast %parallel_loop3A_718 : vector<1x16xf32> to vector<16xf32>
        %parallel_loop3A_720 = arith.index_cast %parallel_loop3A_184 : i32 to index
        %parallel_loop3A_721 = arith.constant 944 : index
        %parallel_loop3A_722 = tpu.vector_load %arg10[%parallel_loop3A_720, %parallel_loop3A_721] {strides = array<i32>} : memref<8x1024xf32, #tpu.memory_space<vmem>>, vector<1x16xf32>,
        %parallel_loop3A_723 = vector.shape_cast %parallel_loop3A_722 : vector<1x16xf32> to vector<16xf32>
        %parallel_loop3A_724 = vector.shape_cast %parallel_loop3A_719 : vector<16xf32> to vector<1x16xf32>
        tpu.vector_store %arg10[%parallel_loop3A_720, %parallel_loop3A_721], %parallel_loop3A_724 {add = true, strides = array<i32>} : memref<8x1024xf32, #tpu.memory_space<vmem>>, vector<1x16xf32>,
        %parallel_loop3A_725 = arith.index_cast %parallel_loop3A_184 : i32 to index
        %parallel_loop3A_726 = arith.constant 960 : index
        %parallel_loop3A_727 = tpu.vector_load %arg14[%parallel_loop3A_725, %parallel_loop3A_726] {strides = array<i32>} : memref<8x1024xf32, #tpu.memory_space<vmem>>, vector<1x16xf32>,
        %parallel_loop3A_728 = vector.shape_cast %parallel_loop3A_727 : vector<1x16xf32> to vector<16xf32>
        %parallel_loop3A_729 = arith.index_cast %parallel_loop3A_184 : i32 to index
        %parallel_loop3A_730 = arith.constant 960 : index
        %parallel_loop3A_731 = tpu.vector_load %arg10[%parallel_loop3A_729, %parallel_loop3A_730] {strides = array<i32>} : memref<8x1024xf32, #tpu.memory_space<vmem>>, vector<1x16xf32>,
        %parallel_loop3A_732 = vector.shape_cast %parallel_loop3A_731 : vector<1x16xf32> to vector<16xf32>
        %parallel_loop3A_733 = vector.shape_cast %parallel_loop3A_728 : vector<16xf32> to vector<1x16xf32>
        tpu.vector_store %arg10[%parallel_loop3A_729, %parallel_loop3A_730], %parallel_loop3A_733 {add = true, strides = array<i32>} : memref<8x1024xf32, #tpu.memory_space<vmem>>, vector<1x16xf32>,
        %parallel_loop3A_734 = arith.index_cast %parallel_loop3A_184 : i32 to index
        %parallel_loop3A_735 = arith.constant 976 : index
        %parallel_loop3A_736 = tpu.vector_load %arg14[%parallel_loop3A_734, %parallel_loop3A_735] {strides = array<i32>} : memref<8x1024xf32, #tpu.memory_space<vmem>>, vector<1x16xf32>,
        %parallel_loop3A_737 = vector.shape_cast %parallel_loop3A_736 : vector<1x16xf32> to vector<16xf32>
        %parallel_loop3A_738 = arith.index_cast %parallel_loop3A_184 : i32 to index
        %parallel_loop3A_739 = arith.constant 976 : index
        %parallel_loop3A_740 = tpu.vector_load %arg10[%parallel_loop3A_738, %parallel_loop3A_739] {strides = array<i32>} : memref<8x1024xf32, #tpu.memory_space<vmem>>, vector<1x16xf32>,
        %parallel_loop3A_741 = vector.shape_cast %parallel_loop3A_740 : vector<1x16xf32> to vector<16xf32>
        %parallel_loop3A_742 = vector.shape_cast %parallel_loop3A_737 : vector<16xf32> to vector<1x16xf32>
        tpu.vector_store %arg10[%parallel_loop3A_738, %parallel_loop3A_739], %parallel_loop3A_742 {add = true, strides = array<i32>} : memref<8x1024xf32, #tpu.memory_space<vmem>>, vector<1x16xf32>,
        %parallel_loop3A_743 = arith.index_cast %parallel_loop3A_184 : i32 to index
        %parallel_loop3A_744 = arith.constant 992 : index
        %parallel_loop3A_745 = tpu.vector_load %arg14[%parallel_loop3A_743, %parallel_loop3A_744] {strides = array<i32>} : memref<8x1024xf32, #tpu.memory_space<vmem>>, vector<1x16xf32>,
        %parallel_loop3A_746 = vector.shape_cast %parallel_loop3A_745 : vector<1x16xf32> to vector<16xf32>
        %parallel_loop3A_747 = arith.index_cast %parallel_loop3A_184 : i32 to index
        %parallel_loop3A_748 = arith.constant 992 : index
        %parallel_loop3A_749 = tpu.vector_load %arg10[%parallel_loop3A_747, %parallel_loop3A_748] {strides = array<i32>} : memref<8x1024xf32, #tpu.memory_space<vmem>>, vector<1x16xf32>,
        %parallel_loop3A_750 = vector.shape_cast %parallel_loop3A_749 : vector<1x16xf32> to vector<16xf32>
        %parallel_loop3A_751 = vector.shape_cast %parallel_loop3A_746 : vector<16xf32> to vector<1x16xf32>
        tpu.vector_store %arg10[%parallel_loop3A_747, %parallel_loop3A_748], %parallel_loop3A_751 {add = true, strides = array<i32>} : memref<8x1024xf32, #tpu.memory_space<vmem>>, vector<1x16xf32>,
        %parallel_loop3A_752 = arith.index_cast %parallel_loop3A_184 : i32 to index
        %parallel_loop3A_753 = arith.constant 1008 : index
        %parallel_loop3A_754 = tpu.vector_load %arg14[%parallel_loop3A_752, %parallel_loop3A_753] {strides = array<i32>} : memref<8x1024xf32, #tpu.memory_space<vmem>>, vector<1x16xf32>,
        %parallel_loop3A_755 = vector.shape_cast %parallel_loop3A_754 : vector<1x16xf32> to vector<16xf32>
        %parallel_loop3A_756 = arith.index_cast %parallel_loop3A_184 : i32 to index
        %parallel_loop3A_757 = arith.constant 1008 : index
        %parallel_loop3A_758 = tpu.vector_load %arg10[%parallel_loop3A_756, %parallel_loop3A_757] {strides = array<i32>} : memref<8x1024xf32, #tpu.memory_space<vmem>>, vector<1x16xf32>,
        %parallel_loop3A_759 = vector.shape_cast %parallel_loop3A_758 : vector<1x16xf32> to vector<16xf32>
        %parallel_loop3A_760 = vector.shape_cast %parallel_loop3A_755 : vector<16xf32> to vector<1x16xf32>
        tpu.vector_store %arg10[%parallel_loop3A_756, %parallel_loop3A_757], %parallel_loop3A_760 {add = true, strides = array<i32>} : memref<8x1024xf32, #tpu.memory_space<vmem>>, vector<1x16xf32>,
      } {sc.loop_unroll_factor = 1 : i64, sc.parallel_access}
      %mul3A_101 = arith.constant 8 : i32
      %mul3A_102 = arith.muli %add3A_75, %mul3A_101 : i32
      %add3A_103 = arith.addi %mul3A_2, %mul3A_102 : i32
      %multiple_of3A_104 = tpu.assume_multiple %add3A_103, 8 : i32
      %dma_start3A_105 = arith.constant 0 : i32
      %dma_start3A_106 = tpu.memref_slice %arg6[%multiple_of3A_104, %dma_start3A_105] : memref<16384x1024xf32, #tpu.memory_space<hbm>> -> memref<8x1024xf32, #tpu.memory_space<hbm>>
      %dma_start3A_107 = arith.constant 0 : i32
      %dma_start3A_108 = tpu.memref_slice %arg6[%multiple_of3A_104, %dma_start3A_107] : memref<16384x1024xf32, #tpu.memory_space<hbm>> -> memref<8x1024xf32, #tpu.memory_space<hbm>>
      tpu.enqueue_dma source(%arg10 : memref<8x1024xf32, #tpu.memory_space<vmem>>) target(%dma_start3A_108 : memref<8x1024xf32, #tpu.memory_space<hbm>>) target_semaphore(%arg22 : memref<!tpu.dma_semaphore, #tpu.memory_space<semaphore_mem>>)
      %mul3A_109 = arith.constant 4 : i32
      %mul3A_110 = arith.muli %scan3A_38, %mul3A_109 : i32
      %add3A_111 = arith.constant 2 : i32
      %add3A_112 = arith.addi %mul3A_110, %add3A_111 : i32
      %ge3A_113 = arith.constant 2 : i32
      %ge3A_114 = arith.cmpi sge, %add3A_112, %ge3A_113 : i32
      %convert_element_type3A_115 = arith.extui %ge3A_114 : i1 to i32
      %cond3A_116 = arith.constant 0 : i32
      %cond3A_117 = arith.cmpi ne, %convert_element_type3A_115, %cond3A_116 : i32
      scf.if %cond3A_117 {
        %dma_wait3A_184 = arith.constant 0 : i32
        %dma_wait3A_185 = arith.constant 0 : i32
        %dma_wait3A_186 = tpu.memref_slice %arg6[%dma_wait3A_184, %dma_wait3A_185] : memref<16384x1024xf32, #tpu.memory_space<hbm>> -> memref<8x1024xf32, #tpu.memory_space<hbm>>
        %dma_wait3A_187 = arith.constant 0 : i32
        %dma_wait3A_188 = arith.constant 0 : i32
        %dma_wait3A_189 = tpu.memref_slice %arg6[%dma_wait3A_187, %dma_wait3A_188] : memref<16384x1024xf32, #tpu.memory_space<hbm>> -> memref<8x1024xf32, #tpu.memory_space<hbm>>
        tpu.wait_dma2 semaphore(%arg21 : memref<!tpu.dma_semaphore, #tpu.memory_space<semaphore_mem>>) src(%arg9 : memref<8x1024xf32, #tpu.memory_space<vmem>>) dst(%dma_wait3A_189 : memref<8x1024xf32, #tpu.memory_space<hbm>>)
      } else {
      }
      %add3A_118 = arith.constant 2 : i32
      %add3A_119 = arith.addi %add3A_112, %add3A_118 : i32
      %lt3A_120 = arith.constant 64 : i32
      %lt3A_121 = arith.cmpi slt, %add3A_119, %lt3A_120 : i32
      %convert_element_type3A_122 = arith.extui %lt3A_121 : i1 to i32
      %cond3A_123 = arith.constant 0 : i32
      %cond3A_124 = arith.cmpi ne, %convert_element_type3A_122, %cond3A_123 : i32
      scf.if %cond3A_124 {
        %add3A_184 = arith.constant 2 : i32
        %add3A_185 = arith.addi %add3A_112, %add3A_184 : i32
        %mul3A_186 = arith.constant 8 : i32
        %mul3A_187 = arith.muli %add3A_185, %mul3A_186 : i32
        %multiple_of3A_188 = tpu.assume_multiple %mul3A_187, 8 : i32
        %dma_start3A_189 = tpu.memref_slice %arg7[%multiple_of3A_188] : memref<512xi32, #tpu.memory_space<vmem>> -> memref<8xi32, #tpu.memory_space<vmem>>
        %dma_start3A_190 = arith.constant 0 : i32
        %dma_start3A_191 = arith.constant 0 : i32
        %dma_start3A_192 = tpu.memref_slice %arg4[%dma_start3A_190, %dma_start3A_191] : memref<4096x1024xf32, #tpu.memory_space<hbm>> -> memref<4096x1024xf32, #tpu.memory_space<hbm>>
        tpu.enqueue_indirect_dma source(%dma_start3A_192 : memref<4096x1024xf32, #tpu.memory_space<hbm>>) target(%arg9 : memref<8x1024xf32, #tpu.memory_space<vmem>>) offsets(%dma_start3A_189 : memref<8xi32, #tpu.memory_space<vmem>>) semaphore(%arg17 : memref<!tpu.dma_semaphore, #tpu.memory_space<semaphore_mem>>)
        %dma_start3A_193 = tpu.memref_slice %arg8[%multiple_of3A_188] : memref<512xi32, #tpu.memory_space<vmem>> -> memref<8xi32, #tpu.memory_space<vmem>>
        %dma_start3A_194 = arith.constant 0 : i32
        %dma_start3A_195 = arith.constant 0 : i32
        %dma_start3A_196 = tpu.memref_slice %arg5[%dma_start3A_194, %dma_start3A_195] : memref<4096x1024xf32, #tpu.memory_space<hbm>> -> memref<4096x1024xf32, #tpu.memory_space<hbm>>
        tpu.enqueue_indirect_dma source(%dma_start3A_196 : memref<4096x1024xf32, #tpu.memory_space<hbm>>) target(%arg13 : memref<8x1024xf32, #tpu.memory_space<vmem>>) offsets(%dma_start3A_193 : memref<8xi32, #tpu.memory_space<vmem>>) semaphore(%arg17 : memref<!tpu.dma_semaphore, #tpu.memory_space<semaphore_mem>>)
      } else {
      }
      %dma_wait3A_125 = arith.constant 0 : i32
      %dma_wait3A_126 = tpu.memref_slice %arg7[%dma_wait3A_125] : memref<512xi32, #tpu.memory_space<vmem>> -> memref<8xi32, #tpu.memory_space<vmem>>
      %dma_wait3A_127 = arith.constant 0 : i32
      %dma_wait3A_128 = arith.constant 0 : i32
      %dma_wait3A_129 = tpu.memref_slice %arg4[%dma_wait3A_127, %dma_wait3A_128] : memref<4096x1024xf32, #tpu.memory_space<hbm>> -> memref<4096x1024xf32, #tpu.memory_space<hbm>>
      tpu.wait_indirect_dma semaphore(%arg19 : memref<!tpu.dma_semaphore, #tpu.memory_space<semaphore_mem>>) src(%dma_wait3A_129 : memref<4096x1024xf32, #tpu.memory_space<hbm>>) dst(%arg11 : memref<8x1024xf32, #tpu.memory_space<vmem>>)
      %dma_wait3A_130 = arith.constant 0 : i32
      %dma_wait3A_131 = tpu.memref_slice %arg8[%dma_wait3A_130] : memref<512xi32, #tpu.memory_space<vmem>> -> memref<8xi32, #tpu.memory_space<vmem>>
      %dma_wait3A_132 = arith.constant 0 : i32
      %dma_wait3A_133 = arith.constant 0 : i32
      %dma_wait3A_134 = tpu.memref_slice %arg5[%dma_wait3A_132, %dma_wait3A_133] : memref<4096x1024xf32, #tpu.memory_space<hbm>> -> memref<4096x1024xf32, #tpu.memory_space<hbm>>
      tpu.wait_indirect_dma semaphore(%arg19 : memref<!tpu.dma_semaphore, #tpu.memory_space<semaphore_mem>>) src(%dma_wait3A_134 : memref<4096x1024xf32, #tpu.memory_space<hbm>>) dst(%arg15 : memref<8x1024xf32, #tpu.memory_space<vmem>>)
      %parallel_loop3A_135 = arith.constant 0 : i32
      %parallel_loop3A_136 = arith.constant 8 : i32
      %parallel_loop3A_137 = arith.constant 1 : i32
      scf.for %parallel_loop3A_184 = %parallel_loop3A_135 to %parallel_loop3A_136 step %parallel_loop3A_137  : i32 {
        %parallel_loop3A_185 = arith.index_cast %parallel_loop3A_184 : i32 to index
        %parallel_loop3A_186 = arith.constant 0 : index
        %parallel_loop3A_187 = tpu.vector_load %arg15[%parallel_loop3A_185, %parallel_loop3A_186] {strides = array<i32>} : memref<8x1024xf32, #tpu.memory_space<vmem>>, vector<1x16xf32>,
        %parallel_loop3A_188 = vector.shape_cast %parallel_loop3A_187 : vector<1x16xf32> to vector<16xf32>
        %parallel_loop3A_189 = arith.index_cast %parallel_loop3A_184 : i32 to index
        %parallel_loop3A_190 = arith.constant 0 : index
        %parallel_loop3A_191 = tpu.vector_load %arg11[%parallel_loop3A_189, %parallel_loop3A_190] {strides = array<i32>} : memref<8x1024xf32, #tpu.memory_space<vmem>>, vector<1x16xf32>,
        %parallel_loop3A_192 = vector.shape_cast %parallel_loop3A_191 : vector<1x16xf32> to vector<16xf32>
        %parallel_loop3A_193 = vector.shape_cast %parallel_loop3A_188 : vector<16xf32> to vector<1x16xf32>
        tpu.vector_store %arg11[%parallel_loop3A_189, %parallel_loop3A_190], %parallel_loop3A_193 {add = true, strides = array<i32>} : memref<8x1024xf32, #tpu.memory_space<vmem>>, vector<1x16xf32>,
        %parallel_loop3A_194 = arith.index_cast %parallel_loop3A_184 : i32 to index
        %parallel_loop3A_195 = arith.constant 16 : index
        %parallel_loop3A_196 = tpu.vector_load %arg15[%parallel_loop3A_194, %parallel_loop3A_195] {strides = array<i32>} : memref<8x1024xf32, #tpu.memory_space<vmem>>, vector<1x16xf32>,
        %parallel_loop3A_197 = vector.shape_cast %parallel_loop3A_196 : vector<1x16xf32> to vector<16xf32>
        %parallel_loop3A_198 = arith.index_cast %parallel_loop3A_184 : i32 to index
        %parallel_loop3A_199 = arith.constant 16 : index
        %parallel_loop3A_200 = tpu.vector_load %arg11[%parallel_loop3A_198, %parallel_loop3A_199] {strides = array<i32>} : memref<8x1024xf32, #tpu.memory_space<vmem>>, vector<1x16xf32>,
        %parallel_loop3A_201 = vector.shape_cast %parallel_loop3A_200 : vector<1x16xf32> to vector<16xf32>
        %parallel_loop3A_202 = vector.shape_cast %parallel_loop3A_197 : vector<16xf32> to vector<1x16xf32>
        tpu.vector_store %arg11[%parallel_loop3A_198, %parallel_loop3A_199], %parallel_loop3A_202 {add = true, strides = array<i32>} : memref<8x1024xf32, #tpu.memory_space<vmem>>, vector<1x16xf32>,
        %parallel_loop3A_203 = arith.index_cast %parallel_loop3A_184 : i32 to index
        %parallel_loop3A_204 = arith.constant 32 : index
        %parallel_loop3A_205 = tpu.vector_load %arg15[%parallel_loop3A_203, %parallel_loop3A_204] {strides = array<i32>} : memref<8x1024xf32, #tpu.memory_space<vmem>>, vector<1x16xf32>,
        %parallel_loop3A_206 = vector.shape_cast %parallel_loop3A_205 : vector<1x16xf32> to vector<16xf32>
        %parallel_loop3A_207 = arith.index_cast %parallel_loop3A_184 : i32 to index
        %parallel_loop3A_208 = arith.constant 32 : index
        %parallel_loop3A_209 = tpu.vector_load %arg11[%parallel_loop3A_207, %parallel_loop3A_208] {strides = array<i32>} : memref<8x1024xf32, #tpu.memory_space<vmem>>, vector<1x16xf32>,
        %parallel_loop3A_210 = vector.shape_cast %parallel_loop3A_209 : vector<1x16xf32> to vector<16xf32>
        %parallel_loop3A_211 = vector.shape_cast %parallel_loop3A_206 : vector<16xf32> to vector<1x16xf32>
        tpu.vector_store %arg11[%parallel_loop3A_207, %parallel_loop3A_208], %parallel_loop3A_211 {add = true, strides = array<i32>} : memref<8x1024xf32, #tpu.memory_space<vmem>>, vector<1x16xf32>,
        %parallel_loop3A_212 = arith.index_cast %parallel_loop3A_184 : i32 to index
        %parallel_loop3A_213 = arith.constant 48 : index
        %parallel_loop3A_214 = tpu.vector_load %arg15[%parallel_loop3A_212, %parallel_loop3A_213] {strides = array<i32>} : memref<8x1024xf32, #tpu.memory_space<vmem>>, vector<1x16xf32>,
        %parallel_loop3A_215 = vector.shape_cast %parallel_loop3A_214 : vector<1x16xf32> to vector<16xf32>
        %parallel_loop3A_216 = arith.index_cast %parallel_loop3A_184 : i32 to index
        %parallel_loop3A_217 = arith.constant 48 : index
        %parallel_loop3A_218 = tpu.vector_load %arg11[%parallel_loop3A_216, %parallel_loop3A_217] {strides = array<i32>} : memref<8x1024xf32, #tpu.memory_space<vmem>>, vector<1x16xf32>,
        %parallel_loop3A_219 = vector.shape_cast %parallel_loop3A_218 : vector<1x16xf32> to vector<16xf32>
        %parallel_loop3A_220 = vector.shape_cast %parallel_loop3A_215 : vector<16xf32> to vector<1x16xf32>
        tpu.vector_store %arg11[%parallel_loop3A_216, %parallel_loop3A_217], %parallel_loop3A_220 {add = true, strides = array<i32>} : memref<8x1024xf32, #tpu.memory_space<vmem>>, vector<1x16xf32>,
        %parallel_loop3A_221 = arith.index_cast %parallel_loop3A_184 : i32 to index
        %parallel_loop3A_222 = arith.constant 64 : index
        %parallel_loop3A_223 = tpu.vector_load %arg15[%parallel_loop3A_221, %parallel_loop3A_222] {strides = array<i32>} : memref<8x1024xf32, #tpu.memory_space<vmem>>, vector<1x16xf32>,
        %parallel_loop3A_224 = vector.shape_cast %parallel_loop3A_223 : vector<1x16xf32> to vector<16xf32>
        %parallel_loop3A_225 = arith.index_cast %parallel_loop3A_184 : i32 to index
        %parallel_loop3A_226 = arith.constant 64 : index
        %parallel_loop3A_227 = tpu.vector_load %arg11[%parallel_loop3A_225, %parallel_loop3A_226] {strides = array<i32>} : memref<8x1024xf32, #tpu.memory_space<vmem>>, vector<1x16xf32>,
        %parallel_loop3A_228 = vector.shape_cast %parallel_loop3A_227 : vector<1x16xf32> to vector<16xf32>
        %parallel_loop3A_229 = vector.shape_cast %parallel_loop3A_224 : vector<16xf32> to vector<1x16xf32>
        tpu.vector_store %arg11[%parallel_loop3A_225, %parallel_loop3A_226], %parallel_loop3A_229 {add = true, strides = array<i32>} : memref<8x1024xf32, #tpu.memory_space<vmem>>, vector<1x16xf32>,
        %parallel_loop3A_230 = arith.index_cast %parallel_loop3A_184 : i32 to index
        %parallel_loop3A_231 = arith.constant 80 : index
        %parallel_loop3A_232 = tpu.vector_load %arg15[%parallel_loop3A_230, %parallel_loop3A_231] {strides = array<i32>} : memref<8x1024xf32, #tpu.memory_space<vmem>>, vector<1x16xf32>,
        %parallel_loop3A_233 = vector.shape_cast %parallel_loop3A_232 : vector<1x16xf32> to vector<16xf32>
        %parallel_loop3A_234 = arith.index_cast %parallel_loop3A_184 : i32 to index
        %parallel_loop3A_235 = arith.constant 80 : index
        %parallel_loop3A_236 = tpu.vector_load %arg11[%parallel_loop3A_234, %parallel_loop3A_235] {strides = array<i32>} : memref<8x1024xf32, #tpu.memory_space<vmem>>, vector<1x16xf32>,
        %parallel_loop3A_237 = vector.shape_cast %parallel_loop3A_236 : vector<1x16xf32> to vector<16xf32>
        %parallel_loop3A_238 = vector.shape_cast %parallel_loop3A_233 : vector<16xf32> to vector<1x16xf32>
        tpu.vector_store %arg11[%parallel_loop3A_234, %parallel_loop3A_235], %parallel_loop3A_238 {add = true, strides = array<i32>} : memref<8x1024xf32, #tpu.memory_space<vmem>>, vector<1x16xf32>,
        %parallel_loop3A_239 = arith.index_cast %parallel_loop3A_184 : i32 to index
        %parallel_loop3A_240 = arith.constant 96 : index
        %parallel_loop3A_241 = tpu.vector_load %arg15[%parallel_loop3A_239, %parallel_loop3A_240] {strides = array<i32>} : memref<8x1024xf32, #tpu.memory_space<vmem>>, vector<1x16xf32>,
        %parallel_loop3A_242 = vector.shape_cast %parallel_loop3A_241 : vector<1x16xf32> to vector<16xf32>
        %parallel_loop3A_243 = arith.index_cast %parallel_loop3A_184 : i32 to index
        %parallel_loop3A_244 = arith.constant 96 : index
        %parallel_loop3A_245 = tpu.vector_load %arg11[%parallel_loop3A_243, %parallel_loop3A_244] {strides = array<i32>} : memref<8x1024xf32, #tpu.memory_space<vmem>>, vector<1x16xf32>,
        %parallel_loop3A_246 = vector.shape_cast %parallel_loop3A_245 : vector<1x16xf32> to vector<16xf32>
        %parallel_loop3A_247 = vector.shape_cast %parallel_loop3A_242 : vector<16xf32> to vector<1x16xf32>
        tpu.vector_store %arg11[%parallel_loop3A_243, %parallel_loop3A_244], %parallel_loop3A_247 {add = true, strides = array<i32>} : memref<8x1024xf32, #tpu.memory_space<vmem>>, vector<1x16xf32>,
        %parallel_loop3A_248 = arith.index_cast %parallel_loop3A_184 : i32 to index
        %parallel_loop3A_249 = arith.constant 112 : index
        %parallel_loop3A_250 = tpu.vector_load %arg15[%parallel_loop3A_248, %parallel_loop3A_249] {strides = array<i32>} : memref<8x1024xf32, #tpu.memory_space<vmem>>, vector<1x16xf32>,
        %parallel_loop3A_251 = vector.shape_cast %parallel_loop3A_250 : vector<1x16xf32> to vector<16xf32>
        %parallel_loop3A_252 = arith.index_cast %parallel_loop3A_184 : i32 to index
        %parallel_loop3A_253 = arith.constant 112 : index
        %parallel_loop3A_254 = tpu.vector_load %arg11[%parallel_loop3A_252, %parallel_loop3A_253] {strides = array<i32>} : memref<8x1024xf32, #tpu.memory_space<vmem>>, vector<1x16xf32>,
        %parallel_loop3A_255 = vector.shape_cast %parallel_loop3A_254 : vector<1x16xf32> to vector<16xf32>
        %parallel_loop3A_256 = vector.shape_cast %parallel_loop3A_251 : vector<16xf32> to vector<1x16xf32>
        tpu.vector_store %arg11[%parallel_loop3A_252, %parallel_loop3A_253], %parallel_loop3A_256 {add = true, strides = array<i32>} : memref<8x1024xf32, #tpu.memory_space<vmem>>, vector<1x16xf32>,
        %parallel_loop3A_257 = arith.index_cast %parallel_loop3A_184 : i32 to index
        %parallel_loop3A_258 = arith.constant 128 : index
        %parallel_loop3A_259 = tpu.vector_load %arg15[%parallel_loop3A_257, %parallel_loop3A_258] {strides = array<i32>} : memref<8x1024xf32, #tpu.memory_space<vmem>>, vector<1x16xf32>,
        %parallel_loop3A_260 = vector.shape_cast %parallel_loop3A_259 : vector<1x16xf32> to vector<16xf32>
        %parallel_loop3A_261 = arith.index_cast %parallel_loop3A_184 : i32 to index
        %parallel_loop3A_262 = arith.constant 128 : index
        %parallel_loop3A_263 = tpu.vector_load %arg11[%parallel_loop3A_261, %parallel_loop3A_262] {strides = array<i32>} : memref<8x1024xf32, #tpu.memory_space<vmem>>, vector<1x16xf32>,
        %parallel_loop3A_264 = vector.shape_cast %parallel_loop3A_263 : vector<1x16xf32> to vector<16xf32>
        %parallel_loop3A_265 = vector.shape_cast %parallel_loop3A_260 : vector<16xf32> to vector<1x16xf32>
        tpu.vector_store %arg11[%parallel_loop3A_261, %parallel_loop3A_262], %parallel_loop3A_265 {add = true, strides = array<i32>} : memref<8x1024xf32, #tpu.memory_space<vmem>>, vector<1x16xf32>,
        %parallel_loop3A_266 = arith.index_cast %parallel_loop3A_184 : i32 to index
        %parallel_loop3A_267 = arith.constant 144 : index
        %parallel_loop3A_268 = tpu.vector_load %arg15[%parallel_loop3A_266, %parallel_loop3A_267] {strides = array<i32>} : memref<8x1024xf32, #tpu.memory_space<vmem>>, vector<1x16xf32>,
        %parallel_loop3A_269 = vector.shape_cast %parallel_loop3A_268 : vector<1x16xf32> to vector<16xf32>
        %parallel_loop3A_270 = arith.index_cast %parallel_loop3A_184 : i32 to index
        %parallel_loop3A_271 = arith.constant 144 : index
        %parallel_loop3A_272 = tpu.vector_load %arg11[%parallel_loop3A_270, %parallel_loop3A_271] {strides = array<i32>} : memref<8x1024xf32, #tpu.memory_space<vmem>>, vector<1x16xf32>,
        %parallel_loop3A_273 = vector.shape_cast %parallel_loop3A_272 : vector<1x16xf32> to vector<16xf32>
        %parallel_loop3A_274 = vector.shape_cast %parallel_loop3A_269 : vector<16xf32> to vector<1x16xf32>
        tpu.vector_store %arg11[%parallel_loop3A_270, %parallel_loop3A_271], %parallel_loop3A_274 {add = true, strides = array<i32>} : memref<8x1024xf32, #tpu.memory_space<vmem>>, vector<1x16xf32>,
        %parallel_loop3A_275 = arith.index_cast %parallel_loop3A_184 : i32 to index
        %parallel_loop3A_276 = arith.constant 160 : index
        %parallel_loop3A_277 = tpu.vector_load %arg15[%parallel_loop3A_275, %parallel_loop3A_276] {strides = array<i32>} : memref<8x1024xf32, #tpu.memory_space<vmem>>, vector<1x16xf32>,
        %parallel_loop3A_278 = vector.shape_cast %parallel_loop3A_277 : vector<1x16xf32> to vector<16xf32>
        %parallel_loop3A_279 = arith.index_cast %parallel_loop3A_184 : i32 to index
        %parallel_loop3A_280 = arith.constant 160 : index
        %parallel_loop3A_281 = tpu.vector_load %arg11[%parallel_loop3A_279, %parallel_loop3A_280] {strides = array<i32>} : memref<8x1024xf32, #tpu.memory_space<vmem>>, vector<1x16xf32>,
        %parallel_loop3A_282 = vector.shape_cast %parallel_loop3A_281 : vector<1x16xf32> to vector<16xf32>
        %parallel_loop3A_283 = vector.shape_cast %parallel_loop3A_278 : vector<16xf32> to vector<1x16xf32>
        tpu.vector_store %arg11[%parallel_loop3A_279, %parallel_loop3A_280], %parallel_loop3A_283 {add = true, strides = array<i32>} : memref<8x1024xf32, #tpu.memory_space<vmem>>, vector<1x16xf32>,
        %parallel_loop3A_284 = arith.index_cast %parallel_loop3A_184 : i32 to index
        %parallel_loop3A_285 = arith.constant 176 : index
        %parallel_loop3A_286 = tpu.vector_load %arg15[%parallel_loop3A_284, %parallel_loop3A_285] {strides = array<i32>} : memref<8x1024xf32, #tpu.memory_space<vmem>>, vector<1x16xf32>,
        %parallel_loop3A_287 = vector.shape_cast %parallel_loop3A_286 : vector<1x16xf32> to vector<16xf32>
        %parallel_loop3A_288 = arith.index_cast %parallel_loop3A_184 : i32 to index
        %parallel_loop3A_289 = arith.constant 176 : index
        %parallel_loop3A_290 = tpu.vector_load %arg11[%parallel_loop3A_288, %parallel_loop3A_289] {strides = array<i32>} : memref<8x1024xf32, #tpu.memory_space<vmem>>, vector<1x16xf32>,
        %parallel_loop3A_291 = vector.shape_cast %parallel_loop3A_290 : vector<1x16xf32> to vector<16xf32>
        %parallel_loop3A_292 = vector.shape_cast %parallel_loop3A_287 : vector<16xf32> to vector<1x16xf32>
        tpu.vector_store %arg11[%parallel_loop3A_288, %parallel_loop3A_289], %parallel_loop3A_292 {add = true, strides = array<i32>} : memref<8x1024xf32, #tpu.memory_space<vmem>>, vector<1x16xf32>,
        %parallel_loop3A_293 = arith.index_cast %parallel_loop3A_184 : i32 to index
        %parallel_loop3A_294 = arith.constant 192 : index
        %parallel_loop3A_295 = tpu.vector_load %arg15[%parallel_loop3A_293, %parallel_loop3A_294] {strides = array<i32>} : memref<8x1024xf32, #tpu.memory_space<vmem>>, vector<1x16xf32>,
        %parallel_loop3A_296 = vector.shape_cast %parallel_loop3A_295 : vector<1x16xf32> to vector<16xf32>
        %parallel_loop3A_297 = arith.index_cast %parallel_loop3A_184 : i32 to index
        %parallel_loop3A_298 = arith.constant 192 : index
        %parallel_loop3A_299 = tpu.vector_load %arg11[%parallel_loop3A_297, %parallel_loop3A_298] {strides = array<i32>} : memref<8x1024xf32, #tpu.memory_space<vmem>>, vector<1x16xf32>,
        %parallel_loop3A_300 = vector.shape_cast %parallel_loop3A_299 : vector<1x16xf32> to vector<16xf32>
        %parallel_loop3A_301 = vector.shape_cast %parallel_loop3A_296 : vector<16xf32> to vector<1x16xf32>
        tpu.vector_store %arg11[%parallel_loop3A_297, %parallel_loop3A_298], %parallel_loop3A_301 {add = true, strides = array<i32>} : memref<8x1024xf32, #tpu.memory_space<vmem>>, vector<1x16xf32>,
        %parallel_loop3A_302 = arith.index_cast %parallel_loop3A_184 : i32 to index
        %parallel_loop3A_303 = arith.constant 208 : index
        %parallel_loop3A_304 = tpu.vector_load %arg15[%parallel_loop3A_302, %parallel_loop3A_303] {strides = array<i32>} : memref<8x1024xf32, #tpu.memory_space<vmem>>, vector<1x16xf32>,
        %parallel_loop3A_305 = vector.shape_cast %parallel_loop3A_304 : vector<1x16xf32> to vector<16xf32>
        %parallel_loop3A_306 = arith.index_cast %parallel_loop3A_184 : i32 to index
        %parallel_loop3A_307 = arith.constant 208 : index
        %parallel_loop3A_308 = tpu.vector_load %arg11[%parallel_loop3A_306, %parallel_loop3A_307] {strides = array<i32>} : memref<8x1024xf32, #tpu.memory_space<vmem>>, vector<1x16xf32>,
        %parallel_loop3A_309 = vector.shape_cast %parallel_loop3A_308 : vector<1x16xf32> to vector<16xf32>
        %parallel_loop3A_310 = vector.shape_cast %parallel_loop3A_305 : vector<16xf32> to vector<1x16xf32>
        tpu.vector_store %arg11[%parallel_loop3A_306, %parallel_loop3A_307], %parallel_loop3A_310 {add = true, strides = array<i32>} : memref<8x1024xf32, #tpu.memory_space<vmem>>, vector<1x16xf32>,
        %parallel_loop3A_311 = arith.index_cast %parallel_loop3A_184 : i32 to index
        %parallel_loop3A_312 = arith.constant 224 : index
        %parallel_loop3A_313 = tpu.vector_load %arg15[%parallel_loop3A_311, %parallel_loop3A_312] {strides = array<i32>} : memref<8x1024xf32, #tpu.memory_space<vmem>>, vector<1x16xf32>,
        %parallel_loop3A_314 = vector.shape_cast %parallel_loop3A_313 : vector<1x16xf32> to vector<16xf32>
        %parallel_loop3A_315 = arith.index_cast %parallel_loop3A_184 : i32 to index
        %parallel_loop3A_316 = arith.constant 224 : index
        %parallel_loop3A_317 = tpu.vector_load %arg11[%parallel_loop3A_315, %parallel_loop3A_316] {strides = array<i32>} : memref<8x1024xf32, #tpu.memory_space<vmem>>, vector<1x16xf32>,
        %parallel_loop3A_318 = vector.shape_cast %parallel_loop3A_317 : vector<1x16xf32> to vector<16xf32>
        %parallel_loop3A_319 = vector.shape_cast %parallel_loop3A_314 : vector<16xf32> to vector<1x16xf32>
        tpu.vector_store %arg11[%parallel_loop3A_315, %parallel_loop3A_316], %parallel_loop3A_319 {add = true, strides = array<i32>} : memref<8x1024xf32, #tpu.memory_space<vmem>>, vector<1x16xf32>,
        %parallel_loop3A_320 = arith.index_cast %parallel_loop3A_184 : i32 to index
        %parallel_loop3A_321 = arith.constant 240 : index
        %parallel_loop3A_322 = tpu.vector_load %arg15[%parallel_loop3A_320, %parallel_loop3A_321] {strides = array<i32>} : memref<8x1024xf32, #tpu.memory_space<vmem>>, vector<1x16xf32>,
        %parallel_loop3A_323 = vector.shape_cast %parallel_loop3A_322 : vector<1x16xf32> to vector<16xf32>
        %parallel_loop3A_324 = arith.index_cast %parallel_loop3A_184 : i32 to index
        %parallel_loop3A_325 = arith.constant 240 : index
        %parallel_loop3A_326 = tpu.vector_load %arg11[%parallel_loop3A_324, %parallel_loop3A_325] {strides = array<i32>} : memref<8x1024xf32, #tpu.memory_space<vmem>>, vector<1x16xf32>,
        %parallel_loop3A_327 = vector.shape_cast %parallel_loop3A_326 : vector<1x16xf32> to vector<16xf32>
        %parallel_loop3A_328 = vector.shape_cast %parallel_loop3A_323 : vector<16xf32> to vector<1x16xf32>
        tpu.vector_store %arg11[%parallel_loop3A_324, %parallel_loop3A_325], %parallel_loop3A_328 {add = true, strides = array<i32>} : memref<8x1024xf32, #tpu.memory_space<vmem>>, vector<1x16xf32>,
        %parallel_loop3A_329 = arith.index_cast %parallel_loop3A_184 : i32 to index
        %parallel_loop3A_330 = arith.constant 256 : index
        %parallel_loop3A_331 = tpu.vector_load %arg15[%parallel_loop3A_329, %parallel_loop3A_330] {strides = array<i32>} : memref<8x1024xf32, #tpu.memory_space<vmem>>, vector<1x16xf32>,
        %parallel_loop3A_332 = vector.shape_cast %parallel_loop3A_331 : vector<1x16xf32> to vector<16xf32>
        %parallel_loop3A_333 = arith.index_cast %parallel_loop3A_184 : i32 to index
        %parallel_loop3A_334 = arith.constant 256 : index
        %parallel_loop3A_335 = tpu.vector_load %arg11[%parallel_loop3A_333, %parallel_loop3A_334] {strides = array<i32>} : memref<8x1024xf32, #tpu.memory_space<vmem>>, vector<1x16xf32>,
        %parallel_loop3A_336 = vector.shape_cast %parallel_loop3A_335 : vector<1x16xf32> to vector<16xf32>
        %parallel_loop3A_337 = vector.shape_cast %parallel_loop3A_332 : vector<16xf32> to vector<1x16xf32>
        tpu.vector_store %arg11[%parallel_loop3A_333, %parallel_loop3A_334], %parallel_loop3A_337 {add = true, strides = array<i32>} : memref<8x1024xf32, #tpu.memory_space<vmem>>, vector<1x16xf32>,
        %parallel_loop3A_338 = arith.index_cast %parallel_loop3A_184 : i32 to index
        %parallel_loop3A_339 = arith.constant 272 : index
        %parallel_loop3A_340 = tpu.vector_load %arg15[%parallel_loop3A_338, %parallel_loop3A_339] {strides = array<i32>} : memref<8x1024xf32, #tpu.memory_space<vmem>>, vector<1x16xf32>,
        %parallel_loop3A_341 = vector.shape_cast %parallel_loop3A_340 : vector<1x16xf32> to vector<16xf32>
        %parallel_loop3A_342 = arith.index_cast %parallel_loop3A_184 : i32 to index
        %parallel_loop3A_343 = arith.constant 272 : index
        %parallel_loop3A_344 = tpu.vector_load %arg11[%parallel_loop3A_342, %parallel_loop3A_343] {strides = array<i32>} : memref<8x1024xf32, #tpu.memory_space<vmem>>, vector<1x16xf32>,
        %parallel_loop3A_345 = vector.shape_cast %parallel_loop3A_344 : vector<1x16xf32> to vector<16xf32>
        %parallel_loop3A_346 = vector.shape_cast %parallel_loop3A_341 : vector<16xf32> to vector<1x16xf32>
        tpu.vector_store %arg11[%parallel_loop3A_342, %parallel_loop3A_343], %parallel_loop3A_346 {add = true, strides = array<i32>} : memref<8x1024xf32, #tpu.memory_space<vmem>>, vector<1x16xf32>,
        %parallel_loop3A_347 = arith.index_cast %parallel_loop3A_184 : i32 to index
        %parallel_loop3A_348 = arith.constant 288 : index
        %parallel_loop3A_349 = tpu.vector_load %arg15[%parallel_loop3A_347, %parallel_loop3A_348] {strides = array<i32>} : memref<8x1024xf32, #tpu.memory_space<vmem>>, vector<1x16xf32>,
        %parallel_loop3A_350 = vector.shape_cast %parallel_loop3A_349 : vector<1x16xf32> to vector<16xf32>
        %parallel_loop3A_351 = arith.index_cast %parallel_loop3A_184 : i32 to index
        %parallel_loop3A_352 = arith.constant 288 : index
        %parallel_loop3A_353 = tpu.vector_load %arg11[%parallel_loop3A_351, %parallel_loop3A_352] {strides = array<i32>} : memref<8x1024xf32, #tpu.memory_space<vmem>>, vector<1x16xf32>,
        %parallel_loop3A_354 = vector.shape_cast %parallel_loop3A_353 : vector<1x16xf32> to vector<16xf32>
        %parallel_loop3A_355 = vector.shape_cast %parallel_loop3A_350 : vector<16xf32> to vector<1x16xf32>
        tpu.vector_store %arg11[%parallel_loop3A_351, %parallel_loop3A_352], %parallel_loop3A_355 {add = true, strides = array<i32>} : memref<8x1024xf32, #tpu.memory_space<vmem>>, vector<1x16xf32>,
        %parallel_loop3A_356 = arith.index_cast %parallel_loop3A_184 : i32 to index
        %parallel_loop3A_357 = arith.constant 304 : index
        %parallel_loop3A_358 = tpu.vector_load %arg15[%parallel_loop3A_356, %parallel_loop3A_357] {strides = array<i32>} : memref<8x1024xf32, #tpu.memory_space<vmem>>, vector<1x16xf32>,
        %parallel_loop3A_359 = vector.shape_cast %parallel_loop3A_358 : vector<1x16xf32> to vector<16xf32>
        %parallel_loop3A_360 = arith.index_cast %parallel_loop3A_184 : i32 to index
        %parallel_loop3A_361 = arith.constant 304 : index
        %parallel_loop3A_362 = tpu.vector_load %arg11[%parallel_loop3A_360, %parallel_loop3A_361] {strides = array<i32>} : memref<8x1024xf32, #tpu.memory_space<vmem>>, vector<1x16xf32>,
        %parallel_loop3A_363 = vector.shape_cast %parallel_loop3A_362 : vector<1x16xf32> to vector<16xf32>
        %parallel_loop3A_364 = vector.shape_cast %parallel_loop3A_359 : vector<16xf32> to vector<1x16xf32>
        tpu.vector_store %arg11[%parallel_loop3A_360, %parallel_loop3A_361], %parallel_loop3A_364 {add = true, strides = array<i32>} : memref<8x1024xf32, #tpu.memory_space<vmem>>, vector<1x16xf32>,
        %parallel_loop3A_365 = arith.index_cast %parallel_loop3A_184 : i32 to index
        %parallel_loop3A_366 = arith.constant 320 : index
        %parallel_loop3A_367 = tpu.vector_load %arg15[%parallel_loop3A_365, %parallel_loop3A_366] {strides = array<i32>} : memref<8x1024xf32, #tpu.memory_space<vmem>>, vector<1x16xf32>,
        %parallel_loop3A_368 = vector.shape_cast %parallel_loop3A_367 : vector<1x16xf32> to vector<16xf32>
        %parallel_loop3A_369 = arith.index_cast %parallel_loop3A_184 : i32 to index
        %parallel_loop3A_370 = arith.constant 320 : index
        %parallel_loop3A_371 = tpu.vector_load %arg11[%parallel_loop3A_369, %parallel_loop3A_370] {strides = array<i32>} : memref<8x1024xf32, #tpu.memory_space<vmem>>, vector<1x16xf32>,
        %parallel_loop3A_372 = vector.shape_cast %parallel_loop3A_371 : vector<1x16xf32> to vector<16xf32>
        %parallel_loop3A_373 = vector.shape_cast %parallel_loop3A_368 : vector<16xf32> to vector<1x16xf32>
        tpu.vector_store %arg11[%parallel_loop3A_369, %parallel_loop3A_370], %parallel_loop3A_373 {add = true, strides = array<i32>} : memref<8x1024xf32, #tpu.memory_space<vmem>>, vector<1x16xf32>,
        %parallel_loop3A_374 = arith.index_cast %parallel_loop3A_184 : i32 to index
        %parallel_loop3A_375 = arith.constant 336 : index
        %parallel_loop3A_376 = tpu.vector_load %arg15[%parallel_loop3A_374, %parallel_loop3A_375] {strides = array<i32>} : memref<8x1024xf32, #tpu.memory_space<vmem>>, vector<1x16xf32>,
        %parallel_loop3A_377 = vector.shape_cast %parallel_loop3A_376 : vector<1x16xf32> to vector<16xf32>
        %parallel_loop3A_378 = arith.index_cast %parallel_loop3A_184 : i32 to index
        %parallel_loop3A_379 = arith.constant 336 : index
        %parallel_loop3A_380 = tpu.vector_load %arg11[%parallel_loop3A_378, %parallel_loop3A_379] {strides = array<i32>} : memref<8x1024xf32, #tpu.memory_space<vmem>>, vector<1x16xf32>,
        %parallel_loop3A_381 = vector.shape_cast %parallel_loop3A_380 : vector<1x16xf32> to vector<16xf32>
        %parallel_loop3A_382 = vector.shape_cast %parallel_loop3A_377 : vector<16xf32> to vector<1x16xf32>
        tpu.vector_store %arg11[%parallel_loop3A_378, %parallel_loop3A_379], %parallel_loop3A_382 {add = true, strides = array<i32>} : memref<8x1024xf32, #tpu.memory_space<vmem>>, vector<1x16xf32>,
        %parallel_loop3A_383 = arith.index_cast %parallel_loop3A_184 : i32 to index
        %parallel_loop3A_384 = arith.constant 352 : index
        %parallel_loop3A_385 = tpu.vector_load %arg15[%parallel_loop3A_383, %parallel_loop3A_384] {strides = array<i32>} : memref<8x1024xf32, #tpu.memory_space<vmem>>, vector<1x16xf32>,
        %parallel_loop3A_386 = vector.shape_cast %parallel_loop3A_385 : vector<1x16xf32> to vector<16xf32>
        %parallel_loop3A_387 = arith.index_cast %parallel_loop3A_184 : i32 to index
        %parallel_loop3A_388 = arith.constant 352 : index
        %parallel_loop3A_389 = tpu.vector_load %arg11[%parallel_loop3A_387, %parallel_loop3A_388] {strides = array<i32>} : memref<8x1024xf32, #tpu.memory_space<vmem>>, vector<1x16xf32>,
        %parallel_loop3A_390 = vector.shape_cast %parallel_loop3A_389 : vector<1x16xf32> to vector<16xf32>
        %parallel_loop3A_391 = vector.shape_cast %parallel_loop3A_386 : vector<16xf32> to vector<1x16xf32>
        tpu.vector_store %arg11[%parallel_loop3A_387, %parallel_loop3A_388], %parallel_loop3A_391 {add = true, strides = array<i32>} : memref<8x1024xf32, #tpu.memory_space<vmem>>, vector<1x16xf32>,
        %parallel_loop3A_392 = arith.index_cast %parallel_loop3A_184 : i32 to index
        %parallel_loop3A_393 = arith.constant 368 : index
        %parallel_loop3A_394 = tpu.vector_load %arg15[%parallel_loop3A_392, %parallel_loop3A_393] {strides = array<i32>} : memref<8x1024xf32, #tpu.memory_space<vmem>>, vector<1x16xf32>,
        %parallel_loop3A_395 = vector.shape_cast %parallel_loop3A_394 : vector<1x16xf32> to vector<16xf32>
        %parallel_loop3A_396 = arith.index_cast %parallel_loop3A_184 : i32 to index
        %parallel_loop3A_397 = arith.constant 368 : index
        %parallel_loop3A_398 = tpu.vector_load %arg11[%parallel_loop3A_396, %parallel_loop3A_397] {strides = array<i32>} : memref<8x1024xf32, #tpu.memory_space<vmem>>, vector<1x16xf32>,
        %parallel_loop3A_399 = vector.shape_cast %parallel_loop3A_398 : vector<1x16xf32> to vector<16xf32>
        %parallel_loop3A_400 = vector.shape_cast %parallel_loop3A_395 : vector<16xf32> to vector<1x16xf32>
        tpu.vector_store %arg11[%parallel_loop3A_396, %parallel_loop3A_397], %parallel_loop3A_400 {add = true, strides = array<i32>} : memref<8x1024xf32, #tpu.memory_space<vmem>>, vector<1x16xf32>,
        %parallel_loop3A_401 = arith.index_cast %parallel_loop3A_184 : i32 to index
        %parallel_loop3A_402 = arith.constant 384 : index
        %parallel_loop3A_403 = tpu.vector_load %arg15[%parallel_loop3A_401, %parallel_loop3A_402] {strides = array<i32>} : memref<8x1024xf32, #tpu.memory_space<vmem>>, vector<1x16xf32>,
        %parallel_loop3A_404 = vector.shape_cast %parallel_loop3A_403 : vector<1x16xf32> to vector<16xf32>
        %parallel_loop3A_405 = arith.index_cast %parallel_loop3A_184 : i32 to index
        %parallel_loop3A_406 = arith.constant 384 : index
        %parallel_loop3A_407 = tpu.vector_load %arg11[%parallel_loop3A_405, %parallel_loop3A_406] {strides = array<i32>} : memref<8x1024xf32, #tpu.memory_space<vmem>>, vector<1x16xf32>,
        %parallel_loop3A_408 = vector.shape_cast %parallel_loop3A_407 : vector<1x16xf32> to vector<16xf32>
        %parallel_loop3A_409 = vector.shape_cast %parallel_loop3A_404 : vector<16xf32> to vector<1x16xf32>
        tpu.vector_store %arg11[%parallel_loop3A_405, %parallel_loop3A_406], %parallel_loop3A_409 {add = true, strides = array<i32>} : memref<8x1024xf32, #tpu.memory_space<vmem>>, vector<1x16xf32>,
        %parallel_loop3A_410 = arith.index_cast %parallel_loop3A_184 : i32 to index
        %parallel_loop3A_411 = arith.constant 400 : index
        %parallel_loop3A_412 = tpu.vector_load %arg15[%parallel_loop3A_410, %parallel_loop3A_411] {strides = array<i32>} : memref<8x1024xf32, #tpu.memory_space<vmem>>, vector<1x16xf32>,
        %parallel_loop3A_413 = vector.shape_cast %parallel_loop3A_412 : vector<1x16xf32> to vector<16xf32>
        %parallel_loop3A_414 = arith.index_cast %parallel_loop3A_184 : i32 to index
        %parallel_loop3A_415 = arith.constant 400 : index
        %parallel_loop3A_416 = tpu.vector_load %arg11[%parallel_loop3A_414, %parallel_loop3A_415] {strides = array<i32>} : memref<8x1024xf32, #tpu.memory_space<vmem>>, vector<1x16xf32>,
        %parallel_loop3A_417 = vector.shape_cast %parallel_loop3A_416 : vector<1x16xf32> to vector<16xf32>
        %parallel_loop3A_418 = vector.shape_cast %parallel_loop3A_413 : vector<16xf32> to vector<1x16xf32>
        tpu.vector_store %arg11[%parallel_loop3A_414, %parallel_loop3A_415], %parallel_loop3A_418 {add = true, strides = array<i32>} : memref<8x1024xf32, #tpu.memory_space<vmem>>, vector<1x16xf32>,
        %parallel_loop3A_419 = arith.index_cast %parallel_loop3A_184 : i32 to index
        %parallel_loop3A_420 = arith.constant 416 : index
        %parallel_loop3A_421 = tpu.vector_load %arg15[%parallel_loop3A_419, %parallel_loop3A_420] {strides = array<i32>} : memref<8x1024xf32, #tpu.memory_space<vmem>>, vector<1x16xf32>,
        %parallel_loop3A_422 = vector.shape_cast %parallel_loop3A_421 : vector<1x16xf32> to vector<16xf32>
        %parallel_loop3A_423 = arith.index_cast %parallel_loop3A_184 : i32 to index
        %parallel_loop3A_424 = arith.constant 416 : index
        %parallel_loop3A_425 = tpu.vector_load %arg11[%parallel_loop3A_423, %parallel_loop3A_424] {strides = array<i32>} : memref<8x1024xf32, #tpu.memory_space<vmem>>, vector<1x16xf32>,
        %parallel_loop3A_426 = vector.shape_cast %parallel_loop3A_425 : vector<1x16xf32> to vector<16xf32>
        %parallel_loop3A_427 = vector.shape_cast %parallel_loop3A_422 : vector<16xf32> to vector<1x16xf32>
        tpu.vector_store %arg11[%parallel_loop3A_423, %parallel_loop3A_424], %parallel_loop3A_427 {add = true, strides = array<i32>} : memref<8x1024xf32, #tpu.memory_space<vmem>>, vector<1x16xf32>,
        %parallel_loop3A_428 = arith.index_cast %parallel_loop3A_184 : i32 to index
        %parallel_loop3A_429 = arith.constant 432 : index
        %parallel_loop3A_430 = tpu.vector_load %arg15[%parallel_loop3A_428, %parallel_loop3A_429] {strides = array<i32>} : memref<8x1024xf32, #tpu.memory_space<vmem>>, vector<1x16xf32>,
        %parallel_loop3A_431 = vector.shape_cast %parallel_loop3A_430 : vector<1x16xf32> to vector<16xf32>
        %parallel_loop3A_432 = arith.index_cast %parallel_loop3A_184 : i32 to index
        %parallel_loop3A_433 = arith.constant 432 : index
        %parallel_loop3A_434 = tpu.vector_load %arg11[%parallel_loop3A_432, %parallel_loop3A_433] {strides = array<i32>} : memref<8x1024xf32, #tpu.memory_space<vmem>>, vector<1x16xf32>,
        %parallel_loop3A_435 = vector.shape_cast %parallel_loop3A_434 : vector<1x16xf32> to vector<16xf32>
        %parallel_loop3A_436 = vector.shape_cast %parallel_loop3A_431 : vector<16xf32> to vector<1x16xf32>
        tpu.vector_store %arg11[%parallel_loop3A_432, %parallel_loop3A_433], %parallel_loop3A_436 {add = true, strides = array<i32>} : memref<8x1024xf32, #tpu.memory_space<vmem>>, vector<1x16xf32>,
        %parallel_loop3A_437 = arith.index_cast %parallel_loop3A_184 : i32 to index
        %parallel_loop3A_438 = arith.constant 448 : index
        %parallel_loop3A_439 = tpu.vector_load %arg15[%parallel_loop3A_437, %parallel_loop3A_438] {strides = array<i32>} : memref<8x1024xf32, #tpu.memory_space<vmem>>, vector<1x16xf32>,
        %parallel_loop3A_440 = vector.shape_cast %parallel_loop3A_439 : vector<1x16xf32> to vector<16xf32>
        %parallel_loop3A_441 = arith.index_cast %parallel_loop3A_184 : i32 to index
        %parallel_loop3A_442 = arith.constant 448 : index
        %parallel_loop3A_443 = tpu.vector_load %arg11[%parallel_loop3A_441, %parallel_loop3A_442] {strides = array<i32>} : memref<8x1024xf32, #tpu.memory_space<vmem>>, vector<1x16xf32>,
        %parallel_loop3A_444 = vector.shape_cast %parallel_loop3A_443 : vector<1x16xf32> to vector<16xf32>
        %parallel_loop3A_445 = vector.shape_cast %parallel_loop3A_440 : vector<16xf32> to vector<1x16xf32>
        tpu.vector_store %arg11[%parallel_loop3A_441, %parallel_loop3A_442], %parallel_loop3A_445 {add = true, strides = array<i32>} : memref<8x1024xf32, #tpu.memory_space<vmem>>, vector<1x16xf32>,
        %parallel_loop3A_446 = arith.index_cast %parallel_loop3A_184 : i32 to index
        %parallel_loop3A_447 = arith.constant 464 : index
        %parallel_loop3A_448 = tpu.vector_load %arg15[%parallel_loop3A_446, %parallel_loop3A_447] {strides = array<i32>} : memref<8x1024xf32, #tpu.memory_space<vmem>>, vector<1x16xf32>,
        %parallel_loop3A_449 = vector.shape_cast %parallel_loop3A_448 : vector<1x16xf32> to vector<16xf32>
        %parallel_loop3A_450 = arith.index_cast %parallel_loop3A_184 : i32 to index
        %parallel_loop3A_451 = arith.constant 464 : index
        %parallel_loop3A_452 = tpu.vector_load %arg11[%parallel_loop3A_450, %parallel_loop3A_451] {strides = array<i32>} : memref<8x1024xf32, #tpu.memory_space<vmem>>, vector<1x16xf32>,
        %parallel_loop3A_453 = vector.shape_cast %parallel_loop3A_452 : vector<1x16xf32> to vector<16xf32>
        %parallel_loop3A_454 = vector.shape_cast %parallel_loop3A_449 : vector<16xf32> to vector<1x16xf32>
        tpu.vector_store %arg11[%parallel_loop3A_450, %parallel_loop3A_451], %parallel_loop3A_454 {add = true, strides = array<i32>} : memref<8x1024xf32, #tpu.memory_space<vmem>>, vector<1x16xf32>,
        %parallel_loop3A_455 = arith.index_cast %parallel_loop3A_184 : i32 to index
        %parallel_loop3A_456 = arith.constant 480 : index
        %parallel_loop3A_457 = tpu.vector_load %arg15[%parallel_loop3A_455, %parallel_loop3A_456] {strides = array<i32>} : memref<8x1024xf32, #tpu.memory_space<vmem>>, vector<1x16xf32>,
        %parallel_loop3A_458 = vector.shape_cast %parallel_loop3A_457 : vector<1x16xf32> to vector<16xf32>
        %parallel_loop3A_459 = arith.index_cast %parallel_loop3A_184 : i32 to index
        %parallel_loop3A_460 = arith.constant 480 : index
        %parallel_loop3A_461 = tpu.vector_load %arg11[%parallel_loop3A_459, %parallel_loop3A_460] {strides = array<i32>} : memref<8x1024xf32, #tpu.memory_space<vmem>>, vector<1x16xf32>,
        %parallel_loop3A_462 = vector.shape_cast %parallel_loop3A_461 : vector<1x16xf32> to vector<16xf32>
        %parallel_loop3A_463 = vector.shape_cast %parallel_loop3A_458 : vector<16xf32> to vector<1x16xf32>
        tpu.vector_store %arg11[%parallel_loop3A_459, %parallel_loop3A_460], %parallel_loop3A_463 {add = true, strides = array<i32>} : memref<8x1024xf32, #tpu.memory_space<vmem>>, vector<1x16xf32>,
        %parallel_loop3A_464 = arith.index_cast %parallel_loop3A_184 : i32 to index
        %parallel_loop3A_465 = arith.constant 496 : index
        %parallel_loop3A_466 = tpu.vector_load %arg15[%parallel_loop3A_464, %parallel_loop3A_465] {strides = array<i32>} : memref<8x1024xf32, #tpu.memory_space<vmem>>, vector<1x16xf32>,
        %parallel_loop3A_467 = vector.shape_cast %parallel_loop3A_466 : vector<1x16xf32> to vector<16xf32>
        %parallel_loop3A_468 = arith.index_cast %parallel_loop3A_184 : i32 to index
        %parallel_loop3A_469 = arith.constant 496 : index
        %parallel_loop3A_470 = tpu.vector_load %arg11[%parallel_loop3A_468, %parallel_loop3A_469] {strides = array<i32>} : memref<8x1024xf32, #tpu.memory_space<vmem>>, vector<1x16xf32>,
        %parallel_loop3A_471 = vector.shape_cast %parallel_loop3A_470 : vector<1x16xf32> to vector<16xf32>
        %parallel_loop3A_472 = vector.shape_cast %parallel_loop3A_467 : vector<16xf32> to vector<1x16xf32>
        tpu.vector_store %arg11[%parallel_loop3A_468, %parallel_loop3A_469], %parallel_loop3A_472 {add = true, strides = array<i32>} : memref<8x1024xf32, #tpu.memory_space<vmem>>, vector<1x16xf32>,
        %parallel_loop3A_473 = arith.index_cast %parallel_loop3A_184 : i32 to index
        %parallel_loop3A_474 = arith.constant 512 : index
        %parallel_loop3A_475 = tpu.vector_load %arg15[%parallel_loop3A_473, %parallel_loop3A_474] {strides = array<i32>} : memref<8x1024xf32, #tpu.memory_space<vmem>>, vector<1x16xf32>,
        %parallel_loop3A_476 = vector.shape_cast %parallel_loop3A_475 : vector<1x16xf32> to vector<16xf32>
        %parallel_loop3A_477 = arith.index_cast %parallel_loop3A_184 : i32 to index
        %parallel_loop3A_478 = arith.constant 512 : index
        %parallel_loop3A_479 = tpu.vector_load %arg11[%parallel_loop3A_477, %parallel_loop3A_478] {strides = array<i32>} : memref<8x1024xf32, #tpu.memory_space<vmem>>, vector<1x16xf32>,
        %parallel_loop3A_480 = vector.shape_cast %parallel_loop3A_479 : vector<1x16xf32> to vector<16xf32>
        %parallel_loop3A_481 = vector.shape_cast %parallel_loop3A_476 : vector<16xf32> to vector<1x16xf32>
        tpu.vector_store %arg11[%parallel_loop3A_477, %parallel_loop3A_478], %parallel_loop3A_481 {add = true, strides = array<i32>} : memref<8x1024xf32, #tpu.memory_space<vmem>>, vector<1x16xf32>,
        %parallel_loop3A_482 = arith.index_cast %parallel_loop3A_184 : i32 to index
        %parallel_loop3A_483 = arith.constant 528 : index
        %parallel_loop3A_484 = tpu.vector_load %arg15[%parallel_loop3A_482, %parallel_loop3A_483] {strides = array<i32>} : memref<8x1024xf32, #tpu.memory_space<vmem>>, vector<1x16xf32>,
        %parallel_loop3A_485 = vector.shape_cast %parallel_loop3A_484 : vector<1x16xf32> to vector<16xf32>
        %parallel_loop3A_486 = arith.index_cast %parallel_loop3A_184 : i32 to index
        %parallel_loop3A_487 = arith.constant 528 : index
        %parallel_loop3A_488 = tpu.vector_load %arg11[%parallel_loop3A_486, %parallel_loop3A_487] {strides = array<i32>} : memref<8x1024xf32, #tpu.memory_space<vmem>>, vector<1x16xf32>,
        %parallel_loop3A_489 = vector.shape_cast %parallel_loop3A_488 : vector<1x16xf32> to vector<16xf32>
        %parallel_loop3A_490 = vector.shape_cast %parallel_loop3A_485 : vector<16xf32> to vector<1x16xf32>
        tpu.vector_store %arg11[%parallel_loop3A_486, %parallel_loop3A_487], %parallel_loop3A_490 {add = true, strides = array<i32>} : memref<8x1024xf32, #tpu.memory_space<vmem>>, vector<1x16xf32>,
        %parallel_loop3A_491 = arith.index_cast %parallel_loop3A_184 : i32 to index
        %parallel_loop3A_492 = arith.constant 544 : index
        %parallel_loop3A_493 = tpu.vector_load %arg15[%parallel_loop3A_491, %parallel_loop3A_492] {strides = array<i32>} : memref<8x1024xf32, #tpu.memory_space<vmem>>, vector<1x16xf32>,
        %parallel_loop3A_494 = vector.shape_cast %parallel_loop3A_493 : vector<1x16xf32> to vector<16xf32>
        %parallel_loop3A_495 = arith.index_cast %parallel_loop3A_184 : i32 to index
        %parallel_loop3A_496 = arith.constant 544 : index
        %parallel_loop3A_497 = tpu.vector_load %arg11[%parallel_loop3A_495, %parallel_loop3A_496] {strides = array<i32>} : memref<8x1024xf32, #tpu.memory_space<vmem>>, vector<1x16xf32>,
        %parallel_loop3A_498 = vector.shape_cast %parallel_loop3A_497 : vector<1x16xf32> to vector<16xf32>
        %parallel_loop3A_499 = vector.shape_cast %parallel_loop3A_494 : vector<16xf32> to vector<1x16xf32>
        tpu.vector_store %arg11[%parallel_loop3A_495, %parallel_loop3A_496], %parallel_loop3A_499 {add = true, strides = array<i32>} : memref<8x1024xf32, #tpu.memory_space<vmem>>, vector<1x16xf32>,
        %parallel_loop3A_500 = arith.index_cast %parallel_loop3A_184 : i32 to index
        %parallel_loop3A_501 = arith.constant 560 : index
        %parallel_loop3A_502 = tpu.vector_load %arg15[%parallel_loop3A_500, %parallel_loop3A_501] {strides = array<i32>} : memref<8x1024xf32, #tpu.memory_space<vmem>>, vector<1x16xf32>,
        %parallel_loop3A_503 = vector.shape_cast %parallel_loop3A_502 : vector<1x16xf32> to vector<16xf32>
        %parallel_loop3A_504 = arith.index_cast %parallel_loop3A_184 : i32 to index
        %parallel_loop3A_505 = arith.constant 560 : index
        %parallel_loop3A_506 = tpu.vector_load %arg11[%parallel_loop3A_504, %parallel_loop3A_505] {strides = array<i32>} : memref<8x1024xf32, #tpu.memory_space<vmem>>, vector<1x16xf32>,
        %parallel_loop3A_507 = vector.shape_cast %parallel_loop3A_506 : vector<1x16xf32> to vector<16xf32>
        %parallel_loop3A_508 = vector.shape_cast %parallel_loop3A_503 : vector<16xf32> to vector<1x16xf32>
        tpu.vector_store %arg11[%parallel_loop3A_504, %parallel_loop3A_505], %parallel_loop3A_508 {add = true, strides = array<i32>} : memref<8x1024xf32, #tpu.memory_space<vmem>>, vector<1x16xf32>,
        %parallel_loop3A_509 = arith.index_cast %parallel_loop3A_184 : i32 to index
        %parallel_loop3A_510 = arith.constant 576 : index
        %parallel_loop3A_511 = tpu.vector_load %arg15[%parallel_loop3A_509, %parallel_loop3A_510] {strides = array<i32>} : memref<8x1024xf32, #tpu.memory_space<vmem>>, vector<1x16xf32>,
        %parallel_loop3A_512 = vector.shape_cast %parallel_loop3A_511 : vector<1x16xf32> to vector<16xf32>
        %parallel_loop3A_513 = arith.index_cast %parallel_loop3A_184 : i32 to index
        %parallel_loop3A_514 = arith.constant 576 : index
        %parallel_loop3A_515 = tpu.vector_load %arg11[%parallel_loop3A_513, %parallel_loop3A_514] {strides = array<i32>} : memref<8x1024xf32, #tpu.memory_space<vmem>>, vector<1x16xf32>,
        %parallel_loop3A_516 = vector.shape_cast %parallel_loop3A_515 : vector<1x16xf32> to vector<16xf32>
        %parallel_loop3A_517 = vector.shape_cast %parallel_loop3A_512 : vector<16xf32> to vector<1x16xf32>
        tpu.vector_store %arg11[%parallel_loop3A_513, %parallel_loop3A_514], %parallel_loop3A_517 {add = true, strides = array<i32>} : memref<8x1024xf32, #tpu.memory_space<vmem>>, vector<1x16xf32>,
        %parallel_loop3A_518 = arith.index_cast %parallel_loop3A_184 : i32 to index
        %parallel_loop3A_519 = arith.constant 592 : index
        %parallel_loop3A_520 = tpu.vector_load %arg15[%parallel_loop3A_518, %parallel_loop3A_519] {strides = array<i32>} : memref<8x1024xf32, #tpu.memory_space<vmem>>, vector<1x16xf32>,
        %parallel_loop3A_521 = vector.shape_cast %parallel_loop3A_520 : vector<1x16xf32> to vector<16xf32>
        %parallel_loop3A_522 = arith.index_cast %parallel_loop3A_184 : i32 to index
        %parallel_loop3A_523 = arith.constant 592 : index
        %parallel_loop3A_524 = tpu.vector_load %arg11[%parallel_loop3A_522, %parallel_loop3A_523] {strides = array<i32>} : memref<8x1024xf32, #tpu.memory_space<vmem>>, vector<1x16xf32>,
        %parallel_loop3A_525 = vector.shape_cast %parallel_loop3A_524 : vector<1x16xf32> to vector<16xf32>
        %parallel_loop3A_526 = vector.shape_cast %parallel_loop3A_521 : vector<16xf32> to vector<1x16xf32>
        tpu.vector_store %arg11[%parallel_loop3A_522, %parallel_loop3A_523], %parallel_loop3A_526 {add = true, strides = array<i32>} : memref<8x1024xf32, #tpu.memory_space<vmem>>, vector<1x16xf32>,
        %parallel_loop3A_527 = arith.index_cast %parallel_loop3A_184 : i32 to index
        %parallel_loop3A_528 = arith.constant 608 : index
        %parallel_loop3A_529 = tpu.vector_load %arg15[%parallel_loop3A_527, %parallel_loop3A_528] {strides = array<i32>} : memref<8x1024xf32, #tpu.memory_space<vmem>>, vector<1x16xf32>,
        %parallel_loop3A_530 = vector.shape_cast %parallel_loop3A_529 : vector<1x16xf32> to vector<16xf32>
        %parallel_loop3A_531 = arith.index_cast %parallel_loop3A_184 : i32 to index
        %parallel_loop3A_532 = arith.constant 608 : index
        %parallel_loop3A_533 = tpu.vector_load %arg11[%parallel_loop3A_531, %parallel_loop3A_532] {strides = array<i32>} : memref<8x1024xf32, #tpu.memory_space<vmem>>, vector<1x16xf32>,
        %parallel_loop3A_534 = vector.shape_cast %parallel_loop3A_533 : vector<1x16xf32> to vector<16xf32>
        %parallel_loop3A_535 = vector.shape_cast %parallel_loop3A_530 : vector<16xf32> to vector<1x16xf32>
        tpu.vector_store %arg11[%parallel_loop3A_531, %parallel_loop3A_532], %parallel_loop3A_535 {add = true, strides = array<i32>} : memref<8x1024xf32, #tpu.memory_space<vmem>>, vector<1x16xf32>,
        %parallel_loop3A_536 = arith.index_cast %parallel_loop3A_184 : i32 to index
        %parallel_loop3A_537 = arith.constant 624 : index
        %parallel_loop3A_538 = tpu.vector_load %arg15[%parallel_loop3A_536, %parallel_loop3A_537] {strides = array<i32>} : memref<8x1024xf32, #tpu.memory_space<vmem>>, vector<1x16xf32>,
        %parallel_loop3A_539 = vector.shape_cast %parallel_loop3A_538 : vector<1x16xf32> to vector<16xf32>
        %parallel_loop3A_540 = arith.index_cast %parallel_loop3A_184 : i32 to index
        %parallel_loop3A_541 = arith.constant 624 : index
        %parallel_loop3A_542 = tpu.vector_load %arg11[%parallel_loop3A_540, %parallel_loop3A_541] {strides = array<i32>} : memref<8x1024xf32, #tpu.memory_space<vmem>>, vector<1x16xf32>,
        %parallel_loop3A_543 = vector.shape_cast %parallel_loop3A_542 : vector<1x16xf32> to vector<16xf32>
        %parallel_loop3A_544 = vector.shape_cast %parallel_loop3A_539 : vector<16xf32> to vector<1x16xf32>
        tpu.vector_store %arg11[%parallel_loop3A_540, %parallel_loop3A_541], %parallel_loop3A_544 {add = true, strides = array<i32>} : memref<8x1024xf32, #tpu.memory_space<vmem>>, vector<1x16xf32>,
        %parallel_loop3A_545 = arith.index_cast %parallel_loop3A_184 : i32 to index
        %parallel_loop3A_546 = arith.constant 640 : index
        %parallel_loop3A_547 = tpu.vector_load %arg15[%parallel_loop3A_545, %parallel_loop3A_546] {strides = array<i32>} : memref<8x1024xf32, #tpu.memory_space<vmem>>, vector<1x16xf32>,
        %parallel_loop3A_548 = vector.shape_cast %parallel_loop3A_547 : vector<1x16xf32> to vector<16xf32>
        %parallel_loop3A_549 = arith.index_cast %parallel_loop3A_184 : i32 to index
        %parallel_loop3A_550 = arith.constant 640 : index
        %parallel_loop3A_551 = tpu.vector_load %arg11[%parallel_loop3A_549, %parallel_loop3A_550] {strides = array<i32>} : memref<8x1024xf32, #tpu.memory_space<vmem>>, vector<1x16xf32>,
        %parallel_loop3A_552 = vector.shape_cast %parallel_loop3A_551 : vector<1x16xf32> to vector<16xf32>
        %parallel_loop3A_553 = vector.shape_cast %parallel_loop3A_548 : vector<16xf32> to vector<1x16xf32>
        tpu.vector_store %arg11[%parallel_loop3A_549, %parallel_loop3A_550], %parallel_loop3A_553 {add = true, strides = array<i32>} : memref<8x1024xf32, #tpu.memory_space<vmem>>, vector<1x16xf32>,
        %parallel_loop3A_554 = arith.index_cast %parallel_loop3A_184 : i32 to index
        %parallel_loop3A_555 = arith.constant 656 : index
        %parallel_loop3A_556 = tpu.vector_load %arg15[%parallel_loop3A_554, %parallel_loop3A_555] {strides = array<i32>} : memref<8x1024xf32, #tpu.memory_space<vmem>>, vector<1x16xf32>,
        %parallel_loop3A_557 = vector.shape_cast %parallel_loop3A_556 : vector<1x16xf32> to vector<16xf32>
        %parallel_loop3A_558 = arith.index_cast %parallel_loop3A_184 : i32 to index
        %parallel_loop3A_559 = arith.constant 656 : index
        %parallel_loop3A_560 = tpu.vector_load %arg11[%parallel_loop3A_558, %parallel_loop3A_559] {strides = array<i32>} : memref<8x1024xf32, #tpu.memory_space<vmem>>, vector<1x16xf32>,
        %parallel_loop3A_561 = vector.shape_cast %parallel_loop3A_560 : vector<1x16xf32> to vector<16xf32>
        %parallel_loop3A_562 = vector.shape_cast %parallel_loop3A_557 : vector<16xf32> to vector<1x16xf32>
        tpu.vector_store %arg11[%parallel_loop3A_558, %parallel_loop3A_559], %parallel_loop3A_562 {add = true, strides = array<i32>} : memref<8x1024xf32, #tpu.memory_space<vmem>>, vector<1x16xf32>,
        %parallel_loop3A_563 = arith.index_cast %parallel_loop3A_184 : i32 to index
        %parallel_loop3A_564 = arith.constant 672 : index
        %parallel_loop3A_565 = tpu.vector_load %arg15[%parallel_loop3A_563, %parallel_loop3A_564] {strides = array<i32>} : memref<8x1024xf32, #tpu.memory_space<vmem>>, vector<1x16xf32>,
        %parallel_loop3A_566 = vector.shape_cast %parallel_loop3A_565 : vector<1x16xf32> to vector<16xf32>
        %parallel_loop3A_567 = arith.index_cast %parallel_loop3A_184 : i32 to index
        %parallel_loop3A_568 = arith.constant 672 : index
        %parallel_loop3A_569 = tpu.vector_load %arg11[%parallel_loop3A_567, %parallel_loop3A_568] {strides = array<i32>} : memref<8x1024xf32, #tpu.memory_space<vmem>>, vector<1x16xf32>,
        %parallel_loop3A_570 = vector.shape_cast %parallel_loop3A_569 : vector<1x16xf32> to vector<16xf32>
        %parallel_loop3A_571 = vector.shape_cast %parallel_loop3A_566 : vector<16xf32> to vector<1x16xf32>
        tpu.vector_store %arg11[%parallel_loop3A_567, %parallel_loop3A_568], %parallel_loop3A_571 {add = true, strides = array<i32>} : memref<8x1024xf32, #tpu.memory_space<vmem>>, vector<1x16xf32>,
        %parallel_loop3A_572 = arith.index_cast %parallel_loop3A_184 : i32 to index
        %parallel_loop3A_573 = arith.constant 688 : index
        %parallel_loop3A_574 = tpu.vector_load %arg15[%parallel_loop3A_572, %parallel_loop3A_573] {strides = array<i32>} : memref<8x1024xf32, #tpu.memory_space<vmem>>, vector<1x16xf32>,
        %parallel_loop3A_575 = vector.shape_cast %parallel_loop3A_574 : vector<1x16xf32> to vector<16xf32>
        %parallel_loop3A_576 = arith.index_cast %parallel_loop3A_184 : i32 to index
        %parallel_loop3A_577 = arith.constant 688 : index
        %parallel_loop3A_578 = tpu.vector_load %arg11[%parallel_loop3A_576, %parallel_loop3A_577] {strides = array<i32>} : memref<8x1024xf32, #tpu.memory_space<vmem>>, vector<1x16xf32>,
        %parallel_loop3A_579 = vector.shape_cast %parallel_loop3A_578 : vector<1x16xf32> to vector<16xf32>
        %parallel_loop3A_580 = vector.shape_cast %parallel_loop3A_575 : vector<16xf32> to vector<1x16xf32>
        tpu.vector_store %arg11[%parallel_loop3A_576, %parallel_loop3A_577], %parallel_loop3A_580 {add = true, strides = array<i32>} : memref<8x1024xf32, #tpu.memory_space<vmem>>, vector<1x16xf32>,
        %parallel_loop3A_581 = arith.index_cast %parallel_loop3A_184 : i32 to index
        %parallel_loop3A_582 = arith.constant 704 : index
        %parallel_loop3A_583 = tpu.vector_load %arg15[%parallel_loop3A_581, %parallel_loop3A_582] {strides = array<i32>} : memref<8x1024xf32, #tpu.memory_space<vmem>>, vector<1x16xf32>,
        %parallel_loop3A_584 = vector.shape_cast %parallel_loop3A_583 : vector<1x16xf32> to vector<16xf32>
        %parallel_loop3A_585 = arith.index_cast %parallel_loop3A_184 : i32 to index
        %parallel_loop3A_586 = arith.constant 704 : index
        %parallel_loop3A_587 = tpu.vector_load %arg11[%parallel_loop3A_585, %parallel_loop3A_586] {strides = array<i32>} : memref<8x1024xf32, #tpu.memory_space<vmem>>, vector<1x16xf32>,
        %parallel_loop3A_588 = vector.shape_cast %parallel_loop3A_587 : vector<1x16xf32> to vector<16xf32>
        %parallel_loop3A_589 = vector.shape_cast %parallel_loop3A_584 : vector<16xf32> to vector<1x16xf32>
        tpu.vector_store %arg11[%parallel_loop3A_585, %parallel_loop3A_586], %parallel_loop3A_589 {add = true, strides = array<i32>} : memref<8x1024xf32, #tpu.memory_space<vmem>>, vector<1x16xf32>,
        %parallel_loop3A_590 = arith.index_cast %parallel_loop3A_184 : i32 to index
        %parallel_loop3A_591 = arith.constant 720 : index
        %parallel_loop3A_592 = tpu.vector_load %arg15[%parallel_loop3A_590, %parallel_loop3A_591] {strides = array<i32>} : memref<8x1024xf32, #tpu.memory_space<vmem>>, vector<1x16xf32>,
        %parallel_loop3A_593 = vector.shape_cast %parallel_loop3A_592 : vector<1x16xf32> to vector<16xf32>
        %parallel_loop3A_594 = arith.index_cast %parallel_loop3A_184 : i32 to index
        %parallel_loop3A_595 = arith.constant 720 : index
        %parallel_loop3A_596 = tpu.vector_load %arg11[%parallel_loop3A_594, %parallel_loop3A_595] {strides = array<i32>} : memref<8x1024xf32, #tpu.memory_space<vmem>>, vector<1x16xf32>,
        %parallel_loop3A_597 = vector.shape_cast %parallel_loop3A_596 : vector<1x16xf32> to vector<16xf32>
        %parallel_loop3A_598 = vector.shape_cast %parallel_loop3A_593 : vector<16xf32> to vector<1x16xf32>
        tpu.vector_store %arg11[%parallel_loop3A_594, %parallel_loop3A_595], %parallel_loop3A_598 {add = true, strides = array<i32>} : memref<8x1024xf32, #tpu.memory_space<vmem>>, vector<1x16xf32>,
        %parallel_loop3A_599 = arith.index_cast %parallel_loop3A_184 : i32 to index
        %parallel_loop3A_600 = arith.constant 736 : index
        %parallel_loop3A_601 = tpu.vector_load %arg15[%parallel_loop3A_599, %parallel_loop3A_600] {strides = array<i32>} : memref<8x1024xf32, #tpu.memory_space<vmem>>, vector<1x16xf32>,
        %parallel_loop3A_602 = vector.shape_cast %parallel_loop3A_601 : vector<1x16xf32> to vector<16xf32>
        %parallel_loop3A_603 = arith.index_cast %parallel_loop3A_184 : i32 to index
        %parallel_loop3A_604 = arith.constant 736 : index
        %parallel_loop3A_605 = tpu.vector_load %arg11[%parallel_loop3A_603, %parallel_loop3A_604] {strides = array<i32>} : memref<8x1024xf32, #tpu.memory_space<vmem>>, vector<1x16xf32>,
        %parallel_loop3A_606 = vector.shape_cast %parallel_loop3A_605 : vector<1x16xf32> to vector<16xf32>
        %parallel_loop3A_607 = vector.shape_cast %parallel_loop3A_602 : vector<16xf32> to vector<1x16xf32>
        tpu.vector_store %arg11[%parallel_loop3A_603, %parallel_loop3A_604], %parallel_loop3A_607 {add = true, strides = array<i32>} : memref<8x1024xf32, #tpu.memory_space<vmem>>, vector<1x16xf32>,
        %parallel_loop3A_608 = arith.index_cast %parallel_loop3A_184 : i32 to index
        %parallel_loop3A_609 = arith.constant 752 : index
        %parallel_loop3A_610 = tpu.vector_load %arg15[%parallel_loop3A_608, %parallel_loop3A_609] {strides = array<i32>} : memref<8x1024xf32, #tpu.memory_space<vmem>>, vector<1x16xf32>,
        %parallel_loop3A_611 = vector.shape_cast %parallel_loop3A_610 : vector<1x16xf32> to vector<16xf32>
        %parallel_loop3A_612 = arith.index_cast %parallel_loop3A_184 : i32 to index
        %parallel_loop3A_613 = arith.constant 752 : index
        %parallel_loop3A_614 = tpu.vector_load %arg11[%parallel_loop3A_612, %parallel_loop3A_613] {strides = array<i32>} : memref<8x1024xf32, #tpu.memory_space<vmem>>, vector<1x16xf32>,
        %parallel_loop3A_615 = vector.shape_cast %parallel_loop3A_614 : vector<1x16xf32> to vector<16xf32>
        %parallel_loop3A_616 = vector.shape_cast %parallel_loop3A_611 : vector<16xf32> to vector<1x16xf32>
        tpu.vector_store %arg11[%parallel_loop3A_612, %parallel_loop3A_613], %parallel_loop3A_616 {add = true, strides = array<i32>} : memref<8x1024xf32, #tpu.memory_space<vmem>>, vector<1x16xf32>,
        %parallel_loop3A_617 = arith.index_cast %parallel_loop3A_184 : i32 to index
        %parallel_loop3A_618 = arith.constant 768 : index
        %parallel_loop3A_619 = tpu.vector_load %arg15[%parallel_loop3A_617, %parallel_loop3A_618] {strides = array<i32>} : memref<8x1024xf32, #tpu.memory_space<vmem>>, vector<1x16xf32>,
        %parallel_loop3A_620 = vector.shape_cast %parallel_loop3A_619 : vector<1x16xf32> to vector<16xf32>
        %parallel_loop3A_621 = arith.index_cast %parallel_loop3A_184 : i32 to index
        %parallel_loop3A_622 = arith.constant 768 : index
        %parallel_loop3A_623 = tpu.vector_load %arg11[%parallel_loop3A_621, %parallel_loop3A_622] {strides = array<i32>} : memref<8x1024xf32, #tpu.memory_space<vmem>>, vector<1x16xf32>,
        %parallel_loop3A_624 = vector.shape_cast %parallel_loop3A_623 : vector<1x16xf32> to vector<16xf32>
        %parallel_loop3A_625 = vector.shape_cast %parallel_loop3A_620 : vector<16xf32> to vector<1x16xf32>
        tpu.vector_store %arg11[%parallel_loop3A_621, %parallel_loop3A_622], %parallel_loop3A_625 {add = true, strides = array<i32>} : memref<8x1024xf32, #tpu.memory_space<vmem>>, vector<1x16xf32>,
        %parallel_loop3A_626 = arith.index_cast %parallel_loop3A_184 : i32 to index
        %parallel_loop3A_627 = arith.constant 784 : index
        %parallel_loop3A_628 = tpu.vector_load %arg15[%parallel_loop3A_626, %parallel_loop3A_627] {strides = array<i32>} : memref<8x1024xf32, #tpu.memory_space<vmem>>, vector<1x16xf32>,
        %parallel_loop3A_629 = vector.shape_cast %parallel_loop3A_628 : vector<1x16xf32> to vector<16xf32>
        %parallel_loop3A_630 = arith.index_cast %parallel_loop3A_184 : i32 to index
        %parallel_loop3A_631 = arith.constant 784 : index
        %parallel_loop3A_632 = tpu.vector_load %arg11[%parallel_loop3A_630, %parallel_loop3A_631] {strides = array<i32>} : memref<8x1024xf32, #tpu.memory_space<vmem>>, vector<1x16xf32>,
        %parallel_loop3A_633 = vector.shape_cast %parallel_loop3A_632 : vector<1x16xf32> to vector<16xf32>
        %parallel_loop3A_634 = vector.shape_cast %parallel_loop3A_629 : vector<16xf32> to vector<1x16xf32>
        tpu.vector_store %arg11[%parallel_loop3A_630, %parallel_loop3A_631], %parallel_loop3A_634 {add = true, strides = array<i32>} : memref<8x1024xf32, #tpu.memory_space<vmem>>, vector<1x16xf32>,
        %parallel_loop3A_635 = arith.index_cast %parallel_loop3A_184 : i32 to index
        %parallel_loop3A_636 = arith.constant 800 : index
        %parallel_loop3A_637 = tpu.vector_load %arg15[%parallel_loop3A_635, %parallel_loop3A_636] {strides = array<i32>} : memref<8x1024xf32, #tpu.memory_space<vmem>>, vector<1x16xf32>,
        %parallel_loop3A_638 = vector.shape_cast %parallel_loop3A_637 : vector<1x16xf32> to vector<16xf32>
        %parallel_loop3A_639 = arith.index_cast %parallel_loop3A_184 : i32 to index
        %parallel_loop3A_640 = arith.constant 800 : index
        %parallel_loop3A_641 = tpu.vector_load %arg11[%parallel_loop3A_639, %parallel_loop3A_640] {strides = array<i32>} : memref<8x1024xf32, #tpu.memory_space<vmem>>, vector<1x16xf32>,
        %parallel_loop3A_642 = vector.shape_cast %parallel_loop3A_641 : vector<1x16xf32> to vector<16xf32>
        %parallel_loop3A_643 = vector.shape_cast %parallel_loop3A_638 : vector<16xf32> to vector<1x16xf32>
        tpu.vector_store %arg11[%parallel_loop3A_639, %parallel_loop3A_640], %parallel_loop3A_643 {add = true, strides = array<i32>} : memref<8x1024xf32, #tpu.memory_space<vmem>>, vector<1x16xf32>,
        %parallel_loop3A_644 = arith.index_cast %parallel_loop3A_184 : i32 to index
        %parallel_loop3A_645 = arith.constant 816 : index
        %parallel_loop3A_646 = tpu.vector_load %arg15[%parallel_loop3A_644, %parallel_loop3A_645] {strides = array<i32>} : memref<8x1024xf32, #tpu.memory_space<vmem>>, vector<1x16xf32>,
        %parallel_loop3A_647 = vector.shape_cast %parallel_loop3A_646 : vector<1x16xf32> to vector<16xf32>
        %parallel_loop3A_648 = arith.index_cast %parallel_loop3A_184 : i32 to index
        %parallel_loop3A_649 = arith.constant 816 : index
        %parallel_loop3A_650 = tpu.vector_load %arg11[%parallel_loop3A_648, %parallel_loop3A_649] {strides = array<i32>} : memref<8x1024xf32, #tpu.memory_space<vmem>>, vector<1x16xf32>,
        %parallel_loop3A_651 = vector.shape_cast %parallel_loop3A_650 : vector<1x16xf32> to vector<16xf32>
        %parallel_loop3A_652 = vector.shape_cast %parallel_loop3A_647 : vector<16xf32> to vector<1x16xf32>
        tpu.vector_store %arg11[%parallel_loop3A_648, %parallel_loop3A_649], %parallel_loop3A_652 {add = true, strides = array<i32>} : memref<8x1024xf32, #tpu.memory_space<vmem>>, vector<1x16xf32>,
        %parallel_loop3A_653 = arith.index_cast %parallel_loop3A_184 : i32 to index
        %parallel_loop3A_654 = arith.constant 832 : index
        %parallel_loop3A_655 = tpu.vector_load %arg15[%parallel_loop3A_653, %parallel_loop3A_654] {strides = array<i32>} : memref<8x1024xf32, #tpu.memory_space<vmem>>, vector<1x16xf32>,
        %parallel_loop3A_656 = vector.shape_cast %parallel_loop3A_655 : vector<1x16xf32> to vector<16xf32>
        %parallel_loop3A_657 = arith.index_cast %parallel_loop3A_184 : i32 to index
        %parallel_loop3A_658 = arith.constant 832 : index
        %parallel_loop3A_659 = tpu.vector_load %arg11[%parallel_loop3A_657, %parallel_loop3A_658] {strides = array<i32>} : memref<8x1024xf32, #tpu.memory_space<vmem>>, vector<1x16xf32>,
        %parallel_loop3A_660 = vector.shape_cast %parallel_loop3A_659 : vector<1x16xf32> to vector<16xf32>
        %parallel_loop3A_661 = vector.shape_cast %parallel_loop3A_656 : vector<16xf32> to vector<1x16xf32>
        tpu.vector_store %arg11[%parallel_loop3A_657, %parallel_loop3A_658], %parallel_loop3A_661 {add = true, strides = array<i32>} : memref<8x1024xf32, #tpu.memory_space<vmem>>, vector<1x16xf32>,
        %parallel_loop3A_662 = arith.index_cast %parallel_loop3A_184 : i32 to index
        %parallel_loop3A_663 = arith.constant 848 : index
        %parallel_loop3A_664 = tpu.vector_load %arg15[%parallel_loop3A_662, %parallel_loop3A_663] {strides = array<i32>} : memref<8x1024xf32, #tpu.memory_space<vmem>>, vector<1x16xf32>,
        %parallel_loop3A_665 = vector.shape_cast %parallel_loop3A_664 : vector<1x16xf32> to vector<16xf32>
        %parallel_loop3A_666 = arith.index_cast %parallel_loop3A_184 : i32 to index
        %parallel_loop3A_667 = arith.constant 848 : index
        %parallel_loop3A_668 = tpu.vector_load %arg11[%parallel_loop3A_666, %parallel_loop3A_667] {strides = array<i32>} : memref<8x1024xf32, #tpu.memory_space<vmem>>, vector<1x16xf32>,
        %parallel_loop3A_669 = vector.shape_cast %parallel_loop3A_668 : vector<1x16xf32> to vector<16xf32>
        %parallel_loop3A_670 = vector.shape_cast %parallel_loop3A_665 : vector<16xf32> to vector<1x16xf32>
        tpu.vector_store %arg11[%parallel_loop3A_666, %parallel_loop3A_667], %parallel_loop3A_670 {add = true, strides = array<i32>} : memref<8x1024xf32, #tpu.memory_space<vmem>>, vector<1x16xf32>,
        %parallel_loop3A_671 = arith.index_cast %parallel_loop3A_184 : i32 to index
        %parallel_loop3A_672 = arith.constant 864 : index
        %parallel_loop3A_673 = tpu.vector_load %arg15[%parallel_loop3A_671, %parallel_loop3A_672] {strides = array<i32>} : memref<8x1024xf32, #tpu.memory_space<vmem>>, vector<1x16xf32>,
        %parallel_loop3A_674 = vector.shape_cast %parallel_loop3A_673 : vector<1x16xf32> to vector<16xf32>
        %parallel_loop3A_675 = arith.index_cast %parallel_loop3A_184 : i32 to index
        %parallel_loop3A_676 = arith.constant 864 : index
        %parallel_loop3A_677 = tpu.vector_load %arg11[%parallel_loop3A_675, %parallel_loop3A_676] {strides = array<i32>} : memref<8x1024xf32, #tpu.memory_space<vmem>>, vector<1x16xf32>,
        %parallel_loop3A_678 = vector.shape_cast %parallel_loop3A_677 : vector<1x16xf32> to vector<16xf32>
        %parallel_loop3A_679 = vector.shape_cast %parallel_loop3A_674 : vector<16xf32> to vector<1x16xf32>
        tpu.vector_store %arg11[%parallel_loop3A_675, %parallel_loop3A_676], %parallel_loop3A_679 {add = true, strides = array<i32>} : memref<8x1024xf32, #tpu.memory_space<vmem>>, vector<1x16xf32>,
        %parallel_loop3A_680 = arith.index_cast %parallel_loop3A_184 : i32 to index
        %parallel_loop3A_681 = arith.constant 880 : index
        %parallel_loop3A_682 = tpu.vector_load %arg15[%parallel_loop3A_680, %parallel_loop3A_681] {strides = array<i32>} : memref<8x1024xf32, #tpu.memory_space<vmem>>, vector<1x16xf32>,
        %parallel_loop3A_683 = vector.shape_cast %parallel_loop3A_682 : vector<1x16xf32> to vector<16xf32>
        %parallel_loop3A_684 = arith.index_cast %parallel_loop3A_184 : i32 to index
        %parallel_loop3A_685 = arith.constant 880 : index
        %parallel_loop3A_686 = tpu.vector_load %arg11[%parallel_loop3A_684, %parallel_loop3A_685] {strides = array<i32>} : memref<8x1024xf32, #tpu.memory_space<vmem>>, vector<1x16xf32>,
        %parallel_loop3A_687 = vector.shape_cast %parallel_loop3A_686 : vector<1x16xf32> to vector<16xf32>
        %parallel_loop3A_688 = vector.shape_cast %parallel_loop3A_683 : vector<16xf32> to vector<1x16xf32>
        tpu.vector_store %arg11[%parallel_loop3A_684, %parallel_loop3A_685], %parallel_loop3A_688 {add = true, strides = array<i32>} : memref<8x1024xf32, #tpu.memory_space<vmem>>, vector<1x16xf32>,
        %parallel_loop3A_689 = arith.index_cast %parallel_loop3A_184 : i32 to index
        %parallel_loop3A_690 = arith.constant 896 : index
        %parallel_loop3A_691 = tpu.vector_load %arg15[%parallel_loop3A_689, %parallel_loop3A_690] {strides = array<i32>} : memref<8x1024xf32, #tpu.memory_space<vmem>>, vector<1x16xf32>,
        %parallel_loop3A_692 = vector.shape_cast %parallel_loop3A_691 : vector<1x16xf32> to vector<16xf32>
        %parallel_loop3A_693 = arith.index_cast %parallel_loop3A_184 : i32 to index
        %parallel_loop3A_694 = arith.constant 896 : index
        %parallel_loop3A_695 = tpu.vector_load %arg11[%parallel_loop3A_693, %parallel_loop3A_694] {strides = array<i32>} : memref<8x1024xf32, #tpu.memory_space<vmem>>, vector<1x16xf32>,
        %parallel_loop3A_696 = vector.shape_cast %parallel_loop3A_695 : vector<1x16xf32> to vector<16xf32>
        %parallel_loop3A_697 = vector.shape_cast %parallel_loop3A_692 : vector<16xf32> to vector<1x16xf32>
        tpu.vector_store %arg11[%parallel_loop3A_693, %parallel_loop3A_694], %parallel_loop3A_697 {add = true, strides = array<i32>} : memref<8x1024xf32, #tpu.memory_space<vmem>>, vector<1x16xf32>,
        %parallel_loop3A_698 = arith.index_cast %parallel_loop3A_184 : i32 to index
        %parallel_loop3A_699 = arith.constant 912 : index
        %parallel_loop3A_700 = tpu.vector_load %arg15[%parallel_loop3A_698, %parallel_loop3A_699] {strides = array<i32>} : memref<8x1024xf32, #tpu.memory_space<vmem>>, vector<1x16xf32>,
        %parallel_loop3A_701 = vector.shape_cast %parallel_loop3A_700 : vector<1x16xf32> to vector<16xf32>
        %parallel_loop3A_702 = arith.index_cast %parallel_loop3A_184 : i32 to index
        %parallel_loop3A_703 = arith.constant 912 : index
        %parallel_loop3A_704 = tpu.vector_load %arg11[%parallel_loop3A_702, %parallel_loop3A_703] {strides = array<i32>} : memref<8x1024xf32, #tpu.memory_space<vmem>>, vector<1x16xf32>,
        %parallel_loop3A_705 = vector.shape_cast %parallel_loop3A_704 : vector<1x16xf32> to vector<16xf32>
        %parallel_loop3A_706 = vector.shape_cast %parallel_loop3A_701 : vector<16xf32> to vector<1x16xf32>
        tpu.vector_store %arg11[%parallel_loop3A_702, %parallel_loop3A_703], %parallel_loop3A_706 {add = true, strides = array<i32>} : memref<8x1024xf32, #tpu.memory_space<vmem>>, vector<1x16xf32>,
        %parallel_loop3A_707 = arith.index_cast %parallel_loop3A_184 : i32 to index
        %parallel_loop3A_708 = arith.constant 928 : index
        %parallel_loop3A_709 = tpu.vector_load %arg15[%parallel_loop3A_707, %parallel_loop3A_708] {strides = array<i32>} : memref<8x1024xf32, #tpu.memory_space<vmem>>, vector<1x16xf32>,
        %parallel_loop3A_710 = vector.shape_cast %parallel_loop3A_709 : vector<1x16xf32> to vector<16xf32>
        %parallel_loop3A_711 = arith.index_cast %parallel_loop3A_184 : i32 to index
        %parallel_loop3A_712 = arith.constant 928 : index
        %parallel_loop3A_713 = tpu.vector_load %arg11[%parallel_loop3A_711, %parallel_loop3A_712] {strides = array<i32>} : memref<8x1024xf32, #tpu.memory_space<vmem>>, vector<1x16xf32>,
        %parallel_loop3A_714 = vector.shape_cast %parallel_loop3A_713 : vector<1x16xf32> to vector<16xf32>
        %parallel_loop3A_715 = vector.shape_cast %parallel_loop3A_710 : vector<16xf32> to vector<1x16xf32>
        tpu.vector_store %arg11[%parallel_loop3A_711, %parallel_loop3A_712], %parallel_loop3A_715 {add = true, strides = array<i32>} : memref<8x1024xf32, #tpu.memory_space<vmem>>, vector<1x16xf32>,
        %parallel_loop3A_716 = arith.index_cast %parallel_loop3A_184 : i32 to index
        %parallel_loop3A_717 = arith.constant 944 : index
        %parallel_loop3A_718 = tpu.vector_load %arg15[%parallel_loop3A_716, %parallel_loop3A_717] {strides = array<i32>} : memref<8x1024xf32, #tpu.memory_space<vmem>>, vector<1x16xf32>,
        %parallel_loop3A_719 = vector.shape_cast %parallel_loop3A_718 : vector<1x16xf32> to vector<16xf32>
        %parallel_loop3A_720 = arith.index_cast %parallel_loop3A_184 : i32 to index
        %parallel_loop3A_721 = arith.constant 944 : index
        %parallel_loop3A_722 = tpu.vector_load %arg11[%parallel_loop3A_720, %parallel_loop3A_721] {strides = array<i32>} : memref<8x1024xf32, #tpu.memory_space<vmem>>, vector<1x16xf32>,
        %parallel_loop3A_723 = vector.shape_cast %parallel_loop3A_722 : vector<1x16xf32> to vector<16xf32>
        %parallel_loop3A_724 = vector.shape_cast %parallel_loop3A_719 : vector<16xf32> to vector<1x16xf32>
        tpu.vector_store %arg11[%parallel_loop3A_720, %parallel_loop3A_721], %parallel_loop3A_724 {add = true, strides = array<i32>} : memref<8x1024xf32, #tpu.memory_space<vmem>>, vector<1x16xf32>,
        %parallel_loop3A_725 = arith.index_cast %parallel_loop3A_184 : i32 to index
        %parallel_loop3A_726 = arith.constant 960 : index
        %parallel_loop3A_727 = tpu.vector_load %arg15[%parallel_loop3A_725, %parallel_loop3A_726] {strides = array<i32>} : memref<8x1024xf32, #tpu.memory_space<vmem>>, vector<1x16xf32>,
        %parallel_loop3A_728 = vector.shape_cast %parallel_loop3A_727 : vector<1x16xf32> to vector<16xf32>
        %parallel_loop3A_729 = arith.index_cast %parallel_loop3A_184 : i32 to index
        %parallel_loop3A_730 = arith.constant 960 : index
        %parallel_loop3A_731 = tpu.vector_load %arg11[%parallel_loop3A_729, %parallel_loop3A_730] {strides = array<i32>} : memref<8x1024xf32, #tpu.memory_space<vmem>>, vector<1x16xf32>,
        %parallel_loop3A_732 = vector.shape_cast %parallel_loop3A_731 : vector<1x16xf32> to vector<16xf32>
        %parallel_loop3A_733 = vector.shape_cast %parallel_loop3A_728 : vector<16xf32> to vector<1x16xf32>
        tpu.vector_store %arg11[%parallel_loop3A_729, %parallel_loop3A_730], %parallel_loop3A_733 {add = true, strides = array<i32>} : memref<8x1024xf32, #tpu.memory_space<vmem>>, vector<1x16xf32>,
        %parallel_loop3A_734 = arith.index_cast %parallel_loop3A_184 : i32 to index
        %parallel_loop3A_735 = arith.constant 976 : index
        %parallel_loop3A_736 = tpu.vector_load %arg15[%parallel_loop3A_734, %parallel_loop3A_735] {strides = array<i32>} : memref<8x1024xf32, #tpu.memory_space<vmem>>, vector<1x16xf32>,
        %parallel_loop3A_737 = vector.shape_cast %parallel_loop3A_736 : vector<1x16xf32> to vector<16xf32>
        %parallel_loop3A_738 = arith.index_cast %parallel_loop3A_184 : i32 to index
        %parallel_loop3A_739 = arith.constant 976 : index
        %parallel_loop3A_740 = tpu.vector_load %arg11[%parallel_loop3A_738, %parallel_loop3A_739] {strides = array<i32>} : memref<8x1024xf32, #tpu.memory_space<vmem>>, vector<1x16xf32>,
        %parallel_loop3A_741 = vector.shape_cast %parallel_loop3A_740 : vector<1x16xf32> to vector<16xf32>
        %parallel_loop3A_742 = vector.shape_cast %parallel_loop3A_737 : vector<16xf32> to vector<1x16xf32>
        tpu.vector_store %arg11[%parallel_loop3A_738, %parallel_loop3A_739], %parallel_loop3A_742 {add = true, strides = array<i32>} : memref<8x1024xf32, #tpu.memory_space<vmem>>, vector<1x16xf32>,
        %parallel_loop3A_743 = arith.index_cast %parallel_loop3A_184 : i32 to index
        %parallel_loop3A_744 = arith.constant 992 : index
        %parallel_loop3A_745 = tpu.vector_load %arg15[%parallel_loop3A_743, %parallel_loop3A_744] {strides = array<i32>} : memref<8x1024xf32, #tpu.memory_space<vmem>>, vector<1x16xf32>,
        %parallel_loop3A_746 = vector.shape_cast %parallel_loop3A_745 : vector<1x16xf32> to vector<16xf32>
        %parallel_loop3A_747 = arith.index_cast %parallel_loop3A_184 : i32 to index
        %parallel_loop3A_748 = arith.constant 992 : index
        %parallel_loop3A_749 = tpu.vector_load %arg11[%parallel_loop3A_747, %parallel_loop3A_748] {strides = array<i32>} : memref<8x1024xf32, #tpu.memory_space<vmem>>, vector<1x16xf32>,
        %parallel_loop3A_750 = vector.shape_cast %parallel_loop3A_749 : vector<1x16xf32> to vector<16xf32>
        %parallel_loop3A_751 = vector.shape_cast %parallel_loop3A_746 : vector<16xf32> to vector<1x16xf32>
        tpu.vector_store %arg11[%parallel_loop3A_747, %parallel_loop3A_748], %parallel_loop3A_751 {add = true, strides = array<i32>} : memref<8x1024xf32, #tpu.memory_space<vmem>>, vector<1x16xf32>,
        %parallel_loop3A_752 = arith.index_cast %parallel_loop3A_184 : i32 to index
        %parallel_loop3A_753 = arith.constant 1008 : index
        %parallel_loop3A_754 = tpu.vector_load %arg15[%parallel_loop3A_752, %parallel_loop3A_753] {strides = array<i32>} : memref<8x1024xf32, #tpu.memory_space<vmem>>, vector<1x16xf32>,
        %parallel_loop3A_755 = vector.shape_cast %parallel_loop3A_754 : vector<1x16xf32> to vector<16xf32>
        %parallel_loop3A_756 = arith.index_cast %parallel_loop3A_184 : i32 to index
        %parallel_loop3A_757 = arith.constant 1008 : index
        %parallel_loop3A_758 = tpu.vector_load %arg11[%parallel_loop3A_756, %parallel_loop3A_757] {strides = array<i32>} : memref<8x1024xf32, #tpu.memory_space<vmem>>, vector<1x16xf32>,
        %parallel_loop3A_759 = vector.shape_cast %parallel_loop3A_758 : vector<1x16xf32> to vector<16xf32>
        %parallel_loop3A_760 = vector.shape_cast %parallel_loop3A_755 : vector<16xf32> to vector<1x16xf32>
        tpu.vector_store %arg11[%parallel_loop3A_756, %parallel_loop3A_757], %parallel_loop3A_760 {add = true, strides = array<i32>} : memref<8x1024xf32, #tpu.memory_space<vmem>>, vector<1x16xf32>,
      } {sc.loop_unroll_factor = 1 : i64, sc.parallel_access}
      %mul3A_138 = arith.constant 8 : i32
      %mul3A_139 = arith.muli %add3A_112, %mul3A_138 : i32
      %add3A_140 = arith.addi %mul3A_2, %mul3A_139 : i32
      %multiple_of3A_141 = tpu.assume_multiple %add3A_140, 8 : i32
      %dma_start3A_142 = arith.constant 0 : i32
      %dma_start3A_143 = tpu.memref_slice %arg6[%multiple_of3A_141, %dma_start3A_142] : memref<16384x1024xf32, #tpu.memory_space<hbm>> -> memref<8x1024xf32, #tpu.memory_space<hbm>>
      %dma_start3A_144 = arith.constant 0 : i32
      %dma_start3A_145 = tpu.memref_slice %arg6[%multiple_of3A_141, %dma_start3A_144] : memref<16384x1024xf32, #tpu.memory_space<hbm>> -> memref<8x1024xf32, #tpu.memory_space<hbm>>
      tpu.enqueue_dma source(%arg11 : memref<8x1024xf32, #tpu.memory_space<vmem>>) target(%dma_start3A_145 : memref<8x1024xf32, #tpu.memory_space<hbm>>) target_semaphore(%arg23 : memref<!tpu.dma_semaphore, #tpu.memory_space<semaphore_mem>>)
      %mul3A_146 = arith.constant 4 : i32
      %mul3A_147 = arith.muli %scan3A_38, %mul3A_146 : i32
      %add3A_148 = arith.constant 3 : i32
      %add3A_149 = arith.addi %mul3A_147, %add3A_148 : i32
      %ge3A_150 = arith.constant 2 : i32
      %ge3A_151 = arith.cmpi sge, %add3A_149, %ge3A_150 : i32
      %convert_element_type3A_152 = arith.extui %ge3A_151 : i1 to i32
      %cond3A_153 = arith.constant 0 : i32
      %cond3A_154 = arith.cmpi ne, %convert_element_type3A_152, %cond3A_153 : i32
      scf.if %cond3A_154 {
        %dma_wait3A_184 = arith.constant 0 : i32
        %dma_wait3A_185 = arith.constant 0 : i32
        %dma_wait3A_186 = tpu.memref_slice %arg6[%dma_wait3A_184, %dma_wait3A_185] : memref<16384x1024xf32, #tpu.memory_space<hbm>> -> memref<8x1024xf32, #tpu.memory_space<hbm>>
        %dma_wait3A_187 = arith.constant 0 : i32
        %dma_wait3A_188 = arith.constant 0 : i32
        %dma_wait3A_189 = tpu.memref_slice %arg6[%dma_wait3A_187, %dma_wait3A_188] : memref<16384x1024xf32, #tpu.memory_space<hbm>> -> memref<8x1024xf32, #tpu.memory_space<hbm>>
        tpu.wait_dma2 semaphore(%arg22 : memref<!tpu.dma_semaphore, #tpu.memory_space<semaphore_mem>>) src(%arg10 : memref<8x1024xf32, #tpu.memory_space<vmem>>) dst(%dma_wait3A_189 : memref<8x1024xf32, #tpu.memory_space<hbm>>)
      } else {
      }
      %add3A_155 = arith.constant 2 : i32
      %add3A_156 = arith.addi %add3A_149, %add3A_155 : i32
      %lt3A_157 = arith.constant 64 : i32
      %lt3A_158 = arith.cmpi slt, %add3A_156, %lt3A_157 : i32
      %convert_element_type3A_159 = arith.extui %lt3A_158 : i1 to i32
      %cond3A_160 = arith.constant 0 : i32
      %cond3A_161 = arith.cmpi ne, %convert_element_type3A_159, %cond3A_160 : i32
      scf.if %cond3A_161 {
        %add3A_184 = arith.constant 2 : i32
        %add3A_185 = arith.addi %add3A_149, %add3A_184 : i32
        %mul3A_186 = arith.constant 8 : i32
        %mul3A_187 = arith.muli %add3A_185, %mul3A_186 : i32
        %multiple_of3A_188 = tpu.assume_multiple %mul3A_187, 8 : i32
        %dma_start3A_189 = tpu.memref_slice %arg7[%multiple_of3A_188] : memref<512xi32, #tpu.memory_space<vmem>> -> memref<8xi32, #tpu.memory_space<vmem>>
        %dma_start3A_190 = arith.constant 0 : i32
        %dma_start3A_191 = arith.constant 0 : i32
        %dma_start3A_192 = tpu.memref_slice %arg4[%dma_start3A_190, %dma_start3A_191] : memref<4096x1024xf32, #tpu.memory_space<hbm>> -> memref<4096x1024xf32, #tpu.memory_space<hbm>>
        tpu.enqueue_indirect_dma source(%dma_start3A_192 : memref<4096x1024xf32, #tpu.memory_space<hbm>>) target(%arg10 : memref<8x1024xf32, #tpu.memory_space<vmem>>) offsets(%dma_start3A_189 : memref<8xi32, #tpu.memory_space<vmem>>) semaphore(%arg18 : memref<!tpu.dma_semaphore, #tpu.memory_space<semaphore_mem>>)
        %dma_start3A_193 = tpu.memref_slice %arg8[%multiple_of3A_188] : memref<512xi32, #tpu.memory_space<vmem>> -> memref<8xi32, #tpu.memory_space<vmem>>
        %dma_start3A_194 = arith.constant 0 : i32
        %dma_start3A_195 = arith.constant 0 : i32
        %dma_start3A_196 = tpu.memref_slice %arg5[%dma_start3A_194, %dma_start3A_195] : memref<4096x1024xf32, #tpu.memory_space<hbm>> -> memref<4096x1024xf32, #tpu.memory_space<hbm>>
        tpu.enqueue_indirect_dma source(%dma_start3A_196 : memref<4096x1024xf32, #tpu.memory_space<hbm>>) target(%arg14 : memref<8x1024xf32, #tpu.memory_space<vmem>>) offsets(%dma_start3A_193 : memref<8xi32, #tpu.memory_space<vmem>>) semaphore(%arg18 : memref<!tpu.dma_semaphore, #tpu.memory_space<semaphore_mem>>)
      } else {
      }
      %dma_wait3A_162 = arith.constant 0 : i32
      %dma_wait3A_163 = tpu.memref_slice %arg7[%dma_wait3A_162] : memref<512xi32, #tpu.memory_space<vmem>> -> memref<8xi32, #tpu.memory_space<vmem>>
      %dma_wait3A_164 = arith.constant 0 : i32
      %dma_wait3A_165 = arith.constant 0 : i32
      %dma_wait3A_166 = tpu.memref_slice %arg4[%dma_wait3A_164, %dma_wait3A_165] : memref<4096x1024xf32, #tpu.memory_space<hbm>> -> memref<4096x1024xf32, #tpu.memory_space<hbm>>
      tpu.wait_indirect_dma semaphore(%arg20 : memref<!tpu.dma_semaphore, #tpu.memory_space<semaphore_mem>>) src(%dma_wait3A_166 : memref<4096x1024xf32, #tpu.memory_space<hbm>>) dst(%arg12 : memref<8x1024xf32, #tpu.memory_space<vmem>>)
      %dma_wait3A_167 = arith.constant 0 : i32
      %dma_wait3A_168 = tpu.memref_slice %arg8[%dma_wait3A_167] : memref<512xi32, #tpu.memory_space<vmem>> -> memref<8xi32, #tpu.memory_space<vmem>>
      %dma_wait3A_169 = arith.constant 0 : i32
      %dma_wait3A_170 = arith.constant 0 : i32
      %dma_wait3A_171 = tpu.memref_slice %arg5[%dma_wait3A_169, %dma_wait3A_170] : memref<4096x1024xf32, #tpu.memory_space<hbm>> -> memref<4096x1024xf32, #tpu.memory_space<hbm>>
      tpu.wait_indirect_dma semaphore(%arg20 : memref<!tpu.dma_semaphore, #tpu.memory_space<semaphore_mem>>) src(%dma_wait3A_171 : memref<4096x1024xf32, #tpu.memory_space<hbm>>) dst(%arg16 : memref<8x1024xf32, #tpu.memory_space<vmem>>)
      %parallel_loop3A_172 = arith.constant 0 : i32
      %parallel_loop3A_173 = arith.constant 8 : i32
      %parallel_loop3A_174 = arith.constant 1 : i32
      scf.for %parallel_loop3A_184 = %parallel_loop3A_172 to %parallel_loop3A_173 step %parallel_loop3A_174  : i32 {
        %parallel_loop3A_185 = arith.index_cast %parallel_loop3A_184 : i32 to index
        %parallel_loop3A_186 = arith.constant 0 : index
        %parallel_loop3A_187 = tpu.vector_load %arg16[%parallel_loop3A_185, %parallel_loop3A_186] {strides = array<i32>} : memref<8x1024xf32, #tpu.memory_space<vmem>>, vector<1x16xf32>,
        %parallel_loop3A_188 = vector.shape_cast %parallel_loop3A_187 : vector<1x16xf32> to vector<16xf32>
        %parallel_loop3A_189 = arith.index_cast %parallel_loop3A_184 : i32 to index
        %parallel_loop3A_190 = arith.constant 0 : index
        %parallel_loop3A_191 = tpu.vector_load %arg12[%parallel_loop3A_189, %parallel_loop3A_190] {strides = array<i32>} : memref<8x1024xf32, #tpu.memory_space<vmem>>, vector<1x16xf32>,
        %parallel_loop3A_192 = vector.shape_cast %parallel_loop3A_191 : vector<1x16xf32> to vector<16xf32>
        %parallel_loop3A_193 = vector.shape_cast %parallel_loop3A_188 : vector<16xf32> to vector<1x16xf32>
        tpu.vector_store %arg12[%parallel_loop3A_189, %parallel_loop3A_190], %parallel_loop3A_193 {add = true, strides = array<i32>} : memref<8x1024xf32, #tpu.memory_space<vmem>>, vector<1x16xf32>,
        %parallel_loop3A_194 = arith.index_cast %parallel_loop3A_184 : i32 to index
        %parallel_loop3A_195 = arith.constant 16 : index
        %parallel_loop3A_196 = tpu.vector_load %arg16[%parallel_loop3A_194, %parallel_loop3A_195] {strides = array<i32>} : memref<8x1024xf32, #tpu.memory_space<vmem>>, vector<1x16xf32>,
        %parallel_loop3A_197 = vector.shape_cast %parallel_loop3A_196 : vector<1x16xf32> to vector<16xf32>
        %parallel_loop3A_198 = arith.index_cast %parallel_loop3A_184 : i32 to index
        %parallel_loop3A_199 = arith.constant 16 : index
        %parallel_loop3A_200 = tpu.vector_load %arg12[%parallel_loop3A_198, %parallel_loop3A_199] {strides = array<i32>} : memref<8x1024xf32, #tpu.memory_space<vmem>>, vector<1x16xf32>,
        %parallel_loop3A_201 = vector.shape_cast %parallel_loop3A_200 : vector<1x16xf32> to vector<16xf32>
        %parallel_loop3A_202 = vector.shape_cast %parallel_loop3A_197 : vector<16xf32> to vector<1x16xf32>
        tpu.vector_store %arg12[%parallel_loop3A_198, %parallel_loop3A_199], %parallel_loop3A_202 {add = true, strides = array<i32>} : memref<8x1024xf32, #tpu.memory_space<vmem>>, vector<1x16xf32>,
        %parallel_loop3A_203 = arith.index_cast %parallel_loop3A_184 : i32 to index
        %parallel_loop3A_204 = arith.constant 32 : index
        %parallel_loop3A_205 = tpu.vector_load %arg16[%parallel_loop3A_203, %parallel_loop3A_204] {strides = array<i32>} : memref<8x1024xf32, #tpu.memory_space<vmem>>, vector<1x16xf32>,
        %parallel_loop3A_206 = vector.shape_cast %parallel_loop3A_205 : vector<1x16xf32> to vector<16xf32>
        %parallel_loop3A_207 = arith.index_cast %parallel_loop3A_184 : i32 to index
        %parallel_loop3A_208 = arith.constant 32 : index
        %parallel_loop3A_209 = tpu.vector_load %arg12[%parallel_loop3A_207, %parallel_loop3A_208] {strides = array<i32>} : memref<8x1024xf32, #tpu.memory_space<vmem>>, vector<1x16xf32>,
        %parallel_loop3A_210 = vector.shape_cast %parallel_loop3A_209 : vector<1x16xf32> to vector<16xf32>
        %parallel_loop3A_211 = vector.shape_cast %parallel_loop3A_206 : vector<16xf32> to vector<1x16xf32>
        tpu.vector_store %arg12[%parallel_loop3A_207, %parallel_loop3A_208], %parallel_loop3A_211 {add = true, strides = array<i32>} : memref<8x1024xf32, #tpu.memory_space<vmem>>, vector<1x16xf32>,
        %parallel_loop3A_212 = arith.index_cast %parallel_loop3A_184 : i32 to index
        %parallel_loop3A_213 = arith.constant 48 : index
        %parallel_loop3A_214 = tpu.vector_load %arg16[%parallel_loop3A_212, %parallel_loop3A_213] {strides = array<i32>} : memref<8x1024xf32, #tpu.memory_space<vmem>>, vector<1x16xf32>,
        %parallel_loop3A_215 = vector.shape_cast %parallel_loop3A_214 : vector<1x16xf32> to vector<16xf32>
        %parallel_loop3A_216 = arith.index_cast %parallel_loop3A_184 : i32 to index
        %parallel_loop3A_217 = arith.constant 48 : index
        %parallel_loop3A_218 = tpu.vector_load %arg12[%parallel_loop3A_216, %parallel_loop3A_217] {strides = array<i32>} : memref<8x1024xf32, #tpu.memory_space<vmem>>, vector<1x16xf32>,
        %parallel_loop3A_219 = vector.shape_cast %parallel_loop3A_218 : vector<1x16xf32> to vector<16xf32>
        %parallel_loop3A_220 = vector.shape_cast %parallel_loop3A_215 : vector<16xf32> to vector<1x16xf32>
        tpu.vector_store %arg12[%parallel_loop3A_216, %parallel_loop3A_217], %parallel_loop3A_220 {add = true, strides = array<i32>} : memref<8x1024xf32, #tpu.memory_space<vmem>>, vector<1x16xf32>,
        %parallel_loop3A_221 = arith.index_cast %parallel_loop3A_184 : i32 to index
        %parallel_loop3A_222 = arith.constant 64 : index
        %parallel_loop3A_223 = tpu.vector_load %arg16[%parallel_loop3A_221, %parallel_loop3A_222] {strides = array<i32>} : memref<8x1024xf32, #tpu.memory_space<vmem>>, vector<1x16xf32>,
        %parallel_loop3A_224 = vector.shape_cast %parallel_loop3A_223 : vector<1x16xf32> to vector<16xf32>
        %parallel_loop3A_225 = arith.index_cast %parallel_loop3A_184 : i32 to index
        %parallel_loop3A_226 = arith.constant 64 : index
        %parallel_loop3A_227 = tpu.vector_load %arg12[%parallel_loop3A_225, %parallel_loop3A_226] {strides = array<i32>} : memref<8x1024xf32, #tpu.memory_space<vmem>>, vector<1x16xf32>,
        %parallel_loop3A_228 = vector.shape_cast %parallel_loop3A_227 : vector<1x16xf32> to vector<16xf32>
        %parallel_loop3A_229 = vector.shape_cast %parallel_loop3A_224 : vector<16xf32> to vector<1x16xf32>
        tpu.vector_store %arg12[%parallel_loop3A_225, %parallel_loop3A_226], %parallel_loop3A_229 {add = true, strides = array<i32>} : memref<8x1024xf32, #tpu.memory_space<vmem>>, vector<1x16xf32>,
        %parallel_loop3A_230 = arith.index_cast %parallel_loop3A_184 : i32 to index
        %parallel_loop3A_231 = arith.constant 80 : index
        %parallel_loop3A_232 = tpu.vector_load %arg16[%parallel_loop3A_230, %parallel_loop3A_231] {strides = array<i32>} : memref<8x1024xf32, #tpu.memory_space<vmem>>, vector<1x16xf32>,
        %parallel_loop3A_233 = vector.shape_cast %parallel_loop3A_232 : vector<1x16xf32> to vector<16xf32>
        %parallel_loop3A_234 = arith.index_cast %parallel_loop3A_184 : i32 to index
        %parallel_loop3A_235 = arith.constant 80 : index
        %parallel_loop3A_236 = tpu.vector_load %arg12[%parallel_loop3A_234, %parallel_loop3A_235] {strides = array<i32>} : memref<8x1024xf32, #tpu.memory_space<vmem>>, vector<1x16xf32>,
        %parallel_loop3A_237 = vector.shape_cast %parallel_loop3A_236 : vector<1x16xf32> to vector<16xf32>
        %parallel_loop3A_238 = vector.shape_cast %parallel_loop3A_233 : vector<16xf32> to vector<1x16xf32>
        tpu.vector_store %arg12[%parallel_loop3A_234, %parallel_loop3A_235], %parallel_loop3A_238 {add = true, strides = array<i32>} : memref<8x1024xf32, #tpu.memory_space<vmem>>, vector<1x16xf32>,
        %parallel_loop3A_239 = arith.index_cast %parallel_loop3A_184 : i32 to index
        %parallel_loop3A_240 = arith.constant 96 : index
        %parallel_loop3A_241 = tpu.vector_load %arg16[%parallel_loop3A_239, %parallel_loop3A_240] {strides = array<i32>} : memref<8x1024xf32, #tpu.memory_space<vmem>>, vector<1x16xf32>,
        %parallel_loop3A_242 = vector.shape_cast %parallel_loop3A_241 : vector<1x16xf32> to vector<16xf32>
        %parallel_loop3A_243 = arith.index_cast %parallel_loop3A_184 : i32 to index
        %parallel_loop3A_244 = arith.constant 96 : index
        %parallel_loop3A_245 = tpu.vector_load %arg12[%parallel_loop3A_243, %parallel_loop3A_244] {strides = array<i32>} : memref<8x1024xf32, #tpu.memory_space<vmem>>, vector<1x16xf32>,
        %parallel_loop3A_246 = vector.shape_cast %parallel_loop3A_245 : vector<1x16xf32> to vector<16xf32>
        %parallel_loop3A_247 = vector.shape_cast %parallel_loop3A_242 : vector<16xf32> to vector<1x16xf32>
        tpu.vector_store %arg12[%parallel_loop3A_243, %parallel_loop3A_244], %parallel_loop3A_247 {add = true, strides = array<i32>} : memref<8x1024xf32, #tpu.memory_space<vmem>>, vector<1x16xf32>,
        %parallel_loop3A_248 = arith.index_cast %parallel_loop3A_184 : i32 to index
        %parallel_loop3A_249 = arith.constant 112 : index
        %parallel_loop3A_250 = tpu.vector_load %arg16[%parallel_loop3A_248, %parallel_loop3A_249] {strides = array<i32>} : memref<8x1024xf32, #tpu.memory_space<vmem>>, vector<1x16xf32>,
        %parallel_loop3A_251 = vector.shape_cast %parallel_loop3A_250 : vector<1x16xf32> to vector<16xf32>
        %parallel_loop3A_252 = arith.index_cast %parallel_loop3A_184 : i32 to index
        %parallel_loop3A_253 = arith.constant 112 : index
        %parallel_loop3A_254 = tpu.vector_load %arg12[%parallel_loop3A_252, %parallel_loop3A_253] {strides = array<i32>} : memref<8x1024xf32, #tpu.memory_space<vmem>>, vector<1x16xf32>,
        %parallel_loop3A_255 = vector.shape_cast %parallel_loop3A_254 : vector<1x16xf32> to vector<16xf32>
        %parallel_loop3A_256 = vector.shape_cast %parallel_loop3A_251 : vector<16xf32> to vector<1x16xf32>
        tpu.vector_store %arg12[%parallel_loop3A_252, %parallel_loop3A_253], %parallel_loop3A_256 {add = true, strides = array<i32>} : memref<8x1024xf32, #tpu.memory_space<vmem>>, vector<1x16xf32>,
        %parallel_loop3A_257 = arith.index_cast %parallel_loop3A_184 : i32 to index
        %parallel_loop3A_258 = arith.constant 128 : index
        %parallel_loop3A_259 = tpu.vector_load %arg16[%parallel_loop3A_257, %parallel_loop3A_258] {strides = array<i32>} : memref<8x1024xf32, #tpu.memory_space<vmem>>, vector<1x16xf32>,
        %parallel_loop3A_260 = vector.shape_cast %parallel_loop3A_259 : vector<1x16xf32> to vector<16xf32>
        %parallel_loop3A_261 = arith.index_cast %parallel_loop3A_184 : i32 to index
        %parallel_loop3A_262 = arith.constant 128 : index
        %parallel_loop3A_263 = tpu.vector_load %arg12[%parallel_loop3A_261, %parallel_loop3A_262] {strides = array<i32>} : memref<8x1024xf32, #tpu.memory_space<vmem>>, vector<1x16xf32>,
        %parallel_loop3A_264 = vector.shape_cast %parallel_loop3A_263 : vector<1x16xf32> to vector<16xf32>
        %parallel_loop3A_265 = vector.shape_cast %parallel_loop3A_260 : vector<16xf32> to vector<1x16xf32>
        tpu.vector_store %arg12[%parallel_loop3A_261, %parallel_loop3A_262], %parallel_loop3A_265 {add = true, strides = array<i32>} : memref<8x1024xf32, #tpu.memory_space<vmem>>, vector<1x16xf32>,
        %parallel_loop3A_266 = arith.index_cast %parallel_loop3A_184 : i32 to index
        %parallel_loop3A_267 = arith.constant 144 : index
        %parallel_loop3A_268 = tpu.vector_load %arg16[%parallel_loop3A_266, %parallel_loop3A_267] {strides = array<i32>} : memref<8x1024xf32, #tpu.memory_space<vmem>>, vector<1x16xf32>,
        %parallel_loop3A_269 = vector.shape_cast %parallel_loop3A_268 : vector<1x16xf32> to vector<16xf32>
        %parallel_loop3A_270 = arith.index_cast %parallel_loop3A_184 : i32 to index
        %parallel_loop3A_271 = arith.constant 144 : index
        %parallel_loop3A_272 = tpu.vector_load %arg12[%parallel_loop3A_270, %parallel_loop3A_271] {strides = array<i32>} : memref<8x1024xf32, #tpu.memory_space<vmem>>, vector<1x16xf32>,
        %parallel_loop3A_273 = vector.shape_cast %parallel_loop3A_272 : vector<1x16xf32> to vector<16xf32>
        %parallel_loop3A_274 = vector.shape_cast %parallel_loop3A_269 : vector<16xf32> to vector<1x16xf32>
        tpu.vector_store %arg12[%parallel_loop3A_270, %parallel_loop3A_271], %parallel_loop3A_274 {add = true, strides = array<i32>} : memref<8x1024xf32, #tpu.memory_space<vmem>>, vector<1x16xf32>,
        %parallel_loop3A_275 = arith.index_cast %parallel_loop3A_184 : i32 to index
        %parallel_loop3A_276 = arith.constant 160 : index
        %parallel_loop3A_277 = tpu.vector_load %arg16[%parallel_loop3A_275, %parallel_loop3A_276] {strides = array<i32>} : memref<8x1024xf32, #tpu.memory_space<vmem>>, vector<1x16xf32>,
        %parallel_loop3A_278 = vector.shape_cast %parallel_loop3A_277 : vector<1x16xf32> to vector<16xf32>
        %parallel_loop3A_279 = arith.index_cast %parallel_loop3A_184 : i32 to index
        %parallel_loop3A_280 = arith.constant 160 : index
        %parallel_loop3A_281 = tpu.vector_load %arg12[%parallel_loop3A_279, %parallel_loop3A_280] {strides = array<i32>} : memref<8x1024xf32, #tpu.memory_space<vmem>>, vector<1x16xf32>,
        %parallel_loop3A_282 = vector.shape_cast %parallel_loop3A_281 : vector<1x16xf32> to vector<16xf32>
        %parallel_loop3A_283 = vector.shape_cast %parallel_loop3A_278 : vector<16xf32> to vector<1x16xf32>
        tpu.vector_store %arg12[%parallel_loop3A_279, %parallel_loop3A_280], %parallel_loop3A_283 {add = true, strides = array<i32>} : memref<8x1024xf32, #tpu.memory_space<vmem>>, vector<1x16xf32>,
        %parallel_loop3A_284 = arith.index_cast %parallel_loop3A_184 : i32 to index
        %parallel_loop3A_285 = arith.constant 176 : index
        %parallel_loop3A_286 = tpu.vector_load %arg16[%parallel_loop3A_284, %parallel_loop3A_285] {strides = array<i32>} : memref<8x1024xf32, #tpu.memory_space<vmem>>, vector<1x16xf32>,
        %parallel_loop3A_287 = vector.shape_cast %parallel_loop3A_286 : vector<1x16xf32> to vector<16xf32>
        %parallel_loop3A_288 = arith.index_cast %parallel_loop3A_184 : i32 to index
        %parallel_loop3A_289 = arith.constant 176 : index
        %parallel_loop3A_290 = tpu.vector_load %arg12[%parallel_loop3A_288, %parallel_loop3A_289] {strides = array<i32>} : memref<8x1024xf32, #tpu.memory_space<vmem>>, vector<1x16xf32>,
        %parallel_loop3A_291 = vector.shape_cast %parallel_loop3A_290 : vector<1x16xf32> to vector<16xf32>
        %parallel_loop3A_292 = vector.shape_cast %parallel_loop3A_287 : vector<16xf32> to vector<1x16xf32>
        tpu.vector_store %arg12[%parallel_loop3A_288, %parallel_loop3A_289], %parallel_loop3A_292 {add = true, strides = array<i32>} : memref<8x1024xf32, #tpu.memory_space<vmem>>, vector<1x16xf32>,
        %parallel_loop3A_293 = arith.index_cast %parallel_loop3A_184 : i32 to index
        %parallel_loop3A_294 = arith.constant 192 : index
        %parallel_loop3A_295 = tpu.vector_load %arg16[%parallel_loop3A_293, %parallel_loop3A_294] {strides = array<i32>} : memref<8x1024xf32, #tpu.memory_space<vmem>>, vector<1x16xf32>,
        %parallel_loop3A_296 = vector.shape_cast %parallel_loop3A_295 : vector<1x16xf32> to vector<16xf32>
        %parallel_loop3A_297 = arith.index_cast %parallel_loop3A_184 : i32 to index
        %parallel_loop3A_298 = arith.constant 192 : index
        %parallel_loop3A_299 = tpu.vector_load %arg12[%parallel_loop3A_297, %parallel_loop3A_298] {strides = array<i32>} : memref<8x1024xf32, #tpu.memory_space<vmem>>, vector<1x16xf32>,
        %parallel_loop3A_300 = vector.shape_cast %parallel_loop3A_299 : vector<1x16xf32> to vector<16xf32>
        %parallel_loop3A_301 = vector.shape_cast %parallel_loop3A_296 : vector<16xf32> to vector<1x16xf32>
        tpu.vector_store %arg12[%parallel_loop3A_297, %parallel_loop3A_298], %parallel_loop3A_301 {add = true, strides = array<i32>} : memref<8x1024xf32, #tpu.memory_space<vmem>>, vector<1x16xf32>,
        %parallel_loop3A_302 = arith.index_cast %parallel_loop3A_184 : i32 to index
        %parallel_loop3A_303 = arith.constant 208 : index
        %parallel_loop3A_304 = tpu.vector_load %arg16[%parallel_loop3A_302, %parallel_loop3A_303] {strides = array<i32>} : memref<8x1024xf32, #tpu.memory_space<vmem>>, vector<1x16xf32>,
        %parallel_loop3A_305 = vector.shape_cast %parallel_loop3A_304 : vector<1x16xf32> to vector<16xf32>
        %parallel_loop3A_306 = arith.index_cast %parallel_loop3A_184 : i32 to index
        %parallel_loop3A_307 = arith.constant 208 : index
        %parallel_loop3A_308 = tpu.vector_load %arg12[%parallel_loop3A_306, %parallel_loop3A_307] {strides = array<i32>} : memref<8x1024xf32, #tpu.memory_space<vmem>>, vector<1x16xf32>,
        %parallel_loop3A_309 = vector.shape_cast %parallel_loop3A_308 : vector<1x16xf32> to vector<16xf32>
        %parallel_loop3A_310 = vector.shape_cast %parallel_loop3A_305 : vector<16xf32> to vector<1x16xf32>
        tpu.vector_store %arg12[%parallel_loop3A_306, %parallel_loop3A_307], %parallel_loop3A_310 {add = true, strides = array<i32>} : memref<8x1024xf32, #tpu.memory_space<vmem>>, vector<1x16xf32>,
        %parallel_loop3A_311 = arith.index_cast %parallel_loop3A_184 : i32 to index
        %parallel_loop3A_312 = arith.constant 224 : index
        %parallel_loop3A_313 = tpu.vector_load %arg16[%parallel_loop3A_311, %parallel_loop3A_312] {strides = array<i32>} : memref<8x1024xf32, #tpu.memory_space<vmem>>, vector<1x16xf32>,
        %parallel_loop3A_314 = vector.shape_cast %parallel_loop3A_313 : vector<1x16xf32> to vector<16xf32>
        %parallel_loop3A_315 = arith.index_cast %parallel_loop3A_184 : i32 to index
        %parallel_loop3A_316 = arith.constant 224 : index
        %parallel_loop3A_317 = tpu.vector_load %arg12[%parallel_loop3A_315, %parallel_loop3A_316] {strides = array<i32>} : memref<8x1024xf32, #tpu.memory_space<vmem>>, vector<1x16xf32>,
        %parallel_loop3A_318 = vector.shape_cast %parallel_loop3A_317 : vector<1x16xf32> to vector<16xf32>
        %parallel_loop3A_319 = vector.shape_cast %parallel_loop3A_314 : vector<16xf32> to vector<1x16xf32>
        tpu.vector_store %arg12[%parallel_loop3A_315, %parallel_loop3A_316], %parallel_loop3A_319 {add = true, strides = array<i32>} : memref<8x1024xf32, #tpu.memory_space<vmem>>, vector<1x16xf32>,
        %parallel_loop3A_320 = arith.index_cast %parallel_loop3A_184 : i32 to index
        %parallel_loop3A_321 = arith.constant 240 : index
        %parallel_loop3A_322 = tpu.vector_load %arg16[%parallel_loop3A_320, %parallel_loop3A_321] {strides = array<i32>} : memref<8x1024xf32, #tpu.memory_space<vmem>>, vector<1x16xf32>,
        %parallel_loop3A_323 = vector.shape_cast %parallel_loop3A_322 : vector<1x16xf32> to vector<16xf32>
        %parallel_loop3A_324 = arith.index_cast %parallel_loop3A_184 : i32 to index
        %parallel_loop3A_325 = arith.constant 240 : index
        %parallel_loop3A_326 = tpu.vector_load %arg12[%parallel_loop3A_324, %parallel_loop3A_325] {strides = array<i32>} : memref<8x1024xf32, #tpu.memory_space<vmem>>, vector<1x16xf32>,
        %parallel_loop3A_327 = vector.shape_cast %parallel_loop3A_326 : vector<1x16xf32> to vector<16xf32>
        %parallel_loop3A_328 = vector.shape_cast %parallel_loop3A_323 : vector<16xf32> to vector<1x16xf32>
        tpu.vector_store %arg12[%parallel_loop3A_324, %parallel_loop3A_325], %parallel_loop3A_328 {add = true, strides = array<i32>} : memref<8x1024xf32, #tpu.memory_space<vmem>>, vector<1x16xf32>,
        %parallel_loop3A_329 = arith.index_cast %parallel_loop3A_184 : i32 to index
        %parallel_loop3A_330 = arith.constant 256 : index
        %parallel_loop3A_331 = tpu.vector_load %arg16[%parallel_loop3A_329, %parallel_loop3A_330] {strides = array<i32>} : memref<8x1024xf32, #tpu.memory_space<vmem>>, vector<1x16xf32>,
        %parallel_loop3A_332 = vector.shape_cast %parallel_loop3A_331 : vector<1x16xf32> to vector<16xf32>
        %parallel_loop3A_333 = arith.index_cast %parallel_loop3A_184 : i32 to index
        %parallel_loop3A_334 = arith.constant 256 : index
        %parallel_loop3A_335 = tpu.vector_load %arg12[%parallel_loop3A_333, %parallel_loop3A_334] {strides = array<i32>} : memref<8x1024xf32, #tpu.memory_space<vmem>>, vector<1x16xf32>,
        %parallel_loop3A_336 = vector.shape_cast %parallel_loop3A_335 : vector<1x16xf32> to vector<16xf32>
        %parallel_loop3A_337 = vector.shape_cast %parallel_loop3A_332 : vector<16xf32> to vector<1x16xf32>
        tpu.vector_store %arg12[%parallel_loop3A_333, %parallel_loop3A_334], %parallel_loop3A_337 {add = true, strides = array<i32>} : memref<8x1024xf32, #tpu.memory_space<vmem>>, vector<1x16xf32>,
        %parallel_loop3A_338 = arith.index_cast %parallel_loop3A_184 : i32 to index
        %parallel_loop3A_339 = arith.constant 272 : index
        %parallel_loop3A_340 = tpu.vector_load %arg16[%parallel_loop3A_338, %parallel_loop3A_339] {strides = array<i32>} : memref<8x1024xf32, #tpu.memory_space<vmem>>, vector<1x16xf32>,
        %parallel_loop3A_341 = vector.shape_cast %parallel_loop3A_340 : vector<1x16xf32> to vector<16xf32>
        %parallel_loop3A_342 = arith.index_cast %parallel_loop3A_184 : i32 to index
        %parallel_loop3A_343 = arith.constant 272 : index
        %parallel_loop3A_344 = tpu.vector_load %arg12[%parallel_loop3A_342, %parallel_loop3A_343] {strides = array<i32>} : memref<8x1024xf32, #tpu.memory_space<vmem>>, vector<1x16xf32>,
        %parallel_loop3A_345 = vector.shape_cast %parallel_loop3A_344 : vector<1x16xf32> to vector<16xf32>
        %parallel_loop3A_346 = vector.shape_cast %parallel_loop3A_341 : vector<16xf32> to vector<1x16xf32>
        tpu.vector_store %arg12[%parallel_loop3A_342, %parallel_loop3A_343], %parallel_loop3A_346 {add = true, strides = array<i32>} : memref<8x1024xf32, #tpu.memory_space<vmem>>, vector<1x16xf32>,
        %parallel_loop3A_347 = arith.index_cast %parallel_loop3A_184 : i32 to index
        %parallel_loop3A_348 = arith.constant 288 : index
        %parallel_loop3A_349 = tpu.vector_load %arg16[%parallel_loop3A_347, %parallel_loop3A_348] {strides = array<i32>} : memref<8x1024xf32, #tpu.memory_space<vmem>>, vector<1x16xf32>,
        %parallel_loop3A_350 = vector.shape_cast %parallel_loop3A_349 : vector<1x16xf32> to vector<16xf32>
        %parallel_loop3A_351 = arith.index_cast %parallel_loop3A_184 : i32 to index
        %parallel_loop3A_352 = arith.constant 288 : index
        %parallel_loop3A_353 = tpu.vector_load %arg12[%parallel_loop3A_351, %parallel_loop3A_352] {strides = array<i32>} : memref<8x1024xf32, #tpu.memory_space<vmem>>, vector<1x16xf32>,
        %parallel_loop3A_354 = vector.shape_cast %parallel_loop3A_353 : vector<1x16xf32> to vector<16xf32>
        %parallel_loop3A_355 = vector.shape_cast %parallel_loop3A_350 : vector<16xf32> to vector<1x16xf32>
        tpu.vector_store %arg12[%parallel_loop3A_351, %parallel_loop3A_352], %parallel_loop3A_355 {add = true, strides = array<i32>} : memref<8x1024xf32, #tpu.memory_space<vmem>>, vector<1x16xf32>,
        %parallel_loop3A_356 = arith.index_cast %parallel_loop3A_184 : i32 to index
        %parallel_loop3A_357 = arith.constant 304 : index
        %parallel_loop3A_358 = tpu.vector_load %arg16[%parallel_loop3A_356, %parallel_loop3A_357] {strides = array<i32>} : memref<8x1024xf32, #tpu.memory_space<vmem>>, vector<1x16xf32>,
        %parallel_loop3A_359 = vector.shape_cast %parallel_loop3A_358 : vector<1x16xf32> to vector<16xf32>
        %parallel_loop3A_360 = arith.index_cast %parallel_loop3A_184 : i32 to index
        %parallel_loop3A_361 = arith.constant 304 : index
        %parallel_loop3A_362 = tpu.vector_load %arg12[%parallel_loop3A_360, %parallel_loop3A_361] {strides = array<i32>} : memref<8x1024xf32, #tpu.memory_space<vmem>>, vector<1x16xf32>,
        %parallel_loop3A_363 = vector.shape_cast %parallel_loop3A_362 : vector<1x16xf32> to vector<16xf32>
        %parallel_loop3A_364 = vector.shape_cast %parallel_loop3A_359 : vector<16xf32> to vector<1x16xf32>
        tpu.vector_store %arg12[%parallel_loop3A_360, %parallel_loop3A_361], %parallel_loop3A_364 {add = true, strides = array<i32>} : memref<8x1024xf32, #tpu.memory_space<vmem>>, vector<1x16xf32>,
        %parallel_loop3A_365 = arith.index_cast %parallel_loop3A_184 : i32 to index
        %parallel_loop3A_366 = arith.constant 320 : index
        %parallel_loop3A_367 = tpu.vector_load %arg16[%parallel_loop3A_365, %parallel_loop3A_366] {strides = array<i32>} : memref<8x1024xf32, #tpu.memory_space<vmem>>, vector<1x16xf32>,
        %parallel_loop3A_368 = vector.shape_cast %parallel_loop3A_367 : vector<1x16xf32> to vector<16xf32>
        %parallel_loop3A_369 = arith.index_cast %parallel_loop3A_184 : i32 to index
        %parallel_loop3A_370 = arith.constant 320 : index
        %parallel_loop3A_371 = tpu.vector_load %arg12[%parallel_loop3A_369, %parallel_loop3A_370] {strides = array<i32>} : memref<8x1024xf32, #tpu.memory_space<vmem>>, vector<1x16xf32>,
        %parallel_loop3A_372 = vector.shape_cast %parallel_loop3A_371 : vector<1x16xf32> to vector<16xf32>
        %parallel_loop3A_373 = vector.shape_cast %parallel_loop3A_368 : vector<16xf32> to vector<1x16xf32>
        tpu.vector_store %arg12[%parallel_loop3A_369, %parallel_loop3A_370], %parallel_loop3A_373 {add = true, strides = array<i32>} : memref<8x1024xf32, #tpu.memory_space<vmem>>, vector<1x16xf32>,
        %parallel_loop3A_374 = arith.index_cast %parallel_loop3A_184 : i32 to index
        %parallel_loop3A_375 = arith.constant 336 : index
        %parallel_loop3A_376 = tpu.vector_load %arg16[%parallel_loop3A_374, %parallel_loop3A_375] {strides = array<i32>} : memref<8x1024xf32, #tpu.memory_space<vmem>>, vector<1x16xf32>,
        %parallel_loop3A_377 = vector.shape_cast %parallel_loop3A_376 : vector<1x16xf32> to vector<16xf32>
        %parallel_loop3A_378 = arith.index_cast %parallel_loop3A_184 : i32 to index
        %parallel_loop3A_379 = arith.constant 336 : index
        %parallel_loop3A_380 = tpu.vector_load %arg12[%parallel_loop3A_378, %parallel_loop3A_379] {strides = array<i32>} : memref<8x1024xf32, #tpu.memory_space<vmem>>, vector<1x16xf32>,
        %parallel_loop3A_381 = vector.shape_cast %parallel_loop3A_380 : vector<1x16xf32> to vector<16xf32>
        %parallel_loop3A_382 = vector.shape_cast %parallel_loop3A_377 : vector<16xf32> to vector<1x16xf32>
        tpu.vector_store %arg12[%parallel_loop3A_378, %parallel_loop3A_379], %parallel_loop3A_382 {add = true, strides = array<i32>} : memref<8x1024xf32, #tpu.memory_space<vmem>>, vector<1x16xf32>,
        %parallel_loop3A_383 = arith.index_cast %parallel_loop3A_184 : i32 to index
        %parallel_loop3A_384 = arith.constant 352 : index
        %parallel_loop3A_385 = tpu.vector_load %arg16[%parallel_loop3A_383, %parallel_loop3A_384] {strides = array<i32>} : memref<8x1024xf32, #tpu.memory_space<vmem>>, vector<1x16xf32>,
        %parallel_loop3A_386 = vector.shape_cast %parallel_loop3A_385 : vector<1x16xf32> to vector<16xf32>
        %parallel_loop3A_387 = arith.index_cast %parallel_loop3A_184 : i32 to index
        %parallel_loop3A_388 = arith.constant 352 : index
        %parallel_loop3A_389 = tpu.vector_load %arg12[%parallel_loop3A_387, %parallel_loop3A_388] {strides = array<i32>} : memref<8x1024xf32, #tpu.memory_space<vmem>>, vector<1x16xf32>,
        %parallel_loop3A_390 = vector.shape_cast %parallel_loop3A_389 : vector<1x16xf32> to vector<16xf32>
        %parallel_loop3A_391 = vector.shape_cast %parallel_loop3A_386 : vector<16xf32> to vector<1x16xf32>
        tpu.vector_store %arg12[%parallel_loop3A_387, %parallel_loop3A_388], %parallel_loop3A_391 {add = true, strides = array<i32>} : memref<8x1024xf32, #tpu.memory_space<vmem>>, vector<1x16xf32>,
        %parallel_loop3A_392 = arith.index_cast %parallel_loop3A_184 : i32 to index
        %parallel_loop3A_393 = arith.constant 368 : index
        %parallel_loop3A_394 = tpu.vector_load %arg16[%parallel_loop3A_392, %parallel_loop3A_393] {strides = array<i32>} : memref<8x1024xf32, #tpu.memory_space<vmem>>, vector<1x16xf32>,
        %parallel_loop3A_395 = vector.shape_cast %parallel_loop3A_394 : vector<1x16xf32> to vector<16xf32>
        %parallel_loop3A_396 = arith.index_cast %parallel_loop3A_184 : i32 to index
        %parallel_loop3A_397 = arith.constant 368 : index
        %parallel_loop3A_398 = tpu.vector_load %arg12[%parallel_loop3A_396, %parallel_loop3A_397] {strides = array<i32>} : memref<8x1024xf32, #tpu.memory_space<vmem>>, vector<1x16xf32>,
        %parallel_loop3A_399 = vector.shape_cast %parallel_loop3A_398 : vector<1x16xf32> to vector<16xf32>
        %parallel_loop3A_400 = vector.shape_cast %parallel_loop3A_395 : vector<16xf32> to vector<1x16xf32>
        tpu.vector_store %arg12[%parallel_loop3A_396, %parallel_loop3A_397], %parallel_loop3A_400 {add = true, strides = array<i32>} : memref<8x1024xf32, #tpu.memory_space<vmem>>, vector<1x16xf32>,
        %parallel_loop3A_401 = arith.index_cast %parallel_loop3A_184 : i32 to index
        %parallel_loop3A_402 = arith.constant 384 : index
        %parallel_loop3A_403 = tpu.vector_load %arg16[%parallel_loop3A_401, %parallel_loop3A_402] {strides = array<i32>} : memref<8x1024xf32, #tpu.memory_space<vmem>>, vector<1x16xf32>,
        %parallel_loop3A_404 = vector.shape_cast %parallel_loop3A_403 : vector<1x16xf32> to vector<16xf32>
        %parallel_loop3A_405 = arith.index_cast %parallel_loop3A_184 : i32 to index
        %parallel_loop3A_406 = arith.constant 384 : index
        %parallel_loop3A_407 = tpu.vector_load %arg12[%parallel_loop3A_405, %parallel_loop3A_406] {strides = array<i32>} : memref<8x1024xf32, #tpu.memory_space<vmem>>, vector<1x16xf32>,
        %parallel_loop3A_408 = vector.shape_cast %parallel_loop3A_407 : vector<1x16xf32> to vector<16xf32>
        %parallel_loop3A_409 = vector.shape_cast %parallel_loop3A_404 : vector<16xf32> to vector<1x16xf32>
        tpu.vector_store %arg12[%parallel_loop3A_405, %parallel_loop3A_406], %parallel_loop3A_409 {add = true, strides = array<i32>} : memref<8x1024xf32, #tpu.memory_space<vmem>>, vector<1x16xf32>,
        %parallel_loop3A_410 = arith.index_cast %parallel_loop3A_184 : i32 to index
        %parallel_loop3A_411 = arith.constant 400 : index
        %parallel_loop3A_412 = tpu.vector_load %arg16[%parallel_loop3A_410, %parallel_loop3A_411] {strides = array<i32>} : memref<8x1024xf32, #tpu.memory_space<vmem>>, vector<1x16xf32>,
        %parallel_loop3A_413 = vector.shape_cast %parallel_loop3A_412 : vector<1x16xf32> to vector<16xf32>
        %parallel_loop3A_414 = arith.index_cast %parallel_loop3A_184 : i32 to index
        %parallel_loop3A_415 = arith.constant 400 : index
        %parallel_loop3A_416 = tpu.vector_load %arg12[%parallel_loop3A_414, %parallel_loop3A_415] {strides = array<i32>} : memref<8x1024xf32, #tpu.memory_space<vmem>>, vector<1x16xf32>,
        %parallel_loop3A_417 = vector.shape_cast %parallel_loop3A_416 : vector<1x16xf32> to vector<16xf32>
        %parallel_loop3A_418 = vector.shape_cast %parallel_loop3A_413 : vector<16xf32> to vector<1x16xf32>
        tpu.vector_store %arg12[%parallel_loop3A_414, %parallel_loop3A_415], %parallel_loop3A_418 {add = true, strides = array<i32>} : memref<8x1024xf32, #tpu.memory_space<vmem>>, vector<1x16xf32>,
        %parallel_loop3A_419 = arith.index_cast %parallel_loop3A_184 : i32 to index
        %parallel_loop3A_420 = arith.constant 416 : index
        %parallel_loop3A_421 = tpu.vector_load %arg16[%parallel_loop3A_419, %parallel_loop3A_420] {strides = array<i32>} : memref<8x1024xf32, #tpu.memory_space<vmem>>, vector<1x16xf32>,
        %parallel_loop3A_422 = vector.shape_cast %parallel_loop3A_421 : vector<1x16xf32> to vector<16xf32>
        %parallel_loop3A_423 = arith.index_cast %parallel_loop3A_184 : i32 to index
        %parallel_loop3A_424 = arith.constant 416 : index
        %parallel_loop3A_425 = tpu.vector_load %arg12[%parallel_loop3A_423, %parallel_loop3A_424] {strides = array<i32>} : memref<8x1024xf32, #tpu.memory_space<vmem>>, vector<1x16xf32>,
        %parallel_loop3A_426 = vector.shape_cast %parallel_loop3A_425 : vector<1x16xf32> to vector<16xf32>
        %parallel_loop3A_427 = vector.shape_cast %parallel_loop3A_422 : vector<16xf32> to vector<1x16xf32>
        tpu.vector_store %arg12[%parallel_loop3A_423, %parallel_loop3A_424], %parallel_loop3A_427 {add = true, strides = array<i32>} : memref<8x1024xf32, #tpu.memory_space<vmem>>, vector<1x16xf32>,
        %parallel_loop3A_428 = arith.index_cast %parallel_loop3A_184 : i32 to index
        %parallel_loop3A_429 = arith.constant 432 : index
        %parallel_loop3A_430 = tpu.vector_load %arg16[%parallel_loop3A_428, %parallel_loop3A_429] {strides = array<i32>} : memref<8x1024xf32, #tpu.memory_space<vmem>>, vector<1x16xf32>,
        %parallel_loop3A_431 = vector.shape_cast %parallel_loop3A_430 : vector<1x16xf32> to vector<16xf32>
        %parallel_loop3A_432 = arith.index_cast %parallel_loop3A_184 : i32 to index
        %parallel_loop3A_433 = arith.constant 432 : index
        %parallel_loop3A_434 = tpu.vector_load %arg12[%parallel_loop3A_432, %parallel_loop3A_433] {strides = array<i32>} : memref<8x1024xf32, #tpu.memory_space<vmem>>, vector<1x16xf32>,
        %parallel_loop3A_435 = vector.shape_cast %parallel_loop3A_434 : vector<1x16xf32> to vector<16xf32>
        %parallel_loop3A_436 = vector.shape_cast %parallel_loop3A_431 : vector<16xf32> to vector<1x16xf32>
        tpu.vector_store %arg12[%parallel_loop3A_432, %parallel_loop3A_433], %parallel_loop3A_436 {add = true, strides = array<i32>} : memref<8x1024xf32, #tpu.memory_space<vmem>>, vector<1x16xf32>,
        %parallel_loop3A_437 = arith.index_cast %parallel_loop3A_184 : i32 to index
        %parallel_loop3A_438 = arith.constant 448 : index
        %parallel_loop3A_439 = tpu.vector_load %arg16[%parallel_loop3A_437, %parallel_loop3A_438] {strides = array<i32>} : memref<8x1024xf32, #tpu.memory_space<vmem>>, vector<1x16xf32>,
        %parallel_loop3A_440 = vector.shape_cast %parallel_loop3A_439 : vector<1x16xf32> to vector<16xf32>
        %parallel_loop3A_441 = arith.index_cast %parallel_loop3A_184 : i32 to index
        %parallel_loop3A_442 = arith.constant 448 : index
        %parallel_loop3A_443 = tpu.vector_load %arg12[%parallel_loop3A_441, %parallel_loop3A_442] {strides = array<i32>} : memref<8x1024xf32, #tpu.memory_space<vmem>>, vector<1x16xf32>,
        %parallel_loop3A_444 = vector.shape_cast %parallel_loop3A_443 : vector<1x16xf32> to vector<16xf32>
        %parallel_loop3A_445 = vector.shape_cast %parallel_loop3A_440 : vector<16xf32> to vector<1x16xf32>
        tpu.vector_store %arg12[%parallel_loop3A_441, %parallel_loop3A_442], %parallel_loop3A_445 {add = true, strides = array<i32>} : memref<8x1024xf32, #tpu.memory_space<vmem>>, vector<1x16xf32>,
        %parallel_loop3A_446 = arith.index_cast %parallel_loop3A_184 : i32 to index
        %parallel_loop3A_447 = arith.constant 464 : index
        %parallel_loop3A_448 = tpu.vector_load %arg16[%parallel_loop3A_446, %parallel_loop3A_447] {strides = array<i32>} : memref<8x1024xf32, #tpu.memory_space<vmem>>, vector<1x16xf32>,
        %parallel_loop3A_449 = vector.shape_cast %parallel_loop3A_448 : vector<1x16xf32> to vector<16xf32>
        %parallel_loop3A_450 = arith.index_cast %parallel_loop3A_184 : i32 to index
        %parallel_loop3A_451 = arith.constant 464 : index
        %parallel_loop3A_452 = tpu.vector_load %arg12[%parallel_loop3A_450, %parallel_loop3A_451] {strides = array<i32>} : memref<8x1024xf32, #tpu.memory_space<vmem>>, vector<1x16xf32>,
        %parallel_loop3A_453 = vector.shape_cast %parallel_loop3A_452 : vector<1x16xf32> to vector<16xf32>
        %parallel_loop3A_454 = vector.shape_cast %parallel_loop3A_449 : vector<16xf32> to vector<1x16xf32>
        tpu.vector_store %arg12[%parallel_loop3A_450, %parallel_loop3A_451], %parallel_loop3A_454 {add = true, strides = array<i32>} : memref<8x1024xf32, #tpu.memory_space<vmem>>, vector<1x16xf32>,
        %parallel_loop3A_455 = arith.index_cast %parallel_loop3A_184 : i32 to index
        %parallel_loop3A_456 = arith.constant 480 : index
        %parallel_loop3A_457 = tpu.vector_load %arg16[%parallel_loop3A_455, %parallel_loop3A_456] {strides = array<i32>} : memref<8x1024xf32, #tpu.memory_space<vmem>>, vector<1x16xf32>,
        %parallel_loop3A_458 = vector.shape_cast %parallel_loop3A_457 : vector<1x16xf32> to vector<16xf32>
        %parallel_loop3A_459 = arith.index_cast %parallel_loop3A_184 : i32 to index
        %parallel_loop3A_460 = arith.constant 480 : index
        %parallel_loop3A_461 = tpu.vector_load %arg12[%parallel_loop3A_459, %parallel_loop3A_460] {strides = array<i32>} : memref<8x1024xf32, #tpu.memory_space<vmem>>, vector<1x16xf32>,
        %parallel_loop3A_462 = vector.shape_cast %parallel_loop3A_461 : vector<1x16xf32> to vector<16xf32>
        %parallel_loop3A_463 = vector.shape_cast %parallel_loop3A_458 : vector<16xf32> to vector<1x16xf32>
        tpu.vector_store %arg12[%parallel_loop3A_459, %parallel_loop3A_460], %parallel_loop3A_463 {add = true, strides = array<i32>} : memref<8x1024xf32, #tpu.memory_space<vmem>>, vector<1x16xf32>,
        %parallel_loop3A_464 = arith.index_cast %parallel_loop3A_184 : i32 to index
        %parallel_loop3A_465 = arith.constant 496 : index
        %parallel_loop3A_466 = tpu.vector_load %arg16[%parallel_loop3A_464, %parallel_loop3A_465] {strides = array<i32>} : memref<8x1024xf32, #tpu.memory_space<vmem>>, vector<1x16xf32>,
        %parallel_loop3A_467 = vector.shape_cast %parallel_loop3A_466 : vector<1x16xf32> to vector<16xf32>
        %parallel_loop3A_468 = arith.index_cast %parallel_loop3A_184 : i32 to index
        %parallel_loop3A_469 = arith.constant 496 : index
        %parallel_loop3A_470 = tpu.vector_load %arg12[%parallel_loop3A_468, %parallel_loop3A_469] {strides = array<i32>} : memref<8x1024xf32, #tpu.memory_space<vmem>>, vector<1x16xf32>,
        %parallel_loop3A_471 = vector.shape_cast %parallel_loop3A_470 : vector<1x16xf32> to vector<16xf32>
        %parallel_loop3A_472 = vector.shape_cast %parallel_loop3A_467 : vector<16xf32> to vector<1x16xf32>
        tpu.vector_store %arg12[%parallel_loop3A_468, %parallel_loop3A_469], %parallel_loop3A_472 {add = true, strides = array<i32>} : memref<8x1024xf32, #tpu.memory_space<vmem>>, vector<1x16xf32>,
        %parallel_loop3A_473 = arith.index_cast %parallel_loop3A_184 : i32 to index
        %parallel_loop3A_474 = arith.constant 512 : index
        %parallel_loop3A_475 = tpu.vector_load %arg16[%parallel_loop3A_473, %parallel_loop3A_474] {strides = array<i32>} : memref<8x1024xf32, #tpu.memory_space<vmem>>, vector<1x16xf32>,
        %parallel_loop3A_476 = vector.shape_cast %parallel_loop3A_475 : vector<1x16xf32> to vector<16xf32>
        %parallel_loop3A_477 = arith.index_cast %parallel_loop3A_184 : i32 to index
        %parallel_loop3A_478 = arith.constant 512 : index
        %parallel_loop3A_479 = tpu.vector_load %arg12[%parallel_loop3A_477, %parallel_loop3A_478] {strides = array<i32>} : memref<8x1024xf32, #tpu.memory_space<vmem>>, vector<1x16xf32>,
        %parallel_loop3A_480 = vector.shape_cast %parallel_loop3A_479 : vector<1x16xf32> to vector<16xf32>
        %parallel_loop3A_481 = vector.shape_cast %parallel_loop3A_476 : vector<16xf32> to vector<1x16xf32>
        tpu.vector_store %arg12[%parallel_loop3A_477, %parallel_loop3A_478], %parallel_loop3A_481 {add = true, strides = array<i32>} : memref<8x1024xf32, #tpu.memory_space<vmem>>, vector<1x16xf32>,
        %parallel_loop3A_482 = arith.index_cast %parallel_loop3A_184 : i32 to index
        %parallel_loop3A_483 = arith.constant 528 : index
        %parallel_loop3A_484 = tpu.vector_load %arg16[%parallel_loop3A_482, %parallel_loop3A_483] {strides = array<i32>} : memref<8x1024xf32, #tpu.memory_space<vmem>>, vector<1x16xf32>,
        %parallel_loop3A_485 = vector.shape_cast %parallel_loop3A_484 : vector<1x16xf32> to vector<16xf32>
        %parallel_loop3A_486 = arith.index_cast %parallel_loop3A_184 : i32 to index
        %parallel_loop3A_487 = arith.constant 528 : index
        %parallel_loop3A_488 = tpu.vector_load %arg12[%parallel_loop3A_486, %parallel_loop3A_487] {strides = array<i32>} : memref<8x1024xf32, #tpu.memory_space<vmem>>, vector<1x16xf32>,
        %parallel_loop3A_489 = vector.shape_cast %parallel_loop3A_488 : vector<1x16xf32> to vector<16xf32>
        %parallel_loop3A_490 = vector.shape_cast %parallel_loop3A_485 : vector<16xf32> to vector<1x16xf32>
        tpu.vector_store %arg12[%parallel_loop3A_486, %parallel_loop3A_487], %parallel_loop3A_490 {add = true, strides = array<i32>} : memref<8x1024xf32, #tpu.memory_space<vmem>>, vector<1x16xf32>,
        %parallel_loop3A_491 = arith.index_cast %parallel_loop3A_184 : i32 to index
        %parallel_loop3A_492 = arith.constant 544 : index
        %parallel_loop3A_493 = tpu.vector_load %arg16[%parallel_loop3A_491, %parallel_loop3A_492] {strides = array<i32>} : memref<8x1024xf32, #tpu.memory_space<vmem>>, vector<1x16xf32>,
        %parallel_loop3A_494 = vector.shape_cast %parallel_loop3A_493 : vector<1x16xf32> to vector<16xf32>
        %parallel_loop3A_495 = arith.index_cast %parallel_loop3A_184 : i32 to index
        %parallel_loop3A_496 = arith.constant 544 : index
        %parallel_loop3A_497 = tpu.vector_load %arg12[%parallel_loop3A_495, %parallel_loop3A_496] {strides = array<i32>} : memref<8x1024xf32, #tpu.memory_space<vmem>>, vector<1x16xf32>,
        %parallel_loop3A_498 = vector.shape_cast %parallel_loop3A_497 : vector<1x16xf32> to vector<16xf32>
        %parallel_loop3A_499 = vector.shape_cast %parallel_loop3A_494 : vector<16xf32> to vector<1x16xf32>
        tpu.vector_store %arg12[%parallel_loop3A_495, %parallel_loop3A_496], %parallel_loop3A_499 {add = true, strides = array<i32>} : memref<8x1024xf32, #tpu.memory_space<vmem>>, vector<1x16xf32>,
        %parallel_loop3A_500 = arith.index_cast %parallel_loop3A_184 : i32 to index
        %parallel_loop3A_501 = arith.constant 560 : index
        %parallel_loop3A_502 = tpu.vector_load %arg16[%parallel_loop3A_500, %parallel_loop3A_501] {strides = array<i32>} : memref<8x1024xf32, #tpu.memory_space<vmem>>, vector<1x16xf32>,
        %parallel_loop3A_503 = vector.shape_cast %parallel_loop3A_502 : vector<1x16xf32> to vector<16xf32>
        %parallel_loop3A_504 = arith.index_cast %parallel_loop3A_184 : i32 to index
        %parallel_loop3A_505 = arith.constant 560 : index
        %parallel_loop3A_506 = tpu.vector_load %arg12[%parallel_loop3A_504, %parallel_loop3A_505] {strides = array<i32>} : memref<8x1024xf32, #tpu.memory_space<vmem>>, vector<1x16xf32>,
        %parallel_loop3A_507 = vector.shape_cast %parallel_loop3A_506 : vector<1x16xf32> to vector<16xf32>
        %parallel_loop3A_508 = vector.shape_cast %parallel_loop3A_503 : vector<16xf32> to vector<1x16xf32>
        tpu.vector_store %arg12[%parallel_loop3A_504, %parallel_loop3A_505], %parallel_loop3A_508 {add = true, strides = array<i32>} : memref<8x1024xf32, #tpu.memory_space<vmem>>, vector<1x16xf32>,
        %parallel_loop3A_509 = arith.index_cast %parallel_loop3A_184 : i32 to index
        %parallel_loop3A_510 = arith.constant 576 : index
        %parallel_loop3A_511 = tpu.vector_load %arg16[%parallel_loop3A_509, %parallel_loop3A_510] {strides = array<i32>} : memref<8x1024xf32, #tpu.memory_space<vmem>>, vector<1x16xf32>,
        %parallel_loop3A_512 = vector.shape_cast %parallel_loop3A_511 : vector<1x16xf32> to vector<16xf32>
        %parallel_loop3A_513 = arith.index_cast %parallel_loop3A_184 : i32 to index
        %parallel_loop3A_514 = arith.constant 576 : index
        %parallel_loop3A_515 = tpu.vector_load %arg12[%parallel_loop3A_513, %parallel_loop3A_514] {strides = array<i32>} : memref<8x1024xf32, #tpu.memory_space<vmem>>, vector<1x16xf32>,
        %parallel_loop3A_516 = vector.shape_cast %parallel_loop3A_515 : vector<1x16xf32> to vector<16xf32>
        %parallel_loop3A_517 = vector.shape_cast %parallel_loop3A_512 : vector<16xf32> to vector<1x16xf32>
        tpu.vector_store %arg12[%parallel_loop3A_513, %parallel_loop3A_514], %parallel_loop3A_517 {add = true, strides = array<i32>} : memref<8x1024xf32, #tpu.memory_space<vmem>>, vector<1x16xf32>,
        %parallel_loop3A_518 = arith.index_cast %parallel_loop3A_184 : i32 to index
        %parallel_loop3A_519 = arith.constant 592 : index
        %parallel_loop3A_520 = tpu.vector_load %arg16[%parallel_loop3A_518, %parallel_loop3A_519] {strides = array<i32>} : memref<8x1024xf32, #tpu.memory_space<vmem>>, vector<1x16xf32>,
        %parallel_loop3A_521 = vector.shape_cast %parallel_loop3A_520 : vector<1x16xf32> to vector<16xf32>
        %parallel_loop3A_522 = arith.index_cast %parallel_loop3A_184 : i32 to index
        %parallel_loop3A_523 = arith.constant 592 : index
        %parallel_loop3A_524 = tpu.vector_load %arg12[%parallel_loop3A_522, %parallel_loop3A_523] {strides = array<i32>} : memref<8x1024xf32, #tpu.memory_space<vmem>>, vector<1x16xf32>,
        %parallel_loop3A_525 = vector.shape_cast %parallel_loop3A_524 : vector<1x16xf32> to vector<16xf32>
        %parallel_loop3A_526 = vector.shape_cast %parallel_loop3A_521 : vector<16xf32> to vector<1x16xf32>
        tpu.vector_store %arg12[%parallel_loop3A_522, %parallel_loop3A_523], %parallel_loop3A_526 {add = true, strides = array<i32>} : memref<8x1024xf32, #tpu.memory_space<vmem>>, vector<1x16xf32>,
        %parallel_loop3A_527 = arith.index_cast %parallel_loop3A_184 : i32 to index
        %parallel_loop3A_528 = arith.constant 608 : index
        %parallel_loop3A_529 = tpu.vector_load %arg16[%parallel_loop3A_527, %parallel_loop3A_528] {strides = array<i32>} : memref<8x1024xf32, #tpu.memory_space<vmem>>, vector<1x16xf32>,
        %parallel_loop3A_530 = vector.shape_cast %parallel_loop3A_529 : vector<1x16xf32> to vector<16xf32>
        %parallel_loop3A_531 = arith.index_cast %parallel_loop3A_184 : i32 to index
        %parallel_loop3A_532 = arith.constant 608 : index
        %parallel_loop3A_533 = tpu.vector_load %arg12[%parallel_loop3A_531, %parallel_loop3A_532] {strides = array<i32>} : memref<8x1024xf32, #tpu.memory_space<vmem>>, vector<1x16xf32>,
        %parallel_loop3A_534 = vector.shape_cast %parallel_loop3A_533 : vector<1x16xf32> to vector<16xf32>
        %parallel_loop3A_535 = vector.shape_cast %parallel_loop3A_530 : vector<16xf32> to vector<1x16xf32>
        tpu.vector_store %arg12[%parallel_loop3A_531, %parallel_loop3A_532], %parallel_loop3A_535 {add = true, strides = array<i32>} : memref<8x1024xf32, #tpu.memory_space<vmem>>, vector<1x16xf32>,
        %parallel_loop3A_536 = arith.index_cast %parallel_loop3A_184 : i32 to index
        %parallel_loop3A_537 = arith.constant 624 : index
        %parallel_loop3A_538 = tpu.vector_load %arg16[%parallel_loop3A_536, %parallel_loop3A_537] {strides = array<i32>} : memref<8x1024xf32, #tpu.memory_space<vmem>>, vector<1x16xf32>,
        %parallel_loop3A_539 = vector.shape_cast %parallel_loop3A_538 : vector<1x16xf32> to vector<16xf32>
        %parallel_loop3A_540 = arith.index_cast %parallel_loop3A_184 : i32 to index
        %parallel_loop3A_541 = arith.constant 624 : index
        %parallel_loop3A_542 = tpu.vector_load %arg12[%parallel_loop3A_540, %parallel_loop3A_541] {strides = array<i32>} : memref<8x1024xf32, #tpu.memory_space<vmem>>, vector<1x16xf32>,
        %parallel_loop3A_543 = vector.shape_cast %parallel_loop3A_542 : vector<1x16xf32> to vector<16xf32>
        %parallel_loop3A_544 = vector.shape_cast %parallel_loop3A_539 : vector<16xf32> to vector<1x16xf32>
        tpu.vector_store %arg12[%parallel_loop3A_540, %parallel_loop3A_541], %parallel_loop3A_544 {add = true, strides = array<i32>} : memref<8x1024xf32, #tpu.memory_space<vmem>>, vector<1x16xf32>,
        %parallel_loop3A_545 = arith.index_cast %parallel_loop3A_184 : i32 to index
        %parallel_loop3A_546 = arith.constant 640 : index
        %parallel_loop3A_547 = tpu.vector_load %arg16[%parallel_loop3A_545, %parallel_loop3A_546] {strides = array<i32>} : memref<8x1024xf32, #tpu.memory_space<vmem>>, vector<1x16xf32>,
        %parallel_loop3A_548 = vector.shape_cast %parallel_loop3A_547 : vector<1x16xf32> to vector<16xf32>
        %parallel_loop3A_549 = arith.index_cast %parallel_loop3A_184 : i32 to index
        %parallel_loop3A_550 = arith.constant 640 : index
        %parallel_loop3A_551 = tpu.vector_load %arg12[%parallel_loop3A_549, %parallel_loop3A_550] {strides = array<i32>} : memref<8x1024xf32, #tpu.memory_space<vmem>>, vector<1x16xf32>,
        %parallel_loop3A_552 = vector.shape_cast %parallel_loop3A_551 : vector<1x16xf32> to vector<16xf32>
        %parallel_loop3A_553 = vector.shape_cast %parallel_loop3A_548 : vector<16xf32> to vector<1x16xf32>
        tpu.vector_store %arg12[%parallel_loop3A_549, %parallel_loop3A_550], %parallel_loop3A_553 {add = true, strides = array<i32>} : memref<8x1024xf32, #tpu.memory_space<vmem>>, vector<1x16xf32>,
        %parallel_loop3A_554 = arith.index_cast %parallel_loop3A_184 : i32 to index
        %parallel_loop3A_555 = arith.constant 656 : index
        %parallel_loop3A_556 = tpu.vector_load %arg16[%parallel_loop3A_554, %parallel_loop3A_555] {strides = array<i32>} : memref<8x1024xf32, #tpu.memory_space<vmem>>, vector<1x16xf32>,
        %parallel_loop3A_557 = vector.shape_cast %parallel_loop3A_556 : vector<1x16xf32> to vector<16xf32>
        %parallel_loop3A_558 = arith.index_cast %parallel_loop3A_184 : i32 to index
        %parallel_loop3A_559 = arith.constant 656 : index
        %parallel_loop3A_560 = tpu.vector_load %arg12[%parallel_loop3A_558, %parallel_loop3A_559] {strides = array<i32>} : memref<8x1024xf32, #tpu.memory_space<vmem>>, vector<1x16xf32>,
        %parallel_loop3A_561 = vector.shape_cast %parallel_loop3A_560 : vector<1x16xf32> to vector<16xf32>
        %parallel_loop3A_562 = vector.shape_cast %parallel_loop3A_557 : vector<16xf32> to vector<1x16xf32>
        tpu.vector_store %arg12[%parallel_loop3A_558, %parallel_loop3A_559], %parallel_loop3A_562 {add = true, strides = array<i32>} : memref<8x1024xf32, #tpu.memory_space<vmem>>, vector<1x16xf32>,
        %parallel_loop3A_563 = arith.index_cast %parallel_loop3A_184 : i32 to index
        %parallel_loop3A_564 = arith.constant 672 : index
        %parallel_loop3A_565 = tpu.vector_load %arg16[%parallel_loop3A_563, %parallel_loop3A_564] {strides = array<i32>} : memref<8x1024xf32, #tpu.memory_space<vmem>>, vector<1x16xf32>,
        %parallel_loop3A_566 = vector.shape_cast %parallel_loop3A_565 : vector<1x16xf32> to vector<16xf32>
        %parallel_loop3A_567 = arith.index_cast %parallel_loop3A_184 : i32 to index
        %parallel_loop3A_568 = arith.constant 672 : index
        %parallel_loop3A_569 = tpu.vector_load %arg12[%parallel_loop3A_567, %parallel_loop3A_568] {strides = array<i32>} : memref<8x1024xf32, #tpu.memory_space<vmem>>, vector<1x16xf32>,
        %parallel_loop3A_570 = vector.shape_cast %parallel_loop3A_569 : vector<1x16xf32> to vector<16xf32>
        %parallel_loop3A_571 = vector.shape_cast %parallel_loop3A_566 : vector<16xf32> to vector<1x16xf32>
        tpu.vector_store %arg12[%parallel_loop3A_567, %parallel_loop3A_568], %parallel_loop3A_571 {add = true, strides = array<i32>} : memref<8x1024xf32, #tpu.memory_space<vmem>>, vector<1x16xf32>,
        %parallel_loop3A_572 = arith.index_cast %parallel_loop3A_184 : i32 to index
        %parallel_loop3A_573 = arith.constant 688 : index
        %parallel_loop3A_574 = tpu.vector_load %arg16[%parallel_loop3A_572, %parallel_loop3A_573] {strides = array<i32>} : memref<8x1024xf32, #tpu.memory_space<vmem>>, vector<1x16xf32>,
        %parallel_loop3A_575 = vector.shape_cast %parallel_loop3A_574 : vector<1x16xf32> to vector<16xf32>
        %parallel_loop3A_576 = arith.index_cast %parallel_loop3A_184 : i32 to index
        %parallel_loop3A_577 = arith.constant 688 : index
        %parallel_loop3A_578 = tpu.vector_load %arg12[%parallel_loop3A_576, %parallel_loop3A_577] {strides = array<i32>} : memref<8x1024xf32, #tpu.memory_space<vmem>>, vector<1x16xf32>,
        %parallel_loop3A_579 = vector.shape_cast %parallel_loop3A_578 : vector<1x16xf32> to vector<16xf32>
        %parallel_loop3A_580 = vector.shape_cast %parallel_loop3A_575 : vector<16xf32> to vector<1x16xf32>
        tpu.vector_store %arg12[%parallel_loop3A_576, %parallel_loop3A_577], %parallel_loop3A_580 {add = true, strides = array<i32>} : memref<8x1024xf32, #tpu.memory_space<vmem>>, vector<1x16xf32>,
        %parallel_loop3A_581 = arith.index_cast %parallel_loop3A_184 : i32 to index
        %parallel_loop3A_582 = arith.constant 704 : index
        %parallel_loop3A_583 = tpu.vector_load %arg16[%parallel_loop3A_581, %parallel_loop3A_582] {strides = array<i32>} : memref<8x1024xf32, #tpu.memory_space<vmem>>, vector<1x16xf32>,
        %parallel_loop3A_584 = vector.shape_cast %parallel_loop3A_583 : vector<1x16xf32> to vector<16xf32>
        %parallel_loop3A_585 = arith.index_cast %parallel_loop3A_184 : i32 to index
        %parallel_loop3A_586 = arith.constant 704 : index
        %parallel_loop3A_587 = tpu.vector_load %arg12[%parallel_loop3A_585, %parallel_loop3A_586] {strides = array<i32>} : memref<8x1024xf32, #tpu.memory_space<vmem>>, vector<1x16xf32>,
        %parallel_loop3A_588 = vector.shape_cast %parallel_loop3A_587 : vector<1x16xf32> to vector<16xf32>
        %parallel_loop3A_589 = vector.shape_cast %parallel_loop3A_584 : vector<16xf32> to vector<1x16xf32>
        tpu.vector_store %arg12[%parallel_loop3A_585, %parallel_loop3A_586], %parallel_loop3A_589 {add = true, strides = array<i32>} : memref<8x1024xf32, #tpu.memory_space<vmem>>, vector<1x16xf32>,
        %parallel_loop3A_590 = arith.index_cast %parallel_loop3A_184 : i32 to index
        %parallel_loop3A_591 = arith.constant 720 : index
        %parallel_loop3A_592 = tpu.vector_load %arg16[%parallel_loop3A_590, %parallel_loop3A_591] {strides = array<i32>} : memref<8x1024xf32, #tpu.memory_space<vmem>>, vector<1x16xf32>,
        %parallel_loop3A_593 = vector.shape_cast %parallel_loop3A_592 : vector<1x16xf32> to vector<16xf32>
        %parallel_loop3A_594 = arith.index_cast %parallel_loop3A_184 : i32 to index
        %parallel_loop3A_595 = arith.constant 720 : index
        %parallel_loop3A_596 = tpu.vector_load %arg12[%parallel_loop3A_594, %parallel_loop3A_595] {strides = array<i32>} : memref<8x1024xf32, #tpu.memory_space<vmem>>, vector<1x16xf32>,
        %parallel_loop3A_597 = vector.shape_cast %parallel_loop3A_596 : vector<1x16xf32> to vector<16xf32>
        %parallel_loop3A_598 = vector.shape_cast %parallel_loop3A_593 : vector<16xf32> to vector<1x16xf32>
        tpu.vector_store %arg12[%parallel_loop3A_594, %parallel_loop3A_595], %parallel_loop3A_598 {add = true, strides = array<i32>} : memref<8x1024xf32, #tpu.memory_space<vmem>>, vector<1x16xf32>,
        %parallel_loop3A_599 = arith.index_cast %parallel_loop3A_184 : i32 to index
        %parallel_loop3A_600 = arith.constant 736 : index
        %parallel_loop3A_601 = tpu.vector_load %arg16[%parallel_loop3A_599, %parallel_loop3A_600] {strides = array<i32>} : memref<8x1024xf32, #tpu.memory_space<vmem>>, vector<1x16xf32>,
        %parallel_loop3A_602 = vector.shape_cast %parallel_loop3A_601 : vector<1x16xf32> to vector<16xf32>
        %parallel_loop3A_603 = arith.index_cast %parallel_loop3A_184 : i32 to index
        %parallel_loop3A_604 = arith.constant 736 : index
        %parallel_loop3A_605 = tpu.vector_load %arg12[%parallel_loop3A_603, %parallel_loop3A_604] {strides = array<i32>} : memref<8x1024xf32, #tpu.memory_space<vmem>>, vector<1x16xf32>,
        %parallel_loop3A_606 = vector.shape_cast %parallel_loop3A_605 : vector<1x16xf32> to vector<16xf32>
        %parallel_loop3A_607 = vector.shape_cast %parallel_loop3A_602 : vector<16xf32> to vector<1x16xf32>
        tpu.vector_store %arg12[%parallel_loop3A_603, %parallel_loop3A_604], %parallel_loop3A_607 {add = true, strides = array<i32>} : memref<8x1024xf32, #tpu.memory_space<vmem>>, vector<1x16xf32>,
        %parallel_loop3A_608 = arith.index_cast %parallel_loop3A_184 : i32 to index
        %parallel_loop3A_609 = arith.constant 752 : index
        %parallel_loop3A_610 = tpu.vector_load %arg16[%parallel_loop3A_608, %parallel_loop3A_609] {strides = array<i32>} : memref<8x1024xf32, #tpu.memory_space<vmem>>, vector<1x16xf32>,
        %parallel_loop3A_611 = vector.shape_cast %parallel_loop3A_610 : vector<1x16xf32> to vector<16xf32>
        %parallel_loop3A_612 = arith.index_cast %parallel_loop3A_184 : i32 to index
        %parallel_loop3A_613 = arith.constant 752 : index
        %parallel_loop3A_614 = tpu.vector_load %arg12[%parallel_loop3A_612, %parallel_loop3A_613] {strides = array<i32>} : memref<8x1024xf32, #tpu.memory_space<vmem>>, vector<1x16xf32>,
        %parallel_loop3A_615 = vector.shape_cast %parallel_loop3A_614 : vector<1x16xf32> to vector<16xf32>
        %parallel_loop3A_616 = vector.shape_cast %parallel_loop3A_611 : vector<16xf32> to vector<1x16xf32>
        tpu.vector_store %arg12[%parallel_loop3A_612, %parallel_loop3A_613], %parallel_loop3A_616 {add = true, strides = array<i32>} : memref<8x1024xf32, #tpu.memory_space<vmem>>, vector<1x16xf32>,
        %parallel_loop3A_617 = arith.index_cast %parallel_loop3A_184 : i32 to index
        %parallel_loop3A_618 = arith.constant 768 : index
        %parallel_loop3A_619 = tpu.vector_load %arg16[%parallel_loop3A_617, %parallel_loop3A_618] {strides = array<i32>} : memref<8x1024xf32, #tpu.memory_space<vmem>>, vector<1x16xf32>,
        %parallel_loop3A_620 = vector.shape_cast %parallel_loop3A_619 : vector<1x16xf32> to vector<16xf32>
        %parallel_loop3A_621 = arith.index_cast %parallel_loop3A_184 : i32 to index
        %parallel_loop3A_622 = arith.constant 768 : index
        %parallel_loop3A_623 = tpu.vector_load %arg12[%parallel_loop3A_621, %parallel_loop3A_622] {strides = array<i32>} : memref<8x1024xf32, #tpu.memory_space<vmem>>, vector<1x16xf32>,
        %parallel_loop3A_624 = vector.shape_cast %parallel_loop3A_623 : vector<1x16xf32> to vector<16xf32>
        %parallel_loop3A_625 = vector.shape_cast %parallel_loop3A_620 : vector<16xf32> to vector<1x16xf32>
        tpu.vector_store %arg12[%parallel_loop3A_621, %parallel_loop3A_622], %parallel_loop3A_625 {add = true, strides = array<i32>} : memref<8x1024xf32, #tpu.memory_space<vmem>>, vector<1x16xf32>,
        %parallel_loop3A_626 = arith.index_cast %parallel_loop3A_184 : i32 to index
        %parallel_loop3A_627 = arith.constant 784 : index
        %parallel_loop3A_628 = tpu.vector_load %arg16[%parallel_loop3A_626, %parallel_loop3A_627] {strides = array<i32>} : memref<8x1024xf32, #tpu.memory_space<vmem>>, vector<1x16xf32>,
        %parallel_loop3A_629 = vector.shape_cast %parallel_loop3A_628 : vector<1x16xf32> to vector<16xf32>
        %parallel_loop3A_630 = arith.index_cast %parallel_loop3A_184 : i32 to index
        %parallel_loop3A_631 = arith.constant 784 : index
        %parallel_loop3A_632 = tpu.vector_load %arg12[%parallel_loop3A_630, %parallel_loop3A_631] {strides = array<i32>} : memref<8x1024xf32, #tpu.memory_space<vmem>>, vector<1x16xf32>,
        %parallel_loop3A_633 = vector.shape_cast %parallel_loop3A_632 : vector<1x16xf32> to vector<16xf32>
        %parallel_loop3A_634 = vector.shape_cast %parallel_loop3A_629 : vector<16xf32> to vector<1x16xf32>
        tpu.vector_store %arg12[%parallel_loop3A_630, %parallel_loop3A_631], %parallel_loop3A_634 {add = true, strides = array<i32>} : memref<8x1024xf32, #tpu.memory_space<vmem>>, vector<1x16xf32>,
        %parallel_loop3A_635 = arith.index_cast %parallel_loop3A_184 : i32 to index
        %parallel_loop3A_636 = arith.constant 800 : index
        %parallel_loop3A_637 = tpu.vector_load %arg16[%parallel_loop3A_635, %parallel_loop3A_636] {strides = array<i32>} : memref<8x1024xf32, #tpu.memory_space<vmem>>, vector<1x16xf32>,
        %parallel_loop3A_638 = vector.shape_cast %parallel_loop3A_637 : vector<1x16xf32> to vector<16xf32>
        %parallel_loop3A_639 = arith.index_cast %parallel_loop3A_184 : i32 to index
        %parallel_loop3A_640 = arith.constant 800 : index
        %parallel_loop3A_641 = tpu.vector_load %arg12[%parallel_loop3A_639, %parallel_loop3A_640] {strides = array<i32>} : memref<8x1024xf32, #tpu.memory_space<vmem>>, vector<1x16xf32>,
        %parallel_loop3A_642 = vector.shape_cast %parallel_loop3A_641 : vector<1x16xf32> to vector<16xf32>
        %parallel_loop3A_643 = vector.shape_cast %parallel_loop3A_638 : vector<16xf32> to vector<1x16xf32>
        tpu.vector_store %arg12[%parallel_loop3A_639, %parallel_loop3A_640], %parallel_loop3A_643 {add = true, strides = array<i32>} : memref<8x1024xf32, #tpu.memory_space<vmem>>, vector<1x16xf32>,
        %parallel_loop3A_644 = arith.index_cast %parallel_loop3A_184 : i32 to index
        %parallel_loop3A_645 = arith.constant 816 : index
        %parallel_loop3A_646 = tpu.vector_load %arg16[%parallel_loop3A_644, %parallel_loop3A_645] {strides = array<i32>} : memref<8x1024xf32, #tpu.memory_space<vmem>>, vector<1x16xf32>,
        %parallel_loop3A_647 = vector.shape_cast %parallel_loop3A_646 : vector<1x16xf32> to vector<16xf32>
        %parallel_loop3A_648 = arith.index_cast %parallel_loop3A_184 : i32 to index
        %parallel_loop3A_649 = arith.constant 816 : index
        %parallel_loop3A_650 = tpu.vector_load %arg12[%parallel_loop3A_648, %parallel_loop3A_649] {strides = array<i32>} : memref<8x1024xf32, #tpu.memory_space<vmem>>, vector<1x16xf32>,
        %parallel_loop3A_651 = vector.shape_cast %parallel_loop3A_650 : vector<1x16xf32> to vector<16xf32>
        %parallel_loop3A_652 = vector.shape_cast %parallel_loop3A_647 : vector<16xf32> to vector<1x16xf32>
        tpu.vector_store %arg12[%parallel_loop3A_648, %parallel_loop3A_649], %parallel_loop3A_652 {add = true, strides = array<i32>} : memref<8x1024xf32, #tpu.memory_space<vmem>>, vector<1x16xf32>,
        %parallel_loop3A_653 = arith.index_cast %parallel_loop3A_184 : i32 to index
        %parallel_loop3A_654 = arith.constant 832 : index
        %parallel_loop3A_655 = tpu.vector_load %arg16[%parallel_loop3A_653, %parallel_loop3A_654] {strides = array<i32>} : memref<8x1024xf32, #tpu.memory_space<vmem>>, vector<1x16xf32>,
        %parallel_loop3A_656 = vector.shape_cast %parallel_loop3A_655 : vector<1x16xf32> to vector<16xf32>
        %parallel_loop3A_657 = arith.index_cast %parallel_loop3A_184 : i32 to index
        %parallel_loop3A_658 = arith.constant 832 : index
        %parallel_loop3A_659 = tpu.vector_load %arg12[%parallel_loop3A_657, %parallel_loop3A_658] {strides = array<i32>} : memref<8x1024xf32, #tpu.memory_space<vmem>>, vector<1x16xf32>,
        %parallel_loop3A_660 = vector.shape_cast %parallel_loop3A_659 : vector<1x16xf32> to vector<16xf32>
        %parallel_loop3A_661 = vector.shape_cast %parallel_loop3A_656 : vector<16xf32> to vector<1x16xf32>
        tpu.vector_store %arg12[%parallel_loop3A_657, %parallel_loop3A_658], %parallel_loop3A_661 {add = true, strides = array<i32>} : memref<8x1024xf32, #tpu.memory_space<vmem>>, vector<1x16xf32>,
        %parallel_loop3A_662 = arith.index_cast %parallel_loop3A_184 : i32 to index
        %parallel_loop3A_663 = arith.constant 848 : index
        %parallel_loop3A_664 = tpu.vector_load %arg16[%parallel_loop3A_662, %parallel_loop3A_663] {strides = array<i32>} : memref<8x1024xf32, #tpu.memory_space<vmem>>, vector<1x16xf32>,
        %parallel_loop3A_665 = vector.shape_cast %parallel_loop3A_664 : vector<1x16xf32> to vector<16xf32>
        %parallel_loop3A_666 = arith.index_cast %parallel_loop3A_184 : i32 to index
        %parallel_loop3A_667 = arith.constant 848 : index
        %parallel_loop3A_668 = tpu.vector_load %arg12[%parallel_loop3A_666, %parallel_loop3A_667] {strides = array<i32>} : memref<8x1024xf32, #tpu.memory_space<vmem>>, vector<1x16xf32>,
        %parallel_loop3A_669 = vector.shape_cast %parallel_loop3A_668 : vector<1x16xf32> to vector<16xf32>
        %parallel_loop3A_670 = vector.shape_cast %parallel_loop3A_665 : vector<16xf32> to vector<1x16xf32>
        tpu.vector_store %arg12[%parallel_loop3A_666, %parallel_loop3A_667], %parallel_loop3A_670 {add = true, strides = array<i32>} : memref<8x1024xf32, #tpu.memory_space<vmem>>, vector<1x16xf32>,
        %parallel_loop3A_671 = arith.index_cast %parallel_loop3A_184 : i32 to index
        %parallel_loop3A_672 = arith.constant 864 : index
        %parallel_loop3A_673 = tpu.vector_load %arg16[%parallel_loop3A_671, %parallel_loop3A_672] {strides = array<i32>} : memref<8x1024xf32, #tpu.memory_space<vmem>>, vector<1x16xf32>,
        %parallel_loop3A_674 = vector.shape_cast %parallel_loop3A_673 : vector<1x16xf32> to vector<16xf32>
        %parallel_loop3A_675 = arith.index_cast %parallel_loop3A_184 : i32 to index
        %parallel_loop3A_676 = arith.constant 864 : index
        %parallel_loop3A_677 = tpu.vector_load %arg12[%parallel_loop3A_675, %parallel_loop3A_676] {strides = array<i32>} : memref<8x1024xf32, #tpu.memory_space<vmem>>, vector<1x16xf32>,
        %parallel_loop3A_678 = vector.shape_cast %parallel_loop3A_677 : vector<1x16xf32> to vector<16xf32>
        %parallel_loop3A_679 = vector.shape_cast %parallel_loop3A_674 : vector<16xf32> to vector<1x16xf32>
        tpu.vector_store %arg12[%parallel_loop3A_675, %parallel_loop3A_676], %parallel_loop3A_679 {add = true, strides = array<i32>} : memref<8x1024xf32, #tpu.memory_space<vmem>>, vector<1x16xf32>,
        %parallel_loop3A_680 = arith.index_cast %parallel_loop3A_184 : i32 to index
        %parallel_loop3A_681 = arith.constant 880 : index
        %parallel_loop3A_682 = tpu.vector_load %arg16[%parallel_loop3A_680, %parallel_loop3A_681] {strides = array<i32>} : memref<8x1024xf32, #tpu.memory_space<vmem>>, vector<1x16xf32>,
        %parallel_loop3A_683 = vector.shape_cast %parallel_loop3A_682 : vector<1x16xf32> to vector<16xf32>
        %parallel_loop3A_684 = arith.index_cast %parallel_loop3A_184 : i32 to index
        %parallel_loop3A_685 = arith.constant 880 : index
        %parallel_loop3A_686 = tpu.vector_load %arg12[%parallel_loop3A_684, %parallel_loop3A_685] {strides = array<i32>} : memref<8x1024xf32, #tpu.memory_space<vmem>>, vector<1x16xf32>,
        %parallel_loop3A_687 = vector.shape_cast %parallel_loop3A_686 : vector<1x16xf32> to vector<16xf32>
        %parallel_loop3A_688 = vector.shape_cast %parallel_loop3A_683 : vector<16xf32> to vector<1x16xf32>
        tpu.vector_store %arg12[%parallel_loop3A_684, %parallel_loop3A_685], %parallel_loop3A_688 {add = true, strides = array<i32>} : memref<8x1024xf32, #tpu.memory_space<vmem>>, vector<1x16xf32>,
        %parallel_loop3A_689 = arith.index_cast %parallel_loop3A_184 : i32 to index
        %parallel_loop3A_690 = arith.constant 896 : index
        %parallel_loop3A_691 = tpu.vector_load %arg16[%parallel_loop3A_689, %parallel_loop3A_690] {strides = array<i32>} : memref<8x1024xf32, #tpu.memory_space<vmem>>, vector<1x16xf32>,
        %parallel_loop3A_692 = vector.shape_cast %parallel_loop3A_691 : vector<1x16xf32> to vector<16xf32>
        %parallel_loop3A_693 = arith.index_cast %parallel_loop3A_184 : i32 to index
        %parallel_loop3A_694 = arith.constant 896 : index
        %parallel_loop3A_695 = tpu.vector_load %arg12[%parallel_loop3A_693, %parallel_loop3A_694] {strides = array<i32>} : memref<8x1024xf32, #tpu.memory_space<vmem>>, vector<1x16xf32>,
        %parallel_loop3A_696 = vector.shape_cast %parallel_loop3A_695 : vector<1x16xf32> to vector<16xf32>
        %parallel_loop3A_697 = vector.shape_cast %parallel_loop3A_692 : vector<16xf32> to vector<1x16xf32>
        tpu.vector_store %arg12[%parallel_loop3A_693, %parallel_loop3A_694], %parallel_loop3A_697 {add = true, strides = array<i32>} : memref<8x1024xf32, #tpu.memory_space<vmem>>, vector<1x16xf32>,
        %parallel_loop3A_698 = arith.index_cast %parallel_loop3A_184 : i32 to index
        %parallel_loop3A_699 = arith.constant 912 : index
        %parallel_loop3A_700 = tpu.vector_load %arg16[%parallel_loop3A_698, %parallel_loop3A_699] {strides = array<i32>} : memref<8x1024xf32, #tpu.memory_space<vmem>>, vector<1x16xf32>,
        %parallel_loop3A_701 = vector.shape_cast %parallel_loop3A_700 : vector<1x16xf32> to vector<16xf32>
        %parallel_loop3A_702 = arith.index_cast %parallel_loop3A_184 : i32 to index
        %parallel_loop3A_703 = arith.constant 912 : index
        %parallel_loop3A_704 = tpu.vector_load %arg12[%parallel_loop3A_702, %parallel_loop3A_703] {strides = array<i32>} : memref<8x1024xf32, #tpu.memory_space<vmem>>, vector<1x16xf32>,
        %parallel_loop3A_705 = vector.shape_cast %parallel_loop3A_704 : vector<1x16xf32> to vector<16xf32>
        %parallel_loop3A_706 = vector.shape_cast %parallel_loop3A_701 : vector<16xf32> to vector<1x16xf32>
        tpu.vector_store %arg12[%parallel_loop3A_702, %parallel_loop3A_703], %parallel_loop3A_706 {add = true, strides = array<i32>} : memref<8x1024xf32, #tpu.memory_space<vmem>>, vector<1x16xf32>,
        %parallel_loop3A_707 = arith.index_cast %parallel_loop3A_184 : i32 to index
        %parallel_loop3A_708 = arith.constant 928 : index
        %parallel_loop3A_709 = tpu.vector_load %arg16[%parallel_loop3A_707, %parallel_loop3A_708] {strides = array<i32>} : memref<8x1024xf32, #tpu.memory_space<vmem>>, vector<1x16xf32>,
        %parallel_loop3A_710 = vector.shape_cast %parallel_loop3A_709 : vector<1x16xf32> to vector<16xf32>
        %parallel_loop3A_711 = arith.index_cast %parallel_loop3A_184 : i32 to index
        %parallel_loop3A_712 = arith.constant 928 : index
        %parallel_loop3A_713 = tpu.vector_load %arg12[%parallel_loop3A_711, %parallel_loop3A_712] {strides = array<i32>} : memref<8x1024xf32, #tpu.memory_space<vmem>>, vector<1x16xf32>,
        %parallel_loop3A_714 = vector.shape_cast %parallel_loop3A_713 : vector<1x16xf32> to vector<16xf32>
        %parallel_loop3A_715 = vector.shape_cast %parallel_loop3A_710 : vector<16xf32> to vector<1x16xf32>
        tpu.vector_store %arg12[%parallel_loop3A_711, %parallel_loop3A_712], %parallel_loop3A_715 {add = true, strides = array<i32>} : memref<8x1024xf32, #tpu.memory_space<vmem>>, vector<1x16xf32>,
        %parallel_loop3A_716 = arith.index_cast %parallel_loop3A_184 : i32 to index
        %parallel_loop3A_717 = arith.constant 944 : index
        %parallel_loop3A_718 = tpu.vector_load %arg16[%parallel_loop3A_716, %parallel_loop3A_717] {strides = array<i32>} : memref<8x1024xf32, #tpu.memory_space<vmem>>, vector<1x16xf32>,
        %parallel_loop3A_719 = vector.shape_cast %parallel_loop3A_718 : vector<1x16xf32> to vector<16xf32>
        %parallel_loop3A_720 = arith.index_cast %parallel_loop3A_184 : i32 to index
        %parallel_loop3A_721 = arith.constant 944 : index
        %parallel_loop3A_722 = tpu.vector_load %arg12[%parallel_loop3A_720, %parallel_loop3A_721] {strides = array<i32>} : memref<8x1024xf32, #tpu.memory_space<vmem>>, vector<1x16xf32>,
        %parallel_loop3A_723 = vector.shape_cast %parallel_loop3A_722 : vector<1x16xf32> to vector<16xf32>
        %parallel_loop3A_724 = vector.shape_cast %parallel_loop3A_719 : vector<16xf32> to vector<1x16xf32>
        tpu.vector_store %arg12[%parallel_loop3A_720, %parallel_loop3A_721], %parallel_loop3A_724 {add = true, strides = array<i32>} : memref<8x1024xf32, #tpu.memory_space<vmem>>, vector<1x16xf32>,
        %parallel_loop3A_725 = arith.index_cast %parallel_loop3A_184 : i32 to index
        %parallel_loop3A_726 = arith.constant 960 : index
        %parallel_loop3A_727 = tpu.vector_load %arg16[%parallel_loop3A_725, %parallel_loop3A_726] {strides = array<i32>} : memref<8x1024xf32, #tpu.memory_space<vmem>>, vector<1x16xf32>,
        %parallel_loop3A_728 = vector.shape_cast %parallel_loop3A_727 : vector<1x16xf32> to vector<16xf32>
        %parallel_loop3A_729 = arith.index_cast %parallel_loop3A_184 : i32 to index
        %parallel_loop3A_730 = arith.constant 960 : index
        %parallel_loop3A_731 = tpu.vector_load %arg12[%parallel_loop3A_729, %parallel_loop3A_730] {strides = array<i32>} : memref<8x1024xf32, #tpu.memory_space<vmem>>, vector<1x16xf32>,
        %parallel_loop3A_732 = vector.shape_cast %parallel_loop3A_731 : vector<1x16xf32> to vector<16xf32>
        %parallel_loop3A_733 = vector.shape_cast %parallel_loop3A_728 : vector<16xf32> to vector<1x16xf32>
        tpu.vector_store %arg12[%parallel_loop3A_729, %parallel_loop3A_730], %parallel_loop3A_733 {add = true, strides = array<i32>} : memref<8x1024xf32, #tpu.memory_space<vmem>>, vector<1x16xf32>,
        %parallel_loop3A_734 = arith.index_cast %parallel_loop3A_184 : i32 to index
        %parallel_loop3A_735 = arith.constant 976 : index
        %parallel_loop3A_736 = tpu.vector_load %arg16[%parallel_loop3A_734, %parallel_loop3A_735] {strides = array<i32>} : memref<8x1024xf32, #tpu.memory_space<vmem>>, vector<1x16xf32>,
        %parallel_loop3A_737 = vector.shape_cast %parallel_loop3A_736 : vector<1x16xf32> to vector<16xf32>
        %parallel_loop3A_738 = arith.index_cast %parallel_loop3A_184 : i32 to index
        %parallel_loop3A_739 = arith.constant 976 : index
        %parallel_loop3A_740 = tpu.vector_load %arg12[%parallel_loop3A_738, %parallel_loop3A_739] {strides = array<i32>} : memref<8x1024xf32, #tpu.memory_space<vmem>>, vector<1x16xf32>,
        %parallel_loop3A_741 = vector.shape_cast %parallel_loop3A_740 : vector<1x16xf32> to vector<16xf32>
        %parallel_loop3A_742 = vector.shape_cast %parallel_loop3A_737 : vector<16xf32> to vector<1x16xf32>
        tpu.vector_store %arg12[%parallel_loop3A_738, %parallel_loop3A_739], %parallel_loop3A_742 {add = true, strides = array<i32>} : memref<8x1024xf32, #tpu.memory_space<vmem>>, vector<1x16xf32>,
        %parallel_loop3A_743 = arith.index_cast %parallel_loop3A_184 : i32 to index
        %parallel_loop3A_744 = arith.constant 992 : index
        %parallel_loop3A_745 = tpu.vector_load %arg16[%parallel_loop3A_743, %parallel_loop3A_744] {strides = array<i32>} : memref<8x1024xf32, #tpu.memory_space<vmem>>, vector<1x16xf32>,
        %parallel_loop3A_746 = vector.shape_cast %parallel_loop3A_745 : vector<1x16xf32> to vector<16xf32>
        %parallel_loop3A_747 = arith.index_cast %parallel_loop3A_184 : i32 to index
        %parallel_loop3A_748 = arith.constant 992 : index
        %parallel_loop3A_749 = tpu.vector_load %arg12[%parallel_loop3A_747, %parallel_loop3A_748] {strides = array<i32>} : memref<8x1024xf32, #tpu.memory_space<vmem>>, vector<1x16xf32>,
        %parallel_loop3A_750 = vector.shape_cast %parallel_loop3A_749 : vector<1x16xf32> to vector<16xf32>
        %parallel_loop3A_751 = vector.shape_cast %parallel_loop3A_746 : vector<16xf32> to vector<1x16xf32>
        tpu.vector_store %arg12[%parallel_loop3A_747, %parallel_loop3A_748], %parallel_loop3A_751 {add = true, strides = array<i32>} : memref<8x1024xf32, #tpu.memory_space<vmem>>, vector<1x16xf32>,
        %parallel_loop3A_752 = arith.index_cast %parallel_loop3A_184 : i32 to index
        %parallel_loop3A_753 = arith.constant 1008 : index
        %parallel_loop3A_754 = tpu.vector_load %arg16[%parallel_loop3A_752, %parallel_loop3A_753] {strides = array<i32>} : memref<8x1024xf32, #tpu.memory_space<vmem>>, vector<1x16xf32>,
        %parallel_loop3A_755 = vector.shape_cast %parallel_loop3A_754 : vector<1x16xf32> to vector<16xf32>
        %parallel_loop3A_756 = arith.index_cast %parallel_loop3A_184 : i32 to index
        %parallel_loop3A_757 = arith.constant 1008 : index
        %parallel_loop3A_758 = tpu.vector_load %arg12[%parallel_loop3A_756, %parallel_loop3A_757] {strides = array<i32>} : memref<8x1024xf32, #tpu.memory_space<vmem>>, vector<1x16xf32>,
        %parallel_loop3A_759 = vector.shape_cast %parallel_loop3A_758 : vector<1x16xf32> to vector<16xf32>
        %parallel_loop3A_760 = vector.shape_cast %parallel_loop3A_755 : vector<16xf32> to vector<1x16xf32>
        tpu.vector_store %arg12[%parallel_loop3A_756, %parallel_loop3A_757], %parallel_loop3A_760 {add = true, strides = array<i32>} : memref<8x1024xf32, #tpu.memory_space<vmem>>, vector<1x16xf32>,
      } {sc.loop_unroll_factor = 1 : i64, sc.parallel_access}
      %mul3A_175 = arith.constant 8 : i32
      %mul3A_176 = arith.muli %add3A_149, %mul3A_175 : i32
      %add3A_177 = arith.addi %mul3A_2, %mul3A_176 : i32
      %multiple_of3A_178 = tpu.assume_multiple %add3A_177, 8 : i32
      %dma_start3A_179 = arith.constant 0 : i32
      %dma_start3A_180 = tpu.memref_slice %arg6[%multiple_of3A_178, %dma_start3A_179] : memref<16384x1024xf32, #tpu.memory_space<hbm>> -> memref<8x1024xf32, #tpu.memory_space<hbm>>
      %dma_start3A_181 = arith.constant 0 : i32
      %dma_start3A_182 = tpu.memref_slice %arg6[%multiple_of3A_178, %dma_start3A_181] : memref<16384x1024xf32, #tpu.memory_space<hbm>> -> memref<8x1024xf32, #tpu.memory_space<hbm>>
      tpu.enqueue_dma source(%arg12 : memref<8x1024xf32, #tpu.memory_space<vmem>>) target(%dma_start3A_182 : memref<8x1024xf32, #tpu.memory_space<hbm>>) target_semaphore(%arg24 : memref<!tpu.dma_semaphore, #tpu.memory_space<semaphore_mem>>)
      %scan3A_183 = arith.constant 0 : i32
      scf.yield %scan3A_183 : i32
    }
    %scan3A_26 = arith.constant 16 : i32
    %dma_wait3A = arith.constant 0 : i32
    %dma_wait3A_27 = arith.constant 0 : i32
    %dma_wait3A_28 = tpu.memref_slice %arg6[%dma_wait3A, %dma_wait3A_27] : memref<16384x1024xf32, #tpu.memory_space<hbm>> -> memref<8x1024xf32, #tpu.memory_space<hbm>>
    %dma_wait3A_29 = arith.constant 0 : i32
    %dma_wait3A_30 = arith.constant 0 : i32
    %dma_wait3A_31 = tpu.memref_slice %arg6[%dma_wait3A_29, %dma_wait3A_30] : memref<16384x1024xf32, #tpu.memory_space<hbm>> -> memref<8x1024xf32, #tpu.memory_space<hbm>>
    tpu.wait_dma2 semaphore(%arg23 : memref<!tpu.dma_semaphore, #tpu.memory_space<semaphore_mem>>) src(%arg11 : memref<8x1024xf32, #tpu.memory_space<vmem>>) dst(%dma_wait3A_31 : memref<8x1024xf32, #tpu.memory_space<hbm>>)
    %dma_wait3A_32 = arith.constant 0 : i32
    %dma_wait3A_33 = arith.constant 0 : i32
    %dma_wait3A_34 = tpu.memref_slice %arg6[%dma_wait3A_32, %dma_wait3A_33] : memref<16384x1024xf32, #tpu.memory_space<hbm>> -> memref<8x1024xf32, #tpu.memory_space<hbm>>
    %dma_wait3A_35 = arith.constant 0 : i32
    %dma_wait3A_36 = arith.constant 0 : i32
    %dma_wait3A_37 = tpu.memref_slice %arg6[%dma_wait3A_35, %dma_wait3A_36] : memref<16384x1024xf32, #tpu.memory_space<hbm>> -> memref<8x1024xf32, #tpu.memory_space<hbm>>
    tpu.wait_dma2 semaphore(%arg24 : memref<!tpu.dma_semaphore, #tpu.memory_space<semaphore_mem>>) src(%arg12 : memref<8x1024xf32, #tpu.memory_space<vmem>>) dst(%dma_wait3A_37 : memref<8x1024xf32, #tpu.memory_space<hbm>>)
    return
  }
}

</mosaic_0001>

<sc_bundles>
// kernel: _run.3.cloned.1.call-start
scs
__scs_entry_jumppad:
0x0: {  	(pc) =	sbr.rel $0x88, $3  }
0x1: {  	(tag) =	ssettag $0x0;
	lr =	simm.s32 $0x1  }
0x2: {  	[smem:$0x3F9D] =	sst lr;
	_ =	strace $0xD0000000  }
0x3: {  	_ = 	snop  }
0x4: {  	_ = 	snop  }
0x5: {  	_ = 	snop  }
0x6: {  	_ = 	snop  }
0x7: {  	_ = 	snop  }
__scs_overlays_trampoline_lowered:
0x8: {  	[smem:$0x3FAC] =	sst s0  }
0x9: {  	[smem:$0x3FAD] =	sst s1  }
0xa: {  	[smem:$0x3FAE] =	sst s2  }
0xb: {  	[smem:$0x3FAF] =	sst s3  }
0xc: {  	[smem:$0x3FB0] =	sst s4  }
0xd: {  	[smem:$0x3FB1] =	sst s5  }
0xe: {  	[smem:$0x3FB2] =	sst s6  }
0xf: {  	[smem:$0x3FB3] =	sst s7  }
0x10: {  	[smem:$0x3FB4] =	sst s8  }
0x11: {  	[smem:$0x3FB5] =	sst s9;
	s0 =	simm.s32 @!p0 $0x0  }
0x12: {  	s1 =	sld [smem:$0x3F9B];
	s0 =	simm.s32 @p0 $0x1  }
0x13: {  	[smem:$0x3FB6] =	sst s0;
	s0 =	simm.s32 @!p1 $0x0  }
0x14: {  	s2 =	sld [smem:$0x3F9A];
	s0 =	simm.s32 @p1 $0x1  }
0x15: {  	[smem:$0x3FB7] =	sst s0;
	s0 =	simm.s32 @!p2 $0x0  }
0x16: {  	s3 =	sld [smem:$0x3FDB];
	s0 =	simm.s32 @p2 $0x1  }
0x17: {  	s4 =	simm.s32 $0x1BF5;
	[smem:$0x3FB9] =	sst s0  }
0x18: {  	s0 =	sld [smem:$0x3F9C];
	_ =	swait.ge [sflag:s4], $0x0  }
0x19: {  	s7 =	sld [smem:$0x3F9D]  }
0x1a: {  	s8 =	sadd.s32 $0xFFFFE003, lr  }
0x1b: {  	s9 =	sadd.s32 $0xFFFFFEF7, lr;
	s5 =	simm.s32 $0xFFFFFFFF;
	p2 =	slt.u32 s8, $0xFFFFF086  }
0x1c: {  	p1 =	slt.u32 s9, $0xF7A;
	s5 =	simm.s32 @!p2 $0x0  }
0x1d: {  	s5 =	simm.s32 @p1 $0x1;
	p0 =	seq.s32 s7, s2  }
0x1e: {  	s7 =	smul.u32 @!p0 $0xF7A, s2;
	p2 =	seq.s32 @!p0 s5, $0x0  }
0x1f: {  	s9 =	smul.u32 $0xF7A, s1;
	s8 =	simm.s32 @!p0 $0x1BF5;
	p2 =	por !p2, p0  }
0x20: {  	[sflag:s8] =	ssyncset.s32 @!p0 $0xFFFFF086;
	s6 =	sadd.s32 @!p0 s3, s7;
	s7 =	simm.s32 @!p0 $0x108  }
0x21: {  	s3 =	sadd.s32 s3, s9;
	s6 =	sadd.s32 @!p0 $0x88, s6;
	s7 =	simm.s32 @p2 $0x1082  }
0x22: {  	[simem:s7], [sflag:s8] =	dma.local @!p0 [hbm:s6], $0xF7A  }
0x23: {  	s9 =	sor.u32 $0xD0000000, s2;
	s6 =	simm.s32 $0x108;
	_ =	swait.ge @!p0 [sflag:s8], $0x0  }
0x24: {  	s3 =	sadd.s32 $0x88, s3;
	s6 =	simm.s32 @!p1 $0x1082;
	[sflag:s4] =	ssyncset.s32 $0xFFFFF086  }
0x25: {  	[simem:s6], [sflag:s4] =	dma.local [hbm:s3], $0xF7A  }
0x26: {  	[smem:$0x3F9D] =	sst s1;
	(tag) =	ssettag s2;
	_ =	strace s9  }
0x27: {  	s1 =	sld [smem:$0x3FAD]  }
0x28: {  	s2 =	sld [smem:$0x3FAE]  }
0x29: {  	s4 =	sld [smem:$0x3FB0]  }
0x2a: {  	p0 =	seq.s32 s5, $0x0;
	s5 =	sld [smem:$0x3FB1]  }
0x2b: {  	s6 =	sld [smem:$0x3FB2]  }
0x2c: {  	s7 =	sld [smem:$0x3FB3]  }
0x2d: {  	s3 =	simm.s32 $0x108;
	s8 =	sld [smem:$0x3FB4]  }
0x2e: {  	s3 =	simm.s32 @!p0 $0x1082;
	s9 =	sld [smem:$0x3FB5]  }
0x2f: {  	lr =	sadd.s32 s0, s3;
	s0 =	sld [smem:$0x3FAC]  }
0x30: {  	s3 =	sld [smem:$0x3FAF]  }
0x31: {  	[smem:$0x3FB8] =	sst s10  }
0x32: {  	s10 =	sld [smem:$0x3FB6];
	_ =	sdelay $0x3  }
0x33: {  	p0 =	seq.s32 s10, $0x1;
	s10 =	sld [smem:$0x3FB8];
	_ =	sdelay $0x3  }
0x34: {  	[smem:$0x3FB8] =	sst s10  }
0x35: {  	s10 =	sld [smem:$0x3FB7];
	_ =	sdelay $0x3  }
0x36: {  	p1 =	seq.s32 s10, $0x1;
	s10 =	sld [smem:$0x3FB8];
	_ =	sdelay $0x3  }
0x37: {  	[smem:$0x3FB8] =	sst s10  }
0x38: {  	s10 =	sld [smem:$0x3FB9]  }
0x39: {  	_ = 	snop;
	(pc) =	sbr.ind lr, $3  }
0x3a: {  	_ = 	snop  }
0x3b: {  	_ = 	snop  }
0x3c: {  	p2 =	seq.s32 s10, $0x1;
	s10 =	sld [smem:$0x3FB8]  }
0x3d: {  	_ =	shalt  }
0x3e: {  	_ =	shalt  }
0x3f: {  	_ =	shalt  }
0x40: {  	_ =	shalt  }
0x41: {  	_ =	shalt  }
0x42: {  	_ =	shalt  }
0x43: {  	_ =	shalt  }
0x44: {  	_ =	shalt  }
0x45: {  	_ =	shalt  }
0x46: {  	_ =	shalt  }
0x47: {  	_ =	shalt  }
0x48: {  	_ =	shalt  }
0x49: {  	_ =	shalt  }
0x4a: {  	_ =	shalt  }
0x4b: {  	_ =	shalt  }
0x4c: {  	_ =	shalt  }
0x4d: {  	_ =	shalt  }
0x4e: {  	_ =	shalt  }
0x4f: {  	_ =	shalt  }
0x50: {  	_ =	shalt  }
0x51: {  	_ =	shalt  }
0x52: {  	_ =	shalt  }
0x53: {  	_ =	shalt  }
0x54: {  	_ =	shalt  }
0x55: {  	_ =	shalt  }
0x56: {  	_ =	shalt  }
0x57: {  	_ =	shalt  }
0x58: {  	_ =	shalt  }
0x59: {  	_ =	shalt  }
0x5a: {  	_ =	shalt  }
0x5b: {  	_ =	shalt  }
0x5c: {  	_ =	shalt  }
0x5d: {  	_ =	shalt  }
0x5e: {  	_ =	shalt  }
0x5f: {  	_ =	shalt  }
0x60: {  	_ =	shalt  }
0x61: {  	_ =	shalt  }
0x62: {  	_ =	shalt  }
0x63: {  	_ =	shalt  }
0x64: {  	_ =	shalt  }
0x65: {  	_ =	shalt  }
0x66: {  	_ =	shalt  }
0x67: {  	_ =	shalt  }
0x68: {  	_ =	shalt  }
0x69: {  	_ =	shalt  }
0x6a: {  	_ =	shalt  }
0x6b: {  	_ =	shalt  }
0x6c: {  	_ =	shalt  }
0x6d: {  	_ =	shalt  }
0x6e: {  	_ =	shalt  }
0x6f: {  	_ =	shalt  }
0x70: {  	_ =	shalt  }
0x71: {  	_ =	shalt  }
0x72: {  	_ =	shalt  }
0x73: {  	_ =	shalt  }
0x74: {  	_ =	shalt  }
0x75: {  	_ =	shalt  }
0x76: {  	_ =	shalt  }
0x77: {  	_ =	shalt  }
0x78: {  	_ =	shalt  }
0x79: {  	_ =	shalt  }
0x7a: {  	_ =	shalt  }
0x7b: {  	_ =	shalt  }
0x7c: {  	_ =	shalt  }
0x7d: {  	_ =	shalt  }
0x7e: {  	_ =	shalt  }
0x7f: {  	_ =	shalt  }
0x80: {  	_ =	shalt  }
0x81: {  	_ =	shalt  }
0x82: {  	_ =	shalt  }
0x83: {  	_ =	shalt  }
0x84: {  	_ =	shalt  }
0x85: {  	_ =	shalt  }
0x86: {  	_ =	shalt  }
0x87: {  	_ =	shalt  }
.Lfunc_end0:
.L_simem_size_0:
called_computation_lowered:
.L_overlay_start_0:
0x88: {  	s2 =	sld [smem:$0x3FD9]  }
0x89: {  	s3 =	sld [smem:$0x3FFE];
	_ =	sdelay $0x1  }
0x8a: {  	s1 =	srdreg.scid  }
0x8b: {  	s0 =	sand.u32 $0x1, s1  }
0x8c: {  	s18 =	sshll.u32 s0, $0xA;
	s2 =	sadd.s32 s3, s2  }
0x8d: {  	s2 =	sadd.s32 s2, s18  }
0x8e: {  	[smem:$0x3FC4] =	sst s2  }
0x8f: {  	_ = 	snop  }
0x90: {  	s2 =	sld [smem:$0x3FC9]  }
0x91: {  	s19 =	sld [smem:$0x3FC8]  }
0x92: {  	s4 =	sld [smem:$0x3FC7]  }
0x93: {  	s5 =	sld [smem:$0x3FC6]  }
0x94: {  	s6 =	sld [smem:$0x3FD0];
	(tm) =	ssettm $0x1  }
0x95: {  	s7 =	sld [smem:$0x3FFB];
	_ =	sdelay $0x3  }
0x96: {  	_ =	strace s7  }
0x97: {  	s7 =	sld [smem:$0x3FFC];
	_ =	sdelay $0x3  }
0x98: {  	_ =	strace s7  }
0x99: {  	s7 =	sld [smem:$0x3FFD];
	_ =	sdelay $0x3  }
0x9a: {  	_ =	strace s7  }
0x9b: {  	_ =	strace $0x8FFFFFFF  }
0x9c: {  	s20 =	sld [smem:$0x3FDB];
	_ =	sdelay $0x1  }
0x9d: {  	s8 =	simm.s32 $_scs_section_size  }
0x9e: {  	s9 =	simm.s32 $_size__tile_overlayer_lowered;
	s10 =	simm.s32 $_tile_overlayer_lowered  }
0x9f: {  	s23 =	simm.s32 $0x1BFF;
	s22 =	sshll.u32 s10, $0x1;
	s7 =	sadd.s32 s8, s20  }
0xa0: {  	s11 =	simm.s32 $0x0;
	s21 =	sshll.u32 s9, $0x1;
	s9 =	sadd.s32 s22, s7  }
0xa1: {  	[timem:s11], [sflag:s23] =	dma.local [hbm:s9], s21  }
0xa2: {  	_ =	swait.ge [sflag:s23], s21  }
0xa3: {  	s8 =	ssub.s32 $0x0, s21;
	[sflag:s23] =	ssyncset.done $0x0  }
0xa4: {  	[sflag:s23] =	ssyncadd.s32 s8;
	_ =	sdelay $0x1  }
0xa5: {  	s24 =	simm.s32 $0x1B8B  }
0xa6: {  	_ =	swait.ge [sflag:s24], $0x1  }
0xa7: {  	[sflag:s24] =	ssyncset.done $0x0  }
0xa8: {  	s25 =	simm.s32 $0x1B8E;
	[sflag:s24] =	ssyncadd.s32 $0xFFFFFFFF  }
0xa9: {  	s26 =	simm.s32 $execute0_lowered;
	[smem:$0x3FD2] =	sst s25  }
0xaa: {  	s8 =	sshll.u32 s26, $0x1;
	_ =	strace $0x80000046;
	[dreg:$0x1] =	wrdreg $0xFFFFFFFF  }
0xab: {  	s28 =	simm.s32 $_size_execute0_lowered;
	s7 =	sadd.s32 s7, s8;
	[dreg:$0x0] =	wrdreg $0x0  }
0xac: {  	s8 =	sshll.u32 s28, $0x1;
	[dreg:$0x2] =	wrdreg s7  }
0xad: {  	[dreg:$0x3] =	wrdreg s8  }
0xae: {  	[dreg:$0x4] =	wrdreg $0xC0  }
0xaf: {  	_ =	task [dreg:s11], $0x5FFFF  }
0xb0: {  	[dreg:$0x1] =	wrdreg $0xFFFFFFFF  }
0xb1: {  	[dreg:$0x0] =	wrdreg $0x60  }
0xb2: {  	[dreg:$0x2] =	wrdreg s2  }
0xb3: {  	[dreg:$0x3] =	wrdreg s19  }
0xb4: {  	[dreg:$0x4] =	wrdreg s4  }
0xb5: {  	[dreg:$0x5] =	wrdreg s5  }
0xb6: {  	[dreg:$0x6] =	wrdreg s6  }
0xb7: {  	[dreg:$0x7] =	wrdreg $0x9  }
0xb8: {  	_ =	task.clear_ibuf [dreg:s11], $0x8FFFF;
	_ =	strace $0x90000046  }
0xb9: {  	s29 =	simm.s32 $0x9;
	_ =	strace $0x80000048  }
0xba: {  	_ =	swait.ge [sflag:s29], $0x1  }
0xbb: {  	[sflag:s29] =	ssyncadd.s32 $0xFFFFFFFF  }
0xbc: {  	_ =	strace $0x90000048  }
0xbd: {  	_ =	sfence  }
0xbe: {  	s30 =	sld [smem:$0x0];
	_ =	sdelay $0x2  }
0xbf: {  	s31 =	sshll.u32 s1, $0xD;
	s1 =	sshrl.u32 s1, $0x2  }
0xc0: {  	s3 =	sand.u32 $0x4000, s31;
	s1 =	sadd.s32 s1, s30  }
0xc1: {  	s0 =	sor.u32 s3, s0;
	s1 =	sshll.u32 s1, $0x11  }
0xc2: {  	s0 =	sor.u32 s1, s0  }
0xc3: {  	s0 =	sadd.s32 $0x8F2B, s0  }
0xc4: {  	[sflag:s0] =	ssyncadd.remote.s32 $0x1  }
0xc5: {  	_ =	sfence.sel $0xFFFF  }
0xc6: {  	[dreg:$0x0] =	wrdreg $0xFFFFFFFF;
	(pc) =	sbr.abs _section_cstart, $3  }
0xc7: {  	[dreg:$0x1] =	wrdreg $0xFFFFFFFF  }
0xc8: {  	_ =	task.clear_ibuf [dreg:s11], $0x2FFFF;
	_ =	strace $0x9FFFFFFF  }
0xc9: {  	(tm) =	ssettm $0x7FFFFFFF  }
tec
execute0_lowered:
.L_overlay_start_1:
0x0: {  	(tag) =	ssettag $0x1  }
0x1: {  	s0 =	rddreg [dreg:$0x0]  }
0x2: {  	s3 =	rddreg [dreg:$0x1]  }
0x3: {  	s1 =	rddreg [dreg:$0x2]  }
0x4: {  	s2 =	rddreg [dreg:$0x3]  }
0x5: {  	s4 =	rddreg [dreg:$0x4];
	s6 =	srdreg.scid  }
0x6: {  	s5 =	simm.s32 $0x0;
	s8 =	stileid.u32;
	s20 =	simm.s32 $0x400  }
0x7: {  	s29 =	simm.s32 $0x2400;
	s19 =	simm.s32 $0x6400;
	s18 =	simm.s32 $0xF400  }
0x8: {  	s28 =	simm.s32 $0x3;
	s30 =	simm.s32 $0x6;
	s31 =	simm.s32 $0x4  }
0x9: {  	s6 =	sand.u32 $0x1, s6;
	s8 =	sshll.u32 s8, $0xA;
	[smem:$0x7FF] =	sst s5  }
0xa: {  	s10 =	sadd.s32 $0x100, s1;
	s11 =	sadd.s32 $0x200, s1;
	s12 =	sadd.s32 $0x300, s1  }
0xb: {  	s13 =	sadd.s32 $0x100, s2;
	s14 =	sadd.s32 $0x200, s2;
	s7 =	ssub.s32 $0x2, s6  }
0xc: {  	s15 =	sadd.s32 $0x300, s2;
	s6 =	sshll.u32 s6, $0x9;
	s9 =	sshrl.u32 s7, $0x1  }
0xd: {  	_ =	strace $0x80000047;
	s6 =	sor.u32 s6, s8;
	s23 =	ssub.s32 s7, s9  }
0xe: {  	s7 =	sshrl.u32 s6, $0x3;
	s25 =	sshll.u32 s6, $0x7;
	s9 =	simm.s32 $0x0  }
0xf: {  	s0 =	sadd.s32 s0, s7;
	s24 =	sadd.s32 s3, s7;
	s16 =	sadd.s32 s4, s25  }
0x10: {  	v0 =	vlaneseq.u32;
	s26 =	smax.u32 s23, $0x1;
	s23 =	simm.s32 $0x4400;
	[dreg:$0x6] =	wrdreg s0  }
0x11: {  	v1 =	vshrl.u32 v0, $0x3;
	v0 =	vand.u32 $0x7, v0;
	s3 =	simm.s32 $0x1;
	s25 =	simm.s32 $0x2;
	[dreg:$0x7] =	wrdreg s24  }
0x12: {  	vm0 =	vmmov $0xffff;
	[tilespmem:$0x1FFF0] =	vst v0;
	v1 =	vmul.u32 $0x8, v1;
	[dreg:$0x8] =	wrdreg s26;
	s24 =	simm.s32 $0xFC00;
	s26 =	simm.s32 $0x5  }
.LBB2_1:
0x13: {  	[dreg:$0x9] =	wrdreg s9  }
0x14: {  	s0 =	rddreg [dreg:$0x6];
	s8 =	simm.s32 $0x9  }
0x15: {  	[tilespmem:s5], [sflag:$0x9] =	stream.linear.gather [hbm4b:s0+s5], $0x200, $0x38;
	[tilespmem:$0x10400] =	vst v63  }
0x16: {  	_ =	swait.ge [sflag:s8], $0x200  }
0x17: {  	[sflag:s8] =	ssyncset.done $0x0  }
0x18: {  	s22 =	simm.s32 $0x200;
	s21 =	rddreg [dreg:$0x7];
	[sflag:s8] =	ssyncadd.s32 $0xFFFFFE00  }
0x19: {  	[tilespmem:s22], [sflag:$0x9] =	stream.linear.gather [hbm4b:s21+s5], $0x200, $0x38;
	[tilespmem:$0x10400] =	vst v63  }
0x1a: {  	_ =	swait.ge [sflag:s8], $0x200  }
0x1b: {  	[sflag:s8] =	ssyncset.done $0x0  }
0x1c: {  	[sflag:s8] =	ssyncadd.s32 $0xFFFFFE00  }
0x1d: {  	v2 =	vld.msk [tilespmem:$0x0], $0xff;
	_ =	sdelay $0x2  }
0x1e: {  	v0 =	vld [tilespmem:$0x1FFF0];
	_ =	sdelay $0x1  }
0x1f: {  	v3 =	vshll.u32 v2, $0x3  }
0x20: {  	v2 =	vand.u32 $0x7, v2;
	v3 =	vand.u32 $0xFFFFFFC0, v3  }
0x21: {  	v2 =	vor.u32 v2, v3  }
0x22: {  	v2 =	vperm.xlane v2, v0;
	_ =	sdelay $0x1  }
0x23: {  	v2 =	vadd.s32 v1, v2;
	_ =	sdelay $0x4  }
0x24: {  	[tilespmem:s20], [sflag:$0x1] =	stream.indirect_vreg.gather [hbm4b:s1+s5], $0x80, v2, vm0, $0xb8;
	[tilespmem:$0x10400] =	vst v63  }
0x25: {  	s9 =	simm.s32 $0xC00  }
0x26: {  	[tilespmem:s9], [sflag:$0x1] =	stream.indirect_vreg.gather [hbm4b:s10+s5], $0x80, v2, vm0, $0xb8;
	[tilespmem:$0x10400] =	vst v63  }
0x27: {  	s17 =	simm.s32 $0x1400  }
0x28: {  	[tilespmem:s17], [sflag:$0x1] =	stream.indirect_vreg.gather [hbm4b:s11+s5], $0x80, v2, vm0, $0xb8;
	[tilespmem:$0x10400] =	vst v63  }
0x29: {  	s21 =	simm.s32 $0x1C00  }
0x2a: {  	[tilespmem:s21], [sflag:$0x1] =	stream.indirect_vreg.gather [hbm4b:s12+s5], $0x80, v2, vm0, $0xb8;
	[tilespmem:$0x10400] =	vst v63  }
0x2b: {  	v2 =	vld.msk [tilespmem:$0x200], $0xff;
	_ =	sdelay $0x4  }
0x2c: {  	v3 =	vshll.u32 v2, $0x3  }
0x2d: {  	v2 =	vand.u32 $0x7, v2;
	v3 =	vand.u32 $0xFFFFFFC0, v3  }
0x2e: {  	v2 =	vor.u32 v2, v3  }
0x2f: {  	v2 =	vperm.xlane v2, v0;
	_ =	sdelay $0x1  }
0x30: {  	v2 =	vadd.s32 v1, v2;
	_ =	sdelay $0x3  }
0x31: {  	s22 =	simm.s32 $0x8400  }
0x32: {  	[tilespmem:s22], [sflag:$0x1] =	stream.indirect_vreg.gather [hbm4b:s2+s5], $0x80, v2, vm0, $0xb8;
	[tilespmem:$0x10400] =	vst v63  }
0x33: {  	s8 =	simm.s32 $0x8C00  }
0x34: {  	[tilespmem:s8], [sflag:$0x1] =	stream.indirect_vreg.gather [hbm4b:s13+s5], $0x80, v2, vm0, $0xb8;
	[tilespmem:$0x10400] =	vst v63  }
0x35: {  	s9 =	simm.s32 $0x9400  }
0x36: {  	[tilespmem:s9], [sflag:$0x1] =	stream.indirect_vreg.gather [hbm4b:s14+s5], $0x80, v2, vm0, $0xb8;
	[tilespmem:$0x10400] =	vst v63  }
0x37: {  	s17 =	simm.s32 $0x9C00  }
0x38: {  	[tilespmem:s17], [sflag:$0x1] =	stream.indirect_vreg.gather [hbm4b:s15+s5], $0x80, v2, vm0, $0xb8;
	[tilespmem:$0x10400] =	vst v63  }
0x39: {  	v2 =	vld.msk [tilespmem:$0x8], $0xff;
	_ =	sdelay $0x4  }
0x3a: {  	v3 =	vshll.u32 v2, $0x3  }
0x3b: {  	v2 =	vand.u32 $0x7, v2;
	v3 =	vand.u32 $0xFFFFFFC0, v3  }
0x3c: {  	v2 =	vor.u32 v2, v3  }
0x3d: {  	v2 =	vperm.xlane v2, v0;
	_ =	sdelay $0x1  }
0x3e: {  	v2 =	vadd.s32 v1, v2;
	_ =	sdelay $0x4  }
0x3f: {  	[tilespmem:s29], [sflag:$0x2] =	stream.indirect_vreg.gather [hbm4b:s1+s5], $0x80, v2, vm0, $0xb8;
	[tilespmem:$0x10400] =	vst v63  }
0x40: {  	s21 =	simm.s32 $0x2C00  }
0x41: {  	[tilespmem:s21], [sflag:$0x2] =	stream.indirect_vreg.gather [hbm4b:s10+s5], $0x80, v2, vm0, $0xb8;
	[tilespmem:$0x10400] =	vst v63  }
0x42: {  	s22 =	simm.s32 $0x3400  }
0x43: {  	[tilespmem:s22], [sflag:$0x2] =	stream.indirect_vreg.gather [hbm4b:s11+s5], $0x80, v2, vm0, $0xb8;
	[tilespmem:$0x10400] =	vst v63  }
0x44: {  	s8 =	simm.s32 $0x3C00  }
0x45: {  	[tilespmem:s8], [sflag:$0x2] =	stream.indirect_vreg.gather [hbm4b:s12+s5], $0x80, v2, vm0, $0xb8;
	[tilespmem:$0x10400] =	vst v63  }
0x46: {  	v2 =	vld.msk [tilespmem:$0x208], $0xff;
	_ =	sdelay $0x4  }
0x47: {  	v3 =	vshll.u32 v2, $0x3  }
0x48: {  	v2 =	vand.u32 $0x7, v2;
	v3 =	vand.u32 $0xFFFFFFC0, v3  }
0x49: {  	v2 =	vor.u32 v2, v3  }
0x4a: {  	v2 =	vperm.xlane v2, v0;
	_ =	sdelay $0x1  }
0x4b: {  	v2 =	vadd.s32 v1, v2;
	_ =	sdelay $0x3  }
0x4c: {  	s9 =	simm.s32 $0xA400  }
0x4d: {  	[tilespmem:s9], [sflag:$0x2] =	stream.indirect_vreg.gather [hbm4b:s2+s5], $0x80, v2, vm0, $0xb8;
	[tilespmem:$0x10400] =	vst v63  }
0x4e: {  	s17 =	simm.s32 $0xAC00  }
0x4f: {  	[tilespmem:s17], [sflag:$0x2] =	stream.indirect_vreg.gather [hbm4b:s13+s5], $0x80, v2, vm0, $0xb8;
	[tilespmem:$0x10400] =	vst v63  }
0x50: {  	s21 =	simm.s32 $0xB400  }
0x51: {  	[tilespmem:s21], [sflag:$0x2] =	stream.indirect_vreg.gather [hbm4b:s14+s5], $0x80, v2, vm0, $0xb8;
	[tilespmem:$0x10400] =	vst v63  }
0x52: {  	s0 =	simm.s32 $0x0;
	s22 =	simm.s32 $0xBC00  }
0x53: {  	[tilespmem:s22], [sflag:$0x2] =	stream.indirect_vreg.gather [hbm4b:s15+s5], $0x80, v2, vm0, $0xb8;
	[tilespmem:$0x10400] =	vst v63  }
.LBB2_2:
0x54: {  	p0 =	seq.s32 s0, $0x0  }
0x55: {  	s9 =	simm.s32 @!p0 $0x7  }
0x56: {  	s8 =	sshll.u32 s0, $0x2;
	_ =	swait.ge @!p0 [sflag:s9], $0x2000  }
0x57: {  	s22 =	sor.u32 $0x2, s8;
	[sflag:s9] =	ssyncset.done @!p0 $0x0  }
0x58: {  	[sflag:s9] =	ssyncadd.s32 @!p0 $0xFFFFE000;
	s9 =	sshll.u32 s22, $0x3  }
0x59: {  	v2 =	vld.msk [tilespmem:s9+$0x0], $0xff;
	_ =	sdelay $0x2  }
0x5a: {  	v0 =	vld [tilespmem:$0x1FFF0];
	_ =	sdelay $0x1  }
0x5b: {  	v3 =	vshll.u32 v2, $0x3  }
0x5c: {  	v2 =	vand.u32 $0x7, v2;
	v3 =	vand.u32 $0xFFFFFFC0, v3  }
0x5d: {  	v2 =	vor.u32 v2, v3  }
0x5e: {  	v2 =	vperm.xlane v2, v0;
	_ =	sdelay $0x1  }
0x5f: {  	v2 =	vadd.s32 v1, v2;
	_ =	sdelay $0x3  }
0x60: {  	s17 =	simm.s32 $0x0  }
0x61: {  	[tilespmem:s23], [sflag:$0x3] =	stream.indirect_vreg.gather [hbm4b:s1+s17], $0x80, v2, vm0, $0xb8;
	[tilespmem:$0x10400] =	vst v63  }
0x62: {  	s21 =	simm.s32 $0x4C00  }
0x63: {  	[tilespmem:s21], [sflag:$0x3] =	stream.indirect_vreg.gather [hbm4b:s10+s17], $0x80, v2, vm0, $0xb8;
	[tilespmem:$0x10400] =	vst v63  }
0x64: {  	s21 =	simm.s32 $0x5400  }
0x65: {  	[tilespmem:s21], [sflag:$0x3] =	stream.indirect_vreg.gather [hbm4b:s11+s17], $0x80, v2, vm0, $0xb8;
	[tilespmem:$0x10400] =	vst v63  }
0x66: {  	s21 =	simm.s32 $0x5C00  }
0x67: {  	[tilespmem:s21], [sflag:$0x3] =	stream.indirect_vreg.gather [hbm4b:s12+s17], $0x80, v2, vm0, $0xb8;
	[tilespmem:$0x10400] =	vst v63  }
0x68: {  	v2 =	vld.msk [tilespmem:s9+$0x200], $0xff;
	_ =	sdelay $0x4  }
0x69: {  	v3 =	vshll.u32 v2, $0x3  }
0x6a: {  	v2 =	vand.u32 $0x7, v2;
	v3 =	vand.u32 $0xFFFFFFC0, v3  }
0x6b: {  	v2 =	vor.u32 v2, v3  }
0x6c: {  	v2 =	vperm.xlane v2, v0;
	_ =	sdelay $0x1  }
0x6d: {  	v2 =	vadd.s32 v1, v2;
	_ =	sdelay $0x3  }
0x6e: {  	s21 =	simm.s32 $0xC400  }
0x6f: {  	[tilespmem:s21], [sflag:$0x3] =	stream.indirect_vreg.gather [hbm4b:s2+s17], $0x80, v2, vm0, $0xb8;
	[tilespmem:$0x10400] =	vst v63  }
0x70: {  	s21 =	simm.s32 $0xCC00  }
0x71: {  	[tilespmem:s21], [sflag:$0x3] =	stream.indirect_vreg.gather [hbm4b:s13+s17], $0x80, v2, vm0, $0xb8;
	[tilespmem:$0x10400] =	vst v63  }
0x72: {  	s21 =	simm.s32 $0xD400  }
0x73: {  	[tilespmem:s21], [sflag:$0x3] =	stream.indirect_vreg.gather [hbm4b:s14+s17], $0x80, v2, vm0, $0xb8;
	[tilespmem:$0x10400] =	vst v63  }
0x74: {  	s21 =	simm.s32 $0xDC00  }
0x75: {  	[tilespmem:s21], [sflag:$0x3] =	stream.indirect_vreg.gather [hbm4b:s15+s17], $0x80, v2, vm0, $0xb8;
	[tilespmem:$0x10400] =	vst v63  }
0x76: {  	_ =	swait.ge [sflag:s3], $0x2000  }
0x77: {  	[sflag:s3] =	ssyncset.done $0x0  }
0x78: {  	[sflag:s3] =	ssyncadd.s32 $0xFFFFE000  }
0x79: {  	_ =	swait.ge [sflag:s3], $0x2000  }
0x7a: {  	[sflag:s3] =	ssyncset.done $0x0  }
0x7b: {  	s9 =	simm.s32 $0x0;
	s21 =	simm.s32 $0x200;
	[sflag:s3] =	ssyncadd.s32 $0xFFFFE000  }
.LBB2_3:
0x7c: {  	p1 =	sne.s32 s21, $0xE00;
	v2 =	vld [tilespmem:s9+$0xA070]  }
0x7d: {  	v3 =	vld [tilespmem:s9+$0x8400]  }
0x7e: {  	v4 =	vld [tilespmem:s9+$0x8410]  }
0x7f: {  	v5 =	vld [tilespmem:s9+$0x8420]  }
0x80: {  	v6 =	vld [tilespmem:s9+$0x8430]  }
0x81: {  	[tilespmem:s9+$0x2070] =	vst.add.f32.msk $0xffff, v2  }
0x82: {  	v2 =	vld [tilespmem:s9+$0x8440]  }
0x83: {  	v7 =	vld [tilespmem:s9+$0x8450]  }
0x84: {  	v8 =	vld [tilespmem:s9+$0x8460]  }
0x85: {  	v9 =	vld [tilespmem:s9+$0x8470]  }
0x86: {  	v10 =	vld [tilespmem:s9+$0x8800]  }
0x87: {  	v11 =	vld [tilespmem:s9+$0x8810]  }
0x88: {  	v12 =	vld [tilespmem:s9+$0x8820]  }
0x89: {  	v13 =	vld [tilespmem:s9+$0x8830]  }
0x8a: {  	v14 =	vld [tilespmem:s9+$0x8840]  }
0x8b: {  	v15 =	vld [tilespmem:s9+$0x8850]  }
0x8c: {  	v16 =	vld [tilespmem:s9+$0x8860]  }
0x8d: {  	v17 =	vld [tilespmem:s9+$0x8870]  }
0x8e: {  	v18 =	vld [tilespmem:s9+$0x8C00]  }
0x8f: {  	v19 =	vld [tilespmem:s9+$0x8C10]  }
0x90: {  	v20 =	vld [tilespmem:s9+$0x8C20]  }
0x91: {  	v21 =	vld [tilespmem:s9+$0x8C30]  }
0x92: {  	v22 =	vld [tilespmem:s9+$0x8C40]  }
0x93: {  	v23 =	vld [tilespmem:s9+$0x8C50]  }
0x94: {  	v24 =	vld [tilespmem:s9+$0x8C60]  }
0x95: {  	v25 =	vld [tilespmem:s9+$0x8C70]  }
0x96: {  	v26 =	vld [tilespmem:s9+$0x9000]  }
0x97: {  	v27 =	vld [tilespmem:s9+$0x9010]  }
0x98: {  	v28 =	vld [tilespmem:s9+$0x9020]  }
0x99: {  	v29 =	vld [tilespmem:s9+$0x9030]  }
0x9a: {  	v30 =	vld [tilespmem:s9+$0x9040]  }
0x9b: {  	v31 =	vld [tilespmem:s9+$0x9050]  }
0x9c: {  	v32 =	vld [tilespmem:s9+$0x9060]  }
0x9d: {  	v33 =	vld [tilespmem:s9+$0x9070]  }
0x9e: {  	v34 =	vld [tilespmem:s9+$0x9400]  }
0x9f: {  	v35 =	vld [tilespmem:s9+$0x9410]  }
0xa0: {  	v36 =	vld [tilespmem:s9+$0x9420]  }
0xa1: {  	v37 =	vld [tilespmem:s9+$0x9430]  }
0xa2: {  	v38 =	vld [tilespmem:s9+$0x9440]  }
0xa3: {  	v39 =	vld [tilespmem:s9+$0x9450]  }
0xa4: {  	v40 =	vld [tilespmem:s9+$0x9460]  }
0xa5: {  	v41 =	vld [tilespmem:s9+$0x9470]  }
0xa6: {  	v42 =	vld [tilespmem:s9+$0x9800]  }
0xa7: {  	v43 =	vld [tilespmem:s9+$0x9810]  }
0xa8: {  	v44 =	vld [tilespmem:s9+$0x9820]  }
0xa9: {  	v45 =	vld [tilespmem:s9+$0x9830]  }
0xaa: {  	v46 =	vld [tilespmem:s9+$0x9840]  }
0xab: {  	v47 =	vld [tilespmem:s9+$0x9850]  }
0xac: {  	v48 =	vld [tilespmem:s9+$0x9860]  }
0xad: {  	v49 =	vld [tilespmem:s9+$0x9870]  }
0xae: {  	v50 =	vld [tilespmem:s9+$0x9C00]  }
0xaf: {  	v51 =	vld [tilespmem:s9+$0x9C10]  }
0xb0: {  	v52 =	vld [tilespmem:s9+$0x9C20]  }
0xb1: {  	v53 =	vld [tilespmem:s9+$0x9C30]  }
0xb2: {  	v54 =	vld [tilespmem:s9+$0x9C40]  }
0xb3: {  	v55 =	vld [tilespmem:s9+$0x9C50]  }
0xb4: {  	v56 =	vld [tilespmem:s9+$0x9C60]  }
0xb5: {  	v57 =	vld [tilespmem:s9+$0x9C70]  }
0xb6: {  	v58 =	vld [tilespmem:s9+$0xA000]  }
0xb7: {  	v59 =	vld [tilespmem:s9+$0xA010]  }
0xb8: {  	v60 =	vld [tilespmem:s9+$0xA020]  }
0xb9: {  	v61 =	vld [tilespmem:s9+$0xA030]  }
0xba: {  	v62 =	vld [tilespmem:s9+$0xA040]  }
0xbb: {  	v63 =	vld [tilespmem:s9+$0xA050]  }
0xbc: {  	v0 =	vld [tilespmem:s9+$0xA060]  }
0xbd: {  	[tilespmem:s9+$0x400] =	vst.add.f32.msk $0xffff, v3  }
0xbe: {  	[tilespmem:s9+$0x410] =	vst.add.f32.msk $0xffff, v4  }
0xbf: {  	[tilespmem:s9+$0x420] =	vst.add.f32.msk $0xffff, v5  }
0xc0: {  	[tilespmem:s9+$0x430] =	vst.add.f32.msk $0xffff, v6  }
0xc1: {  	[tilespmem:s9+$0x440] =	vst.add.f32.msk $0xffff, v2  }
0xc2: {  	[tilespmem:s9+$0x450] =	vst.add.f32.msk $0xffff, v7  }
0xc3: {  	[tilespmem:s9+$0x460] =	vst.add.f32.msk $0xffff, v8  }
0xc4: {  	[tilespmem:s9+$0x470] =	vst.add.f32.msk $0xffff, v9  }
0xc5: {  	[tilespmem:s9+$0x800] =	vst.add.f32.msk $0xffff, v10  }
0xc6: {  	[tilespmem:s9+$0x810] =	vst.add.f32.msk $0xffff, v11  }
0xc7: {  	[tilespmem:s9+$0x820] =	vst.add.f32.msk $0xffff, v12  }
0xc8: {  	[tilespmem:s9+$0x830] =	vst.add.f32.msk $0xffff, v13  }
0xc9: {  	[tilespmem:s9+$0x840] =	vst.add.f32.msk $0xffff, v14  }
0xca: {  	[tilespmem:s9+$0x850] =	vst.add.f32.msk $0xffff, v15  }
0xcb: {  	[tilespmem:s9+$0x860] =	vst.add.f32.msk $0xffff, v16  }
0xcc: {  	[tilespmem:s9+$0x870] =	vst.add.f32.msk $0xffff, v17  }
0xcd: {  	[tilespmem:s9+$0xC00] =	vst.add.f32.msk $0xffff, v18  }
0xce: {  	[tilespmem:s9+$0xC10] =	vst.add.f32.msk $0xffff, v19  }
0xcf: {  	[tilespmem:s9+$0xC20] =	vst.add.f32.msk $0xffff, v20  }
0xd0: {  	[tilespmem:s9+$0xC30] =	vst.add.f32.msk $0xffff, v21  }
0xd1: {  	[tilespmem:s9+$0xC40] =	vst.add.f32.msk $0xffff, v22  }
0xd2: {  	[tilespmem:s9+$0xC50] =	vst.add.f32.msk $0xffff, v23  }
0xd3: {  	[tilespmem:s9+$0xC60] =	vst.add.f32.msk $0xffff, v24  }
0xd4: {  	[tilespmem:s9+$0xC70] =	vst.add.f32.msk $0xffff, v25  }
0xd5: {  	[tilespmem:s9+$0x1000] =	vst.add.f32.msk $0xffff, v26  }
0xd6: {  	[tilespmem:s9+$0x1010] =	vst.add.f32.msk $0xffff, v27  }
0xd7: {  	[tilespmem:s9+$0x1020] =	vst.add.f32.msk $0xffff, v28  }
0xd8: {  	[tilespmem:s9+$0x1030] =	vst.add.f32.msk $0xffff, v29  }
0xd9: {  	[tilespmem:s9+$0x1040] =	vst.add.f32.msk $0xffff, v30  }
0xda: {  	[tilespmem:s9+$0x1050] =	vst.add.f32.msk $0xffff, v31  }
0xdb: {  	[tilespmem:s9+$0x1060] =	vst.add.f32.msk $0xffff, v32  }
0xdc: {  	[tilespmem:s9+$0x1070] =	vst.add.f32.msk $0xffff, v33  }
0xdd: {  	[tilespmem:s9+$0x1400] =	vst.add.f32.msk $0xffff, v34  }
0xde: {  	[tilespmem:s9+$0x1410] =	vst.add.f32.msk $0xffff, v35  }
0xdf: {  	[tilespmem:s9+$0x1420] =	vst.add.f32.msk $0xffff, v36  }
0xe0: {  	[tilespmem:s9+$0x1430] =	vst.add.f32.msk $0xffff, v37  }
0xe1: {  	[tilespmem:s9+$0x1440] =	vst.add.f32.msk $0xffff, v38  }
0xe2: {  	[tilespmem:s9+$0x1450] =	vst.add.f32.msk $0xffff, v39  }
0xe3: {  	[tilespmem:s9+$0x1460] =	vst.add.f32.msk $0xffff, v40  }
0xe4: {  	[tilespmem:s9+$0x1470] =	vst.add.f32.msk $0xffff, v41  }
0xe5: {  	[tilespmem:s9+$0x1800] =	vst.add.f32.msk $0xffff, v42  }
0xe6: {  	[tilespmem:s9+$0x1810] =	vst.add.f32.msk $0xffff, v43  }
0xe7: {  	[tilespmem:s9+$0x1820] =	vst.add.f32.msk $0xffff, v44  }
0xe8: {  	[tilespmem:s9+$0x1830] =	vst.add.f32.msk $0xffff, v45  }
0xe9: {  	[tilespmem:s9+$0x1840] =	vst.add.f32.msk $0xffff, v46  }
0xea: {  	[tilespmem:s9+$0x1850] =	vst.add.f32.msk $0xffff, v47  }
0xeb: {  	[tilespmem:s9+$0x1860] =	vst.add.f32.msk $0xffff, v48  }
0xec: {  	[tilespmem:s9+$0x1870] =	vst.add.f32.msk $0xffff, v49  }
0xed: {  	[tilespmem:s9+$0x1C00] =	vst.add.f32.msk $0xffff, v50  }
0xee: {  	[tilespmem:s9+$0x1C10] =	vst.add.f32.msk $0xffff, v51  }
0xef: {  	[tilespmem:s9+$0x1C20] =	vst.add.f32.msk $0xffff, v52  }
0xf0: {  	[tilespmem:s9+$0x1C30] =	vst.add.f32.msk $0xffff, v53  }
0xf1: {  	[tilespmem:s9+$0x1C40] =	vst.add.f32.msk $0xffff, v54  }
0xf2: {  	[tilespmem:s9+$0x1C50] =	vst.add.f32.msk $0xffff, v55  }
0xf3: {  	[tilespmem:s9+$0x1C60] =	vst.add.f32.msk $0xffff, v56  }
0xf4: {  	[tilespmem:s9+$0x1C70] =	vst.add.f32.msk $0xffff, v57  }
0xf5: {  	[tilespmem:s9+$0x2000] =	vst.add.f32.msk $0xffff, v58  }
0xf6: {  	[tilespmem:s9+$0x2010] =	vst.add.f32.msk $0xffff, v59  }
.Ltmp0:
0xf7: {  	[tilespmem:s9+$0x2020] =	vst.add.f32.msk $0xffff, v60;
	(pc) =	sbr.rel @p1 .LBB2_3-.Ltmp0, $4  }
0xf8: {  	[tilespmem:s9+$0x2030] =	vst.add.f32.msk $0xffff, v61  }
0xf9: {  	[tilespmem:s9+$0x2040] =	vst.add.f32.msk $0xffff, v62  }
0xfa: {  	[tilespmem:s9+$0x2050] =	vst.add.f32.msk $0xffff, v63  }
0xfb: {  	[tilespmem:s9+$0x2060] =	vst.add.f32.msk $0xffff, v0;
	s9 =	sshra.s32 s21, $0x2;
	s21 =	sadd.s32 $0x200, s21  }
0xfc: {  	v0 =	vld [tilespmem:s9+$0xA070]  }
0xfd: {  	v2 =	vld [tilespmem:s9+$0x8400]  }
0xfe: {  	v3 =	vld [tilespmem:s9+$0x8410]  }
0xff: {  	v4 =	vld [tilespmem:s9+$0x8420]  }
0x100: {  	v5 =	vld [tilespmem:s9+$0x8430]  }
0x101: {  	v6 =	vld [tilespmem:s9+$0x8450]  }
0x102: {  	v7 =	vld [tilespmem:s9+$0x8460]  }
0x103: {  	v8 =	vld [tilespmem:s9+$0x8470]  }
0x104: {  	v9 =	vld [tilespmem:s9+$0x8800]  }
0x105: {  	v10 =	vld [tilespmem:s9+$0x8810]  }
0x106: {  	v11 =	vld [tilespmem:s9+$0x8820]  }
0x107: {  	v12 =	vld [tilespmem:s9+$0x8830]  }
0x108: {  	v13 =	vld [tilespmem:s9+$0x8840]  }
0x109: {  	v14 =	vld [tilespmem:s9+$0x8850]  }
0x10a: {  	v15 =	vld [tilespmem:s9+$0x8860]  }
0x10b: {  	v16 =	vld [tilespmem:s9+$0x8870]  }
0x10c: {  	v17 =	vld [tilespmem:s9+$0x8C00]  }
0x10d: {  	v18 =	vld [tilespmem:s9+$0x8C10]  }
0x10e: {  	v19 =	vld [tilespmem:s9+$0x8C20]  }
0x10f: {  	v20 =	vld [tilespmem:s9+$0x8C30]  }
0x110: {  	v21 =	vld [tilespmem:s9+$0x8C40]  }
0x111: {  	v22 =	vld [tilespmem:s9+$0x8C50]  }
0x112: {  	v23 =	vld [tilespmem:s9+$0x8C60]  }
0x113: {  	v24 =	vld [tilespmem:s9+$0x8C70]  }
0x114: {  	v25 =	vld [tilespmem:s9+$0x9000]  }
0x115: {  	v26 =	vld [tilespmem:s9+$0x9010]  }
0x116: {  	v27 =	vld [tilespmem:s9+$0x9020]  }
0x117: {  	v28 =	vld [tilespmem:s9+$0x9030]  }
0x118: {  	v29 =	vld [tilespmem:s9+$0x9040]  }
0x119: {  	v30 =	vld [tilespmem:s9+$0x9050]  }
0x11a: {  	v31 =	vld [tilespmem:s9+$0x9060]  }
0x11b: {  	v32 =	vld [tilespmem:s9+$0x9070]  }
0x11c: {  	v33 =	vld [tilespmem:s9+$0x9400]  }
0x11d: {  	v34 =	vld [tilespmem:s9+$0x9410]  }
0x11e: {  	v35 =	vld [tilespmem:s9+$0x9420]  }
0x11f: {  	v36 =	vld [tilespmem:s9+$0x9430]  }
0x120: {  	v37 =	vld [tilespmem:s9+$0x9440]  }
0x121: {  	v38 =	vld [tilespmem:s9+$0x9450]  }
0x122: {  	v39 =	vld [tilespmem:s9+$0x9460]  }
0x123: {  	v40 =	vld [tilespmem:s9+$0x9470]  }
0x124: {  	v41 =	vld [tilespmem:s9+$0x9800]  }
0x125: {  	v42 =	vld [tilespmem:s9+$0x9810]  }
0x126: {  	v43 =	vld [tilespmem:s9+$0x9820]  }
0x127: {  	v44 =	vld [tilespmem:s9+$0x9830]  }
0x128: {  	v45 =	vld [tilespmem:s9+$0x9840]  }
0x129: {  	v46 =	vld [tilespmem:s9+$0x9850]  }
0x12a: {  	v47 =	vld [tilespmem:s9+$0x9860]  }
0x12b: {  	v48 =	vld [tilespmem:s9+$0x9870]  }
0x12c: {  	v49 =	vld [tilespmem:s9+$0x9C00]  }
0x12d: {  	v50 =	vld [tilespmem:s9+$0x9C10]  }
0x12e: {  	v51 =	vld [tilespmem:s9+$0x9C20]  }
0x12f: {  	v52 =	vld [tilespmem:s9+$0x9C30]  }
0x130: {  	v53 =	vld [tilespmem:s9+$0x9C40]  }
0x131: {  	v54 =	vld [tilespmem:s9+$0x9C50]  }
0x132: {  	v55 =	vld [tilespmem:s9+$0x9C60]  }
0x133: {  	v56 =	vld [tilespmem:s9+$0x9C70]  }
0x134: {  	v57 =	vld [tilespmem:s9+$0xA000]  }
0x135: {  	v58 =	vld [tilespmem:s9+$0xA010]  }
0x136: {  	v59 =	vld [tilespmem:s9+$0xA020]  }
0x137: {  	v60 =	vld [tilespmem:s9+$0xA030]  }
0x138: {  	v61 =	vld [tilespmem:s9+$0xA040]  }
0x139: {  	v62 =	vld [tilespmem:s9+$0xA050]  }
0x13a: {  	v63 =	vld [tilespmem:s9+$0xA060]  }
0x13b: {  	[tilespmem:s9+$0x2070] =	vst.add.f32.msk $0xffff, v0  }
0x13c: {  	v0 =	vld [tilespmem:s9+$0x8440]  }
0x13d: {  	[tilespmem:s9+$0x400] =	vst.add.f32.msk $0xffff, v2  }
0x13e: {  	[tilespmem:s9+$0x410] =	vst.add.f32.msk $0xffff, v3  }
0x13f: {  	[tilespmem:s9+$0x420] =	vst.add.f32.msk $0xffff, v4  }
0x140: {  	[tilespmem:s9+$0x430] =	vst.add.f32.msk $0xffff, v5  }
0x141: {  	[tilespmem:s9+$0x450] =	vst.add.f32.msk $0xffff, v6  }
0x142: {  	[tilespmem:s9+$0x460] =	vst.add.f32.msk $0xffff, v7  }
0x143: {  	[tilespmem:s9+$0x470] =	vst.add.f32.msk $0xffff, v8  }
0x144: {  	[tilespmem:s9+$0x800] =	vst.add.f32.msk $0xffff, v9  }
0x145: {  	[tilespmem:s9+$0x810] =	vst.add.f32.msk $0xffff, v10  }
0x146: {  	[tilespmem:s9+$0x820] =	vst.add.f32.msk $0xffff, v11  }
0x147: {  	[tilespmem:s9+$0x830] =	vst.add.f32.msk $0xffff, v12  }
0x148: {  	[tilespmem:s9+$0x840] =	vst.add.f32.msk $0xffff, v13  }
0x149: {  	[tilespmem:s9+$0x850] =	vst.add.f32.msk $0xffff, v14  }
0x14a: {  	[tilespmem:s9+$0x860] =	vst.add.f32.msk $0xffff, v15  }
0x14b: {  	[tilespmem:s9+$0x870] =	vst.add.f32.msk $0xffff, v16  }
0x14c: {  	[tilespmem:s9+$0xC00] =	vst.add.f32.msk $0xffff, v17  }
0x14d: {  	[tilespmem:s9+$0xC10] =	vst.add.f32.msk $0xffff, v18  }
0x14e: {  	[tilespmem:s9+$0xC20] =	vst.add.f32.msk $0xffff, v19  }
0x14f: {  	[tilespmem:s9+$0xC30] =	vst.add.f32.msk $0xffff, v20  }
0x150: {  	[tilespmem:s9+$0xC40] =	vst.add.f32.msk $0xffff, v21  }
0x151: {  	[tilespmem:s9+$0xC50] =	vst.add.f32.msk $0xffff, v22  }
0x152: {  	[tilespmem:s9+$0xC60] =	vst.add.f32.msk $0xffff, v23  }
0x153: {  	[tilespmem:s9+$0xC70] =	vst.add.f32.msk $0xffff, v24  }
0x154: {  	[tilespmem:s9+$0x1000] =	vst.add.f32.msk $0xffff, v25  }
0x155: {  	[tilespmem:s9+$0x1010] =	vst.add.f32.msk $0xffff, v26  }
0x156: {  	[tilespmem:s9+$0x1020] =	vst.add.f32.msk $0xffff, v27  }
0x157: {  	[tilespmem:s9+$0x1030] =	vst.add.f32.msk $0xffff, v28  }
0x158: {  	[tilespmem:s9+$0x1040] =	vst.add.f32.msk $0xffff, v29  }
0x159: {  	[tilespmem:s9+$0x1050] =	vst.add.f32.msk $0xffff, v30  }
0x15a: {  	[tilespmem:s9+$0x1060] =	vst.add.f32.msk $0xffff, v31  }
0x15b: {  	[tilespmem:s9+$0x1070] =	vst.add.f32.msk $0xffff, v32  }
0x15c: {  	[tilespmem:s9+$0x1400] =	vst.add.f32.msk $0xffff, v33  }
0x15d: {  	[tilespmem:s9+$0x1410] =	vst.add.f32.msk $0xffff, v34  }
0x15e: {  	[tilespmem:s9+$0x1420] =	vst.add.f32.msk $0xffff, v35  }
0x15f: {  	[tilespmem:s9+$0x1430] =	vst.add.f32.msk $0xffff, v36  }
0x160: {  	[tilespmem:s9+$0x1440] =	vst.add.f32.msk $0xffff, v37  }
0x161: {  	[tilespmem:s9+$0x1450] =	vst.add.f32.msk $0xffff, v38  }
0x162: {  	[tilespmem:s9+$0x1460] =	vst.add.f32.msk $0xffff, v39  }
0x163: {  	[tilespmem:s9+$0x1470] =	vst.add.f32.msk $0xffff, v40  }
0x164: {  	[tilespmem:s9+$0x1800] =	vst.add.f32.msk $0xffff, v41  }
0x165: {  	[tilespmem:s9+$0x1810] =	vst.add.f32.msk $0xffff, v42  }
0x166: {  	[tilespmem:s9+$0x1820] =	vst.add.f32.msk $0xffff, v43  }
0x167: {  	[tilespmem:s9+$0x1830] =	vst.add.f32.msk $0xffff, v44  }
0x168: {  	[tilespmem:s9+$0x1840] =	vst.add.f32.msk $0xffff, v45  }
0x169: {  	[tilespmem:s9+$0x1850] =	vst.add.f32.msk $0xffff, v46  }
0x16a: {  	[tilespmem:s9+$0x1860] =	vst.add.f32.msk $0xffff, v47  }
0x16b: {  	[tilespmem:s9+$0x1870] =	vst.add.f32.msk $0xffff, v48  }
0x16c: {  	[tilespmem:s9+$0x1C00] =	vst.add.f32.msk $0xffff, v49  }
0x16d: {  	[tilespmem:s9+$0x1C10] =	vst.add.f32.msk $0xffff, v50  }
0x16e: {  	[tilespmem:s9+$0x1C20] =	vst.add.f32.msk $0xffff, v51  }
0x16f: {  	[tilespmem:s9+$0x1C30] =	vst.add.f32.msk $0xffff, v52  }
0x170: {  	[tilespmem:s9+$0x1C40] =	vst.add.f32.msk $0xffff, v53  }
0x171: {  	[tilespmem:s9+$0x1C50] =	vst.add.f32.msk $0xffff, v54  }
0x172: {  	[tilespmem:s9+$0x1C60] =	vst.add.f32.msk $0xffff, v55  }
0x173: {  	[tilespmem:s9+$0x1C70] =	vst.add.f32.msk $0xffff, v56  }
0x174: {  	[tilespmem:s9+$0x2000] =	vst.add.f32.msk $0xffff, v57  }
0x175: {  	[tilespmem:s9+$0x2010] =	vst.add.f32.msk $0xffff, v58  }
0x176: {  	[tilespmem:s9+$0x2020] =	vst.add.f32.msk $0xffff, v59  }
0x177: {  	[tilespmem:s9+$0x2030] =	vst.add.f32.msk $0xffff, v60  }
0x178: {  	[tilespmem:s9+$0x2040] =	vst.add.f32.msk $0xffff, v61  }
0x179: {  	[tilespmem:s9+$0x2050] =	vst.add.f32.msk $0xffff, v62  }
0x17a: {  	s17 =	sshll.u32 s0, $0xC;
	[tilespmem:s9+$0x2060] =	vst.add.f32.msk $0xffff, v63  }
0x17b: {  	s21 =	sadd.s32 s17, s16;
	[tilespmem:s9+$0x440] =	vst.add.f32.msk $0xffff, v0;
	s9 =	simm.s32 @!p0 $0x8  }
0x17c: {  	[hbm4b:s21+s5] =	stream.linear.scatter [tilespmem:s20], [sflag:$0x5], $0x2000, $0x38;
	[tilespmem:$0x10400] =	vst v63  }
0x17d: {  	_ =	swait.ge @!p0 [sflag:s9], $0x2000  }
0x17e: {  	s21 =	sor.u32 $0x3, s8;
	[sflag:s9] =	ssyncset.done @!p0 $0x0  }
0x17f: {  	s8 =	sshll.u32 s21, $0x3;
	[sflag:s9] =	ssyncadd.s32 @!p0 $0xFFFFE000  }
0x180: {  	v0 =	vld.msk [tilespmem:s8+$0x0], $0xff;
	_ =	sdelay $0x2  }
0x181: {  	v3 =	vld [tilespmem:$0x1FFF0];
	_ =	sdelay $0x1  }
0x182: {  	v2 =	vshll.u32 v0, $0x3  }
0x183: {  	v0 =	vand.u32 $0x7, v0;
	v2 =	vand.u32 $0xFFFFFFC0, v2  }
0x184: {  	v0 =	vor.u32 v0, v2  }
0x185: {  	v0 =	vperm.xlane v0, v3;
	_ =	sdelay $0x1  }
0x186: {  	v0 =	vadd.s32 v1, v0;
	_ =	sdelay $0x3  }
0x187: {  	s9 =	simm.s32 $0x0  }
0x188: {  	[tilespmem:s19], [sflag:$0x4] =	stream.indirect_vreg.gather [hbm4b:s1+s9], $0x80, v0, vm0, $0xb8;
	[tilespmem:$0x10400] =	vst v63  }
0x189: {  	s17 =	simm.s32 $0x6C00  }
0x18a: {  	[tilespmem:s17], [sflag:$0x4] =	stream.indirect_vreg.gather [hbm4b:s10+s9], $0x80, v0, vm0, $0xb8;
	[tilespmem:$0x10400] =	vst v63  }
0x18b: {  	s17 =	simm.s32 $0x7400  }
0x18c: {  	[tilespmem:s17], [sflag:$0x4] =	stream.indirect_vreg.gather [hbm4b:s11+s9], $0x80, v0, vm0, $0xb8;
	[tilespmem:$0x10400] =	vst v63  }
0x18d: {  	s17 =	simm.s32 $0x7C00  }
0x18e: {  	[tilespmem:s17], [sflag:$0x4] =	stream.indirect_vreg.gather [hbm4b:s12+s9], $0x80, v0, vm0, $0xb8;
	[tilespmem:$0x10400] =	vst v63  }
0x18f: {  	v0 =	vld.msk [tilespmem:s8+$0x200], $0xff;
	_ =	sdelay $0x4  }
0x190: {  	v2 =	vshll.u32 v0, $0x3  }
0x191: {  	v0 =	vand.u32 $0x7, v0;
	v2 =	vand.u32 $0xFFFFFFC0, v2  }
0x192: {  	v0 =	vor.u32 v0, v2  }
0x193: {  	v0 =	vperm.xlane v0, v3;
	_ =	sdelay $0x1  }
0x194: {  	v0 =	vadd.s32 v1, v0;
	_ =	sdelay $0x3  }
0x195: {  	s17 =	simm.s32 $0xE400  }
0x196: {  	[tilespmem:s17], [sflag:$0x4] =	stream.indirect_vreg.gather [hbm4b:s2+s9], $0x80, v0, vm0, $0xb8;
	[tilespmem:$0x10400] =	vst v63  }
0x197: {  	s17 =	simm.s32 $0xEC00  }
0x198: {  	[tilespmem:s17], [sflag:$0x4] =	stream.indirect_vreg.gather [hbm4b:s13+s9], $0x80, v0, vm0, $0xb8;
	[tilespmem:$0x10400] =	vst v63  }
0x199: {  	_ = 	snop  }
0x19a: {  	[tilespmem:s18], [sflag:$0x4] =	stream.indirect_vreg.gather [hbm4b:s14+s9], $0x80, v0, vm0, $0xb8;
	[tilespmem:$0x10400] =	vst v63  }
0x19b: {  	_ = 	snop  }
0x19c: {  	[tilespmem:s24], [sflag:$0x4] =	stream.indirect_vreg.gather [hbm4b:s15+s9], $0x80, v0, vm0, $0xb8;
	[tilespmem:$0x10400] =	vst v63  }
0x19d: {  	_ =	swait.ge [sflag:s25], $0x2000  }
0x19e: {  	[sflag:s25] =	ssyncset.done $0x0  }
0x19f: {  	[sflag:s25] =	ssyncadd.s32 $0xFFFFE000  }
0x1a0: {  	_ =	swait.ge [sflag:s25], $0x2000  }
0x1a1: {  	[sflag:s25] =	ssyncset.done $0x0  }
0x1a2: {  	s8 =	simm.s32 $0x200;
	s9 =	simm.s32 $0x0;
	[sflag:s25] =	ssyncadd.s32 $0xFFFFE000  }
.LBB2_5:
0x1a3: {  	p0 =	sne.s32 s8, $0xE00;
	v0 =	vld [tilespmem:s9+$0xC070]  }
0x1a4: {  	v2 =	vld [tilespmem:s9+$0xA400]  }
0x1a5: {  	v3 =	vld [tilespmem:s9+$0xA410]  }
0x1a6: {  	v4 =	vld [tilespmem:s9+$0xA420]  }
0x1a7: {  	v5 =	vld [tilespmem:s9+$0xA430]  }
0x1a8: {  	[tilespmem:s9+$0x4070] =	vst.add.f32.msk $0xffff, v0  }
0x1a9: {  	v0 =	vld [tilespmem:s9+$0xA440]  }
0x1aa: {  	v6 =	vld [tilespmem:s9+$0xA450]  }
0x1ab: {  	v7 =	vld [tilespmem:s9+$0xA460]  }
0x1ac: {  	v8 =	vld [tilespmem:s9+$0xA470]  }
0x1ad: {  	v9 =	vld [tilespmem:s9+$0xA800]  }
0x1ae: {  	v10 =	vld [tilespmem:s9+$0xA810]  }
0x1af: {  	v11 =	vld [tilespmem:s9+$0xA820]  }
0x1b0: {  	v12 =	vld [tilespmem:s9+$0xA830]  }
0x1b1: {  	v13 =	vld [tilespmem:s9+$0xA840]  }
0x1b2: {  	v14 =	vld [tilespmem:s9+$0xA850]  }
0x1b3: {  	v15 =	vld [tilespmem:s9+$0xA860]  }
0x1b4: {  	v16 =	vld [tilespmem:s9+$0xA870]  }
0x1b5: {  	v17 =	vld [tilespmem:s9+$0xAC00]  }
0x1b6: {  	v18 =	vld [tilespmem:s9+$0xAC10]  }
0x1b7: {  	v19 =	vld [tilespmem:s9+$0xAC20]  }
0x1b8: {  	v20 =	vld [tilespmem:s9+$0xAC30]  }
0x1b9: {  	v21 =	vld [tilespmem:s9+$0xAC40]  }
0x1ba: {  	v22 =	vld [tilespmem:s9+$0xAC50]  }
0x1bb: {  	v23 =	vld [tilespmem:s9+$0xAC60]  }
0x1bc: {  	v24 =	vld [tilespmem:s9+$0xAC70]  }
0x1bd: {  	v25 =	vld [tilespmem:s9+$0xB000]  }
0x1be: {  	v26 =	vld [tilespmem:s9+$0xB010]  }
0x1bf: {  	v27 =	vld [tilespmem:s9+$0xB020]  }
0x1c0: {  	v28 =	vld [tilespmem:s9+$0xB030]  }
0x1c1: {  	v29 =	vld [tilespmem:s9+$0xB040]  }
0x1c2: {  	v30 =	vld [tilespmem:s9+$0xB050]  }
0x1c3: {  	v31 =	vld [tilespmem:s9+$0xB060]  }
0x1c4: {  	v32 =	vld [tilespmem:s9+$0xB070]  }
0x1c5: {  	v33 =	vld [tilespmem:s9+$0xB400]  }
0x1c6: {  	v34 =	vld [tilespmem:s9+$0xB410]  }
0x1c7: {  	v35 =	vld [tilespmem:s9+$0xB420]  }
0x1c8: {  	v36 =	vld [tilespmem:s9+$0xB430]  }
0x1c9: {  	v37 =	vld [tilespmem:s9+$0xB440]  }
0x1ca: {  	v38 =	vld [tilespmem:s9+$0xB450]  }
0x1cb: {  	v39 =	vld [tilespmem:s9+$0xB460]  }
0x1cc: {  	v40 =	vld [tilespmem:s9+$0xB470]  }
0x1cd: {  	v41 =	vld [tilespmem:s9+$0xB800]  }
0x1ce: {  	v42 =	vld [tilespmem:s9+$0xB810]  }
0x1cf: {  	v43 =	vld [tilespmem:s9+$0xB820]  }
0x1d0: {  	v44 =	vld [tilespmem:s9+$0xB830]  }
0x1d1: {  	v45 =	vld [tilespmem:s9+$0xB840]  }
0x1d2: {  	v46 =	vld [tilespmem:s9+$0xB850]  }
0x1d3: {  	v47 =	vld [tilespmem:s9+$0xB860]  }
0x1d4: {  	v48 =	vld [tilespmem:s9+$0xB870]  }
0x1d5: {  	v49 =	vld [tilespmem:s9+$0xBC00]  }
0x1d6: {  	v50 =	vld [tilespmem:s9+$0xBC10]  }
0x1d7: {  	v51 =	vld [tilespmem:s9+$0xBC20]  }
0x1d8: {  	v52 =	vld [tilespmem:s9+$0xBC30]  }
0x1d9: {  	v53 =	vld [tilespmem:s9+$0xBC40]  }
0x1da: {  	v54 =	vld [tilespmem:s9+$0xBC50]  }
0x1db: {  	v55 =	vld [tilespmem:s9+$0xBC60]  }
0x1dc: {  	v56 =	vld [tilespmem:s9+$0xBC70]  }
0x1dd: {  	v57 =	vld [tilespmem:s9+$0xC000]  }
0x1de: {  	v58 =	vld [tilespmem:s9+$0xC010]  }
0x1df: {  	v59 =	vld [tilespmem:s9+$0xC020]  }
0x1e0: {  	v60 =	vld [tilespmem:s9+$0xC030]  }
0x1e1: {  	v61 =	vld [tilespmem:s9+$0xC040]  }
0x1e2: {  	v62 =	vld [tilespmem:s9+$0xC050]  }
0x1e3: {  	v63 =	vld [tilespmem:s9+$0xC060]  }
0x1e4: {  	[tilespmem:s9+$0x2400] =	vst.add.f32.msk $0xffff, v2  }
0x1e5: {  	[tilespmem:s9+$0x2410] =	vst.add.f32.msk $0xffff, v3  }
0x1e6: {  	[tilespmem:s9+$0x2420] =	vst.add.f32.msk $0xffff, v4  }
0x1e7: {  	[tilespmem:s9+$0x2430] =	vst.add.f32.msk $0xffff, v5  }
0x1e8: {  	[tilespmem:s9+$0x2440] =	vst.add.f32.msk $0xffff, v0  }
0x1e9: {  	[tilespmem:s9+$0x2450] =	vst.add.f32.msk $0xffff, v6  }
0x1ea: {  	[tilespmem:s9+$0x2460] =	vst.add.f32.msk $0xffff, v7  }
0x1eb: {  	[tilespmem:s9+$0x2470] =	vst.add.f32.msk $0xffff, v8  }
0x1ec: {  	[tilespmem:s9+$0x2800] =	vst.add.f32.msk $0xffff, v9  }
0x1ed: {  	[tilespmem:s9+$0x2810] =	vst.add.f32.msk $0xffff, v10  }
0x1ee: {  	[tilespmem:s9+$0x2820] =	vst.add.f32.msk $0xffff, v11  }
0x1ef: {  	[tilespmem:s9+$0x2830] =	vst.add.f32.msk $0xffff, v12  }
0x1f0: {  	[tilespmem:s9+$0x2840] =	vst.add.f32.msk $0xffff, v13  }
0x1f1: {  	[tilespmem:s9+$0x2850] =	vst.add.f32.msk $0xffff, v14  }
0x1f2: {  	[tilespmem:s9+$0x2860] =	vst.add.f32.msk $0xffff, v15  }
0x1f3: {  	[tilespmem:s9+$0x2870] =	vst.add.f32.msk $0xffff, v16  }
0x1f4: {  	[tilespmem:s9+$0x2C00] =	vst.add.f32.msk $0xffff, v17  }
0x1f5: {  	[tilespmem:s9+$0x2C10] =	vst.add.f32.msk $0xffff, v18  }
0x1f6: {  	[tilespmem:s9+$0x2C20] =	vst.add.f32.msk $0xffff, v19  }
0x1f7: {  	[tilespmem:s9+$0x2C30] =	vst.add.f32.msk $0xffff, v20  }
0x1f8: {  	[tilespmem:s9+$0x2C40] =	vst.add.f32.msk $0xffff, v21  }
0x1f9: {  	[tilespmem:s9+$0x2C50] =	vst.add.f32.msk $0xffff, v22  }
0x1fa: {  	[tilespmem:s9+$0x2C60] =	vst.add.f32.msk $0xffff, v23  }
0x1fb: {  	[tilespmem:s9+$0x2C70] =	vst.add.f32.msk $0xffff, v24  }
0x1fc: {  	[tilespmem:s9+$0x3000] =	vst.add.f32.msk $0xffff, v25  }
0x1fd: {  	[tilespmem:s9+$0x3010] =	vst.add.f32.msk $0xffff, v26  }
0x1fe: {  	[tilespmem:s9+$0x3020] =	vst.add.f32.msk $0xffff, v27  }
0x1ff: {  	[tilespmem:s9+$0x3030] =	vst.add.f32.msk $0xffff, v28  }
0x200: {  	[tilespmem:s9+$0x3040] =	vst.add.f32.msk $0xffff, v29  }
0x201: {  	[tilespmem:s9+$0x3050] =	vst.add.f32.msk $0xffff, v30  }
0x202: {  	[tilespmem:s9+$0x3060] =	vst.add.f32.msk $0xffff, v31  }
0x203: {  	[tilespmem:s9+$0x3070] =	vst.add.f32.msk $0xffff, v32  }
0x204: {  	[tilespmem:s9+$0x3400] =	vst.add.f32.msk $0xffff, v33  }
0x205: {  	[tilespmem:s9+$0x3410] =	vst.add.f32.msk $0xffff, v34  }
0x206: {  	[tilespmem:s9+$0x3420] =	vst.add.f32.msk $0xffff, v35  }
0x207: {  	[tilespmem:s9+$0x3430] =	vst.add.f32.msk $0xffff, v36  }
0x208: {  	[tilespmem:s9+$0x3440] =	vst.add.f32.msk $0xffff, v37  }
0x209: {  	[tilespmem:s9+$0x3450] =	vst.add.f32.msk $0xffff, v38  }
0x20a: {  	[tilespmem:s9+$0x3460] =	vst.add.f32.msk $0xffff, v39  }
0x20b: {  	[tilespmem:s9+$0x3470] =	vst.add.f32.msk $0xffff, v40  }
0x20c: {  	[tilespmem:s9+$0x3800] =	vst.add.f32.msk $0xffff, v41  }
0x20d: {  	[tilespmem:s9+$0x3810] =	vst.add.f32.msk $0xffff, v42  }
0x20e: {  	[tilespmem:s9+$0x3820] =	vst.add.f32.msk $0xffff, v43  }
0x20f: {  	[tilespmem:s9+$0x3830] =	vst.add.f32.msk $0xffff, v44  }
0x210: {  	[tilespmem:s9+$0x3840] =	vst.add.f32.msk $0xffff, v45  }
0x211: {  	[tilespmem:s9+$0x3850] =	vst.add.f32.msk $0xffff, v46  }
0x212: {  	[tilespmem:s9+$0x3860] =	vst.add.f32.msk $0xffff, v47  }
0x213: {  	[tilespmem:s9+$0x3870] =	vst.add.f32.msk $0xffff, v48  }
0x214: {  	[tilespmem:s9+$0x3C00] =	vst.add.f32.msk $0xffff, v49  }
0x215: {  	[tilespmem:s9+$0x3C10] =	vst.add.f32.msk $0xffff, v50  }
0x216: {  	[tilespmem:s9+$0x3C20] =	vst.add.f32.msk $0xffff, v51  }
0x217: {  	[tilespmem:s9+$0x3C30] =	vst.add.f32.msk $0xffff, v52  }
0x218: {  	[tilespmem:s9+$0x3C40] =	vst.add.f32.msk $0xffff, v53  }
0x219: {  	[tilespmem:s9+$0x3C50] =	vst.add.f32.msk $0xffff, v54  }
0x21a: {  	[tilespmem:s9+$0x3C60] =	vst.add.f32.msk $0xffff, v55  }
0x21b: {  	[tilespmem:s9+$0x3C70] =	vst.add.f32.msk $0xffff, v56  }
0x21c: {  	[tilespmem:s9+$0x4000] =	vst.add.f32.msk $0xffff, v57  }
0x21d: {  	[tilespmem:s9+$0x4010] =	vst.add.f32.msk $0xffff, v58  }
.Ltmp1:
0x21e: {  	[tilespmem:s9+$0x4020] =	vst.add.f32.msk $0xffff, v59;
	(pc) =	sbr.rel @p0 .LBB2_5-.Ltmp1, $4  }
0x21f: {  	[tilespmem:s9+$0x4030] =	vst.add.f32.msk $0xffff, v60  }
0x220: {  	[tilespmem:s9+$0x4040] =	vst.add.f32.msk $0xffff, v61  }
0x221: {  	[tilespmem:s9+$0x4050] =	vst.add.f32.msk $0xffff, v62  }
0x222: {  	[tilespmem:s9+$0x4060] =	vst.add.f32.msk $0xffff, v63;
	s9 =	sshra.s32 s8, $0x2;
	s8 =	sadd.s32 $0x200, s8  }
0x223: {  	v0 =	vld [tilespmem:s9+$0xC070]  }
0x224: {  	v2 =	vld [tilespmem:s9+$0xA400]  }
0x225: {  	v3 =	vld [tilespmem:s9+$0xA410]  }
0x226: {  	v4 =	vld [tilespmem:s9+$0xA420]  }
0x227: {  	v5 =	vld [tilespmem:s9+$0xA430]  }
0x228: {  	v6 =	vld [tilespmem:s9+$0xA450]  }
0x229: {  	v7 =	vld [tilespmem:s9+$0xA460]  }
0x22a: {  	v8 =	vld [tilespmem:s9+$0xA470]  }
0x22b: {  	v9 =	vld [tilespmem:s9+$0xA800]  }
0x22c: {  	v10 =	vld [tilespmem:s9+$0xA810]  }
0x22d: {  	v11 =	vld [tilespmem:s9+$0xA820]  }
0x22e: {  	v12 =	vld [tilespmem:s9+$0xA830]  }
0x22f: {  	v13 =	vld [tilespmem:s9+$0xA840]  }
0x230: {  	v14 =	vld [tilespmem:s9+$0xA850]  }
0x231: {  	v15 =	vld [tilespmem:s9+$0xA860]  }
0x232: {  	v16 =	vld [tilespmem:s9+$0xA870]  }
0x233: {  	v17 =	vld [tilespmem:s9+$0xAC00]  }
0x234: {  	v18 =	vld [tilespmem:s9+$0xAC10]  }
0x235: {  	v19 =	vld [tilespmem:s9+$0xAC20]  }
0x236: {  	v20 =	vld [tilespmem:s9+$0xAC30]  }
0x237: {  	v21 =	vld [tilespmem:s9+$0xAC40]  }
0x238: {  	v22 =	vld [tilespmem:s9+$0xAC50]  }
0x239: {  	v23 =	vld [tilespmem:s9+$0xAC60]  }
0x23a: {  	v24 =	vld [tilespmem:s9+$0xAC70]  }
0x23b: {  	v25 =	vld [tilespmem:s9+$0xB000]  }
0x23c: {  	v26 =	vld [tilespmem:s9+$0xB010]  }
0x23d: {  	v27 =	vld [tilespmem:s9+$0xB020]  }
0x23e: {  	v28 =	vld [tilespmem:s9+$0xB030]  }
0x23f: {  	v29 =	vld [tilespmem:s9+$0xB040]  }
0x240: {  	v30 =	vld [tilespmem:s9+$0xB050]  }
0x241: {  	v31 =	vld [tilespmem:s9+$0xB060]  }
0x242: {  	v32 =	vld [tilespmem:s9+$0xB070]  }
0x243: {  	v33 =	vld [tilespmem:s9+$0xB400]  }
0x244: {  	v34 =	vld [tilespmem:s9+$0xB410]  }
0x245: {  	v35 =	vld [tilespmem:s9+$0xB420]  }
0x246: {  	v36 =	vld [tilespmem:s9+$0xB430]  }
0x247: {  	v37 =	vld [tilespmem:s9+$0xB440]  }
0x248: {  	v38 =	vld [tilespmem:s9+$0xB450]  }
0x249: {  	v39 =	vld [tilespmem:s9+$0xB460]  }
0x24a: {  	v40 =	vld [tilespmem:s9+$0xB470]  }
0x24b: {  	v41 =	vld [tilespmem:s9+$0xB800]  }
0x24c: {  	v42 =	vld [tilespmem:s9+$0xB810]  }
0x24d: {  	v43 =	vld [tilespmem:s9+$0xB820]  }
0x24e: {  	v44 =	vld [tilespmem:s9+$0xB830]  }
0x24f: {  	v45 =	vld [tilespmem:s9+$0xB840]  }
0x250: {  	v46 =	vld [tilespmem:s9+$0xB850]  }
0x251: {  	v47 =	vld [tilespmem:s9+$0xB860]  }
0x252: {  	v48 =	vld [tilespmem:s9+$0xB870]  }
0x253: {  	v49 =	vld [tilespmem:s9+$0xBC00]  }
0x254: {  	v50 =	vld [tilespmem:s9+$0xBC10]  }
0x255: {  	v51 =	vld [tilespmem:s9+$0xBC20]  }
0x256: {  	v52 =	vld [tilespmem:s9+$0xBC30]  }
0x257: {  	v53 =	vld [tilespmem:s9+$0xBC40]  }
0x258: {  	v54 =	vld [tilespmem:s9+$0xBC50]  }
0x259: {  	v55 =	vld [tilespmem:s9+$0xBC60]  }
0x25a: {  	v56 =	vld [tilespmem:s9+$0xBC70]  }
0x25b: {  	v57 =	vld [tilespmem:s9+$0xC000]  }
0x25c: {  	v58 =	vld [tilespmem:s9+$0xC010]  }
0x25d: {  	v59 =	vld [tilespmem:s9+$0xC020]  }
0x25e: {  	v60 =	vld [tilespmem:s9+$0xC030]  }
0x25f: {  	v61 =	vld [tilespmem:s9+$0xC040]  }
0x260: {  	v62 =	vld [tilespmem:s9+$0xC050]  }
0x261: {  	v63 =	vld [tilespmem:s9+$0xC060]  }
0x262: {  	[tilespmem:s9+$0x4070] =	vst.add.f32.msk $0xffff, v0  }
0x263: {  	v0 =	vld [tilespmem:s9+$0xA440]  }
0x264: {  	[tilespmem:s9+$0x2400] =	vst.add.f32.msk $0xffff, v2  }
0x265: {  	[tilespmem:s9+$0x2410] =	vst.add.f32.msk $0xffff, v3  }
0x266: {  	[tilespmem:s9+$0x2420] =	vst.add.f32.msk $0xffff, v4  }
0x267: {  	[tilespmem:s9+$0x2430] =	vst.add.f32.msk $0xffff, v5  }
0x268: {  	[tilespmem:s9+$0x2450] =	vst.add.f32.msk $0xffff, v6  }
0x269: {  	[tilespmem:s9+$0x2460] =	vst.add.f32.msk $0xffff, v7  }
0x26a: {  	[tilespmem:s9+$0x2470] =	vst.add.f32.msk $0xffff, v8  }
0x26b: {  	[tilespmem:s9+$0x2800] =	vst.add.f32.msk $0xffff, v9  }
0x26c: {  	[tilespmem:s9+$0x2810] =	vst.add.f32.msk $0xffff, v10  }
0x26d: {  	[tilespmem:s9+$0x2820] =	vst.add.f32.msk $0xffff, v11  }
0x26e: {  	[tilespmem:s9+$0x2830] =	vst.add.f32.msk $0xffff, v12  }
0x26f: {  	[tilespmem:s9+$0x2840] =	vst.add.f32.msk $0xffff, v13  }
0x270: {  	[tilespmem:s9+$0x2850] =	vst.add.f32.msk $0xffff, v14  }
0x271: {  	[tilespmem:s9+$0x2860] =	vst.add.f32.msk $0xffff, v15  }
0x272: {  	[tilespmem:s9+$0x2870] =	vst.add.f32.msk $0xffff, v16  }
0x273: {  	[tilespmem:s9+$0x2C00] =	vst.add.f32.msk $0xffff, v17  }
0x274: {  	[tilespmem:s9+$0x2C10] =	vst.add.f32.msk $0xffff, v18  }
0x275: {  	[tilespmem:s9+$0x2C20] =	vst.add.f32.msk $0xffff, v19  }
0x276: {  	[tilespmem:s9+$0x2C30] =	vst.add.f32.msk $0xffff, v20  }
0x277: {  	[tilespmem:s9+$0x2C40] =	vst.add.f32.msk $0xffff, v21  }
0x278: {  	[tilespmem:s9+$0x2C50] =	vst.add.f32.msk $0xffff, v22  }
0x279: {  	[tilespmem:s9+$0x2C60] =	vst.add.f32.msk $0xffff, v23  }
0x27a: {  	[tilespmem:s9+$0x2C70] =	vst.add.f32.msk $0xffff, v24  }
0x27b: {  	[tilespmem:s9+$0x3000] =	vst.add.f32.msk $0xffff, v25  }
0x27c: {  	[tilespmem:s9+$0x3010] =	vst.add.f32.msk $0xffff, v26  }
0x27d: {  	[tilespmem:s9+$0x3020] =	vst.add.f32.msk $0xffff, v27  }
0x27e: {  	[tilespmem:s9+$0x3030] =	vst.add.f32.msk $0xffff, v28  }
0x27f: {  	[tilespmem:s9+$0x3040] =	vst.add.f32.msk $0xffff, v29  }
0x280: {  	[tilespmem:s9+$0x3050] =	vst.add.f32.msk $0xffff, v30  }
0x281: {  	[tilespmem:s9+$0x3060] =	vst.add.f32.msk $0xffff, v31  }
0x282: {  	[tilespmem:s9+$0x3070] =	vst.add.f32.msk $0xffff, v32  }
0x283: {  	[tilespmem:s9+$0x3400] =	vst.add.f32.msk $0xffff, v33  }
0x284: {  	[tilespmem:s9+$0x3410] =	vst.add.f32.msk $0xffff, v34  }
0x285: {  	[tilespmem:s9+$0x3420] =	vst.add.f32.msk $0xffff, v35  }
0x286: {  	[tilespmem:s9+$0x3430] =	vst.add.f32.msk $0xffff, v36  }
0x287: {  	[tilespmem:s9+$0x3440] =	vst.add.f32.msk $0xffff, v37  }
0x288: {  	[tilespmem:s9+$0x3450] =	vst.add.f32.msk $0xffff, v38  }
0x289: {  	[tilespmem:s9+$0x3460] =	vst.add.f32.msk $0xffff, v39  }
0x28a: {  	[tilespmem:s9+$0x3470] =	vst.add.f32.msk $0xffff, v40  }
0x28b: {  	[tilespmem:s9+$0x3800] =	vst.add.f32.msk $0xffff, v41  }
0x28c: {  	[tilespmem:s9+$0x3810] =	vst.add.f32.msk $0xffff, v42  }
0x28d: {  	[tilespmem:s9+$0x3820] =	vst.add.f32.msk $0xffff, v43  }
0x28e: {  	[tilespmem:s9+$0x3830] =	vst.add.f32.msk $0xffff, v44  }
0x28f: {  	[tilespmem:s9+$0x3840] =	vst.add.f32.msk $0xffff, v45  }
0x290: {  	[tilespmem:s9+$0x3850] =	vst.add.f32.msk $0xffff, v46  }
0x291: {  	[tilespmem:s9+$0x3860] =	vst.add.f32.msk $0xffff, v47  }
0x292: {  	[tilespmem:s9+$0x3870] =	vst.add.f32.msk $0xffff, v48  }
0x293: {  	[tilespmem:s9+$0x3C00] =	vst.add.f32.msk $0xffff, v49  }
0x294: {  	[tilespmem:s9+$0x3C10] =	vst.add.f32.msk $0xffff, v50  }
0x295: {  	[tilespmem:s9+$0x3C20] =	vst.add.f32.msk $0xffff, v51  }
0x296: {  	[tilespmem:s9+$0x3C30] =	vst.add.f32.msk $0xffff, v52  }
0x297: {  	[tilespmem:s9+$0x3C40] =	vst.add.f32.msk $0xffff, v53  }
0x298: {  	[tilespmem:s9+$0x3C50] =	vst.add.f32.msk $0xffff, v54  }
0x299: {  	[tilespmem:s9+$0x3C60] =	vst.add.f32.msk $0xffff, v55  }
0x29a: {  	[tilespmem:s9+$0x3C70] =	vst.add.f32.msk $0xffff, v56  }
0x29b: {  	[tilespmem:s9+$0x4000] =	vst.add.f32.msk $0xffff, v57  }
0x29c: {  	[tilespmem:s9+$0x4010] =	vst.add.f32.msk $0xffff, v58  }
0x29d: {  	[tilespmem:s9+$0x4020] =	vst.add.f32.msk $0xffff, v59  }
0x29e: {  	s8 =	sshll.u32 s0, $0x5;
	[tilespmem:s9+$0x4030] =	vst.add.f32.msk $0xffff, v60  }
0x29f: {  	s17 =	sadd.s32 s8, s6;
	[tilespmem:s9+$0x4040] =	vst.add.f32.msk $0xffff, v61  }
0x2a0: {  	s17 =	sshll.u32 s17, $0x7;
	[tilespmem:s9+$0x4050] =	vst.add.f32.msk $0xffff, v62  }
0x2a1: {  	s17 =	sadd.s32 s4, s17;
	[tilespmem:s9+$0x4060] =	vst.add.f32.msk $0xffff, v63  }
0x2a2: {  	s17 =	sadd.s32 $0x400, s17;
	[tilespmem:s9+$0x2440] =	vst.add.f32.msk $0xffff, v0  }
0x2a3: {  	[hbm4b:s17+s5] =	stream.linear.scatter [tilespmem:s29], [sflag:$0x6], $0x2000, $0x38;
	[tilespmem:$0x10400] =	vst v63  }
0x2a4: {  	_ =	swait.ge [sflag:s26], $0x2000  }
0x2a5: {  	[sflag:s26] =	ssyncset.done $0x0  }
0x2a6: {  	p0 =	seq.s32 s0, $0xF;
	[sflag:s26] =	ssyncadd.s32 $0xFFFFE000  }
0x2a7: {  	v0 =	vld.msk @!p0 [tilespmem:s8+$0x20], $0xff;
	_ =	sdelay $0x4  }
0x2a8: {  	v2 =	vshll.u32 @!p0 v0, $0x3  }
0x2a9: {  	v3 =	vlaneseq.u32 @!p0;
	v0 =	vand.u32 @!p0 $0x7, v0;
	v2 =	vand.u32 @!p0 $0xFFFFFFC0, v2  }
0x2aa: {  	v0 =	vor.u32 @!p0 v0, v2;
	v2 =	vand.u32 @!p0 $0x7, v3;
	v3 =	vshrl.u32 @!p0 v3, $0x3  }
0x2ab: {  	v0 =	vperm.xlane @!p0 v0, v2;
	v3 =	vmul.u32 @!p0 $0x8, v3;
	_ =	sdelay $0x1  }
0x2ac: {  	v0 =	vadd.s32 @!p0 v3, v0;
	_ =	sdelay $0x3  }
0x2ad: {  	vm1 =	vmmov @!p0 $0xffff;
	s9 =	simm.s32 @!p0 $0x0;
	s17 =	simm.s32 @!p0 $0x400  }
0x2ae: {  	[tilespmem:s17], [sflag:$0x1] =	stream.indirect_vreg.gather @!p0 [hbm4b:s1+s9], $0x80, v0, vm1, $0xb8;
	[tilespmem:$0x10400] =	vst v63  }
0x2af: {  	s17 =	simm.s32 @!p0 $0xC00  }
0x2b0: {  	[tilespmem:s17], [sflag:$0x1] =	stream.indirect_vreg.gather @!p0 [hbm4b:s10+s9], $0x80, v0, vm1, $0xb8;
	[tilespmem:$0x10400] =	vst v63  }
0x2b1: {  	s17 =	simm.s32 @!p0 $0x1400  }
0x2b2: {  	[tilespmem:s17], [sflag:$0x1] =	stream.indirect_vreg.gather @!p0 [hbm4b:s11+s9], $0x80, v0, vm1, $0xb8;
	[tilespmem:$0x10400] =	vst v63  }
0x2b3: {  	s17 =	simm.s32 @!p0 $0x1C00  }
0x2b4: {  	[tilespmem:s17], [sflag:$0x1] =	stream.indirect_vreg.gather @!p0 [hbm4b:s12+s9], $0x80, v0, vm1, $0xb8;
	[tilespmem:$0x10400] =	vst v63  }
0x2b5: {  	v0 =	vld.msk @!p0 [tilespmem:s8+$0x220], $0xff;
	_ =	sdelay $0x4  }
0x2b6: {  	v4 =	vshll.u32 @!p0 v0, $0x3  }
0x2b7: {  	v0 =	vand.u32 @!p0 $0x7, v0;
	v4 =	vand.u32 @!p0 $0xFFFFFFC0, v4  }
0x2b8: {  	v0 =	vor.u32 @!p0 v0, v4  }
0x2b9: {  	v0 =	vperm.xlane @!p0 v0, v2;
	_ =	sdelay $0x1  }
0x2ba: {  	v0 =	vadd.s32 @!p0 v3, v0;
	_ =	sdelay $0x3  }
0x2bb: {  	s17 =	simm.s32 @!p0 $0x8400  }
0x2bc: {  	[tilespmem:s17], [sflag:$0x1] =	stream.indirect_vreg.gather @!p0 [hbm4b:s2+s9], $0x80, v0, vm1, $0xb8;
	[tilespmem:$0x10400] =	vst v63  }
0x2bd: {  	s17 =	simm.s32 @!p0 $0x8C00  }
0x2be: {  	[tilespmem:s17], [sflag:$0x1] =	stream.indirect_vreg.gather @!p0 [hbm4b:s13+s9], $0x80, v0, vm1, $0xb8;
	[tilespmem:$0x10400] =	vst v63  }
0x2bf: {  	s17 =	simm.s32 @!p0 $0x9400  }
0x2c0: {  	[tilespmem:s17], [sflag:$0x1] =	stream.indirect_vreg.gather @!p0 [hbm4b:s14+s9], $0x80, v0, vm1, $0xb8;
	[tilespmem:$0x10400] =	vst v63  }
0x2c1: {  	s17 =	simm.s32 @!p0 $0x9C00  }
0x2c2: {  	[tilespmem:s17], [sflag:$0x1] =	stream.indirect_vreg.gather @!p0 [hbm4b:s15+s9], $0x80, v0, vm1, $0xb8;
	[tilespmem:$0x10400] =	vst v63  }
0x2c3: {  	_ =	swait.ge [sflag:s28], $0x2000  }
0x2c4: {  	[sflag:s28] =	ssyncset.done $0x0  }
0x2c5: {  	[sflag:s28] =	ssyncadd.s32 $0xFFFFE000  }
0x2c6: {  	_ =	swait.ge [sflag:s28], $0x2000  }
0x2c7: {  	[sflag:s28] =	ssyncset.done $0x0  }
0x2c8: {  	s9 =	simm.s32 $0x0;
	s17 =	simm.s32 $0x200;
	[sflag:s28] =	ssyncadd.s32 $0xFFFFE000  }
.LBB2_7:
0x2c9: {  	p1 =	sne.s32 s17, $0xE00;
	v0 =	vld [tilespmem:s9+$0xE070]  }
0x2ca: {  	v2 =	vld [tilespmem:s9+$0xC400]  }
0x2cb: {  	v3 =	vld [tilespmem:s9+$0xC410]  }
0x2cc: {  	v4 =	vld [tilespmem:s9+$0xC420]  }
0x2cd: {  	v5 =	vld [tilespmem:s9+$0xC430]  }
0x2ce: {  	[tilespmem:s9+$0x6070] =	vst.add.f32.msk $0xffff, v0  }
0x2cf: {  	v0 =	vld [tilespmem:s9+$0xC440]  }
0x2d0: {  	v6 =	vld [tilespmem:s9+$0xC450]  }
0x2d1: {  	v7 =	vld [tilespmem:s9+$0xC460]  }
0x2d2: {  	v8 =	vld [tilespmem:s9+$0xC470]  }
0x2d3: {  	v9 =	vld [tilespmem:s9+$0xC800]  }
0x2d4: {  	v10 =	vld [tilespmem:s9+$0xC810]  }
0x2d5: {  	v11 =	vld [tilespmem:s9+$0xC820]  }
0x2d6: {  	v12 =	vld [tilespmem:s9+$0xC830]  }
0x2d7: {  	v13 =	vld [tilespmem:s9+$0xC840]  }
0x2d8: {  	v14 =	vld [tilespmem:s9+$0xC850]  }
0x2d9: {  	v15 =	vld [tilespmem:s9+$0xC860]  }
0x2da: {  	v16 =	vld [tilespmem:s9+$0xC870]  }
0x2db: {  	v17 =	vld [tilespmem:s9+$0xCC00]  }
0x2dc: {  	v18 =	vld [tilespmem:s9+$0xCC10]  }
0x2dd: {  	v19 =	vld [tilespmem:s9+$0xCC20]  }
0x2de: {  	v20 =	vld [tilespmem:s9+$0xCC30]  }
0x2df: {  	v21 =	vld [tilespmem:s9+$0xCC40]  }
0x2e0: {  	v22 =	vld [tilespmem:s9+$0xCC50]  }
0x2e1: {  	v23 =	vld [tilespmem:s9+$0xCC60]  }
0x2e2: {  	v24 =	vld [tilespmem:s9+$0xCC70]  }
0x2e3: {  	v25 =	vld [tilespmem:s9+$0xD000]  }
0x2e4: {  	v26 =	vld [tilespmem:s9+$0xD010]  }
0x2e5: {  	v27 =	vld [tilespmem:s9+$0xD020]  }
0x2e6: {  	v28 =	vld [tilespmem:s9+$0xD030]  }
0x2e7: {  	v29 =	vld [tilespmem:s9+$0xD040]  }
0x2e8: {  	v30 =	vld [tilespmem:s9+$0xD050]  }
0x2e9: {  	v31 =	vld [tilespmem:s9+$0xD060]  }
0x2ea: {  	v32 =	vld [tilespmem:s9+$0xD070]  }
0x2eb: {  	v33 =	vld [tilespmem:s9+$0xD400]  }
0x2ec: {  	v34 =	vld [tilespmem:s9+$0xD410]  }
0x2ed: {  	v35 =	vld [tilespmem:s9+$0xD420]  }
0x2ee: {  	v36 =	vld [tilespmem:s9+$0xD430]  }
0x2ef: {  	v37 =	vld [tilespmem:s9+$0xD440]  }
0x2f0: {  	v38 =	vld [tilespmem:s9+$0xD450]  }
0x2f1: {  	v39 =	vld [tilespmem:s9+$0xD460]  }
0x2f2: {  	v40 =	vld [tilespmem:s9+$0xD470]  }
0x2f3: {  	v41 =	vld [tilespmem:s9+$0xD800]  }
0x2f4: {  	v42 =	vld [tilespmem:s9+$0xD810]  }
0x2f5: {  	v43 =	vld [tilespmem:s9+$0xD820]  }
0x2f6: {  	v44 =	vld [tilespmem:s9+$0xD830]  }
0x2f7: {  	v45 =	vld [tilespmem:s9+$0xD840]  }
0x2f8: {  	v46 =	vld [tilespmem:s9+$0xD850]  }
0x2f9: {  	v47 =	vld [tilespmem:s9+$0xD860]  }
0x2fa: {  	v48 =	vld [tilespmem:s9+$0xD870]  }
0x2fb: {  	v49 =	vld [tilespmem:s9+$0xDC00]  }
0x2fc: {  	v50 =	vld [tilespmem:s9+$0xDC10]  }
0x2fd: {  	v51 =	vld [tilespmem:s9+$0xDC20]  }
0x2fe: {  	v52 =	vld [tilespmem:s9+$0xDC30]  }
0x2ff: {  	v53 =	vld [tilespmem:s9+$0xDC40]  }
0x300: {  	v54 =	vld [tilespmem:s9+$0xDC50]  }
0x301: {  	v55 =	vld [tilespmem:s9+$0xDC60]  }
0x302: {  	v56 =	vld [tilespmem:s9+$0xDC70]  }
0x303: {  	v57 =	vld [tilespmem:s9+$0xE000]  }
0x304: {  	v58 =	vld [tilespmem:s9+$0xE010]  }
0x305: {  	v59 =	vld [tilespmem:s9+$0xE020]  }
0x306: {  	v60 =	vld [tilespmem:s9+$0xE030]  }
0x307: {  	v61 =	vld [tilespmem:s9+$0xE040]  }
0x308: {  	v62 =	vld [tilespmem:s9+$0xE050]  }
0x309: {  	v63 =	vld [tilespmem:s9+$0xE060]  }
0x30a: {  	[tilespmem:s9+$0x4400] =	vst.add.f32.msk $0xffff, v2  }
0x30b: {  	[tilespmem:s9+$0x4410] =	vst.add.f32.msk $0xffff, v3  }
0x30c: {  	[tilespmem:s9+$0x4420] =	vst.add.f32.msk $0xffff, v4  }
0x30d: {  	[tilespmem:s9+$0x4430] =	vst.add.f32.msk $0xffff, v5  }
0x30e: {  	[tilespmem:s9+$0x4440] =	vst.add.f32.msk $0xffff, v0  }
0x30f: {  	[tilespmem:s9+$0x4450] =	vst.add.f32.msk $0xffff, v6  }
0x310: {  	[tilespmem:s9+$0x4460] =	vst.add.f32.msk $0xffff, v7  }
0x311: {  	[tilespmem:s9+$0x4470] =	vst.add.f32.msk $0xffff, v8  }
0x312: {  	[tilespmem:s9+$0x4800] =	vst.add.f32.msk $0xffff, v9  }
0x313: {  	[tilespmem:s9+$0x4810] =	vst.add.f32.msk $0xffff, v10  }
0x314: {  	[tilespmem:s9+$0x4820] =	vst.add.f32.msk $0xffff, v11  }
0x315: {  	[tilespmem:s9+$0x4830] =	vst.add.f32.msk $0xffff, v12  }
0x316: {  	[tilespmem:s9+$0x4840] =	vst.add.f32.msk $0xffff, v13  }
0x317: {  	[tilespmem:s9+$0x4850] =	vst.add.f32.msk $0xffff, v14  }
0x318: {  	[tilespmem:s9+$0x4860] =	vst.add.f32.msk $0xffff, v15  }
0x319: {  	[tilespmem:s9+$0x4870] =	vst.add.f32.msk $0xffff, v16  }
0x31a: {  	[tilespmem:s9+$0x4C00] =	vst.add.f32.msk $0xffff, v17  }
0x31b: {  	[tilespmem:s9+$0x4C10] =	vst.add.f32.msk $0xffff, v18  }
0x31c: {  	[tilespmem:s9+$0x4C20] =	vst.add.f32.msk $0xffff, v19  }
0x31d: {  	[tilespmem:s9+$0x4C30] =	vst.add.f32.msk $0xffff, v20  }
0x31e: {  	[tilespmem:s9+$0x4C40] =	vst.add.f32.msk $0xffff, v21  }
0x31f: {  	[tilespmem:s9+$0x4C50] =	vst.add.f32.msk $0xffff, v22  }
0x320: {  	[tilespmem:s9+$0x4C60] =	vst.add.f32.msk $0xffff, v23  }
0x321: {  	[tilespmem:s9+$0x4C70] =	vst.add.f32.msk $0xffff, v24  }
0x322: {  	[tilespmem:s9+$0x5000] =	vst.add.f32.msk $0xffff, v25  }
0x323: {  	[tilespmem:s9+$0x5010] =	vst.add.f32.msk $0xffff, v26  }
0x324: {  	[tilespmem:s9+$0x5020] =	vst.add.f32.msk $0xffff, v27  }
0x325: {  	[tilespmem:s9+$0x5030] =	vst.add.f32.msk $0xffff, v28  }
0x326: {  	[tilespmem:s9+$0x5040] =	vst.add.f32.msk $0xffff, v29  }
0x327: {  	[tilespmem:s9+$0x5050] =	vst.add.f32.msk $0xffff, v30  }
0x328: {  	[tilespmem:s9+$0x5060] =	vst.add.f32.msk $0xffff, v31  }
0x329: {  	[tilespmem:s9+$0x5070] =	vst.add.f32.msk $0xffff, v32  }
0x32a: {  	[tilespmem:s9+$0x5400] =	vst.add.f32.msk $0xffff, v33  }
0x32b: {  	[tilespmem:s9+$0x5410] =	vst.add.f32.msk $0xffff, v34  }
0x32c: {  	[tilespmem:s9+$0x5420] =	vst.add.f32.msk $0xffff, v35  }
0x32d: {  	[tilespmem:s9+$0x5430] =	vst.add.f32.msk $0xffff, v36  }
0x32e: {  	[tilespmem:s9+$0x5440] =	vst.add.f32.msk $0xffff, v37  }
0x32f: {  	[tilespmem:s9+$0x5450] =	vst.add.f32.msk $0xffff, v38  }
0x330: {  	[tilespmem:s9+$0x5460] =	vst.add.f32.msk $0xffff, v39  }
0x331: {  	[tilespmem:s9+$0x5470] =	vst.add.f32.msk $0xffff, v40  }
0x332: {  	[tilespmem:s9+$0x5800] =	vst.add.f32.msk $0xffff, v41  }
0x333: {  	[tilespmem:s9+$0x5810] =	vst.add.f32.msk $0xffff, v42  }
0x334: {  	[tilespmem:s9+$0x5820] =	vst.add.f32.msk $0xffff, v43  }
0x335: {  	[tilespmem:s9+$0x5830] =	vst.add.f32.msk $0xffff, v44  }
0x336: {  	[tilespmem:s9+$0x5840] =	vst.add.f32.msk $0xffff, v45  }
0x337: {  	[tilespmem:s9+$0x5850] =	vst.add.f32.msk $0xffff, v46  }
0x338: {  	[tilespmem:s9+$0x5860] =	vst.add.f32.msk $0xffff, v47  }
0x339: {  	[tilespmem:s9+$0x5870] =	vst.add.f32.msk $0xffff, v48  }
0x33a: {  	[tilespmem:s9+$0x5C00] =	vst.add.f32.msk $0xffff, v49  }
0x33b: {  	[tilespmem:s9+$0x5C10] =	vst.add.f32.msk $0xffff, v50  }
0x33c: {  	[tilespmem:s9+$0x5C20] =	vst.add.f32.msk $0xffff, v51  }
0x33d: {  	[tilespmem:s9+$0x5C30] =	vst.add.f32.msk $0xffff, v52  }
0x33e: {  	[tilespmem:s9+$0x5C40] =	vst.add.f32.msk $0xffff, v53  }
0x33f: {  	[tilespmem:s9+$0x5C50] =	vst.add.f32.msk $0xffff, v54  }
0x340: {  	[tilespmem:s9+$0x5C60] =	vst.add.f32.msk $0xffff, v55  }
0x341: {  	[tilespmem:s9+$0x5C70] =	vst.add.f32.msk $0xffff, v56  }
0x342: {  	[tilespmem:s9+$0x6000] =	vst.add.f32.msk $0xffff, v57  }
0x343: {  	[tilespmem:s9+$0x6010] =	vst.add.f32.msk $0xffff, v58  }
.Ltmp2:
0x344: {  	[tilespmem:s9+$0x6020] =	vst.add.f32.msk $0xffff, v59;
	(pc) =	sbr.rel @p1 .LBB2_7-.Ltmp2, $4  }
0x345: {  	[tilespmem:s9+$0x6030] =	vst.add.f32.msk $0xffff, v60  }
0x346: {  	[tilespmem:s9+$0x6040] =	vst.add.f32.msk $0xffff, v61  }
0x347: {  	[tilespmem:s9+$0x6050] =	vst.add.f32.msk $0xffff, v62  }
0x348: {  	[tilespmem:s9+$0x6060] =	vst.add.f32.msk $0xffff, v63;
	s9 =	sshra.s32 s17, $0x2;
	s17 =	sadd.s32 $0x200, s17  }
0x349: {  	v0 =	vld [tilespmem:s9+$0xE070]  }
0x34a: {  	v2 =	vld [tilespmem:s9+$0xC400]  }
0x34b: {  	v3 =	vld [tilespmem:s9+$0xC410]  }
0x34c: {  	v4 =	vld [tilespmem:s9+$0xC420]  }
0x34d: {  	v5 =	vld [tilespmem:s9+$0xC430]  }
0x34e: {  	v6 =	vld [tilespmem:s9+$0xC450]  }
0x34f: {  	v7 =	vld [tilespmem:s9+$0xC460]  }
0x350: {  	v8 =	vld [tilespmem:s9+$0xC470]  }
0x351: {  	v9 =	vld [tilespmem:s9+$0xC800]  }
0x352: {  	v10 =	vld [tilespmem:s9+$0xC810]  }
0x353: {  	v11 =	vld [tilespmem:s9+$0xC820]  }
0x354: {  	v12 =	vld [tilespmem:s9+$0xC830]  }
0x355: {  	v13 =	vld [tilespmem:s9+$0xC840]  }
0x356: {  	v14 =	vld [tilespmem:s9+$0xC850]  }
0x357: {  	v15 =	vld [tilespmem:s9+$0xC860]  }
0x358: {  	v16 =	vld [tilespmem:s9+$0xC870]  }
0x359: {  	v17 =	vld [tilespmem:s9+$0xCC00]  }
0x35a: {  	v18 =	vld [tilespmem:s9+$0xCC10]  }
0x35b: {  	v19 =	vld [tilespmem:s9+$0xCC20]  }
0x35c: {  	v20 =	vld [tilespmem:s9+$0xCC30]  }
0x35d: {  	v21 =	vld [tilespmem:s9+$0xCC40]  }
0x35e: {  	v22 =	vld [tilespmem:s9+$0xCC50]  }
0x35f: {  	v23 =	vld [tilespmem:s9+$0xCC60]  }
0x360: {  	v24 =	vld [tilespmem:s9+$0xCC70]  }
0x361: {  	v25 =	vld [tilespmem:s9+$0xD000]  }
0x362: {  	v26 =	vld [tilespmem:s9+$0xD010]  }
0x363: {  	v27 =	vld [tilespmem:s9+$0xD020]  }
0x364: {  	v28 =	vld [tilespmem:s9+$0xD030]  }
0x365: {  	v29 =	vld [tilespmem:s9+$0xD040]  }
0x366: {  	v30 =	vld [tilespmem:s9+$0xD050]  }
0x367: {  	v31 =	vld [tilespmem:s9+$0xD060]  }
0x368: {  	v32 =	vld [tilespmem:s9+$0xD070]  }
0x369: {  	v33 =	vld [tilespmem:s9+$0xD400]  }
0x36a: {  	v34 =	vld [tilespmem:s9+$0xD410]  }
0x36b: {  	v35 =	vld [tilespmem:s9+$0xD420]  }
0x36c: {  	v36 =	vld [tilespmem:s9+$0xD430]  }
0x36d: {  	v37 =	vld [tilespmem:s9+$0xD440]  }
0x36e: {  	v38 =	vld [tilespmem:s9+$0xD450]  }
0x36f: {  	v39 =	vld [tilespmem:s9+$0xD460]  }
0x370: {  	v40 =	vld [tilespmem:s9+$0xD470]  }
0x371: {  	v41 =	vld [tilespmem:s9+$0xD800]  }
0x372: {  	v42 =	vld [tilespmem:s9+$0xD810]  }
0x373: {  	v43 =	vld [tilespmem:s9+$0xD820]  }
0x374: {  	v44 =	vld [tilespmem:s9+$0xD830]  }
0x375: {  	v45 =	vld [tilespmem:s9+$0xD840]  }
0x376: {  	v46 =	vld [tilespmem:s9+$0xD850]  }
0x377: {  	v47 =	vld [tilespmem:s9+$0xD860]  }
0x378: {  	v48 =	vld [tilespmem:s9+$0xD870]  }
0x379: {  	v49 =	vld [tilespmem:s9+$0xDC00]  }
0x37a: {  	v50 =	vld [tilespmem:s9+$0xDC10]  }
0x37b: {  	v51 =	vld [tilespmem:s9+$0xDC20]  }
0x37c: {  	v52 =	vld [tilespmem:s9+$0xDC30]  }
0x37d: {  	v53 =	vld [tilespmem:s9+$0xDC40]  }
0x37e: {  	v54 =	vld [tilespmem:s9+$0xDC50]  }
0x37f: {  	v55 =	vld [tilespmem:s9+$0xDC60]  }
0x380: {  	v56 =	vld [tilespmem:s9+$0xDC70]  }
0x381: {  	v57 =	vld [tilespmem:s9+$0xE000]  }
0x382: {  	v58 =	vld [tilespmem:s9+$0xE010]  }
0x383: {  	v59 =	vld [tilespmem:s9+$0xE020]  }
0x384: {  	v60 =	vld [tilespmem:s9+$0xE030]  }
0x385: {  	v61 =	vld [tilespmem:s9+$0xE040]  }
0x386: {  	v62 =	vld [tilespmem:s9+$0xE050]  }
0x387: {  	v63 =	vld [tilespmem:s9+$0xE060]  }
0x388: {  	[tilespmem:s9+$0x6070] =	vst.add.f32.msk $0xffff, v0  }
0x389: {  	v0 =	vld [tilespmem:s9+$0xC440]  }
0x38a: {  	[tilespmem:s9+$0x4400] =	vst.add.f32.msk $0xffff, v2  }
0x38b: {  	[tilespmem:s9+$0x4410] =	vst.add.f32.msk $0xffff, v3  }
0x38c: {  	[tilespmem:s9+$0x4420] =	vst.add.f32.msk $0xffff, v4  }
0x38d: {  	[tilespmem:s9+$0x4430] =	vst.add.f32.msk $0xffff, v5  }
0x38e: {  	[tilespmem:s9+$0x4450] =	vst.add.f32.msk $0xffff, v6  }
0x38f: {  	[tilespmem:s9+$0x4460] =	vst.add.f32.msk $0xffff, v7  }
0x390: {  	[tilespmem:s9+$0x4470] =	vst.add.f32.msk $0xffff, v8  }
0x391: {  	[tilespmem:s9+$0x4800] =	vst.add.f32.msk $0xffff, v9  }
0x392: {  	[tilespmem:s9+$0x4810] =	vst.add.f32.msk $0xffff, v10  }
0x393: {  	[tilespmem:s9+$0x4820] =	vst.add.f32.msk $0xffff, v11  }
0x394: {  	[tilespmem:s9+$0x4830] =	vst.add.f32.msk $0xffff, v12  }
0x395: {  	[tilespmem:s9+$0x4840] =	vst.add.f32.msk $0xffff, v13  }
0x396: {  	[tilespmem:s9+$0x4850] =	vst.add.f32.msk $0xffff, v14  }
0x397: {  	[tilespmem:s9+$0x4860] =	vst.add.f32.msk $0xffff, v15  }
0x398: {  	[tilespmem:s9+$0x4870] =	vst.add.f32.msk $0xffff, v16  }
0x399: {  	[tilespmem:s9+$0x4C00] =	vst.add.f32.msk $0xffff, v17  }
0x39a: {  	[tilespmem:s9+$0x4C10] =	vst.add.f32.msk $0xffff, v18  }
0x39b: {  	[tilespmem:s9+$0x4C20] =	vst.add.f32.msk $0xffff, v19  }
0x39c: {  	[tilespmem:s9+$0x4C30] =	vst.add.f32.msk $0xffff, v20  }
0x39d: {  	[tilespmem:s9+$0x4C40] =	vst.add.f32.msk $0xffff, v21  }
0x39e: {  	[tilespmem:s9+$0x4C50] =	vst.add.f32.msk $0xffff, v22  }
0x39f: {  	[tilespmem:s9+$0x4C60] =	vst.add.f32.msk $0xffff, v23  }
0x3a0: {  	[tilespmem:s9+$0x4C70] =	vst.add.f32.msk $0xffff, v24  }
0x3a1: {  	[tilespmem:s9+$0x5000] =	vst.add.f32.msk $0xffff, v25  }
0x3a2: {  	[tilespmem:s9+$0x5010] =	vst.add.f32.msk $0xffff, v26  }
0x3a3: {  	[tilespmem:s9+$0x5020] =	vst.add.f32.msk $0xffff, v27  }
0x3a4: {  	[tilespmem:s9+$0x5030] =	vst.add.f32.msk $0xffff, v28  }
0x3a5: {  	[tilespmem:s9+$0x5040] =	vst.add.f32.msk $0xffff, v29  }
0x3a6: {  	[tilespmem:s9+$0x5050] =	vst.add.f32.msk $0xffff, v30  }
0x3a7: {  	[tilespmem:s9+$0x5060] =	vst.add.f32.msk $0xffff, v31  }
0x3a8: {  	[tilespmem:s9+$0x5070] =	vst.add.f32.msk $0xffff, v32  }
0x3a9: {  	[tilespmem:s9+$0x5400] =	vst.add.f32.msk $0xffff, v33  }
0x3aa: {  	[tilespmem:s9+$0x5410] =	vst.add.f32.msk $0xffff, v34  }
0x3ab: {  	[tilespmem:s9+$0x5420] =	vst.add.f32.msk $0xffff, v35  }
0x3ac: {  	[tilespmem:s9+$0x5430] =	vst.add.f32.msk $0xffff, v36  }
0x3ad: {  	[tilespmem:s9+$0x5440] =	vst.add.f32.msk $0xffff, v37  }
0x3ae: {  	[tilespmem:s9+$0x5450] =	vst.add.f32.msk $0xffff, v38  }
0x3af: {  	[tilespmem:s9+$0x5460] =	vst.add.f32.msk $0xffff, v39  }
0x3b0: {  	[tilespmem:s9+$0x5470] =	vst.add.f32.msk $0xffff, v40  }
0x3b1: {  	[tilespmem:s9+$0x5800] =	vst.add.f32.msk $0xffff, v41  }
0x3b2: {  	[tilespmem:s9+$0x5810] =	vst.add.f32.msk $0xffff, v42  }
0x3b3: {  	[tilespmem:s9+$0x5820] =	vst.add.f32.msk $0xffff, v43  }
0x3b4: {  	[tilespmem:s9+$0x5830] =	vst.add.f32.msk $0xffff, v44  }
0x3b5: {  	[tilespmem:s9+$0x5840] =	vst.add.f32.msk $0xffff, v45  }
0x3b6: {  	[tilespmem:s9+$0x5850] =	vst.add.f32.msk $0xffff, v46  }
0x3b7: {  	[tilespmem:s9+$0x5860] =	vst.add.f32.msk $0xffff, v47  }
0x3b8: {  	[tilespmem:s9+$0x5870] =	vst.add.f32.msk $0xffff, v48  }
0x3b9: {  	[tilespmem:s9+$0x5C00] =	vst.add.f32.msk $0xffff, v49  }
0x3ba: {  	[tilespmem:s9+$0x5C10] =	vst.add.f32.msk $0xffff, v50  }
0x3bb: {  	[tilespmem:s9+$0x5C20] =	vst.add.f32.msk $0xffff, v51  }
0x3bc: {  	[tilespmem:s9+$0x5C30] =	vst.add.f32.msk $0xffff, v52  }
0x3bd: {  	[tilespmem:s9+$0x5C40] =	vst.add.f32.msk $0xffff, v53  }
0x3be: {  	[tilespmem:s9+$0x5C50] =	vst.add.f32.msk $0xffff, v54  }
0x3bf: {  	[tilespmem:s9+$0x5C60] =	vst.add.f32.msk $0xffff, v55  }
0x3c0: {  	[tilespmem:s9+$0x5C70] =	vst.add.f32.msk $0xffff, v56  }
0x3c1: {  	[tilespmem:s9+$0x6000] =	vst.add.f32.msk $0xffff, v57  }
0x3c2: {  	[tilespmem:s9+$0x6010] =	vst.add.f32.msk $0xffff, v58  }
0x3c3: {  	[tilespmem:s9+$0x6020] =	vst.add.f32.msk $0xffff, v59  }
0x3c4: {  	[tilespmem:s9+$0x6030] =	vst.add.f32.msk $0xffff, v60  }
0x3c5: {  	s17 =	sadd.s32 s7, s22;
	[tilespmem:s9+$0x6040] =	vst.add.f32.msk $0xffff, v61  }
0x3c6: {  	s17 =	sshll.u32 s17, $0xA;
	[tilespmem:s9+$0x6050] =	vst.add.f32.msk $0xffff, v62  }
0x3c7: {  	s17 =	sand.u32 $0x1FFFF800, s17;
	[tilespmem:s9+$0x6060] =	vst.add.f32.msk $0xffff, v63  }
0x3c8: {  	s22 =	sadd.s32 s4, s17;
	[tilespmem:s9+$0x4440] =	vst.add.f32.msk $0xffff, v0  }
0x3c9: {  	[hbm4b:s22+s5] =	stream.linear.scatter [tilespmem:s23], [sflag:$0x7], $0x2000, $0x38;
	[tilespmem:$0x10400] =	vst v63  }
0x3ca: {  	_ =	swait.ge [sflag:s30], $0x2000  }
0x3cb: {  	[sflag:s30] =	ssyncset.done $0x0  }
0x3cc: {  	[sflag:s30] =	ssyncadd.s32 $0xFFFFE000  }
0x3cd: {  	v0 =	vld.msk @!p0 [tilespmem:s8+$0x28], $0xff;
	_ =	sdelay $0x4  }
0x3ce: {  	v2 =	vshll.u32 @!p0 v0, $0x3  }
0x3cf: {  	v3 =	vlaneseq.u32 @!p0;
	v0 =	vand.u32 @!p0 $0x7, v0;
	v2 =	vand.u32 @!p0 $0xFFFFFFC0, v2  }
0x3d0: {  	v0 =	vor.u32 @!p0 v0, v2;
	v2 =	vand.u32 @!p0 $0x7, v3;
	v3 =	vshrl.u32 @!p0 v3, $0x3  }
0x3d1: {  	v0 =	vperm.xlane @!p0 v0, v2;
	v3 =	vmul.u32 @!p0 $0x8, v3;
	_ =	sdelay $0x1  }
0x3d2: {  	v0 =	vadd.s32 @!p0 v3, v0;
	_ =	sdelay $0x3  }
0x3d3: {  	s17 =	simm.s32 @!p0 $0x2400;
	s9 =	simm.s32 @!p0 $0x0  }
0x3d4: {  	[tilespmem:s17], [sflag:$0x2] =	stream.indirect_vreg.gather @!p0 [hbm4b:s1+s9], $0x80, v0, vm1, $0xb8;
	[tilespmem:$0x10400] =	vst v63  }
0x3d5: {  	s17 =	simm.s32 @!p0 $0x2C00  }
0x3d6: {  	[tilespmem:s17], [sflag:$0x2] =	stream.indirect_vreg.gather @!p0 [hbm4b:s10+s9], $0x80, v0, vm1, $0xb8;
	[tilespmem:$0x10400] =	vst v63  }
0x3d7: {  	s17 =	simm.s32 @!p0 $0x3400  }
0x3d8: {  	[tilespmem:s17], [sflag:$0x2] =	stream.indirect_vreg.gather @!p0 [hbm4b:s11+s9], $0x80, v0, vm1, $0xb8;
	[tilespmem:$0x10400] =	vst v63  }
0x3d9: {  	s17 =	simm.s32 @!p0 $0x3C00  }
0x3da: {  	[tilespmem:s17], [sflag:$0x2] =	stream.indirect_vreg.gather @!p0 [hbm4b:s12+s9], $0x80, v0, vm1, $0xb8;
	[tilespmem:$0x10400] =	vst v63  }
0x3db: {  	v0 =	vld.msk @!p0 [tilespmem:s8+$0x228], $0xff;
	_ =	sdelay $0x4  }
0x3dc: {  	v4 =	vshll.u32 @!p0 v0, $0x3  }
0x3dd: {  	v0 =	vand.u32 @!p0 $0x7, v0;
	v4 =	vand.u32 @!p0 $0xFFFFFFC0, v4  }
0x3de: {  	v0 =	vor.u32 @!p0 v0, v4  }
0x3df: {  	v0 =	vperm.xlane @!p0 v0, v2;
	_ =	sdelay $0x1  }
0x3e0: {  	v0 =	vadd.s32 @!p0 v3, v0;
	_ =	sdelay $0x3  }
0x3e1: {  	s8 =	simm.s32 @!p0 $0xA400  }
0x3e2: {  	[tilespmem:s8], [sflag:$0x2] =	stream.indirect_vreg.gather @!p0 [hbm4b:s2+s9], $0x80, v0, vm1, $0xb8;
	[tilespmem:$0x10400] =	vst v63  }
0x3e3: {  	s8 =	simm.s32 @!p0 $0xAC00  }
0x3e4: {  	[tilespmem:s8], [sflag:$0x2] =	stream.indirect_vreg.gather @!p0 [hbm4b:s13+s9], $0x80, v0, vm1, $0xb8;
	[tilespmem:$0x10400] =	vst v63  }
0x3e5: {  	s8 =	simm.s32 @!p0 $0xB400  }
0x3e6: {  	[tilespmem:s8], [sflag:$0x2] =	stream.indirect_vreg.gather @!p0 [hbm4b:s14+s9], $0x80, v0, vm1, $0xb8;
	[tilespmem:$0x10400] =	vst v63  }
0x3e7: {  	s8 =	simm.s32 @!p0 $0xBC00  }
0x3e8: {  	[tilespmem:s8], [sflag:$0x2] =	stream.indirect_vreg.gather @!p0 [hbm4b:s15+s9], $0x80, v0, vm1, $0xb8;
	[tilespmem:$0x10400] =	vst v63  }
0x3e9: {  	_ =	swait.ge [sflag:s31], $0x2000  }
0x3ea: {  	[sflag:s31] =	ssyncset.done $0x0  }
0x3eb: {  	[sflag:s31] =	ssyncadd.s32 $0xFFFFE000  }
0x3ec: {  	_ =	swait.ge [sflag:s31], $0x2000  }
0x3ed: {  	[sflag:s31] =	ssyncset.done $0x0  }
0x3ee: {  	s8 =	simm.s32 $0x0;
	s9 =	simm.s32 $0x200;
	[sflag:s31] =	ssyncadd.s32 $0xFFFFE000  }
.LBB2_9:
0x3ef: {  	p0 =	sne.s32 s9, $0xE00;
	v0 =	vld [tilespmem:s8+$0x10070]  }
0x3f0: {  	v2 =	vld [tilespmem:s8+$0xE400]  }
0x3f1: {  	v3 =	vld [tilespmem:s8+$0xE410]  }
0x3f2: {  	v4 =	vld [tilespmem:s8+$0xE420]  }
0x3f3: {  	v5 =	vld [tilespmem:s8+$0xE430]  }
0x3f4: {  	[tilespmem:s8+$0x8070] =	vst.add.f32.msk $0xffff, v0  }
0x3f5: {  	v0 =	vld [tilespmem:s8+$0xE440]  }
0x3f6: {  	v6 =	vld [tilespmem:s8+$0xE450]  }
0x3f7: {  	v7 =	vld [tilespmem:s8+$0xE460]  }
0x3f8: {  	v8 =	vld [tilespmem:s8+$0xE470]  }
0x3f9: {  	v9 =	vld [tilespmem:s8+$0xE800]  }
0x3fa: {  	v10 =	vld [tilespmem:s8+$0xE810]  }
0x3fb: {  	v11 =	vld [tilespmem:s8+$0xE820]  }
0x3fc: {  	v12 =	vld [tilespmem:s8+$0xE830]  }
0x3fd: {  	v13 =	vld [tilespmem:s8+$0xE840]  }
0x3fe: {  	v14 =	vld [tilespmem:s8+$0xE850]  }
0x3ff: {  	v15 =	vld [tilespmem:s8+$0xE860]  }
0x400: {  	v16 =	vld [tilespmem:s8+$0xE870]  }
0x401: {  	v17 =	vld [tilespmem:s8+$0xEC00]  }
0x402: {  	v18 =	vld [tilespmem:s8+$0xEC10]  }
0x403: {  	v19 =	vld [tilespmem:s8+$0xEC20]  }
0x404: {  	v20 =	vld [tilespmem:s8+$0xEC30]  }
0x405: {  	v21 =	vld [tilespmem:s8+$0xEC40]  }
0x406: {  	v22 =	vld [tilespmem:s8+$0xEC50]  }
0x407: {  	v23 =	vld [tilespmem:s8+$0xEC60]  }
0x408: {  	v24 =	vld [tilespmem:s8+$0xEC70]  }
0x409: {  	v25 =	vld [tilespmem:s8+$0xF000]  }
0x40a: {  	v26 =	vld [tilespmem:s8+$0xF010]  }
0x40b: {  	v27 =	vld [tilespmem:s8+$0xF020]  }
0x40c: {  	v28 =	vld [tilespmem:s8+$0xF030]  }
0x40d: {  	v29 =	vld [tilespmem:s8+$0xF040]  }
0x40e: {  	v30 =	vld [tilespmem:s8+$0xF050]  }
0x40f: {  	v31 =	vld [tilespmem:s8+$0xF060]  }
0x410: {  	v32 =	vld [tilespmem:s8+$0xF070]  }
0x411: {  	v33 =	vld [tilespmem:s8+$0xF400]  }
0x412: {  	v34 =	vld [tilespmem:s8+$0xF410]  }
0x413: {  	v35 =	vld [tilespmem:s8+$0xF420]  }
0x414: {  	v36 =	vld [tilespmem:s8+$0xF430]  }
0x415: {  	v37 =	vld [tilespmem:s8+$0xF440]  }
0x416: {  	v38 =	vld [tilespmem:s8+$0xF450]  }
0x417: {  	v39 =	vld [tilespmem:s8+$0xF460]  }
0x418: {  	v40 =	vld [tilespmem:s8+$0xF470]  }
0x419: {  	v41 =	vld [tilespmem:s8+$0xF800]  }
0x41a: {  	v42 =	vld [tilespmem:s8+$0xF810]  }
0x41b: {  	v43 =	vld [tilespmem:s8+$0xF820]  }
0x41c: {  	v44 =	vld [tilespmem:s8+$0xF830]  }
0x41d: {  	v45 =	vld [tilespmem:s8+$0xF840]  }
0x41e: {  	v46 =	vld [tilespmem:s8+$0xF850]  }
0x41f: {  	v47 =	vld [tilespmem:s8+$0xF860]  }
0x420: {  	v48 =	vld [tilespmem:s8+$0xF870]  }
0x421: {  	v49 =	vld [tilespmem:s8+$0xFC00]  }
0x422: {  	v50 =	vld [tilespmem:s8+$0xFC10]  }
0x423: {  	v51 =	vld [tilespmem:s8+$0xFC20]  }
0x424: {  	v52 =	vld [tilespmem:s8+$0xFC30]  }
0x425: {  	v53 =	vld [tilespmem:s8+$0xFC40]  }
0x426: {  	v54 =	vld [tilespmem:s8+$0xFC50]  }
0x427: {  	v55 =	vld [tilespmem:s8+$0xFC60]  }
0x428: {  	v56 =	vld [tilespmem:s8+$0xFC70]  }
0x429: {  	v57 =	vld [tilespmem:s8+$0x10000]  }
0x42a: {  	v58 =	vld [tilespmem:s8+$0x10010]  }
0x42b: {  	v59 =	vld [tilespmem:s8+$0x10020]  }
0x42c: {  	v60 =	vld [tilespmem:s8+$0x10030]  }
0x42d: {  	v61 =	vld [tilespmem:s8+$0x10040]  }
0x42e: {  	v62 =	vld [tilespmem:s8+$0x10050]  }
0x42f: {  	v63 =	vld [tilespmem:s8+$0x10060]  }
0x430: {  	[tilespmem:s8+$0x6400] =	vst.add.f32.msk $0xffff, v2  }
0x431: {  	[tilespmem:s8+$0x6410] =	vst.add.f32.msk $0xffff, v3  }
0x432: {  	[tilespmem:s8+$0x6420] =	vst.add.f32.msk $0xffff, v4  }
0x433: {  	[tilespmem:s8+$0x6430] =	vst.add.f32.msk $0xffff, v5  }
0x434: {  	[tilespmem:s8+$0x6440] =	vst.add.f32.msk $0xffff, v0  }
0x435: {  	[tilespmem:s8+$0x6450] =	vst.add.f32.msk $0xffff, v6  }
0x436: {  	[tilespmem:s8+$0x6460] =	vst.add.f32.msk $0xffff, v7  }
0x437: {  	[tilespmem:s8+$0x6470] =	vst.add.f32.msk $0xffff, v8  }
0x438: {  	[tilespmem:s8+$0x6800] =	vst.add.f32.msk $0xffff, v9  }
0x439: {  	[tilespmem:s8+$0x6810] =	vst.add.f32.msk $0xffff, v10  }
0x43a: {  	[tilespmem:s8+$0x6820] =	vst.add.f32.msk $0xffff, v11  }
0x43b: {  	[tilespmem:s8+$0x6830] =	vst.add.f32.msk $0xffff, v12  }
0x43c: {  	[tilespmem:s8+$0x6840] =	vst.add.f32.msk $0xffff, v13  }
0x43d: {  	[tilespmem:s8+$0x6850] =	vst.add.f32.msk $0xffff, v14  }
0x43e: {  	[tilespmem:s8+$0x6860] =	vst.add.f32.msk $0xffff, v15  }
0x43f: {  	[tilespmem:s8+$0x6870] =	vst.add.f32.msk $0xffff, v16  }
0x440: {  	[tilespmem:s8+$0x6C00] =	vst.add.f32.msk $0xffff, v17  }
0x441: {  	[tilespmem:s8+$0x6C10] =	vst.add.f32.msk $0xffff, v18  }
0x442: {  	[tilespmem:s8+$0x6C20] =	vst.add.f32.msk $0xffff, v19  }
0x443: {  	[tilespmem:s8+$0x6C30] =	vst.add.f32.msk $0xffff, v20  }
0x444: {  	[tilespmem:s8+$0x6C40] =	vst.add.f32.msk $0xffff, v21  }
0x445: {  	[tilespmem:s8+$0x6C50] =	vst.add.f32.msk $0xffff, v22  }
0x446: {  	[tilespmem:s8+$0x6C60] =	vst.add.f32.msk $0xffff, v23  }
0x447: {  	[tilespmem:s8+$0x6C70] =	vst.add.f32.msk $0xffff, v24  }
0x448: {  	[tilespmem:s8+$0x7000] =	vst.add.f32.msk $0xffff, v25  }
0x449: {  	[tilespmem:s8+$0x7010] =	vst.add.f32.msk $0xffff, v26  }
0x44a: {  	[tilespmem:s8+$0x7020] =	vst.add.f32.msk $0xffff, v27  }
0x44b: {  	[tilespmem:s8+$0x7030] =	vst.add.f32.msk $0xffff, v28  }
0x44c: {  	[tilespmem:s8+$0x7040] =	vst.add.f32.msk $0xffff, v29  }
0x44d: {  	[tilespmem:s8+$0x7050] =	vst.add.f32.msk $0xffff, v30  }
0x44e: {  	[tilespmem:s8+$0x7060] =	vst.add.f32.msk $0xffff, v31  }
0x44f: {  	[tilespmem:s8+$0x7070] =	vst.add.f32.msk $0xffff, v32  }
0x450: {  	[tilespmem:s8+$0x7400] =	vst.add.f32.msk $0xffff, v33  }
0x451: {  	[tilespmem:s8+$0x7410] =	vst.add.f32.msk $0xffff, v34  }
0x452: {  	[tilespmem:s8+$0x7420] =	vst.add.f32.msk $0xffff, v35  }
0x453: {  	[tilespmem:s8+$0x7430] =	vst.add.f32.msk $0xffff, v36  }
0x454: {  	[tilespmem:s8+$0x7440] =	vst.add.f32.msk $0xffff, v37  }
0x455: {  	[tilespmem:s8+$0x7450] =	vst.add.f32.msk $0xffff, v38  }
0x456: {  	[tilespmem:s8+$0x7460] =	vst.add.f32.msk $0xffff, v39  }
0x457: {  	[tilespmem:s8+$0x7470] =	vst.add.f32.msk $0xffff, v40  }
0x458: {  	[tilespmem:s8+$0x7800] =	vst.add.f32.msk $0xffff, v41  }
0x459: {  	[tilespmem:s8+$0x7810] =	vst.add.f32.msk $0xffff, v42  }
0x45a: {  	[tilespmem:s8+$0x7820] =	vst.add.f32.msk $0xffff, v43  }
0x45b: {  	[tilespmem:s8+$0x7830] =	vst.add.f32.msk $0xffff, v44  }
0x45c: {  	[tilespmem:s8+$0x7840] =	vst.add.f32.msk $0xffff, v45  }
0x45d: {  	[tilespmem:s8+$0x7850] =	vst.add.f32.msk $0xffff, v46  }
0x45e: {  	[tilespmem:s8+$0x7860] =	vst.add.f32.msk $0xffff, v47  }
0x45f: {  	[tilespmem:s8+$0x7870] =	vst.add.f32.msk $0xffff, v48  }
0x460: {  	[tilespmem:s8+$0x7C00] =	vst.add.f32.msk $0xffff, v49  }
0x461: {  	[tilespmem:s8+$0x7C10] =	vst.add.f32.msk $0xffff, v50  }
0x462: {  	[tilespmem:s8+$0x7C20] =	vst.add.f32.msk $0xffff, v51  }
0x463: {  	[tilespmem:s8+$0x7C30] =	vst.add.f32.msk $0xffff, v52  }
0x464: {  	[tilespmem:s8+$0x7C40] =	vst.add.f32.msk $0xffff, v53  }
0x465: {  	[tilespmem:s8+$0x7C50] =	vst.add.f32.msk $0xffff, v54  }
0x466: {  	[tilespmem:s8+$0x7C60] =	vst.add.f32.msk $0xffff, v55  }
0x467: {  	[tilespmem:s8+$0x7C70] =	vst.add.f32.msk $0xffff, v56  }
0x468: {  	[tilespmem:s8+$0x8000] =	vst.add.f32.msk $0xffff, v57  }
0x469: {  	[tilespmem:s8+$0x8010] =	vst.add.f32.msk $0xffff, v58  }
.Ltmp3:
0x46a: {  	[tilespmem:s8+$0x8020] =	vst.add.f32.msk $0xffff, v59;
	(pc) =	sbr.rel @p0 .LBB2_9-.Ltmp3, $4  }
0x46b: {  	[tilespmem:s8+$0x8030] =	vst.add.f32.msk $0xffff, v60  }
0x46c: {  	[tilespmem:s8+$0x8040] =	vst.add.f32.msk $0xffff, v61  }
0x46d: {  	[tilespmem:s8+$0x8050] =	vst.add.f32.msk $0xffff, v62  }
0x46e: {  	[tilespmem:s8+$0x8060] =	vst.add.f32.msk $0xffff, v63;
	s8 =	sshra.s32 s9, $0x2;
	s9 =	sadd.s32 $0x200, s9  }
0x46f: {  	v0 =	vld [tilespmem:s8+$0x10070]  }
0x470: {  	v2 =	vld [tilespmem:s8+$0xE400]  }
0x471: {  	v3 =	vld [tilespmem:s8+$0xE410]  }
0x472: {  	v4 =	vld [tilespmem:s8+$0xE420]  }
0x473: {  	v5 =	vld [tilespmem:s8+$0xE430]  }
0x474: {  	v6 =	vld [tilespmem:s8+$0xE450]  }
0x475: {  	v7 =	vld [tilespmem:s8+$0xE460]  }
0x476: {  	v8 =	vld [tilespmem:s8+$0xE470]  }
0x477: {  	v9 =	vld [tilespmem:s8+$0xE800]  }
0x478: {  	v10 =	vld [tilespmem:s8+$0xE810]  }
0x479: {  	v11 =	vld [tilespmem:s8+$0xE820]  }
0x47a: {  	v12 =	vld [tilespmem:s8+$0xE830]  }
0x47b: {  	v13 =	vld [tilespmem:s8+$0xE840]  }
0x47c: {  	v14 =	vld [tilespmem:s8+$0xE850]  }
0x47d: {  	v15 =	vld [tilespmem:s8+$0xE860]  }
0x47e: {  	v16 =	vld [tilespmem:s8+$0xE870]  }
0x47f: {  	v17 =	vld [tilespmem:s8+$0xEC00]  }
0x480: {  	v18 =	vld [tilespmem:s8+$0xEC10]  }
0x481: {  	v19 =	vld [tilespmem:s8+$0xEC20]  }
0x482: {  	v20 =	vld [tilespmem:s8+$0xEC30]  }
0x483: {  	v21 =	vld [tilespmem:s8+$0xEC40]  }
0x484: {  	v22 =	vld [tilespmem:s8+$0xEC50]  }
0x485: {  	v23 =	vld [tilespmem:s8+$0xEC60]  }
0x486: {  	v24 =	vld [tilespmem:s8+$0xEC70]  }
0x487: {  	v25 =	vld [tilespmem:s8+$0xF000]  }
0x488: {  	v26 =	vld [tilespmem:s8+$0xF010]  }
0x489: {  	v27 =	vld [tilespmem:s8+$0xF020]  }
0x48a: {  	v28 =	vld [tilespmem:s8+$0xF030]  }
0x48b: {  	v29 =	vld [tilespmem:s8+$0xF040]  }
0x48c: {  	v30 =	vld [tilespmem:s8+$0xF050]  }
0x48d: {  	v31 =	vld [tilespmem:s8+$0xF060]  }
0x48e: {  	v32 =	vld [tilespmem:s8+$0xF070]  }
0x48f: {  	v33 =	vld [tilespmem:s8+$0xF400]  }
0x490: {  	v34 =	vld [tilespmem:s8+$0xF410]  }
0x491: {  	v35 =	vld [tilespmem:s8+$0xF420]  }
0x492: {  	v36 =	vld [tilespmem:s8+$0xF430]  }
0x493: {  	v37 =	vld [tilespmem:s8+$0xF440]  }
0x494: {  	v38 =	vld [tilespmem:s8+$0xF450]  }
0x495: {  	v39 =	vld [tilespmem:s8+$0xF460]  }
0x496: {  	v40 =	vld [tilespmem:s8+$0xF470]  }
0x497: {  	v41 =	vld [tilespmem:s8+$0xF800]  }
0x498: {  	v42 =	vld [tilespmem:s8+$0xF810]  }
0x499: {  	v43 =	vld [tilespmem:s8+$0xF820]  }
0x49a: {  	v44 =	vld [tilespmem:s8+$0xF830]  }
0x49b: {  	v45 =	vld [tilespmem:s8+$0xF840]  }
0x49c: {  	v46 =	vld [tilespmem:s8+$0xF850]  }
0x49d: {  	v47 =	vld [tilespmem:s8+$0xF860]  }
0x49e: {  	v48 =	vld [tilespmem:s8+$0xF870]  }
0x49f: {  	v49 =	vld [tilespmem:s8+$0xFC00]  }
0x4a0: {  	v50 =	vld [tilespmem:s8+$0xFC10]  }
0x4a1: {  	v51 =	vld [tilespmem:s8+$0xFC20]  }
0x4a2: {  	v52 =	vld [tilespmem:s8+$0xFC30]  }
0x4a3: {  	v53 =	vld [tilespmem:s8+$0xFC40]  }
0x4a4: {  	v54 =	vld [tilespmem:s8+$0xFC50]  }
0x4a5: {  	v55 =	vld [tilespmem:s8+$0xFC60]  }
0x4a6: {  	v56 =	vld [tilespmem:s8+$0xFC70]  }
0x4a7: {  	v57 =	vld [tilespmem:s8+$0x10000]  }
0x4a8: {  	v58 =	vld [tilespmem:s8+$0x10010]  }
0x4a9: {  	v59 =	vld [tilespmem:s8+$0x10020]  }
0x4aa: {  	v60 =	vld [tilespmem:s8+$0x10030]  }
0x4ab: {  	v61 =	vld [tilespmem:s8+$0x10040]  }
0x4ac: {  	v62 =	vld [tilespmem:s8+$0x10050]  }
0x4ad: {  	v63 =	vld [tilespmem:s8+$0x10060]  }
0x4ae: {  	[tilespmem:s8+$0x8070] =	vst.add.f32.msk $0xffff, v0  }
0x4af: {  	v0 =	vld [tilespmem:s8+$0xE440]  }
0x4b0: {  	[tilespmem:s8+$0x6400] =	vst.add.f32.msk $0xffff, v2  }
0x4b1: {  	[tilespmem:s8+$0x6410] =	vst.add.f32.msk $0xffff, v3  }
0x4b2: {  	[tilespmem:s8+$0x6420] =	vst.add.f32.msk $0xffff, v4  }
0x4b3: {  	[tilespmem:s8+$0x6430] =	vst.add.f32.msk $0xffff, v5  }
0x4b4: {  	[tilespmem:s8+$0x6450] =	vst.add.f32.msk $0xffff, v6  }
0x4b5: {  	[tilespmem:s8+$0x6460] =	vst.add.f32.msk $0xffff, v7  }
0x4b6: {  	[tilespmem:s8+$0x6470] =	vst.add.f32.msk $0xffff, v8  }
0x4b7: {  	[tilespmem:s8+$0x6800] =	vst.add.f32.msk $0xffff, v9  }
0x4b8: {  	[tilespmem:s8+$0x6810] =	vst.add.f32.msk $0xffff, v10  }
0x4b9: {  	[tilespmem:s8+$0x6820] =	vst.add.f32.msk $0xffff, v11  }
0x4ba: {  	[tilespmem:s8+$0x6830] =	vst.add.f32.msk $0xffff, v12  }
0x4bb: {  	[tilespmem:s8+$0x6840] =	vst.add.f32.msk $0xffff, v13  }
0x4bc: {  	[tilespmem:s8+$0x6850] =	vst.add.f32.msk $0xffff, v14  }
0x4bd: {  	[tilespmem:s8+$0x6860] =	vst.add.f32.msk $0xffff, v15  }
0x4be: {  	[tilespmem:s8+$0x6870] =	vst.add.f32.msk $0xffff, v16  }
0x4bf: {  	[tilespmem:s8+$0x6C00] =	vst.add.f32.msk $0xffff, v17  }
0x4c0: {  	[tilespmem:s8+$0x6C10] =	vst.add.f32.msk $0xffff, v18  }
0x4c1: {  	[tilespmem:s8+$0x6C20] =	vst.add.f32.msk $0xffff, v19  }
0x4c2: {  	[tilespmem:s8+$0x6C30] =	vst.add.f32.msk $0xffff, v20  }
0x4c3: {  	[tilespmem:s8+$0x6C40] =	vst.add.f32.msk $0xffff, v21  }
0x4c4: {  	[tilespmem:s8+$0x6C50] =	vst.add.f32.msk $0xffff, v22  }
0x4c5: {  	[tilespmem:s8+$0x6C60] =	vst.add.f32.msk $0xffff, v23  }
0x4c6: {  	[tilespmem:s8+$0x6C70] =	vst.add.f32.msk $0xffff, v24  }
0x4c7: {  	[tilespmem:s8+$0x7000] =	vst.add.f32.msk $0xffff, v25  }
0x4c8: {  	[tilespmem:s8+$0x7010] =	vst.add.f32.msk $0xffff, v26  }
0x4c9: {  	[tilespmem:s8+$0x7020] =	vst.add.f32.msk $0xffff, v27  }
0x4ca: {  	[tilespmem:s8+$0x7030] =	vst.add.f32.msk $0xffff, v28  }
0x4cb: {  	[tilespmem:s8+$0x7040] =	vst.add.f32.msk $0xffff, v29  }
0x4cc: {  	[tilespmem:s8+$0x7050] =	vst.add.f32.msk $0xffff, v30  }
0x4cd: {  	[tilespmem:s8+$0x7060] =	vst.add.f32.msk $0xffff, v31  }
0x4ce: {  	[tilespmem:s8+$0x7070] =	vst.add.f32.msk $0xffff, v32  }
0x4cf: {  	[tilespmem:s8+$0x7400] =	vst.add.f32.msk $0xffff, v33  }
0x4d0: {  	[tilespmem:s8+$0x7410] =	vst.add.f32.msk $0xffff, v34  }
0x4d1: {  	[tilespmem:s8+$0x7420] =	vst.add.f32.msk $0xffff, v35  }
0x4d2: {  	[tilespmem:s8+$0x7430] =	vst.add.f32.msk $0xffff, v36  }
0x4d3: {  	[tilespmem:s8+$0x7440] =	vst.add.f32.msk $0xffff, v37  }
0x4d4: {  	[tilespmem:s8+$0x7450] =	vst.add.f32.msk $0xffff, v38  }
0x4d5: {  	[tilespmem:s8+$0x7460] =	vst.add.f32.msk $0xffff, v39  }
0x4d6: {  	[tilespmem:s8+$0x7470] =	vst.add.f32.msk $0xffff, v40  }
0x4d7: {  	[tilespmem:s8+$0x7800] =	vst.add.f32.msk $0xffff, v41  }
0x4d8: {  	[tilespmem:s8+$0x7810] =	vst.add.f32.msk $0xffff, v42  }
0x4d9: {  	[tilespmem:s8+$0x7820] =	vst.add.f32.msk $0xffff, v43  }
0x4da: {  	[tilespmem:s8+$0x7830] =	vst.add.f32.msk $0xffff, v44  }
0x4db: {  	[tilespmem:s8+$0x7840] =	vst.add.f32.msk $0xffff, v45  }
0x4dc: {  	[tilespmem:s8+$0x7850] =	vst.add.f32.msk $0xffff, v46  }
0x4dd: {  	[tilespmem:s8+$0x7860] =	vst.add.f32.msk $0xffff, v47  }
0x4de: {  	[tilespmem:s8+$0x7870] =	vst.add.f32.msk $0xffff, v48  }
0x4df: {  	[tilespmem:s8+$0x7C00] =	vst.add.f32.msk $0xffff, v49  }
0x4e0: {  	[tilespmem:s8+$0x7C10] =	vst.add.f32.msk $0xffff, v50  }
0x4e1: {  	[tilespmem:s8+$0x7C20] =	vst.add.f32.msk $0xffff, v51  }
0x4e2: {  	[tilespmem:s8+$0x7C30] =	vst.add.f32.msk $0xffff, v52  }
0x4e3: {  	[tilespmem:s8+$0x7C40] =	vst.add.f32.msk $0xffff, v53  }
0x4e4: {  	[tilespmem:s8+$0x7C50] =	vst.add.f32.msk $0xffff, v54  }
0x4e5: {  	[tilespmem:s8+$0x7C60] =	vst.add.f32.msk $0xffff, v55  }
0x4e6: {  	[tilespmem:s8+$0x7C70] =	vst.add.f32.msk $0xffff, v56  }
0x4e7: {  	[tilespmem:s8+$0x8000] =	vst.add.f32.msk $0xffff, v57  }
0x4e8: {  	[tilespmem:s8+$0x8010] =	vst.add.f32.msk $0xffff, v58  }
0x4e9: {  	s0 =	sadd.s32 $0x1, s0;
	[tilespmem:s8+$0x8020] =	vst.add.f32.msk $0xffff, v59  }
0x4ea: {  	p0 =	sne.s32 s0, $0x10;
	[tilespmem:s8+$0x8030] =	vst.add.f32.msk $0xffff, v60  }
.Ltmp4:
0x4eb: {  	[tilespmem:s8+$0x8040] =	vst.add.f32.msk $0xffff, v61;
	(pc) =	sbr.rel @p0 .LBB2_2-.Ltmp4, $4  }
0x4ec: {  	s9 =	sadd.s32 s7, s21;
	[tilespmem:s8+$0x8050] =	vst.add.f32.msk $0xffff, v62  }
0x4ed: {  	s9 =	sshll.u32 s9, $0xA;
	[tilespmem:s8+$0x8060] =	vst.add.f32.msk $0xffff, v63  }
0x4ee: {  	s22 =	sadd.s32 s4, s9;
	[tilespmem:s8+$0x6440] =	vst.add.f32.msk $0xffff, v0  }
0x4ef: {  	[hbm4b:s22+s5] =	stream.linear.scatter [tilespmem:s19], [sflag:$0x8], $0x2000, $0x38;
	[tilespmem:$0x10400] =	vst v63  }
0x4f0: {  	s0 =	simm.s32 $0x7  }
0x4f1: {  	_ =	swait.ge [sflag:s0], $0x2000  }
0x4f2: {  	[sflag:s0] =	ssyncset.done $0x0  }
0x4f3: {  	s8 =	simm.s32 $0x8;
	[sflag:s0] =	ssyncadd.s32 $0xFFFFE000  }
0x4f4: {  	_ =	swait.ge [sflag:s8], $0x2000  }
0x4f5: {  	s9 =	rddreg [dreg:$0x9]  }
0x4f6: {  	s22 =	rddreg [dreg:$0x8];
	s9 =	sadd.s32 $0x1, s9  }
0x4f7: {  	p0 =	sne.s32 s9, s22  }
.Ltmp5:
0x4f8: {  	_ = 	snop;
	(pc) =	sbr.rel @p0 .LBB2_1-.Ltmp5, $3  }
0x4f9: {  	_ =	sdelay $0x1  }
0x4fa: {  	[sflag:s8] =	ssyncset.done $0x0  }
0x4fb: {  	[sflag:s8] =	ssyncadd.s32 $0xFFFFE000  }
0x4fc: {  	_ =	sfence.sel $0x180000  }
0x4fd: {  	[bflag:$0x0] =	sbarrier.arrive $0xFFFF  }
0x4fe: {  	_ =	strace $0x90000047  }
0x4ff: {  	s0 =	stileid.u32;
	[bflag:$0x2] =	sbarrier.arrive $0xFFFF  }
0x500: {  	p0 =	sne.s32 s0, $0x0;
	s0 =	rddreg [dreg:$0x5]  }
0x501: {  	s0 =	sadd.s32 @!p0 $0x100000, s0  }
0x502: {  	[sflag:s0] =	ssyncadd.tile.s32 @!p0 $0x1;
	_ =	shalt  }
.Lfunc_end2:
_tile_overlayer_lowered:
.L_overlay_start_2:
0x503: {  	(tag) =	ssettag $0x2  }
0x504: {  	s0 =	rddreg [dreg:$0x0];
	s2 =	stileid.u32  }
0x505: {  	s1 =	rddreg [dreg:$0x1];
	p0 =	sne.s32 s2, $0x0  }
0x506: {  	s3 =	rddreg [dreg:$0x2];
	[bflag:$0x3] =	sbarrier.arrive $0xFFFF;
	s2 =	simm.s32 @!p0 $0x1C09  }
0x507: {  	[timem:s3], [sflag:s2] =	dma.local @!p0 [hbm:s0], s1  }
0x508: {  	s0 =	simm.s32 @!p0 $0x9  }
0x509: {  	_ =	swait.ge @!p0 [sflag:s0], s1  }
0x50a: {  	s1 =	ssub.s32 @!p0 $0x0, s1;
	[sflag:s0] =	ssyncset.done @!p0 $0x0  }
0x50b: {  	[sflag:s0] =	ssyncadd.s32 @!p0 s1  }
0x50c: {  	[bflag:$0x3] =	sbarrier.arrive $0xFFFF  }
0x50d: {  	_ =	shalt  }

</sc_bundles>
